<compile_context>
chip_gen: v7x
topology: tpu7x:2x2x1
jax: 0.10.2.dev20260603
libtpu: 0.0.44.dev20260713+nightly
codegen_flags: <defaults>
</compile_context>

<pallas_src>
import functools

import jax
import jax.numpy as jnp
from jax import lax
from jax.experimental import pallas as pl
from jax.experimental.pallas import tpu as pltpu
from jax.experimental.pallas import tpu_sc as plsc

K = 8
B = 128


def _router_body(x_ref, rW_ref, rb_ref, er_ref, gate_ref, cnt_ref,
                 load_ref, z_ref, aux_ref, *, nblk, E, T, TB):
    i = pl.program_id(0)
    xb = x_ref[...]
    logits = jnp.dot(xb, rW_ref[...], preferred_element_type=jnp.float32) + rb_ref[...]
    mx = jnp.max(logits, axis=1, keepdims=True)
    ex = jnp.exp(logits - mx)
    se = jnp.sum(ex, axis=1, keepdims=True)
    probs = ex / se
    lse = mx + jnp.log(se)

    iota = lax.broadcasted_iota(jnp.int32, probs.shape, 1)
    work = probs
    sels, vals, ohs = [], [], []
    for _ in range(K):
        mj = jnp.max(work, axis=1, keepdims=True)
        ismax = work == mj
        sel = jnp.min(jnp.where(ismax, iota, E), axis=1, keepdims=True)
        onehot = iota == sel
        sels.append(sel)
        vals.append(mj)
        ohs.append(onehot)
        work = jnp.where(onehot, -jnp.inf, work)
    topv = jnp.concatenate(vals, axis=1)
    ssum = jnp.sum(topv, axis=1, keepdims=True)
    gates = topv / ssum
    gate_ref[...] = gates

    @pl.when(i == 0)
    def _init():
        cnt_ref[...] = jnp.zeros_like(cnt_ref)
        load_ref[...] = jnp.zeros_like(load_ref)
        z_ref[...] = jnp.zeros_like(z_ref)

    M = ohs[0].astype(jnp.float32)
    for oh in ohs[1:]:
        M = M + oh.astype(jnp.float32)
    ltri = (lax.broadcasted_iota(jnp.int32, (TB, TB), 0)
            > lax.broadcasted_iota(jnp.int32, (TB, TB), 1)).astype(jnp.float32)
    csum = jnp.dot(ltri, M, preferred_element_type=jnp.float32)
    tot = csum + cnt_ref[...]
    ranks = [jnp.sum(jnp.where(oh, tot, 0.0), axis=1, keepdims=True) for oh in ohs]
    rank_i = jnp.concatenate(ranks, axis=1).astype(jnp.int32)
    er_ref[...] = jnp.concatenate(sels, axis=1) * 65536 + rank_i

    cnt_ref[...] += jnp.sum(M, axis=0)[None, :]

    maskb = jnp.zeros_like(probs)
    for kk, oh in enumerate(ohs):
        maskb = maskb + jnp.where(oh, gates[:, kk:kk + 1], 0.0)
    load_ref[...] += jnp.sum(maskb, axis=0)[None, :]
    z_ref[...] += jnp.reshape(jnp.sum(lse * lse), (1, 1))

    @pl.when(i == nblk - 1)
    def _fin():
        load = load_ref[...] / T
        lb = 0.1 * jnp.sum((load - 1.0 / E) ** 2)
        aux_ref[...] = lb + 0.1 * z_ref[...] / T


def _expert_body(be_ref, xb_ref, vl_ref, xs_ref, gs_ref, W1_ref, b1_ref,
                 W2_ref, b2_ref, eo_ref, w1c_ref):
    i = pl.program_id(0)

    @pl.when((vl_ref[i] == 1)
             & ((i == 0) | (be_ref[i] != be_ref[jnp.maximum(i - 1, 0)])))
    def _cache():
        w1c_ref[...] = W1_ref[0].astype(jnp.bfloat16)

    @pl.when(vl_ref[i] == 1)
    def _run():
        xb = xs_ref[...].astype(jnp.bfloat16)
        h = jnp.maximum(
            jnp.dot(xb, w1c_ref[...], preferred_element_type=jnp.float32)
            + b1_ref[0], 0.0)
        w2 = W2_ref[0].astype(jnp.bfloat16)
        eo = jnp.dot(h.astype(jnp.bfloat16), w2,
                     preferred_element_type=jnp.float32) + b2_ref[0]
        eo = eo * gs_ref[...]
        pad = jnp.zeros((eo.shape[0], eo_ref.shape[1] - eo.shape[1]), jnp.float32)
        eo_ref[...] = jnp.concatenate([eo, pad], axis=1)


def kernel(x, rW, rb, W1, b1, W2, b2):
    T, D = x.shape
    E = rW.shape[1]
    H = W1.shape[2]
    C = W2.shape[2]
    C2 = 256
    TB = 256
    nblk = T // TB
    N = T * K
    MAXB = N // B + E
    NPAD = MAXB * B

    er, gate, cnt, _load, _z, aux = pl.pallas_call(
        functools.partial(_router_body, nblk=nblk, E=E, T=T, TB=TB),
        grid=(nblk,),
        in_specs=[
            pl.BlockSpec((TB, D), lambda i: (i, 0)),
            pl.BlockSpec((D, E), lambda i: (0, 0)),
            pl.BlockSpec((1, E), lambda i: (0, 0)),
        ],
        out_specs=[
            pl.BlockSpec((TB, K), lambda i: (i, 0)),
            pl.BlockSpec((TB, K), lambda i: (i, 0)),
            pl.BlockSpec((1, E), lambda i: (0, 0)),
            pl.BlockSpec((1, E), lambda i: (0, 0)),
            pl.BlockSpec((1, 1), lambda i: (0, 0)),
            pl.BlockSpec((1, 1), lambda i: (0, 0)),
        ],
        out_shape=[
            jax.ShapeDtypeStruct((T, K), jnp.int32),
            jax.ShapeDtypeStruct((T, K), jnp.float32),
            jax.ShapeDtypeStruct((1, E), jnp.float32),
            jax.ShapeDtypeStruct((1, E), jnp.float32),
            jax.ShapeDtypeStruct((1, 1), jnp.float32),
            jax.ShapeDtypeStruct((1, 1), jnp.float32),
        ],
    )(x, rW, rb.reshape(1, E))

    counts = cnt[0].astype(jnp.int32)
    pc = ((counts + B - 1) // B) * B
    nb = pc // B
    cum_nb = jnp.cumsum(nb)
    offs = jnp.pad((jnp.cumsum(pc) - pc).astype(jnp.int32), (0, 128 - E))
    total_nb = cum_nb[-1]
    bi = jnp.arange(MAXB, dtype=jnp.int32)
    be = jnp.searchsorted(cum_nb, bi, side="right").astype(jnp.int32)
    valid = bi < total_nb
    last_b = jnp.maximum(total_nb - 1, 0)
    be_c = jnp.where(valid, be, be[last_b]).astype(jnp.int32)
    xb_i = jnp.where(valid, bi, last_b).astype(jnp.int32)
    valid_i = valid.astype(jnp.int32)

    NC, NS = 2, 16
    NW = NC * NS
    RPT = NPAD // NW
    NPT = N // NW
    JPT = NPT // 16
    CH = 32
    NCH = RPT // CH
    TPT = T // NW
    mesh = plsc.VectorSubcoreMesh(core_axis_name="c", subcore_axis_name="s",
                                  num_cores=NC, num_subcores=NS)

    @functools.partial(
        pl.kernel,
        out_type=[
            jax.ShapeDtypeStruct((NPAD, D), jnp.float32),
            jax.ShapeDtypeStruct((NPAD,), jnp.float32),
            jax.ShapeDtypeStruct((N,), jnp.int32),
        ],
        mesh=mesh,
        compiler_params=pltpu.CompilerParams(needs_layout_passes=False),
        scratch_types=[
            pltpu.VMEM((N // 2,), jnp.int32),
            pltpu.VMEM((N // 2,), jnp.float32),
            pltpu.VMEM((128,), jnp.int32),
            pltpu.VMEM((RPT,), jnp.int32),
            pltpu.VMEM((RPT,), jnp.float32),
            pltpu.VMEM((NPT,), jnp.int32),
            pltpu.VMEM((2, CH, D), jnp.float32),
            pltpu.SemaphoreType.DMA,
            pltpu.SemaphoreType.DMA,
            pltpu.SemaphoreType.DMA,
            pltpu.SemaphoreType.DMA,
        ],
    )
    def _dispatch(x_hbm, er_hbm, gate_hbm, offs_hbm,
                  xs_hbm, gs_hbm, p_hbm,
                  erv, gv, ov, stl, gsl, plv, buf, g0, g1, o0, o1):
        wid = lax.axis_index("s") * NC + lax.axis_index("c")
        base = wid * RPT
        with jax.named_scope("disp_meta"):
            pltpu.sync_copy(offs_hbm, ov)

            lane0 = lax.broadcasted_iota(jnp.int32, (16,), 0)
            zf = jnp.zeros((16,), jnp.float32)

            def zbody(i, _):
                stl[pl.ds(i * 16, 16)] = jnp.bitwise_and(
                    base + i * 16 + lane0, T - 1)
                gsl[pl.ds(i * 16, 16)] = zf
                return 0
            lax.fori_loop(0, RPT // 16, zbody, 0)

        lane = lax.broadcasted_iota(jnp.int32, (16,), 0)
        JH = N // 32

        def sbody(j, _):
            sl = pl.ds(jnp.bitwise_and(j, JH - 1) * 16, 16)
            er16 = erv[sl]
            e16 = lax.shift_right_logical(er16, 16)
            r16 = jnp.bitwise_and(er16, 65535)
            p16 = plsc.load_gather(ov, [e16]) + r16
            rel = p16 - base
            own = (p16 >= base) & (p16 < base + RPT)
            tok16 = (j * 16 + lane) // K
            plsc.store_scatter(stl, [rel], tok16, mask=own)
            plsc.store_scatter(gsl, [rel], gv[sl], mask=own)

            @pl.when((j >= wid * JPT) & (j < (wid + 1) * JPT))
            def _own_p():
                plv[pl.ds((j - wid * JPT) * 16, 16)] = p16
            return 0
        with jax.named_scope("disp_scan"):
            for h in range(2):
                pltpu.sync_copy(er_hbm.at[pl.ds(h * N // 2, N // 2)], erv)
                pltpu.sync_copy(gate_hbm.at[pl.ds(h * N // 2, N // 2)], gv)
                lax.fori_loop(h * JH, (h + 1) * JH, sbody, 0)

        with jax.named_scope("disp_flush"):
            pltpu.sync_copy(plv, p_hbm.at[pl.ds(wid * NPT, NPT)])
            pltpu.sync_copy(gsl, gs_hbm.at[pl.ds(base, RPT)])

        gsem = [g0, g1]
        osem = [o0, o1]

        def gather(c, b):
            return pltpu.async_copy(
                x_hbm.at[stl.at[pl.ds(c * CH, CH)]], buf.at[b], gsem[b])

        with jax.named_scope("disp_gather"):
            gdesc = [gather(0, 0), None]
            odesc = [None, None]
            for c in range(NCH):
                b = c & 1
                if c + 1 < NCH:
                    if odesc[1 - b] is not None:
                        odesc[1 - b].wait()
                    gdesc[1 - b] = gather(c + 1, 1 - b)
                gdesc[b].wait()
                odesc[b] = pltpu.async_copy(
                    buf.at[b], xs_hbm.at[pl.ds(base + c * CH, CH)], osem[b])
            odesc[0].wait()
            odesc[1].wait()

    xs, gs, p = _dispatch(x, er.reshape(N), gate.reshape(N), offs)

    eo = pl.pallas_call(
        _expert_body,
        grid_spec=pltpu.PrefetchScalarGridSpec(
            num_scalar_prefetch=3,
            grid=(MAXB,),
            in_specs=[
                pl.BlockSpec((B, D), lambda i, bee, xbb, vll: (xbb[i], 0)),
                pl.BlockSpec((B, 1), lambda i, bee, xbb, vll: (xbb[i], 0)),
                pl.BlockSpec((1, D, H), lambda i, bee, xbb, vll: (bee[i], 0, 0)),
                pl.BlockSpec((1, 1, H), lambda i, bee, xbb, vll: (bee[i], 0, 0)),
                pl.BlockSpec((1, H, C), lambda i, bee, xbb, vll: (bee[i], 0, 0)),
                pl.BlockSpec((1, 1, C), lambda i, bee, xbb, vll: (bee[i], 0, 0)),
            ],
            out_specs=pl.BlockSpec((B, C2), lambda i, bee, xbb, vll: (xbb[i], 0)),
            scratch_shapes=[pltpu.VMEM((D, H), jnp.bfloat16)],
        ),
        out_shape=jax.ShapeDtypeStruct((NPAD, C2), jnp.float32),
    )(be_c, xb_i, valid_i, xs,
      gs.reshape(NPAD, 1), W1, b1.reshape(E, 1, H), W2, b2.reshape(E, 1, C))

    GCH = 128
    NG = NPT // GCH

    @functools.partial(
        pl.kernel,
        out_type=jax.ShapeDtypeStruct((T, C2), jnp.float32),
        mesh=mesh,
        compiler_params=pltpu.CompilerParams(needs_layout_passes=False),
        scratch_types=[
            pltpu.VMEM((NPT,), jnp.int32),
            pltpu.VMEM((GCH, C2), jnp.float32),
            pltpu.VMEM((TPT, C2), jnp.float32),
            pltpu.SemaphoreType.DMA,
        ],
    )
    def _combine(eo_hbm, p_hbm, out_hbm, pv, rows, outv, sem):
        wid = lax.axis_index("s") * NC + lax.axis_index("c")
        pltpu.sync_copy(p_hbm.at[pl.ds(wid * NPT, NPT)], pv)
        for c in range(NG):
            pltpu.async_copy(eo_hbm.at[pv.at[pl.ds(c * GCH, GCH)]], rows, sem).wait()

            def tbody(t, _):
                def cbody(q, _):
                    csl = pl.ds(q * 16, 16)
                    a = rows[t * K + 0, csl]
                    for k in range(1, K):
                        a = a + rows[t * K + k, csl]
                    outv[c * (GCH // K) + t, csl] = a
                    return 0
                lax.fori_loop(0, 192 // 16, cbody, 0)
                return 0
            lax.fori_loop(0, GCH // K, tbody, 0)
        pltpu.sync_copy(outv, out_hbm.at[pl.ds(wid * TPT, TPT)])

    outp = _combine(eo, p)
    return outp[:, :C], aux[0, 0]

# --- scband reference (transcript-rebuilt; emitter-appended) ---
"""Pipeline reference for scband-mo-e-18751827214915 (READ-ONLY COPY).

The authoritative reference and input builder live on the scoring server;
editing this copy changes nothing except your own understanding.
"""

import jax, jax.numpy as jnp
import numpy as np

H = 768
E = 64
K = 8
C = 191
T = 2048
D = 2 * H


def setup_inputs(seed: int = 0) -> dict:
    key = jax.random.key(seed)
    ks = jax.random.split(key, 8)
    x = jax.random.normal(ks[0], (T, D), dtype=jnp.float32)
    rW = jax.random.normal(ks[1], (D, E), dtype=jnp.float32) * 0.02
    rb = jnp.zeros((E,), dtype=jnp.float32)
    W1 = jax.random.normal(ks[2], (E, D, H), dtype=jnp.float32) * 0.02
    b1 = jnp.zeros((E, H), dtype=jnp.float32)
    W2 = jax.random.normal(ks[3], (E, H, C), dtype=jnp.float32) * 0.02
    b2 = jnp.zeros((E, C), dtype=jnp.float32)
    return {"x": x, "rW": rW, "rb": rb, "W1": W1, "b1": b1, "W2": W2, "b2": b2}


def reference(x, rW, rb, W1, b1, W2, b2):
    # router
    logits = x @ rW + rb
    probs = jax.nn.softmax(logits, axis=-1)
    topk_vals, topk_idx = jax.lax.top_k(probs, K)
    topk_vals = topk_vals / jnp.sum(topk_vals, axis=-1, keepdims=True)
    rows = jnp.arange(x.shape[0])[:, None]
    mask = jnp.zeros_like(probs).at[rows, topk_idx].set(topk_vals)
    # aux losses
    z_loss = 0.1 * jnp.mean(jnp.square(jax.scipy.special.logsumexp(logits, axis=-1)))
    load = mask.mean(axis=0)
    ideal = 1.0 / E
    lb_loss = 0.1 * jnp.sum(jnp.square(load - ideal))
    aux_loss = z_loss + lb_loss
    # experts: each expert is Linear(D->H) -> ReLU -> Linear(H->C), run densely and
    # combined with the (sparse) top-k gate mask, matching the torch loop exactly
    h = jax.nn.relu(jnp.einsum('td,edh->eth', x, W1) + b1[:, None, :])
    eo = jnp.einsum('eth,ehc->etc', h, W2) + b2[:, None, :]
    final_logits = jnp.sum(eo * mask.T[:, :, None], axis=0)
    return final_logits, aux_loss

if __name__ == "__main__":
    import jax
    _d = setup_inputs()
    print(jax.jit(kernel)(*tuple(_d.values())))

</pallas_src>

<mosaic_0001>
#map = affine_map<(d0, d1) -> (0, 0)>
#map1 = affine_map<(d0, d1) -> (0)>
module attributes {stable_mosaic.version = 14 : i64} {
  func.func @_dispatch(%arg0: i32, %arg1: i32, %arg2: memref<2048x1536xf32, #tpu.memory_space<hbm>>, %arg3: memref<16384xi32, #tpu.memory_space<hbm>>, %arg4: memref<16384xf32, #tpu.memory_space<hbm>>, %arg5: memref<128xi32, #tpu.memory_space<hbm>>, %arg6: memref<24576x1536xf32, #tpu.memory_space<hbm>>, %arg7: memref<24576xf32, #tpu.memory_space<hbm>>, %arg8: memref<16384xi32, #tpu.memory_space<hbm>>, %arg9: memref<8192xi32, #tpu.memory_space<vmem>>, %arg10: memref<8192xf32, #tpu.memory_space<vmem>>, %arg11: memref<128xi32, #tpu.memory_space<vmem>>, %arg12: memref<768xi32, #tpu.memory_space<vmem>>, %arg13: memref<768xf32, #tpu.memory_space<vmem>>, %arg14: memref<512xi32, #tpu.memory_space<vmem>>, %arg15: memref<2x32x1536xf32, #tpu.memory_space<vmem>>, %arg16: memref<!tpu.dma_semaphore, #tpu.memory_space<semaphore_mem>>, %arg17: memref<!tpu.dma_semaphore, #tpu.memory_space<semaphore_mem>>, %arg18: memref<!tpu.dma_semaphore, #tpu.memory_space<semaphore_mem>>, %arg19: memref<!tpu.dma_semaphore, #tpu.memory_space<semaphore_mem>>) attributes {dimension_semantics = [#tpu.dimension_semantics<core_parallel>, #tpu.dimension_semantics<subcore_parallel>], iteration_bounds = array<i64: 2, 16>, scalar_prefetch = 0 : i64, scratch_operands = 11 : i64, tpu.core_type = #tpu.core_type<sc_vector_subcore>, window_params = [{transform_indices = #map}, {transform_indices = #map1}, {transform_indices = #map1}, {transform_indices = #map1}, {transform_indices = #map}, {transform_indices = #map1}, {transform_indices = #map1}]} {
    %mul3A = arith.constant 2 : i32
    %mul3A_0 = arith.muli %arg1, %mul3A : i32
    %add3A = arith.addi %mul3A_0, %arg0 : i32
    %mul3A_1 = arith.constant 768 : i32
    %mul3A_2 = arith.muli %add3A, %mul3A_1 : i32
    "tpu.trace_start"() <{level = 10 : i32, message = "disp_meta"}> : () -> ()
    "tpu.region"() ({
      %run_scoped3A = tpu.sem_alloc : memref<!tpu.dma_semaphore, #tpu.memory_space<semaphore_mem>>
      tpu.enqueue_dma source(%arg5 : memref<128xi32, #tpu.memory_space<hbm>>) target(%arg11 : memref<128xi32, #tpu.memory_space<vmem>>) target_semaphore(%run_scoped3A : memref<!tpu.dma_semaphore, #tpu.memory_space<semaphore_mem>>)
      tpu.wait_dma2 semaphore(%run_scoped3A : memref<!tpu.dma_semaphore, #tpu.memory_space<semaphore_mem>>) src(%arg5 : memref<128xi32, #tpu.memory_space<hbm>>) dst(%arg11 : memref<128xi32, #tpu.memory_space<vmem>>)
      tpu.yield
    }) : () -> ()
    %iota3A = tpu.iota {dimensions = array<i32: 0>} : vector<16xi32>
    %broadcast_in_dim3A = arith.constant 0.000000e+00 : f32
    %broadcast_in_dim3A_3 = vector.broadcast %broadcast_in_dim3A : f32 to vector<16xf32>
    %scan3A = arith.constant 0 : i32
    %scan3A_4 = arith.constant 0 : i32
    %scan3A_5 = arith.constant 48 : i32
    %scan3A_6 = arith.addi %scan3A_4, %scan3A_5 : i32
    %scan3A_7 = arith.constant 1 : i32
    %scan3A_8 = scf.for %scan3A_1177 = %scan3A_4 to %scan3A_6 step %scan3A_7 iter_args(%scan3A_1178 = %scan3A) -> (i32)  : i32 {
      %mul3A_1179 = arith.constant 16 : i32
      %mul3A_1180 = arith.muli %scan3A_1177, %mul3A_1179 : i32
      %add3A_1181 = arith.addi %mul3A_2, %mul3A_1180 : i32
      %add3A_1182 = vector.broadcast %add3A_1181 : i32 to vector<16xi32>
      %add3A_1183 = arith.addi %add3A_1182, %iota3A : vector<16xi32>
      %and3A = arith.constant 2047 : i32
      %and3A_1184 = vector.broadcast %and3A : i32 to vector<16xi32>
      %and3A_1185 = arith.andi %add3A_1183, %and3A_1184 : vector<16xi32>
      %mul3A_1186 = arith.constant 16 : i32
      %mul3A_1187 = arith.muli %scan3A_1177, %mul3A_1186 : i32
      %swap3A = arith.index_cast %mul3A_1187 : i32 to index
      %swap3A_1188 = tpu.vector_load %arg12[%swap3A] {strides = array<i32>} : memref<768xi32, #tpu.memory_space<vmem>>, vector<16xi32>,
      tpu.vector_store %arg12[%swap3A], %and3A_1185 {strides = array<i32>} : memref<768xi32, #tpu.memory_space<vmem>>, vector<16xi32>,
      %mul3A_1189 = arith.constant 16 : i32
      %mul3A_1190 = arith.muli %scan3A_1177, %mul3A_1189 : i32
      %swap3A_1191 = arith.index_cast %mul3A_1190 : i32 to index
      %swap3A_1192 = tpu.vector_load %arg13[%swap3A_1191] {strides = array<i32>} : memref<768xf32, #tpu.memory_space<vmem>>, vector<16xf32>,
      tpu.vector_store %arg13[%swap3A_1191], %broadcast_in_dim3A_3 {strides = array<i32>} : memref<768xf32, #tpu.memory_space<vmem>>, vector<16xf32>,
      %scan3A_1193 = arith.constant 0 : i32
      scf.yield %scan3A_1193 : i32
    }
    %scan3A_9 = arith.constant 48 : i32
    "tpu.trace_stop"() : () -> ()
    %iota3A_10 = tpu.iota {dimensions = array<i32: 0>} : vector<16xi32>
    "tpu.trace_start"() <{level = 10 : i32, message = "disp_scan"}> : () -> ()
    "tpu.region"() ({
      %run_scoped3A = tpu.sem_alloc : memref<!tpu.dma_semaphore, #tpu.memory_space<semaphore_mem>>
      %dma_start3A_1177 = arith.constant 0 : i32
      %dma_start3A_1178 = tpu.memref_slice %arg3[%dma_start3A_1177] : memref<16384xi32, #tpu.memory_space<hbm>> -> memref<8192xi32, #tpu.memory_space<hbm>>
      %dma_start3A_1179 = arith.constant 0 : i32
      %dma_start3A_1180 = tpu.memref_slice %arg3[%dma_start3A_1179] : memref<16384xi32, #tpu.memory_space<hbm>> -> memref<8192xi32, #tpu.memory_space<hbm>>
      tpu.enqueue_dma source(%dma_start3A_1180 : memref<8192xi32, #tpu.memory_space<hbm>>) target(%arg9 : memref<8192xi32, #tpu.memory_space<vmem>>) target_semaphore(%run_scoped3A : memref<!tpu.dma_semaphore, #tpu.memory_space<semaphore_mem>>)
      %dma_wait3A_1181 = arith.constant 0 : i32
      %dma_wait3A_1182 = tpu.memref_slice %arg3[%dma_wait3A_1181] : memref<16384xi32, #tpu.memory_space<hbm>> -> memref<8192xi32, #tpu.memory_space<hbm>>
      %dma_wait3A_1183 = arith.constant 0 : i32
      %dma_wait3A_1184 = tpu.memref_slice %arg3[%dma_wait3A_1183] : memref<16384xi32, #tpu.memory_space<hbm>> -> memref<8192xi32, #tpu.memory_space<hbm>>
      tpu.wait_dma2 semaphore(%run_scoped3A : memref<!tpu.dma_semaphore, #tpu.memory_space<semaphore_mem>>) src(%dma_wait3A_1184 : memref<8192xi32, #tpu.memory_space<hbm>>) dst(%arg9 : memref<8192xi32, #tpu.memory_space<vmem>>)
      tpu.yield
    }) : () -> ()
    "tpu.region"() ({
      %run_scoped3A = tpu.sem_alloc : memref<!tpu.dma_semaphore, #tpu.memory_space<semaphore_mem>>
      %dma_start3A_1177 = arith.constant 0 : i32
      %dma_start3A_1178 = tpu.memref_slice %arg4[%dma_start3A_1177] : memref<16384xf32, #tpu.memory_space<hbm>> -> memref<8192xf32, #tpu.memory_space<hbm>>
      %dma_start3A_1179 = arith.constant 0 : i32
      %dma_start3A_1180 = tpu.memref_slice %arg4[%dma_start3A_1179] : memref<16384xf32, #tpu.memory_space<hbm>> -> memref<8192xf32, #tpu.memory_space<hbm>>
      tpu.enqueue_dma source(%dma_start3A_1180 : memref<8192xf32, #tpu.memory_space<hbm>>) target(%arg10 : memref<8192xf32, #tpu.memory_space<vmem>>) target_semaphore(%run_scoped3A : memref<!tpu.dma_semaphore, #tpu.memory_space<semaphore_mem>>)
      %dma_wait3A_1181 = arith.constant 0 : i32
      %dma_wait3A_1182 = tpu.memref_slice %arg4[%dma_wait3A_1181] : memref<16384xf32, #tpu.memory_space<hbm>> -> memref<8192xf32, #tpu.memory_space<hbm>>
      %dma_wait3A_1183 = arith.constant 0 : i32
      %dma_wait3A_1184 = tpu.memref_slice %arg4[%dma_wait3A_1183] : memref<16384xf32, #tpu.memory_space<hbm>> -> memref<8192xf32, #tpu.memory_space<hbm>>
      tpu.wait_dma2 semaphore(%run_scoped3A : memref<!tpu.dma_semaphore, #tpu.memory_space<semaphore_mem>>) src(%dma_wait3A_1184 : memref<8192xf32, #tpu.memory_space<hbm>>) dst(%arg10 : memref<8192xf32, #tpu.memory_space<vmem>>)
      tpu.yield
    }) : () -> ()
    %scan3A_11 = arith.constant 0 : i32
    %scan3A_12 = arith.constant 0 : i32
    %scan3A_13 = arith.constant 512 : i32
    %scan3A_14 = arith.addi %scan3A_12, %scan3A_13 : i32
    %scan3A_15 = arith.constant 1 : i32
    %scan3A_16 = scf.for %scan3A_1177 = %scan3A_12 to %scan3A_14 step %scan3A_15 iter_args(%scan3A_1178 = %scan3A_11) -> (i32)  : i32 {
      %and3A = arith.constant 511 : i32
      %and3A_1179 = arith.andi %scan3A_1177, %and3A : i32
      %mul3A_1180 = arith.constant 16 : i32
      %mul3A_1181 = arith.muli %and3A_1179, %mul3A_1180 : i32
      %get3A = arith.index_cast %mul3A_1181 : i32 to index
      %get3A_1182 = tpu.vector_load %arg9[%get3A] {strides = array<i32>} : memref<8192xi32, #tpu.memory_space<vmem>>, vector<16xi32>,
      %shift_right_logical3A = arith.constant 16 : i32
      %shift_right_logical3A_1183 = vector.broadcast %shift_right_logical3A : i32 to vector<16xi32>
      %shift_right_logical3A_1184 = arith.shrui %get3A_1182, %shift_right_logical3A_1183 : vector<16xi32>
      %and3A_1185 = arith.constant 65535 : i32
      %and3A_1186 = vector.broadcast %and3A_1185 : i32 to vector<16xi32>
      %and3A_1187 = arith.andi %get3A_1182, %and3A_1186 : vector<16xi32>
      %gather3A = tpu.vector_load_idx %arg11[%shift_right_logical3A_1184] : memref<128xi32, #tpu.memory_space<vmem>>[vector<16xi32>], vector<16xi32>,
      %add3A_1188 = arith.addi %gather3A, %and3A_1187 : vector<16xi32>
      %sub3A = vector.broadcast %mul3A_2 : i32 to vector<16xi32>
      %sub3A_1189 = arith.subi %add3A_1188, %sub3A : vector<16xi32>
      %ge3A = vector.broadcast %mul3A_2 : i32 to vector<16xi32>
      %ge3A_1190 = arith.cmpi sge, %add3A_1188, %ge3A : vector<16xi32>
      %add3A_1191 = arith.constant 768 : i32
      %add3A_1192 = arith.addi %mul3A_2, %add3A_1191 : i32
      %lt3A = vector.broadcast %add3A_1192 : i32 to vector<16xi32>
      %lt3A_1193 = arith.cmpi slt, %add3A_1188, %lt3A : vector<16xi32>
      %and3A_1194 = arith.andi %ge3A_1190, %lt3A_1193 : vector<16xi1>
      %mul3A_1195 = arith.constant 16 : i32
      %mul3A_1196 = arith.muli %scan3A_1177, %mul3A_1195 : i32
      %add3A_1197 = vector.broadcast %mul3A_1196 : i32 to vector<16xi32>
      %add3A_1198 = arith.addi %add3A_1197, %iota3A_10 : vector<16xi32>
      %jit3A = arith.constant 8 : i32
      %div3A = vector.broadcast %jit3A : i32 to vector<16xi32>
      %div3A_1199 = arith.divsi %add3A_1198, %div3A : vector<16xi32>
      %sign3A = arith.constant 0 : i32
      %sign3A_1200 = vector.broadcast %sign3A : i32 to vector<16xi32>
      %sign3A_1201 = arith.cmpi sgt, %add3A_1198, %sign3A_1200 : vector<16xi32>
      %sign3A_1202 = arith.extui %sign3A_1201 : vector<16xi1> to vector<16xi32>
      %sign3A_1203 = arith.constant 0 : i32
      %sign3A_1204 = vector.broadcast %sign3A_1203 : i32 to vector<16xi32>
      %sign3A_1205 = arith.cmpi slt, %add3A_1198, %sign3A_1204 : vector<16xi32>
      %sign3A_1206 = arith.extui %sign3A_1205 : vector<16xi1> to vector<16xi32>
      %sign3A_1207 = arith.subi %sign3A_1202, %sign3A_1206 : vector<16xi32>
      %sign3A_1208 = arith.constant 0 : i32
      %sign3A_1209 = arith.cmpi sgt, %jit3A, %sign3A_1208 : i32
      %sign3A_1210 = arith.extui %sign3A_1209 : i1 to i32
      %sign3A_1211 = arith.constant 0 : i32
      %sign3A_1212 = arith.cmpi slt, %jit3A, %sign3A_1211 : i32
      %sign3A_1213 = arith.extui %sign3A_1212 : i1 to i32
      %sign3A_1214 = arith.subi %sign3A_1210, %sign3A_1213 : i32
      %ne3A = vector.broadcast %sign3A_1214 : i32 to vector<16xi32>
      %ne3A_1215 = arith.cmpi ne, %sign3A_1207, %ne3A : vector<16xi32>
      %rem3A = vector.broadcast %jit3A : i32 to vector<16xi32>
      %rem3A_1216 = arith.remsi %add3A_1198, %rem3A : vector<16xi32>
      %ne3A_1217 = arith.constant 0 : i32
      %ne3A_1218 = vector.broadcast %ne3A_1217 : i32 to vector<16xi32>
      %ne3A_1219 = arith.cmpi ne, %rem3A_1216, %ne3A_1218 : vector<16xi32>
      %and3A_1220 = arith.andi %ne3A_1215, %ne3A_1219 : vector<16xi1>
      %sub3A_1221 = arith.constant 1 : i32
      %sub3A_1222 = vector.broadcast %sub3A_1221 : i32 to vector<16xi32>
      %sub3A_1223 = arith.subi %div3A_1199, %sub3A_1222 : vector<16xi32>
      %select_n3A = arith.select %and3A_1220, %sub3A_1223, %div3A_1199 : vector<16xi1>, vector<16xi32>
      tpu.vector_store_idx %arg12[%sub3A_1189], %select_n3A masked %and3A_1194 : memref<768xi32, #tpu.memory_space<vmem>>[vector<16xi32>], vector<16xi32>, vector<16xi1>
      %get3A_1224 = arith.index_cast %mul3A_1181 : i32 to index
      %get3A_1225 = tpu.vector_load %arg10[%get3A_1224] {strides = array<i32>} : memref<8192xf32, #tpu.memory_space<vmem>>, vector<16xf32>,
      tpu.vector_store_idx %arg13[%sub3A_1189], %get3A_1225 masked %and3A_1194 : memref<768xf32, #tpu.memory_space<vmem>>[vector<16xi32>], vector<16xf32>, vector<16xi1>
      %mul3A_1226 = arith.constant 32 : i32
      %mul3A_1227 = arith.muli %add3A, %mul3A_1226 : i32
      %ge3A_1228 = arith.cmpi sge, %scan3A_1177, %mul3A_1227 : i32
      %add3A_1229 = arith.constant 1 : i32
      %add3A_1230 = arith.addi %add3A, %add3A_1229 : i32
      %mul3A_1231 = arith.constant 32 : i32
      %mul3A_1232 = arith.muli %add3A_1230, %mul3A_1231 : i32
      %lt3A_1233 = arith.cmpi slt, %scan3A_1177, %mul3A_1232 : i32
      %and3A_1234 = arith.andi %ge3A_1228, %lt3A_1233 : i1
      %convert_element_type3A = arith.extui %and3A_1234 : i1 to i32
      %cond3A = arith.constant 0 : i32
      %cond3A_1235 = arith.cmpi ne, %convert_element_type3A, %cond3A : i32
      scf.if %cond3A_1235 {
        %mul3A_1237 = arith.constant 32 : i32
        %mul3A_1238 = arith.muli %add3A, %mul3A_1237 : i32
        %sub3A_1239 = arith.subi %scan3A_1177, %mul3A_1238 : i32
        %mul3A_1240 = arith.constant 16 : i32
        %mul3A_1241 = arith.muli %sub3A_1239, %mul3A_1240 : i32
        %swap3A = arith.index_cast %mul3A_1241 : i32 to index
        %swap3A_1242 = tpu.vector_load %arg14[%swap3A] {strides = array<i32>} : memref<512xi32, #tpu.memory_space<vmem>>, vector<16xi32>,
        tpu.vector_store %arg14[%swap3A], %add3A_1188 {strides = array<i32>} : memref<512xi32, #tpu.memory_space<vmem>>, vector<16xi32>,
      } else {
      }
      %scan3A_1236 = arith.constant 0 : i32
      scf.yield %scan3A_1236 : i32
    }
    %scan3A_17 = arith.constant 512 : i32
    "tpu.region"() ({
      %run_scoped3A = tpu.sem_alloc : memref<!tpu.dma_semaphore, #tpu.memory_space<semaphore_mem>>
      %dma_start3A_1177 = arith.constant 8192 : i32
      %dma_start3A_1178 = tpu.memref_slice %arg3[%dma_start3A_1177] : memref<16384xi32, #tpu.memory_space<hbm>> -> memref<8192xi32, #tpu.memory_space<hbm>>
      %dma_start3A_1179 = arith.constant 8192 : i32
      %dma_start3A_1180 = tpu.memref_slice %arg3[%dma_start3A_1179] : memref<16384xi32, #tpu.memory_space<hbm>> -> memref<8192xi32, #tpu.memory_space<hbm>>
      tpu.enqueue_dma source(%dma_start3A_1180 : memref<8192xi32, #tpu.memory_space<hbm>>) target(%arg9 : memref<8192xi32, #tpu.memory_space<vmem>>) target_semaphore(%run_scoped3A : memref<!tpu.dma_semaphore, #tpu.memory_space<semaphore_mem>>)
      %dma_wait3A_1181 = arith.constant 8192 : i32
      %dma_wait3A_1182 = tpu.memref_slice %arg3[%dma_wait3A_1181] : memref<16384xi32, #tpu.memory_space<hbm>> -> memref<8192xi32, #tpu.memory_space<hbm>>
      %dma_wait3A_1183 = arith.constant 8192 : i32
      %dma_wait3A_1184 = tpu.memref_slice %arg3[%dma_wait3A_1183] : memref<16384xi32, #tpu.memory_space<hbm>> -> memref<8192xi32, #tpu.memory_space<hbm>>
      tpu.wait_dma2 semaphore(%run_scoped3A : memref<!tpu.dma_semaphore, #tpu.memory_space<semaphore_mem>>) src(%dma_wait3A_1184 : memref<8192xi32, #tpu.memory_space<hbm>>) dst(%arg9 : memref<8192xi32, #tpu.memory_space<vmem>>)
      tpu.yield
    }) : () -> ()
    "tpu.region"() ({
      %run_scoped3A = tpu.sem_alloc : memref<!tpu.dma_semaphore, #tpu.memory_space<semaphore_mem>>
      %dma_start3A_1177 = arith.constant 8192 : i32
      %dma_start3A_1178 = tpu.memref_slice %arg4[%dma_start3A_1177] : memref<16384xf32, #tpu.memory_space<hbm>> -> memref<8192xf32, #tpu.memory_space<hbm>>
      %dma_start3A_1179 = arith.constant 8192 : i32
      %dma_start3A_1180 = tpu.memref_slice %arg4[%dma_start3A_1179] : memref<16384xf32, #tpu.memory_space<hbm>> -> memref<8192xf32, #tpu.memory_space<hbm>>
      tpu.enqueue_dma source(%dma_start3A_1180 : memref<8192xf32, #tpu.memory_space<hbm>>) target(%arg10 : memref<8192xf32, #tpu.memory_space<vmem>>) target_semaphore(%run_scoped3A : memref<!tpu.dma_semaphore, #tpu.memory_space<semaphore_mem>>)
      %dma_wait3A_1181 = arith.constant 8192 : i32
      %dma_wait3A_1182 = tpu.memref_slice %arg4[%dma_wait3A_1181] : memref<16384xf32, #tpu.memory_space<hbm>> -> memref<8192xf32, #tpu.memory_space<hbm>>
      %dma_wait3A_1183 = arith.constant 8192 : i32
      %dma_wait3A_1184 = tpu.memref_slice %arg4[%dma_wait3A_1183] : memref<16384xf32, #tpu.memory_space<hbm>> -> memref<8192xf32, #tpu.memory_space<hbm>>
      tpu.wait_dma2 semaphore(%run_scoped3A : memref<!tpu.dma_semaphore, #tpu.memory_space<semaphore_mem>>) src(%dma_wait3A_1184 : memref<8192xf32, #tpu.memory_space<hbm>>) dst(%arg10 : memref<8192xf32, #tpu.memory_space<vmem>>)
      tpu.yield
    }) : () -> ()
    %scan3A_18 = arith.constant 0 : i32
    %scan3A_19 = arith.constant 512 : i32
    %scan3A_20 = arith.constant 512 : i32
    %scan3A_21 = arith.addi %scan3A_19, %scan3A_20 : i32
    %scan3A_22 = arith.constant 1 : i32
    %scan3A_23 = scf.for %scan3A_1177 = %scan3A_19 to %scan3A_21 step %scan3A_22 iter_args(%scan3A_1178 = %scan3A_18) -> (i32)  : i32 {
      %and3A = arith.constant 511 : i32
      %and3A_1179 = arith.andi %scan3A_1177, %and3A : i32
      %mul3A_1180 = arith.constant 16 : i32
      %mul3A_1181 = arith.muli %and3A_1179, %mul3A_1180 : i32
      %get3A = arith.index_cast %mul3A_1181 : i32 to index
      %get3A_1182 = tpu.vector_load %arg9[%get3A] {strides = array<i32>} : memref<8192xi32, #tpu.memory_space<vmem>>, vector<16xi32>,
      %shift_right_logical3A = arith.constant 16 : i32
      %shift_right_logical3A_1183 = vector.broadcast %shift_right_logical3A : i32 to vector<16xi32>
      %shift_right_logical3A_1184 = arith.shrui %get3A_1182, %shift_right_logical3A_1183 : vector<16xi32>
      %and3A_1185 = arith.constant 65535 : i32
      %and3A_1186 = vector.broadcast %and3A_1185 : i32 to vector<16xi32>
      %and3A_1187 = arith.andi %get3A_1182, %and3A_1186 : vector<16xi32>
      %gather3A = tpu.vector_load_idx %arg11[%shift_right_logical3A_1184] : memref<128xi32, #tpu.memory_space<vmem>>[vector<16xi32>], vector<16xi32>,
      %add3A_1188 = arith.addi %gather3A, %and3A_1187 : vector<16xi32>
      %sub3A = vector.broadcast %mul3A_2 : i32 to vector<16xi32>
      %sub3A_1189 = arith.subi %add3A_1188, %sub3A : vector<16xi32>
      %ge3A = vector.broadcast %mul3A_2 : i32 to vector<16xi32>
      %ge3A_1190 = arith.cmpi sge, %add3A_1188, %ge3A : vector<16xi32>
      %add3A_1191 = arith.constant 768 : i32
      %add3A_1192 = arith.addi %mul3A_2, %add3A_1191 : i32
      %lt3A = vector.broadcast %add3A_1192 : i32 to vector<16xi32>
      %lt3A_1193 = arith.cmpi slt, %add3A_1188, %lt3A : vector<16xi32>
      %and3A_1194 = arith.andi %ge3A_1190, %lt3A_1193 : vector<16xi1>
      %mul3A_1195 = arith.constant 16 : i32
      %mul3A_1196 = arith.muli %scan3A_1177, %mul3A_1195 : i32
      %add3A_1197 = vector.broadcast %mul3A_1196 : i32 to vector<16xi32>
      %add3A_1198 = arith.addi %add3A_1197, %iota3A_10 : vector<16xi32>
      %jit3A = arith.constant 8 : i32
      %div3A = vector.broadcast %jit3A : i32 to vector<16xi32>
      %div3A_1199 = arith.divsi %add3A_1198, %div3A : vector<16xi32>
      %sign3A = arith.constant 0 : i32
      %sign3A_1200 = vector.broadcast %sign3A : i32 to vector<16xi32>
      %sign3A_1201 = arith.cmpi sgt, %add3A_1198, %sign3A_1200 : vector<16xi32>
      %sign3A_1202 = arith.extui %sign3A_1201 : vector<16xi1> to vector<16xi32>
      %sign3A_1203 = arith.constant 0 : i32
      %sign3A_1204 = vector.broadcast %sign3A_1203 : i32 to vector<16xi32>
      %sign3A_1205 = arith.cmpi slt, %add3A_1198, %sign3A_1204 : vector<16xi32>
      %sign3A_1206 = arith.extui %sign3A_1205 : vector<16xi1> to vector<16xi32>
      %sign3A_1207 = arith.subi %sign3A_1202, %sign3A_1206 : vector<16xi32>
      %sign3A_1208 = arith.constant 0 : i32
      %sign3A_1209 = arith.cmpi sgt, %jit3A, %sign3A_1208 : i32
      %sign3A_1210 = arith.extui %sign3A_1209 : i1 to i32
      %sign3A_1211 = arith.constant 0 : i32
      %sign3A_1212 = arith.cmpi slt, %jit3A, %sign3A_1211 : i32
      %sign3A_1213 = arith.extui %sign3A_1212 : i1 to i32
      %sign3A_1214 = arith.subi %sign3A_1210, %sign3A_1213 : i32
      %ne3A = vector.broadcast %sign3A_1214 : i32 to vector<16xi32>
      %ne3A_1215 = arith.cmpi ne, %sign3A_1207, %ne3A : vector<16xi32>
      %rem3A = vector.broadcast %jit3A : i32 to vector<16xi32>
      %rem3A_1216 = arith.remsi %add3A_1198, %rem3A : vector<16xi32>
      %ne3A_1217 = arith.constant 0 : i32
      %ne3A_1218 = vector.broadcast %ne3A_1217 : i32 to vector<16xi32>
      %ne3A_1219 = arith.cmpi ne, %rem3A_1216, %ne3A_1218 : vector<16xi32>
      %and3A_1220 = arith.andi %ne3A_1215, %ne3A_1219 : vector<16xi1>
      %sub3A_1221 = arith.constant 1 : i32
      %sub3A_1222 = vector.broadcast %sub3A_1221 : i32 to vector<16xi32>
      %sub3A_1223 = arith.subi %div3A_1199, %sub3A_1222 : vector<16xi32>
      %select_n3A = arith.select %and3A_1220, %sub3A_1223, %div3A_1199 : vector<16xi1>, vector<16xi32>
      tpu.vector_store_idx %arg12[%sub3A_1189], %select_n3A masked %and3A_1194 : memref<768xi32, #tpu.memory_space<vmem>>[vector<16xi32>], vector<16xi32>, vector<16xi1>
      %get3A_1224 = arith.index_cast %mul3A_1181 : i32 to index
      %get3A_1225 = tpu.vector_load %arg10[%get3A_1224] {strides = array<i32>} : memref<8192xf32, #tpu.memory_space<vmem>>, vector<16xf32>,
      tpu.vector_store_idx %arg13[%sub3A_1189], %get3A_1225 masked %and3A_1194 : memref<768xf32, #tpu.memory_space<vmem>>[vector<16xi32>], vector<16xf32>, vector<16xi1>
      %mul3A_1226 = arith.constant 32 : i32
      %mul3A_1227 = arith.muli %add3A, %mul3A_1226 : i32
      %ge3A_1228 = arith.cmpi sge, %scan3A_1177, %mul3A_1227 : i32
      %add3A_1229 = arith.constant 1 : i32
      %add3A_1230 = arith.addi %add3A, %add3A_1229 : i32
      %mul3A_1231 = arith.constant 32 : i32
      %mul3A_1232 = arith.muli %add3A_1230, %mul3A_1231 : i32
      %lt3A_1233 = arith.cmpi slt, %scan3A_1177, %mul3A_1232 : i32
      %and3A_1234 = arith.andi %ge3A_1228, %lt3A_1233 : i1
      %convert_element_type3A = arith.extui %and3A_1234 : i1 to i32
      %cond3A = arith.constant 0 : i32
      %cond3A_1235 = arith.cmpi ne, %convert_element_type3A, %cond3A : i32
      scf.if %cond3A_1235 {
        %mul3A_1237 = arith.constant 32 : i32
        %mul3A_1238 = arith.muli %add3A, %mul3A_1237 : i32
        %sub3A_1239 = arith.subi %scan3A_1177, %mul3A_1238 : i32
        %mul3A_1240 = arith.constant 16 : i32
        %mul3A_1241 = arith.muli %sub3A_1239, %mul3A_1240 : i32
        %swap3A = arith.index_cast %mul3A_1241 : i32 to index
        %swap3A_1242 = tpu.vector_load %arg14[%swap3A] {strides = array<i32>} : memref<512xi32, #tpu.memory_space<vmem>>, vector<16xi32>,
        tpu.vector_store %arg14[%swap3A], %add3A_1188 {strides = array<i32>} : memref<512xi32, #tpu.memory_space<vmem>>, vector<16xi32>,
      } else {
      }
      %scan3A_1236 = arith.constant 0 : i32
      scf.yield %scan3A_1236 : i32
    }
    %scan3A_24 = arith.constant 512 : i32
    "tpu.trace_stop"() : () -> ()
    "tpu.trace_start"() <{level = 10 : i32, message = "disp_flush"}> : () -> ()
    %mul3A_25 = arith.constant 512 : i32
    %mul3A_26 = arith.muli %add3A, %mul3A_25 : i32
    "tpu.region"() ({
      %run_scoped3A = tpu.sem_alloc : memref<!tpu.dma_semaphore, #tpu.memory_space<semaphore_mem>>
      %dma_start3A_1177 = tpu.memref_slice %arg8[%mul3A_26] : memref<16384xi32, #tpu.memory_space<hbm>> -> memref<512xi32, #tpu.memory_space<hbm>>
      %dma_start3A_1178 = tpu.memref_slice %arg8[%mul3A_26] : memref<16384xi32, #tpu.memory_space<hbm>> -> memref<512xi32, #tpu.memory_space<hbm>>
      tpu.enqueue_dma source(%arg14 : memref<512xi32, #tpu.memory_space<vmem>>) target(%dma_start3A_1178 : memref<512xi32, #tpu.memory_space<hbm>>) target_semaphore(%run_scoped3A : memref<!tpu.dma_semaphore, #tpu.memory_space<semaphore_mem>>)
      %dma_wait3A_1179 = tpu.memref_slice %arg8[%mul3A_26] : memref<16384xi32, #tpu.memory_space<hbm>> -> memref<512xi32, #tpu.memory_space<hbm>>
      %dma_wait3A_1180 = tpu.memref_slice %arg8[%mul3A_26] : memref<16384xi32, #tpu.memory_space<hbm>> -> memref<512xi32, #tpu.memory_space<hbm>>
      tpu.wait_dma2 semaphore(%run_scoped3A : memref<!tpu.dma_semaphore, #tpu.memory_space<semaphore_mem>>) src(%arg14 : memref<512xi32, #tpu.memory_space<vmem>>) dst(%dma_wait3A_1180 : memref<512xi32, #tpu.memory_space<hbm>>)
      tpu.yield
    }) : () -> ()
    "tpu.region"() ({
      %run_scoped3A = tpu.sem_alloc : memref<!tpu.dma_semaphore, #tpu.memory_space<semaphore_mem>>
      %dma_start3A_1177 = tpu.memref_slice %arg7[%mul3A_2] : memref<24576xf32, #tpu.memory_space<hbm>> -> memref<768xf32, #tpu.memory_space<hbm>>
      %dma_start3A_1178 = tpu.memref_slice %arg7[%mul3A_2] : memref<24576xf32, #tpu.memory_space<hbm>> -> memref<768xf32, #tpu.memory_space<hbm>>
      tpu.enqueue_dma source(%arg13 : memref<768xf32, #tpu.memory_space<vmem>>) target(%dma_start3A_1178 : memref<768xf32, #tpu.memory_space<hbm>>) target_semaphore(%run_scoped3A : memref<!tpu.dma_semaphore, #tpu.memory_space<semaphore_mem>>)
      %dma_wait3A_1179 = tpu.memref_slice %arg7[%mul3A_2] : memref<24576xf32, #tpu.memory_space<hbm>> -> memref<768xf32, #tpu.memory_space<hbm>>
      %dma_wait3A_1180 = tpu.memref_slice %arg7[%mul3A_2] : memref<24576xf32, #tpu.memory_space<hbm>> -> memref<768xf32, #tpu.memory_space<hbm>>
      tpu.wait_dma2 semaphore(%run_scoped3A : memref<!tpu.dma_semaphore, #tpu.memory_space<semaphore_mem>>) src(%arg13 : memref<768xf32, #tpu.memory_space<vmem>>) dst(%dma_wait3A_1180 : memref<768xf32, #tpu.memory_space<hbm>>)
      tpu.yield
    }) : () -> ()
    %dma_start3A = arith.constant 0 : i32
    "tpu.trace_stop"() : () -> ()
    "tpu.trace_start"() <{level = 10 : i32, message = "disp_gather"}> : () -> ()
    %dma_start3A_27 = arith.constant 0 : i32
    %dma_start3A_28 = arith.constant 0 : i32
    %dma_start3A_29 = tpu.memref_slice %arg15[%dma_start3A, %dma_start3A_27, %dma_start3A_28] : memref<2x32x1536xf32, #tpu.memory_space<vmem>> -> memref<1x32x1536xf32, #tpu.memory_space<vmem>>
    %dma_start3A_30 = tpu.memref_squeeze %dma_start3A_29 : memref<1x32x1536xf32, #tpu.memory_space<vmem>> -> memref<32x1536xf32, #tpu.memory_space<vmem>>
    %dma_start3A_31 = arith.constant 0 : i32
    %dma_start3A_32 = tpu.memref_slice %arg12[%dma_start3A_31] : memref<768xi32, #tpu.memory_space<vmem>> -> memref<32xi32, #tpu.memory_space<vmem>>
    %dma_start3A_33 = arith.constant 0 : i32
    %dma_start3A_34 = arith.constant 0 : i32
    %dma_start3A_35 = tpu.memref_slice %arg2[%dma_start3A_33, %dma_start3A_34] : memref<2048x1536xf32, #tpu.memory_space<hbm>> -> memref<2048x1536xf32, #tpu.memory_space<hbm>>
    tpu.enqueue_indirect_dma source(%dma_start3A_35 : memref<2048x1536xf32, #tpu.memory_space<hbm>>) target(%dma_start3A_30 : memref<32x1536xf32, #tpu.memory_space<vmem>>) offsets(%dma_start3A_32 : memref<32xi32, #tpu.memory_space<vmem>>) semaphore(%arg16 : memref<!tpu.dma_semaphore, #tpu.memory_space<semaphore_mem>>)
    %dma_start3A_36 = arith.constant 1 : i32
    %dma_start3A_37 = arith.constant 0 : i32
    %dma_start3A_38 = arith.constant 0 : i32
    %dma_start3A_39 = tpu.memref_slice %arg15[%dma_start3A_36, %dma_start3A_37, %dma_start3A_38] : memref<2x32x1536xf32, #tpu.memory_space<vmem>> -> memref<1x32x1536xf32, #tpu.memory_space<vmem>>
    %dma_start3A_40 = tpu.memref_squeeze %dma_start3A_39 : memref<1x32x1536xf32, #tpu.memory_space<vmem>> -> memref<32x1536xf32, #tpu.memory_space<vmem>>
    %dma_start3A_41 = arith.constant 32 : i32
    %dma_start3A_42 = tpu.memref_slice %arg12[%dma_start3A_41] : memref<768xi32, #tpu.memory_space<vmem>> -> memref<32xi32, #tpu.memory_space<vmem>>
    %dma_start3A_43 = arith.constant 0 : i32
    %dma_start3A_44 = arith.constant 0 : i32
    %dma_start3A_45 = tpu.memref_slice %arg2[%dma_start3A_43, %dma_start3A_44] : memref<2048x1536xf32, #tpu.memory_space<hbm>> -> memref<2048x1536xf32, #tpu.memory_space<hbm>>
    tpu.enqueue_indirect_dma source(%dma_start3A_45 : memref<2048x1536xf32, #tpu.memory_space<hbm>>) target(%dma_start3A_40 : memref<32x1536xf32, #tpu.memory_space<vmem>>) offsets(%dma_start3A_42 : memref<32xi32, #tpu.memory_space<vmem>>) semaphore(%arg17 : memref<!tpu.dma_semaphore, #tpu.memory_space<semaphore_mem>>)
    %dma_wait3A = arith.constant 0 : i32
    %dma_wait3A_46 = arith.constant 0 : i32
    %dma_wait3A_47 = arith.constant 0 : i32
    %dma_wait3A_48 = tpu.memref_slice %arg15[%dma_wait3A, %dma_wait3A_46, %dma_wait3A_47] : memref<2x32x1536xf32, #tpu.memory_space<vmem>> -> memref<1x32x1536xf32, #tpu.memory_space<vmem>>
    %dma_wait3A_49 = tpu.memref_squeeze %dma_wait3A_48 : memref<1x32x1536xf32, #tpu.memory_space<vmem>> -> memref<32x1536xf32, #tpu.memory_space<vmem>>
    %dma_wait3A_50 = arith.constant 0 : i32
    %dma_wait3A_51 = tpu.memref_slice %arg12[%dma_wait3A_50] : memref<768xi32, #tpu.memory_space<vmem>> -> memref<32xi32, #tpu.memory_space<vmem>>
    %dma_wait3A_52 = arith.constant 0 : i32
    %dma_wait3A_53 = arith.constant 0 : i32
    %dma_wait3A_54 = tpu.memref_slice %arg2[%dma_wait3A_52, %dma_wait3A_53] : memref<2048x1536xf32, #tpu.memory_space<hbm>> -> memref<2048x1536xf32, #tpu.memory_space<hbm>>
    tpu.wait_indirect_dma semaphore(%arg16 : memref<!tpu.dma_semaphore, #tpu.memory_space<semaphore_mem>>) src(%dma_wait3A_54 : memref<2048x1536xf32, #tpu.memory_space<hbm>>) dst(%dma_wait3A_49 : memref<32x1536xf32, #tpu.memory_space<vmem>>)
    %add3A_55 = arith.constant 0 : i32
    %add3A_56 = arith.addi %mul3A_2, %add3A_55 : i32
    %dma_start3A_57 = arith.constant 0 : i32
    %dma_start3A_58 = arith.constant 0 : i32
    %dma_start3A_59 = arith.constant 0 : i32
    %dma_start3A_60 = tpu.memref_slice %arg15[%dma_start3A_57, %dma_start3A_58, %dma_start3A_59] : memref<2x32x1536xf32, #tpu.memory_space<vmem>> -> memref<1x32x1536xf32, #tpu.memory_space<vmem>>
    %dma_start3A_61 = tpu.memref_squeeze %dma_start3A_60 : memref<1x32x1536xf32, #tpu.memory_space<vmem>> -> memref<32x1536xf32, #tpu.memory_space<vmem>>
    %dma_start3A_62 = arith.constant 0 : i32
    %dma_start3A_63 = tpu.memref_slice %arg6[%add3A_56, %dma_start3A_62] : memref<24576x1536xf32, #tpu.memory_space<hbm>> -> memref<32x1536xf32, #tpu.memory_space<hbm>>
    %dma_start3A_64 = arith.constant 0 : i32
    %dma_start3A_65 = tpu.memref_slice %arg6[%add3A_56, %dma_start3A_64] : memref<24576x1536xf32, #tpu.memory_space<hbm>> -> memref<32x1536xf32, #tpu.memory_space<hbm>>
    %dma_start3A_66 = arith.constant 0 : i32
    %dma_start3A_67 = arith.constant 0 : i32
    %dma_start3A_68 = tpu.memref_slice %arg15[%dma_start3A_57, %dma_start3A_66, %dma_start3A_67] : memref<2x32x1536xf32, #tpu.memory_space<vmem>> -> memref<1x32x1536xf32, #tpu.memory_space<vmem>>
    %dma_start3A_69 = tpu.memref_squeeze %dma_start3A_68 : memref<1x32x1536xf32, #tpu.memory_space<vmem>> -> memref<32x1536xf32, #tpu.memory_space<vmem>>
    tpu.enqueue_dma source(%dma_start3A_69 : memref<32x1536xf32, #tpu.memory_space<vmem>>) target(%dma_start3A_65 : memref<32x1536xf32, #tpu.memory_space<hbm>>) target_semaphore(%arg18 : memref<!tpu.dma_semaphore, #tpu.memory_space<semaphore_mem>>)
    %dma_wait3A_70 = arith.constant 0 : i32
    %dma_wait3A_71 = arith.constant 0 : i32
    %dma_wait3A_72 = arith.constant 0 : i32
    %dma_wait3A_73 = tpu.memref_slice %arg15[%dma_wait3A_70, %dma_wait3A_71, %dma_wait3A_72] : memref<2x32x1536xf32, #tpu.memory_space<vmem>> -> memref<1x32x1536xf32, #tpu.memory_space<vmem>>
    %dma_wait3A_74 = tpu.memref_squeeze %dma_wait3A_73 : memref<1x32x1536xf32, #tpu.memory_space<vmem>> -> memref<32x1536xf32, #tpu.memory_space<vmem>>
    %dma_wait3A_75 = arith.constant 0 : i32
    %dma_wait3A_76 = tpu.memref_slice %arg6[%add3A_56, %dma_wait3A_75] : memref<24576x1536xf32, #tpu.memory_space<hbm>> -> memref<32x1536xf32, #tpu.memory_space<hbm>>
    %dma_wait3A_77 = arith.constant 0 : i32
    %dma_wait3A_78 = tpu.memref_slice %arg6[%add3A_56, %dma_wait3A_77] : memref<24576x1536xf32, #tpu.memory_space<hbm>> -> memref<32x1536xf32, #tpu.memory_space<hbm>>
    %dma_wait3A_79 = arith.constant 0 : i32
    %dma_wait3A_80 = arith.constant 0 : i32
    %dma_wait3A_81 = tpu.memref_slice %arg15[%dma_wait3A_70, %dma_wait3A_79, %dma_wait3A_80] : memref<2x32x1536xf32, #tpu.memory_space<vmem>> -> memref<1x32x1536xf32, #tpu.memory_space<vmem>>
    %dma_wait3A_82 = tpu.memref_squeeze %dma_wait3A_81 : memref<1x32x1536xf32, #tpu.memory_space<vmem>> -> memref<32x1536xf32, #tpu.memory_space<vmem>>
    tpu.wait_dma2 semaphore(%arg18 : memref<!tpu.dma_semaphore, #tpu.memory_space<semaphore_mem>>) src(%dma_wait3A_82 : memref<32x1536xf32, #tpu.memory_space<vmem>>) dst(%dma_wait3A_78 : memref<32x1536xf32, #tpu.memory_space<hbm>>)
    %dma_start3A_83 = arith.constant 0 : i32
    %dma_start3A_84 = arith.constant 0 : i32
    %dma_start3A_85 = arith.constant 0 : i32
    %dma_start3A_86 = tpu.memref_slice %arg15[%dma_start3A_83, %dma_start3A_84, %dma_start3A_85] : memref<2x32x1536xf32, #tpu.memory_space<vmem>> -> memref<1x32x1536xf32, #tpu.memory_space<vmem>>
    %dma_start3A_87 = tpu.memref_squeeze %dma_start3A_86 : memref<1x32x1536xf32, #tpu.memory_space<vmem>> -> memref<32x1536xf32, #tpu.memory_space<vmem>>
    %dma_start3A_88 = arith.constant 64 : i32
    %dma_start3A_89 = tpu.memref_slice %arg12[%dma_start3A_88] : memref<768xi32, #tpu.memory_space<vmem>> -> memref<32xi32, #tpu.memory_space<vmem>>
    %dma_start3A_90 = arith.constant 0 : i32
    %dma_start3A_91 = arith.constant 0 : i32
    %dma_start3A_92 = tpu.memref_slice %arg2[%dma_start3A_90, %dma_start3A_91] : memref<2048x1536xf32, #tpu.memory_space<hbm>> -> memref<2048x1536xf32, #tpu.memory_space<hbm>>
    tpu.enqueue_indirect_dma source(%dma_start3A_92 : memref<2048x1536xf32, #tpu.memory_space<hbm>>) target(%dma_start3A_87 : memref<32x1536xf32, #tpu.memory_space<vmem>>) offsets(%dma_start3A_89 : memref<32xi32, #tpu.memory_space<vmem>>) semaphore(%arg16 : memref<!tpu.dma_semaphore, #tpu.memory_space<semaphore_mem>>)
    %dma_wait3A_93 = arith.constant 1 : i32
    %dma_wait3A_94 = arith.constant 0 : i32
    %dma_wait3A_95 = arith.constant 0 : i32
    %dma_wait3A_96 = tpu.memref_slice %arg15[%dma_wait3A_93, %dma_wait3A_94, %dma_wait3A_95] : memref<2x32x1536xf32, #tpu.memory_space<vmem>> -> memref<1x32x1536xf32, #tpu.memory_space<vmem>>
    %dma_wait3A_97 = tpu.memref_squeeze %dma_wait3A_96 : memref<1x32x1536xf32, #tpu.memory_space<vmem>> -> memref<32x1536xf32, #tpu.memory_space<vmem>>
    %dma_wait3A_98 = arith.constant 32 : i32
    %dma_wait3A_99 = tpu.memref_slice %arg12[%dma_wait3A_98] : memref<768xi32, #tpu.memory_space<vmem>> -> memref<32xi32, #tpu.memory_space<vmem>>
    %dma_wait3A_100 = arith.constant 0 : i32
    %dma_wait3A_101 = arith.constant 0 : i32
    %dma_wait3A_102 = tpu.memref_slice %arg2[%dma_wait3A_100, %dma_wait3A_101] : memref<2048x1536xf32, #tpu.memory_space<hbm>> -> memref<2048x1536xf32, #tpu.memory_space<hbm>>
    tpu.wait_indirect_dma semaphore(%arg17 : memref<!tpu.dma_semaphore, #tpu.memory_space<semaphore_mem>>) src(%dma_wait3A_102 : memref<2048x1536xf32, #tpu.memory_space<hbm>>) dst(%dma_wait3A_97 : memref<32x1536xf32, #tpu.memory_space<vmem>>)
    %add3A_103 = arith.constant 32 : i32
    %add3A_104 = arith.addi %mul3A_2, %add3A_103 : i32
    %dma_start3A_105 = arith.constant 1 : i32
    %dma_start3A_106 = arith.constant 0 : i32
    %dma_start3A_107 = arith.constant 0 : i32
    %dma_start3A_108 = tpu.memref_slice %arg15[%dma_start3A_105, %dma_start3A_106, %dma_start3A_107] : memref<2x32x1536xf32, #tpu.memory_space<vmem>> -> memref<1x32x1536xf32, #tpu.memory_space<vmem>>
    %dma_start3A_109 = tpu.memref_squeeze %dma_start3A_108 : memref<1x32x1536xf32, #tpu.memory_space<vmem>> -> memref<32x1536xf32, #tpu.memory_space<vmem>>
    %dma_start3A_110 = arith.constant 0 : i32
    %dma_start3A_111 = tpu.memref_slice %arg6[%add3A_104, %dma_start3A_110] : memref<24576x1536xf32, #tpu.memory_space<hbm>> -> memref<32x1536xf32, #tpu.memory_space<hbm>>
    %dma_start3A_112 = arith.constant 0 : i32
    %dma_start3A_113 = tpu.memref_slice %arg6[%add3A_104, %dma_start3A_112] : memref<24576x1536xf32, #tpu.memory_space<hbm>> -> memref<32x1536xf32, #tpu.memory_space<hbm>>
    %dma_start3A_114 = arith.constant 0 : i32
    %dma_start3A_115 = arith.constant 0 : i32
    %dma_start3A_116 = tpu.memref_slice %arg15[%dma_start3A_105, %dma_start3A_114, %dma_start3A_115] : memref<2x32x1536xf32, #tpu.memory_space<vmem>> -> memref<1x32x1536xf32, #tpu.memory_space<vmem>>
    %dma_start3A_117 = tpu.memref_squeeze %dma_start3A_116 : memref<1x32x1536xf32, #tpu.memory_space<vmem>> -> memref<32x1536xf32, #tpu.memory_space<vmem>>
    tpu.enqueue_dma source(%dma_start3A_117 : memref<32x1536xf32, #tpu.memory_space<vmem>>) target(%dma_start3A_113 : memref<32x1536xf32, #tpu.memory_space<hbm>>) target_semaphore(%arg19 : memref<!tpu.dma_semaphore, #tpu.memory_space<semaphore_mem>>)
    %dma_wait3A_118 = arith.constant 1 : i32
    %dma_wait3A_119 = arith.constant 0 : i32
    %dma_wait3A_120 = arith.constant 0 : i32
    %dma_wait3A_121 = tpu.memref_slice %arg15[%dma_wait3A_118, %dma_wait3A_119, %dma_wait3A_120] : memref<2x32x1536xf32, #tpu.memory_space<vmem>> -> memref<1x32x1536xf32, #tpu.memory_space<vmem>>
    %dma_wait3A_122 = tpu.memref_squeeze %dma_wait3A_121 : memref<1x32x1536xf32, #tpu.memory_space<vmem>> -> memref<32x1536xf32, #tpu.memory_space<vmem>>
    %dma_wait3A_123 = arith.constant 0 : i32
    %dma_wait3A_124 = tpu.memref_slice %arg6[%add3A_104, %dma_wait3A_123] : memref<24576x1536xf32, #tpu.memory_space<hbm>> -> memref<32x1536xf32, #tpu.memory_space<hbm>>
    %dma_wait3A_125 = arith.constant 0 : i32
    %dma_wait3A_126 = tpu.memref_slice %arg6[%add3A_104, %dma_wait3A_125] : memref<24576x1536xf32, #tpu.memory_space<hbm>> -> memref<32x1536xf32, #tpu.memory_space<hbm>>
    %dma_wait3A_127 = arith.constant 0 : i32
    %dma_wait3A_128 = arith.constant 0 : i32
    %dma_wait3A_129 = tpu.memref_slice %arg15[%dma_wait3A_118, %dma_wait3A_127, %dma_wait3A_128] : memref<2x32x1536xf32, #tpu.memory_space<vmem>> -> memref<1x32x1536xf32, #tpu.memory_space<vmem>>
    %dma_wait3A_130 = tpu.memref_squeeze %dma_wait3A_129 : memref<1x32x1536xf32, #tpu.memory_space<vmem>> -> memref<32x1536xf32, #tpu.memory_space<vmem>>
    tpu.wait_dma2 semaphore(%arg19 : memref<!tpu.dma_semaphore, #tpu.memory_space<semaphore_mem>>) src(%dma_wait3A_130 : memref<32x1536xf32, #tpu.memory_space<vmem>>) dst(%dma_wait3A_126 : memref<32x1536xf32, #tpu.memory_space<hbm>>)
    %dma_start3A_131 = arith.constant 1 : i32
    %dma_start3A_132 = arith.constant 0 : i32
    %dma_start3A_133 = arith.constant 0 : i32
    %dma_start3A_134 = tpu.memref_slice %arg15[%dma_start3A_131, %dma_start3A_132, %dma_start3A_133] : memref<2x32x1536xf32, #tpu.memory_space<vmem>> -> memref<1x32x1536xf32, #tpu.memory_space<vmem>>
    %dma_start3A_135 = tpu.memref_squeeze %dma_start3A_134 : memref<1x32x1536xf32, #tpu.memory_space<vmem>> -> memref<32x1536xf32, #tpu.memory_space<vmem>>
    %dma_start3A_136 = arith.constant 96 : i32
    %dma_start3A_137 = tpu.memref_slice %arg12[%dma_start3A_136] : memref<768xi32, #tpu.memory_space<vmem>> -> memref<32xi32, #tpu.memory_space<vmem>>
    %dma_start3A_138 = arith.constant 0 : i32
    %dma_start3A_139 = arith.constant 0 : i32
    %dma_start3A_140 = tpu.memref_slice %arg2[%dma_start3A_138, %dma_start3A_139] : memref<2048x1536xf32, #tpu.memory_space<hbm>> -> memref<2048x1536xf32, #tpu.memory_space<hbm>>
    tpu.enqueue_indirect_dma source(%dma_start3A_140 : memref<2048x1536xf32, #tpu.memory_space<hbm>>) target(%dma_start3A_135 : memref<32x1536xf32, #tpu.memory_space<vmem>>) offsets(%dma_start3A_137 : memref<32xi32, #tpu.memory_space<vmem>>) semaphore(%arg17 : memref<!tpu.dma_semaphore, #tpu.memory_space<semaphore_mem>>)
    %dma_wait3A_141 = arith.constant 0 : i32
    %dma_wait3A_142 = arith.constant 0 : i32
    %dma_wait3A_143 = arith.constant 0 : i32
    %dma_wait3A_144 = tpu.memref_slice %arg15[%dma_wait3A_141, %dma_wait3A_142, %dma_wait3A_143] : memref<2x32x1536xf32, #tpu.memory_space<vmem>> -> memref<1x32x1536xf32, #tpu.memory_space<vmem>>
    %dma_wait3A_145 = tpu.memref_squeeze %dma_wait3A_144 : memref<1x32x1536xf32, #tpu.memory_space<vmem>> -> memref<32x1536xf32, #tpu.memory_space<vmem>>
    %dma_wait3A_146 = arith.constant 64 : i32
    %dma_wait3A_147 = tpu.memref_slice %arg12[%dma_wait3A_146] : memref<768xi32, #tpu.memory_space<vmem>> -> memref<32xi32, #tpu.memory_space<vmem>>
    %dma_wait3A_148 = arith.constant 0 : i32
    %dma_wait3A_149 = arith.constant 0 : i32
    %dma_wait3A_150 = tpu.memref_slice %arg2[%dma_wait3A_148, %dma_wait3A_149] : memref<2048x1536xf32, #tpu.memory_space<hbm>> -> memref<2048x1536xf32, #tpu.memory_space<hbm>>
    tpu.wait_indirect_dma semaphore(%arg16 : memref<!tpu.dma_semaphore, #tpu.memory_space<semaphore_mem>>) src(%dma_wait3A_150 : memref<2048x1536xf32, #tpu.memory_space<hbm>>) dst(%dma_wait3A_145 : memref<32x1536xf32, #tpu.memory_space<vmem>>)
    %add3A_151 = arith.constant 64 : i32
    %add3A_152 = arith.addi %mul3A_2, %add3A_151 : i32
    %dma_start3A_153 = arith.constant 0 : i32
    %dma_start3A_154 = arith.constant 0 : i32
    %dma_start3A_155 = arith.constant 0 : i32
    %dma_start3A_156 = tpu.memref_slice %arg15[%dma_start3A_153, %dma_start3A_154, %dma_start3A_155] : memref<2x32x1536xf32, #tpu.memory_space<vmem>> -> memref<1x32x1536xf32, #tpu.memory_space<vmem>>
    %dma_start3A_157 = tpu.memref_squeeze %dma_start3A_156 : memref<1x32x1536xf32, #tpu.memory_space<vmem>> -> memref<32x1536xf32, #tpu.memory_space<vmem>>
    %dma_start3A_158 = arith.constant 0 : i32
    %dma_start3A_159 = tpu.memref_slice %arg6[%add3A_152, %dma_start3A_158] : memref<24576x1536xf32, #tpu.memory_space<hbm>> -> memref<32x1536xf32, #tpu.memory_space<hbm>>
    %dma_start3A_160 = arith.constant 0 : i32
    %dma_start3A_161 = tpu.memref_slice %arg6[%add3A_152, %dma_start3A_160] : memref<24576x1536xf32, #tpu.memory_space<hbm>> -> memref<32x1536xf32, #tpu.memory_space<hbm>>
    %dma_start3A_162 = arith.constant 0 : i32
    %dma_start3A_163 = arith.constant 0 : i32
    %dma_start3A_164 = tpu.memref_slice %arg15[%dma_start3A_153, %dma_start3A_162, %dma_start3A_163] : memref<2x32x1536xf32, #tpu.memory_space<vmem>> -> memref<1x32x1536xf32, #tpu.memory_space<vmem>>
    %dma_start3A_165 = tpu.memref_squeeze %dma_start3A_164 : memref<1x32x1536xf32, #tpu.memory_space<vmem>> -> memref<32x1536xf32, #tpu.memory_space<vmem>>
    tpu.enqueue_dma source(%dma_start3A_165 : memref<32x1536xf32, #tpu.memory_space<vmem>>) target(%dma_start3A_161 : memref<32x1536xf32, #tpu.memory_space<hbm>>) target_semaphore(%arg18 : memref<!tpu.dma_semaphore, #tpu.memory_space<semaphore_mem>>)
    %dma_wait3A_166 = arith.constant 0 : i32
    %dma_wait3A_167 = arith.constant 0 : i32
    %dma_wait3A_168 = arith.constant 0 : i32
    %dma_wait3A_169 = tpu.memref_slice %arg15[%dma_wait3A_166, %dma_wait3A_167, %dma_wait3A_168] : memref<2x32x1536xf32, #tpu.memory_space<vmem>> -> memref<1x32x1536xf32, #tpu.memory_space<vmem>>
    %dma_wait3A_170 = tpu.memref_squeeze %dma_wait3A_169 : memref<1x32x1536xf32, #tpu.memory_space<vmem>> -> memref<32x1536xf32, #tpu.memory_space<vmem>>
    %dma_wait3A_171 = arith.constant 0 : i32
    %dma_wait3A_172 = tpu.memref_slice %arg6[%add3A_152, %dma_wait3A_171] : memref<24576x1536xf32, #tpu.memory_space<hbm>> -> memref<32x1536xf32, #tpu.memory_space<hbm>>
    %dma_wait3A_173 = arith.constant 0 : i32
    %dma_wait3A_174 = tpu.memref_slice %arg6[%add3A_152, %dma_wait3A_173] : memref<24576x1536xf32, #tpu.memory_space<hbm>> -> memref<32x1536xf32, #tpu.memory_space<hbm>>
    %dma_wait3A_175 = arith.constant 0 : i32
    %dma_wait3A_176 = arith.constant 0 : i32
    %dma_wait3A_177 = tpu.memref_slice %arg15[%dma_wait3A_166, %dma_wait3A_175, %dma_wait3A_176] : memref<2x32x1536xf32, #tpu.memory_space<vmem>> -> memref<1x32x1536xf32, #tpu.memory_space<vmem>>
    %dma_wait3A_178 = tpu.memref_squeeze %dma_wait3A_177 : memref<1x32x1536xf32, #tpu.memory_space<vmem>> -> memref<32x1536xf32, #tpu.memory_space<vmem>>
    tpu.wait_dma2 semaphore(%arg18 : memref<!tpu.dma_semaphore, #tpu.memory_space<semaphore_mem>>) src(%dma_wait3A_178 : memref<32x1536xf32, #tpu.memory_space<vmem>>) dst(%dma_wait3A_174 : memref<32x1536xf32, #tpu.memory_space<hbm>>)
    %dma_start3A_179 = arith.constant 0 : i32
    %dma_start3A_180 = arith.constant 0 : i32
    %dma_start3A_181 = arith.constant 0 : i32
    %dma_start3A_182 = tpu.memref_slice %arg15[%dma_start3A_179, %dma_start3A_180, %dma_start3A_181] : memref<2x32x1536xf32, #tpu.memory_space<vmem>> -> memref<1x32x1536xf32, #tpu.memory_space<vmem>>
    %dma_start3A_183 = tpu.memref_squeeze %dma_start3A_182 : memref<1x32x1536xf32, #tpu.memory_space<vmem>> -> memref<32x1536xf32, #tpu.memory_space<vmem>>
    %dma_start3A_184 = arith.constant 128 : i32
    %dma_start3A_185 = tpu.memref_slice %arg12[%dma_start3A_184] : memref<768xi32, #tpu.memory_space<vmem>> -> memref<32xi32, #tpu.memory_space<vmem>>
    %dma_start3A_186 = arith.constant 0 : i32
    %dma_start3A_187 = arith.constant 0 : i32
    %dma_start3A_188 = tpu.memref_slice %arg2[%dma_start3A_186, %dma_start3A_187] : memref<2048x1536xf32, #tpu.memory_space<hbm>> -> memref<2048x1536xf32, #tpu.memory_space<hbm>>
    tpu.enqueue_indirect_dma source(%dma_start3A_188 : memref<2048x1536xf32, #tpu.memory_space<hbm>>) target(%dma_start3A_183 : memref<32x1536xf32, #tpu.memory_space<vmem>>) offsets(%dma_start3A_185 : memref<32xi32, #tpu.memory_space<vmem>>) semaphore(%arg16 : memref<!tpu.dma_semaphore, #tpu.memory_space<semaphore_mem>>)
    %dma_wait3A_189 = arith.constant 1 : i32
    %dma_wait3A_190 = arith.constant 0 : i32
    %dma_wait3A_191 = arith.constant 0 : i32
    %dma_wait3A_192 = tpu.memref_slice %arg15[%dma_wait3A_189, %dma_wait3A_190, %dma_wait3A_191] : memref<2x32x1536xf32, #tpu.memory_space<vmem>> -> memref<1x32x1536xf32, #tpu.memory_space<vmem>>
    %dma_wait3A_193 = tpu.memref_squeeze %dma_wait3A_192 : memref<1x32x1536xf32, #tpu.memory_space<vmem>> -> memref<32x1536xf32, #tpu.memory_space<vmem>>
    %dma_wait3A_194 = arith.constant 96 : i32
    %dma_wait3A_195 = tpu.memref_slice %arg12[%dma_wait3A_194] : memref<768xi32, #tpu.memory_space<vmem>> -> memref<32xi32, #tpu.memory_space<vmem>>
    %dma_wait3A_196 = arith.constant 0 : i32
    %dma_wait3A_197 = arith.constant 0 : i32
    %dma_wait3A_198 = tpu.memref_slice %arg2[%dma_wait3A_196, %dma_wait3A_197] : memref<2048x1536xf32, #tpu.memory_space<hbm>> -> memref<2048x1536xf32, #tpu.memory_space<hbm>>
    tpu.wait_indirect_dma semaphore(%arg17 : memref<!tpu.dma_semaphore, #tpu.memory_space<semaphore_mem>>) src(%dma_wait3A_198 : memref<2048x1536xf32, #tpu.memory_space<hbm>>) dst(%dma_wait3A_193 : memref<32x1536xf32, #tpu.memory_space<vmem>>)
    %add3A_199 = arith.constant 96 : i32
    %add3A_200 = arith.addi %mul3A_2, %add3A_199 : i32
    %dma_start3A_201 = arith.constant 1 : i32
    %dma_start3A_202 = arith.constant 0 : i32
    %dma_start3A_203 = arith.constant 0 : i32
    %dma_start3A_204 = tpu.memref_slice %arg15[%dma_start3A_201, %dma_start3A_202, %dma_start3A_203] : memref<2x32x1536xf32, #tpu.memory_space<vmem>> -> memref<1x32x1536xf32, #tpu.memory_space<vmem>>
    %dma_start3A_205 = tpu.memref_squeeze %dma_start3A_204 : memref<1x32x1536xf32, #tpu.memory_space<vmem>> -> memref<32x1536xf32, #tpu.memory_space<vmem>>
    %dma_start3A_206 = arith.constant 0 : i32
    %dma_start3A_207 = tpu.memref_slice %arg6[%add3A_200, %dma_start3A_206] : memref<24576x1536xf32, #tpu.memory_space<hbm>> -> memref<32x1536xf32, #tpu.memory_space<hbm>>
    %dma_start3A_208 = arith.constant 0 : i32
    %dma_start3A_209 = tpu.memref_slice %arg6[%add3A_200, %dma_start3A_208] : memref<24576x1536xf32, #tpu.memory_space<hbm>> -> memref<32x1536xf32, #tpu.memory_space<hbm>>
    %dma_start3A_210 = arith.constant 0 : i32
    %dma_start3A_211 = arith.constant 0 : i32
    %dma_start3A_212 = tpu.memref_slice %arg15[%dma_start3A_201, %dma_start3A_210, %dma_start3A_211] : memref<2x32x1536xf32, #tpu.memory_space<vmem>> -> memref<1x32x1536xf32, #tpu.memory_space<vmem>>
    %dma_start3A_213 = tpu.memref_squeeze %dma_start3A_212 : memref<1x32x1536xf32, #tpu.memory_space<vmem>> -> memref<32x1536xf32, #tpu.memory_space<vmem>>
    tpu.enqueue_dma source(%dma_start3A_213 : memref<32x1536xf32, #tpu.memory_space<vmem>>) target(%dma_start3A_209 : memref<32x1536xf32, #tpu.memory_space<hbm>>) target_semaphore(%arg19 : memref<!tpu.dma_semaphore, #tpu.memory_space<semaphore_mem>>)
    %dma_wait3A_214 = arith.constant 1 : i32
    %dma_wait3A_215 = arith.constant 0 : i32
    %dma_wait3A_216 = arith.constant 0 : i32
    %dma_wait3A_217 = tpu.memref_slice %arg15[%dma_wait3A_214, %dma_wait3A_215, %dma_wait3A_216] : memref<2x32x1536xf32, #tpu.memory_space<vmem>> -> memref<1x32x1536xf32, #tpu.memory_space<vmem>>
    %dma_wait3A_218 = tpu.memref_squeeze %dma_wait3A_217 : memref<1x32x1536xf32, #tpu.memory_space<vmem>> -> memref<32x1536xf32, #tpu.memory_space<vmem>>
    %dma_wait3A_219 = arith.constant 0 : i32
    %dma_wait3A_220 = tpu.memref_slice %arg6[%add3A_200, %dma_wait3A_219] : memref<24576x1536xf32, #tpu.memory_space<hbm>> -> memref<32x1536xf32, #tpu.memory_space<hbm>>
    %dma_wait3A_221 = arith.constant 0 : i32
    %dma_wait3A_222 = tpu.memref_slice %arg6[%add3A_200, %dma_wait3A_221] : memref<24576x1536xf32, #tpu.memory_space<hbm>> -> memref<32x1536xf32, #tpu.memory_space<hbm>>
    %dma_wait3A_223 = arith.constant 0 : i32
    %dma_wait3A_224 = arith.constant 0 : i32
    %dma_wait3A_225 = tpu.memref_slice %arg15[%dma_wait3A_214, %dma_wait3A_223, %dma_wait3A_224] : memref<2x32x1536xf32, #tpu.memory_space<vmem>> -> memref<1x32x1536xf32, #tpu.memory_space<vmem>>
    %dma_wait3A_226 = tpu.memref_squeeze %dma_wait3A_225 : memref<1x32x1536xf32, #tpu.memory_space<vmem>> -> memref<32x1536xf32, #tpu.memory_space<vmem>>
    tpu.wait_dma2 semaphore(%arg19 : memref<!tpu.dma_semaphore, #tpu.memory_space<semaphore_mem>>) src(%dma_wait3A_226 : memref<32x1536xf32, #tpu.memory_space<vmem>>) dst(%dma_wait3A_222 : memref<32x1536xf32, #tpu.memory_space<hbm>>)
    %dma_start3A_227 = arith.constant 1 : i32
    %dma_start3A_228 = arith.constant 0 : i32
    %dma_start3A_229 = arith.constant 0 : i32
    %dma_start3A_230 = tpu.memref_slice %arg15[%dma_start3A_227, %dma_start3A_228, %dma_start3A_229] : memref<2x32x1536xf32, #tpu.memory_space<vmem>> -> memref<1x32x1536xf32, #tpu.memory_space<vmem>>
    %dma_start3A_231 = tpu.memref_squeeze %dma_start3A_230 : memref<1x32x1536xf32, #tpu.memory_space<vmem>> -> memref<32x1536xf32, #tpu.memory_space<vmem>>
    %dma_start3A_232 = arith.constant 160 : i32
    %dma_start3A_233 = tpu.memref_slice %arg12[%dma_start3A_232] : memref<768xi32, #tpu.memory_space<vmem>> -> memref<32xi32, #tpu.memory_space<vmem>>
    %dma_start3A_234 = arith.constant 0 : i32
    %dma_start3A_235 = arith.constant 0 : i32
    %dma_start3A_236 = tpu.memref_slice %arg2[%dma_start3A_234, %dma_start3A_235] : memref<2048x1536xf32, #tpu.memory_space<hbm>> -> memref<2048x1536xf32, #tpu.memory_space<hbm>>
    tpu.enqueue_indirect_dma source(%dma_start3A_236 : memref<2048x1536xf32, #tpu.memory_space<hbm>>) target(%dma_start3A_231 : memref<32x1536xf32, #tpu.memory_space<vmem>>) offsets(%dma_start3A_233 : memref<32xi32, #tpu.memory_space<vmem>>) semaphore(%arg17 : memref<!tpu.dma_semaphore, #tpu.memory_space<semaphore_mem>>)
    %dma_wait3A_237 = arith.constant 0 : i32
    %dma_wait3A_238 = arith.constant 0 : i32
    %dma_wait3A_239 = arith.constant 0 : i32
    %dma_wait3A_240 = tpu.memref_slice %arg15[%dma_wait3A_237, %dma_wait3A_238, %dma_wait3A_239] : memref<2x32x1536xf32, #tpu.memory_space<vmem>> -> memref<1x32x1536xf32, #tpu.memory_space<vmem>>
    %dma_wait3A_241 = tpu.memref_squeeze %dma_wait3A_240 : memref<1x32x1536xf32, #tpu.memory_space<vmem>> -> memref<32x1536xf32, #tpu.memory_space<vmem>>
    %dma_wait3A_242 = arith.constant 128 : i32
    %dma_wait3A_243 = tpu.memref_slice %arg12[%dma_wait3A_242] : memref<768xi32, #tpu.memory_space<vmem>> -> memref<32xi32, #tpu.memory_space<vmem>>
    %dma_wait3A_244 = arith.constant 0 : i32
    %dma_wait3A_245 = arith.constant 0 : i32
    %dma_wait3A_246 = tpu.memref_slice %arg2[%dma_wait3A_244, %dma_wait3A_245] : memref<2048x1536xf32, #tpu.memory_space<hbm>> -> memref<2048x1536xf32, #tpu.memory_space<hbm>>
    tpu.wait_indirect_dma semaphore(%arg16 : memref<!tpu.dma_semaphore, #tpu.memory_space<semaphore_mem>>) src(%dma_wait3A_246 : memref<2048x1536xf32, #tpu.memory_space<hbm>>) dst(%dma_wait3A_241 : memref<32x1536xf32, #tpu.memory_space<vmem>>)
    %add3A_247 = arith.constant 128 : i32
    %add3A_248 = arith.addi %mul3A_2, %add3A_247 : i32
    %dma_start3A_249 = arith.constant 0 : i32
    %dma_start3A_250 = arith.constant 0 : i32
    %dma_start3A_251 = arith.constant 0 : i32
    %dma_start3A_252 = tpu.memref_slice %arg15[%dma_start3A_249, %dma_start3A_250, %dma_start3A_251] : memref<2x32x1536xf32, #tpu.memory_space<vmem>> -> memref<1x32x1536xf32, #tpu.memory_space<vmem>>
    %dma_start3A_253 = tpu.memref_squeeze %dma_start3A_252 : memref<1x32x1536xf32, #tpu.memory_space<vmem>> -> memref<32x1536xf32, #tpu.memory_space<vmem>>
    %dma_start3A_254 = arith.constant 0 : i32
    %dma_start3A_255 = tpu.memref_slice %arg6[%add3A_248, %dma_start3A_254] : memref<24576x1536xf32, #tpu.memory_space<hbm>> -> memref<32x1536xf32, #tpu.memory_space<hbm>>
    %dma_start3A_256 = arith.constant 0 : i32
    %dma_start3A_257 = tpu.memref_slice %arg6[%add3A_248, %dma_start3A_256] : memref<24576x1536xf32, #tpu.memory_space<hbm>> -> memref<32x1536xf32, #tpu.memory_space<hbm>>
    %dma_start3A_258 = arith.constant 0 : i32
    %dma_start3A_259 = arith.constant 0 : i32
    %dma_start3A_260 = tpu.memref_slice %arg15[%dma_start3A_249, %dma_start3A_258, %dma_start3A_259] : memref<2x32x1536xf32, #tpu.memory_space<vmem>> -> memref<1x32x1536xf32, #tpu.memory_space<vmem>>
    %dma_start3A_261 = tpu.memref_squeeze %dma_start3A_260 : memref<1x32x1536xf32, #tpu.memory_space<vmem>> -> memref<32x1536xf32, #tpu.memory_space<vmem>>
    tpu.enqueue_dma source(%dma_start3A_261 : memref<32x1536xf32, #tpu.memory_space<vmem>>) target(%dma_start3A_257 : memref<32x1536xf32, #tpu.memory_space<hbm>>) target_semaphore(%arg18 : memref<!tpu.dma_semaphore, #tpu.memory_space<semaphore_mem>>)
    %dma_wait3A_262 = arith.constant 0 : i32
    %dma_wait3A_263 = arith.constant 0 : i32
    %dma_wait3A_264 = arith.constant 0 : i32
    %dma_wait3A_265 = tpu.memref_slice %arg15[%dma_wait3A_262, %dma_wait3A_263, %dma_wait3A_264] : memref<2x32x1536xf32, #tpu.memory_space<vmem>> -> memref<1x32x1536xf32, #tpu.memory_space<vmem>>
    %dma_wait3A_266 = tpu.memref_squeeze %dma_wait3A_265 : memref<1x32x1536xf32, #tpu.memory_space<vmem>> -> memref<32x1536xf32, #tpu.memory_space<vmem>>
    %dma_wait3A_267 = arith.constant 0 : i32
    %dma_wait3A_268 = tpu.memref_slice %arg6[%add3A_248, %dma_wait3A_267] : memref<24576x1536xf32, #tpu.memory_space<hbm>> -> memref<32x1536xf32, #tpu.memory_space<hbm>>
    %dma_wait3A_269 = arith.constant 0 : i32
    %dma_wait3A_270 = tpu.memref_slice %arg6[%add3A_248, %dma_wait3A_269] : memref<24576x1536xf32, #tpu.memory_space<hbm>> -> memref<32x1536xf32, #tpu.memory_space<hbm>>
    %dma_wait3A_271 = arith.constant 0 : i32
    %dma_wait3A_272 = arith.constant 0 : i32
    %dma_wait3A_273 = tpu.memref_slice %arg15[%dma_wait3A_262, %dma_wait3A_271, %dma_wait3A_272] : memref<2x32x1536xf32, #tpu.memory_space<vmem>> -> memref<1x32x1536xf32, #tpu.memory_space<vmem>>
    %dma_wait3A_274 = tpu.memref_squeeze %dma_wait3A_273 : memref<1x32x1536xf32, #tpu.memory_space<vmem>> -> memref<32x1536xf32, #tpu.memory_space<vmem>>
    tpu.wait_dma2 semaphore(%arg18 : memref<!tpu.dma_semaphore, #tpu.memory_space<semaphore_mem>>) src(%dma_wait3A_274 : memref<32x1536xf32, #tpu.memory_space<vmem>>) dst(%dma_wait3A_270 : memref<32x1536xf32, #tpu.memory_space<hbm>>)
    %dma_start3A_275 = arith.constant 0 : i32
    %dma_start3A_276 = arith.constant 0 : i32
    %dma_start3A_277 = arith.constant 0 : i32
    %dma_start3A_278 = tpu.memref_slice %arg15[%dma_start3A_275, %dma_start3A_276, %dma_start3A_277] : memref<2x32x1536xf32, #tpu.memory_space<vmem>> -> memref<1x32x1536xf32, #tpu.memory_space<vmem>>
    %dma_start3A_279 = tpu.memref_squeeze %dma_start3A_278 : memref<1x32x1536xf32, #tpu.memory_space<vmem>> -> memref<32x1536xf32, #tpu.memory_space<vmem>>
    %dma_start3A_280 = arith.constant 192 : i32
    %dma_start3A_281 = tpu.memref_slice %arg12[%dma_start3A_280] : memref<768xi32, #tpu.memory_space<vmem>> -> memref<32xi32, #tpu.memory_space<vmem>>
    %dma_start3A_282 = arith.constant 0 : i32
    %dma_start3A_283 = arith.constant 0 : i32
    %dma_start3A_284 = tpu.memref_slice %arg2[%dma_start3A_282, %dma_start3A_283] : memref<2048x1536xf32, #tpu.memory_space<hbm>> -> memref<2048x1536xf32, #tpu.memory_space<hbm>>
    tpu.enqueue_indirect_dma source(%dma_start3A_284 : memref<2048x1536xf32, #tpu.memory_space<hbm>>) target(%dma_start3A_279 : memref<32x1536xf32, #tpu.memory_space<vmem>>) offsets(%dma_start3A_281 : memref<32xi32, #tpu.memory_space<vmem>>) semaphore(%arg16 : memref<!tpu.dma_semaphore, #tpu.memory_space<semaphore_mem>>)
    %dma_wait3A_285 = arith.constant 1 : i32
    %dma_wait3A_286 = arith.constant 0 : i32
    %dma_wait3A_287 = arith.constant 0 : i32
    %dma_wait3A_288 = tpu.memref_slice %arg15[%dma_wait3A_285, %dma_wait3A_286, %dma_wait3A_287] : memref<2x32x1536xf32, #tpu.memory_space<vmem>> -> memref<1x32x1536xf32, #tpu.memory_space<vmem>>
    %dma_wait3A_289 = tpu.memref_squeeze %dma_wait3A_288 : memref<1x32x1536xf32, #tpu.memory_space<vmem>> -> memref<32x1536xf32, #tpu.memory_space<vmem>>
    %dma_wait3A_290 = arith.constant 160 : i32
    %dma_wait3A_291 = tpu.memref_slice %arg12[%dma_wait3A_290] : memref<768xi32, #tpu.memory_space<vmem>> -> memref<32xi32, #tpu.memory_space<vmem>>
    %dma_wait3A_292 = arith.constant 0 : i32
    %dma_wait3A_293 = arith.constant 0 : i32
    %dma_wait3A_294 = tpu.memref_slice %arg2[%dma_wait3A_292, %dma_wait3A_293] : memref<2048x1536xf32, #tpu.memory_space<hbm>> -> memref<2048x1536xf32, #tpu.memory_space<hbm>>
    tpu.wait_indirect_dma semaphore(%arg17 : memref<!tpu.dma_semaphore, #tpu.memory_space<semaphore_mem>>) src(%dma_wait3A_294 : memref<2048x1536xf32, #tpu.memory_space<hbm>>) dst(%dma_wait3A_289 : memref<32x1536xf32, #tpu.memory_space<vmem>>)
    %add3A_295 = arith.constant 160 : i32
    %add3A_296 = arith.addi %mul3A_2, %add3A_295 : i32
    %dma_start3A_297 = arith.constant 1 : i32
    %dma_start3A_298 = arith.constant 0 : i32
    %dma_start3A_299 = arith.constant 0 : i32
    %dma_start3A_300 = tpu.memref_slice %arg15[%dma_start3A_297, %dma_start3A_298, %dma_start3A_299] : memref<2x32x1536xf32, #tpu.memory_space<vmem>> -> memref<1x32x1536xf32, #tpu.memory_space<vmem>>
    %dma_start3A_301 = tpu.memref_squeeze %dma_start3A_300 : memref<1x32x1536xf32, #tpu.memory_space<vmem>> -> memref<32x1536xf32, #tpu.memory_space<vmem>>
    %dma_start3A_302 = arith.constant 0 : i32
    %dma_start3A_303 = tpu.memref_slice %arg6[%add3A_296, %dma_start3A_302] : memref<24576x1536xf32, #tpu.memory_space<hbm>> -> memref<32x1536xf32, #tpu.memory_space<hbm>>
    %dma_start3A_304 = arith.constant 0 : i32
    %dma_start3A_305 = tpu.memref_slice %arg6[%add3A_296, %dma_start3A_304] : memref<24576x1536xf32, #tpu.memory_space<hbm>> -> memref<32x1536xf32, #tpu.memory_space<hbm>>
    %dma_start3A_306 = arith.constant 0 : i32
    %dma_start3A_307 = arith.constant 0 : i32
    %dma_start3A_308 = tpu.memref_slice %arg15[%dma_start3A_297, %dma_start3A_306, %dma_start3A_307] : memref<2x32x1536xf32, #tpu.memory_space<vmem>> -> memref<1x32x1536xf32, #tpu.memory_space<vmem>>
    %dma_start3A_309 = tpu.memref_squeeze %dma_start3A_308 : memref<1x32x1536xf32, #tpu.memory_space<vmem>> -> memref<32x1536xf32, #tpu.memory_space<vmem>>
    tpu.enqueue_dma source(%dma_start3A_309 : memref<32x1536xf32, #tpu.memory_space<vmem>>) target(%dma_start3A_305 : memref<32x1536xf32, #tpu.memory_space<hbm>>) target_semaphore(%arg19 : memref<!tpu.dma_semaphore, #tpu.memory_space<semaphore_mem>>)
    %dma_wait3A_310 = arith.constant 1 : i32
    %dma_wait3A_311 = arith.constant 0 : i32
    %dma_wait3A_312 = arith.constant 0 : i32
    %dma_wait3A_313 = tpu.memref_slice %arg15[%dma_wait3A_310, %dma_wait3A_311, %dma_wait3A_312] : memref<2x32x1536xf32, #tpu.memory_space<vmem>> -> memref<1x32x1536xf32, #tpu.memory_space<vmem>>
    %dma_wait3A_314 = tpu.memref_squeeze %dma_wait3A_313 : memref<1x32x1536xf32, #tpu.memory_space<vmem>> -> memref<32x1536xf32, #tpu.memory_space<vmem>>
    %dma_wait3A_315 = arith.constant 0 : i32
    %dma_wait3A_316 = tpu.memref_slice %arg6[%add3A_296, %dma_wait3A_315] : memref<24576x1536xf32, #tpu.memory_space<hbm>> -> memref<32x1536xf32, #tpu.memory_space<hbm>>
    %dma_wait3A_317 = arith.constant 0 : i32
    %dma_wait3A_318 = tpu.memref_slice %arg6[%add3A_296, %dma_wait3A_317] : memref<24576x1536xf32, #tpu.memory_space<hbm>> -> memref<32x1536xf32, #tpu.memory_space<hbm>>
    %dma_wait3A_319 = arith.constant 0 : i32
    %dma_wait3A_320 = arith.constant 0 : i32
    %dma_wait3A_321 = tpu.memref_slice %arg15[%dma_wait3A_310, %dma_wait3A_319, %dma_wait3A_320] : memref<2x32x1536xf32, #tpu.memory_space<vmem>> -> memref<1x32x1536xf32, #tpu.memory_space<vmem>>
    %dma_wait3A_322 = tpu.memref_squeeze %dma_wait3A_321 : memref<1x32x1536xf32, #tpu.memory_space<vmem>> -> memref<32x1536xf32, #tpu.memory_space<vmem>>
    tpu.wait_dma2 semaphore(%arg19 : memref<!tpu.dma_semaphore, #tpu.memory_space<semaphore_mem>>) src(%dma_wait3A_322 : memref<32x1536xf32, #tpu.memory_space<vmem>>) dst(%dma_wait3A_318 : memref<32x1536xf32, #tpu.memory_space<hbm>>)
    %dma_start3A_323 = arith.constant 1 : i32
    %dma_start3A_324 = arith.constant 0 : i32
    %dma_start3A_325 = arith.constant 0 : i32
    %dma_start3A_326 = tpu.memref_slice %arg15[%dma_start3A_323, %dma_start3A_324, %dma_start3A_325] : memref<2x32x1536xf32, #tpu.memory_space<vmem>> -> memref<1x32x1536xf32, #tpu.memory_space<vmem>>
    %dma_start3A_327 = tpu.memref_squeeze %dma_start3A_326 : memref<1x32x1536xf32, #tpu.memory_space<vmem>> -> memref<32x1536xf32, #tpu.memory_space<vmem>>
    %dma_start3A_328 = arith.constant 224 : i32
    %dma_start3A_329 = tpu.memref_slice %arg12[%dma_start3A_328] : memref<768xi32, #tpu.memory_space<vmem>> -> memref<32xi32, #tpu.memory_space<vmem>>
    %dma_start3A_330 = arith.constant 0 : i32
    %dma_start3A_331 = arith.constant 0 : i32
    %dma_start3A_332 = tpu.memref_slice %arg2[%dma_start3A_330, %dma_start3A_331] : memref<2048x1536xf32, #tpu.memory_space<hbm>> -> memref<2048x1536xf32, #tpu.memory_space<hbm>>
    tpu.enqueue_indirect_dma source(%dma_start3A_332 : memref<2048x1536xf32, #tpu.memory_space<hbm>>) target(%dma_start3A_327 : memref<32x1536xf32, #tpu.memory_space<vmem>>) offsets(%dma_start3A_329 : memref<32xi32, #tpu.memory_space<vmem>>) semaphore(%arg17 : memref<!tpu.dma_semaphore, #tpu.memory_space<semaphore_mem>>)
    %dma_wait3A_333 = arith.constant 0 : i32
    %dma_wait3A_334 = arith.constant 0 : i32
    %dma_wait3A_335 = arith.constant 0 : i32
    %dma_wait3A_336 = tpu.memref_slice %arg15[%dma_wait3A_333, %dma_wait3A_334, %dma_wait3A_335] : memref<2x32x1536xf32, #tpu.memory_space<vmem>> -> memref<1x32x1536xf32, #tpu.memory_space<vmem>>
    %dma_wait3A_337 = tpu.memref_squeeze %dma_wait3A_336 : memref<1x32x1536xf32, #tpu.memory_space<vmem>> -> memref<32x1536xf32, #tpu.memory_space<vmem>>
    %dma_wait3A_338 = arith.constant 192 : i32
    %dma_wait3A_339 = tpu.memref_slice %arg12[%dma_wait3A_338] : memref<768xi32, #tpu.memory_space<vmem>> -> memref<32xi32, #tpu.memory_space<vmem>>
    %dma_wait3A_340 = arith.constant 0 : i32
    %dma_wait3A_341 = arith.constant 0 : i32
    %dma_wait3A_342 = tpu.memref_slice %arg2[%dma_wait3A_340, %dma_wait3A_341] : memref<2048x1536xf32, #tpu.memory_space<hbm>> -> memref<2048x1536xf32, #tpu.memory_space<hbm>>
    tpu.wait_indirect_dma semaphore(%arg16 : memref<!tpu.dma_semaphore, #tpu.memory_space<semaphore_mem>>) src(%dma_wait3A_342 : memref<2048x1536xf32, #tpu.memory_space<hbm>>) dst(%dma_wait3A_337 : memref<32x1536xf32, #tpu.memory_space<vmem>>)
    %add3A_343 = arith.constant 192 : i32
    %add3A_344 = arith.addi %mul3A_2, %add3A_343 : i32
    %dma_start3A_345 = arith.constant 0 : i32
    %dma_start3A_346 = arith.constant 0 : i32
    %dma_start3A_347 = arith.constant 0 : i32
    %dma_start3A_348 = tpu.memref_slice %arg15[%dma_start3A_345, %dma_start3A_346, %dma_start3A_347] : memref<2x32x1536xf32, #tpu.memory_space<vmem>> -> memref<1x32x1536xf32, #tpu.memory_space<vmem>>
    %dma_start3A_349 = tpu.memref_squeeze %dma_start3A_348 : memref<1x32x1536xf32, #tpu.memory_space<vmem>> -> memref<32x1536xf32, #tpu.memory_space<vmem>>
    %dma_start3A_350 = arith.constant 0 : i32
    %dma_start3A_351 = tpu.memref_slice %arg6[%add3A_344, %dma_start3A_350] : memref<24576x1536xf32, #tpu.memory_space<hbm>> -> memref<32x1536xf32, #tpu.memory_space<hbm>>
    %dma_start3A_352 = arith.constant 0 : i32
    %dma_start3A_353 = tpu.memref_slice %arg6[%add3A_344, %dma_start3A_352] : memref<24576x1536xf32, #tpu.memory_space<hbm>> -> memref<32x1536xf32, #tpu.memory_space<hbm>>
    %dma_start3A_354 = arith.constant 0 : i32
    %dma_start3A_355 = arith.constant 0 : i32
    %dma_start3A_356 = tpu.memref_slice %arg15[%dma_start3A_345, %dma_start3A_354, %dma_start3A_355] : memref<2x32x1536xf32, #tpu.memory_space<vmem>> -> memref<1x32x1536xf32, #tpu.memory_space<vmem>>
    %dma_start3A_357 = tpu.memref_squeeze %dma_start3A_356 : memref<1x32x1536xf32, #tpu.memory_space<vmem>> -> memref<32x1536xf32, #tpu.memory_space<vmem>>
    tpu.enqueue_dma source(%dma_start3A_357 : memref<32x1536xf32, #tpu.memory_space<vmem>>) target(%dma_start3A_353 : memref<32x1536xf32, #tpu.memory_space<hbm>>) target_semaphore(%arg18 : memref<!tpu.dma_semaphore, #tpu.memory_space<semaphore_mem>>)
    %dma_wait3A_358 = arith.constant 0 : i32
    %dma_wait3A_359 = arith.constant 0 : i32
    %dma_wait3A_360 = arith.constant 0 : i32
    %dma_wait3A_361 = tpu.memref_slice %arg15[%dma_wait3A_358, %dma_wait3A_359, %dma_wait3A_360] : memref<2x32x1536xf32, #tpu.memory_space<vmem>> -> memref<1x32x1536xf32, #tpu.memory_space<vmem>>
    %dma_wait3A_362 = tpu.memref_squeeze %dma_wait3A_361 : memref<1x32x1536xf32, #tpu.memory_space<vmem>> -> memref<32x1536xf32, #tpu.memory_space<vmem>>
    %dma_wait3A_363 = arith.constant 0 : i32
    %dma_wait3A_364 = tpu.memref_slice %arg6[%add3A_344, %dma_wait3A_363] : memref<24576x1536xf32, #tpu.memory_space<hbm>> -> memref<32x1536xf32, #tpu.memory_space<hbm>>
    %dma_wait3A_365 = arith.constant 0 : i32
    %dma_wait3A_366 = tpu.memref_slice %arg6[%add3A_344, %dma_wait3A_365] : memref<24576x1536xf32, #tpu.memory_space<hbm>> -> memref<32x1536xf32, #tpu.memory_space<hbm>>
    %dma_wait3A_367 = arith.constant 0 : i32
    %dma_wait3A_368 = arith.constant 0 : i32
    %dma_wait3A_369 = tpu.memref_slice %arg15[%dma_wait3A_358, %dma_wait3A_367, %dma_wait3A_368] : memref<2x32x1536xf32, #tpu.memory_space<vmem>> -> memref<1x32x1536xf32, #tpu.memory_space<vmem>>
    %dma_wait3A_370 = tpu.memref_squeeze %dma_wait3A_369 : memref<1x32x1536xf32, #tpu.memory_space<vmem>> -> memref<32x1536xf32, #tpu.memory_space<vmem>>
    tpu.wait_dma2 semaphore(%arg18 : memref<!tpu.dma_semaphore, #tpu.memory_space<semaphore_mem>>) src(%dma_wait3A_370 : memref<32x1536xf32, #tpu.memory_space<vmem>>) dst(%dma_wait3A_366 : memref<32x1536xf32, #tpu.memory_space<hbm>>)
    %dma_start3A_371 = arith.constant 0 : i32
    %dma_start3A_372 = arith.constant 0 : i32
    %dma_start3A_373 = arith.constant 0 : i32
    %dma_start3A_374 = tpu.memref_slice %arg15[%dma_start3A_371, %dma_start3A_372, %dma_start3A_373] : memref<2x32x1536xf32, #tpu.memory_space<vmem>> -> memref<1x32x1536xf32, #tpu.memory_space<vmem>>
    %dma_start3A_375 = tpu.memref_squeeze %dma_start3A_374 : memref<1x32x1536xf32, #tpu.memory_space<vmem>> -> memref<32x1536xf32, #tpu.memory_space<vmem>>
    %dma_start3A_376 = arith.constant 256 : i32
    %dma_start3A_377 = tpu.memref_slice %arg12[%dma_start3A_376] : memref<768xi32, #tpu.memory_space<vmem>> -> memref<32xi32, #tpu.memory_space<vmem>>
    %dma_start3A_378 = arith.constant 0 : i32
    %dma_start3A_379 = arith.constant 0 : i32
    %dma_start3A_380 = tpu.memref_slice %arg2[%dma_start3A_378, %dma_start3A_379] : memref<2048x1536xf32, #tpu.memory_space<hbm>> -> memref<2048x1536xf32, #tpu.memory_space<hbm>>
    tpu.enqueue_indirect_dma source(%dma_start3A_380 : memref<2048x1536xf32, #tpu.memory_space<hbm>>) target(%dma_start3A_375 : memref<32x1536xf32, #tpu.memory_space<vmem>>) offsets(%dma_start3A_377 : memref<32xi32, #tpu.memory_space<vmem>>) semaphore(%arg16 : memref<!tpu.dma_semaphore, #tpu.memory_space<semaphore_mem>>)
    %dma_wait3A_381 = arith.constant 1 : i32
    %dma_wait3A_382 = arith.constant 0 : i32
    %dma_wait3A_383 = arith.constant 0 : i32
    %dma_wait3A_384 = tpu.memref_slice %arg15[%dma_wait3A_381, %dma_wait3A_382, %dma_wait3A_383] : memref<2x32x1536xf32, #tpu.memory_space<vmem>> -> memref<1x32x1536xf32, #tpu.memory_space<vmem>>
    %dma_wait3A_385 = tpu.memref_squeeze %dma_wait3A_384 : memref<1x32x1536xf32, #tpu.memory_space<vmem>> -> memref<32x1536xf32, #tpu.memory_space<vmem>>
    %dma_wait3A_386 = arith.constant 224 : i32
    %dma_wait3A_387 = tpu.memref_slice %arg12[%dma_wait3A_386] : memref<768xi32, #tpu.memory_space<vmem>> -> memref<32xi32, #tpu.memory_space<vmem>>
    %dma_wait3A_388 = arith.constant 0 : i32
    %dma_wait3A_389 = arith.constant 0 : i32
    %dma_wait3A_390 = tpu.memref_slice %arg2[%dma_wait3A_388, %dma_wait3A_389] : memref<2048x1536xf32, #tpu.memory_space<hbm>> -> memref<2048x1536xf32, #tpu.memory_space<hbm>>
    tpu.wait_indirect_dma semaphore(%arg17 : memref<!tpu.dma_semaphore, #tpu.memory_space<semaphore_mem>>) src(%dma_wait3A_390 : memref<2048x1536xf32, #tpu.memory_space<hbm>>) dst(%dma_wait3A_385 : memref<32x1536xf32, #tpu.memory_space<vmem>>)
    %add3A_391 = arith.constant 224 : i32
    %add3A_392 = arith.addi %mul3A_2, %add3A_391 : i32
    %dma_start3A_393 = arith.constant 1 : i32
    %dma_start3A_394 = arith.constant 0 : i32
    %dma_start3A_395 = arith.constant 0 : i32
    %dma_start3A_396 = tpu.memref_slice %arg15[%dma_start3A_393, %dma_start3A_394, %dma_start3A_395] : memref<2x32x1536xf32, #tpu.memory_space<vmem>> -> memref<1x32x1536xf32, #tpu.memory_space<vmem>>
    %dma_start3A_397 = tpu.memref_squeeze %dma_start3A_396 : memref<1x32x1536xf32, #tpu.memory_space<vmem>> -> memref<32x1536xf32, #tpu.memory_space<vmem>>
    %dma_start3A_398 = arith.constant 0 : i32
    %dma_start3A_399 = tpu.memref_slice %arg6[%add3A_392, %dma_start3A_398] : memref<24576x1536xf32, #tpu.memory_space<hbm>> -> memref<32x1536xf32, #tpu.memory_space<hbm>>
    %dma_start3A_400 = arith.constant 0 : i32
    %dma_start3A_401 = tpu.memref_slice %arg6[%add3A_392, %dma_start3A_400] : memref<24576x1536xf32, #tpu.memory_space<hbm>> -> memref<32x1536xf32, #tpu.memory_space<hbm>>
    %dma_start3A_402 = arith.constant 0 : i32
    %dma_start3A_403 = arith.constant 0 : i32
    %dma_start3A_404 = tpu.memref_slice %arg15[%dma_start3A_393, %dma_start3A_402, %dma_start3A_403] : memref<2x32x1536xf32, #tpu.memory_space<vmem>> -> memref<1x32x1536xf32, #tpu.memory_space<vmem>>
    %dma_start3A_405 = tpu.memref_squeeze %dma_start3A_404 : memref<1x32x1536xf32, #tpu.memory_space<vmem>> -> memref<32x1536xf32, #tpu.memory_space<vmem>>
    tpu.enqueue_dma source(%dma_start3A_405 : memref<32x1536xf32, #tpu.memory_space<vmem>>) target(%dma_start3A_401 : memref<32x1536xf32, #tpu.memory_space<hbm>>) target_semaphore(%arg19 : memref<!tpu.dma_semaphore, #tpu.memory_space<semaphore_mem>>)
    %dma_wait3A_406 = arith.constant 1 : i32
    %dma_wait3A_407 = arith.constant 0 : i32
    %dma_wait3A_408 = arith.constant 0 : i32
    %dma_wait3A_409 = tpu.memref_slice %arg15[%dma_wait3A_406, %dma_wait3A_407, %dma_wait3A_408] : memref<2x32x1536xf32, #tpu.memory_space<vmem>> -> memref<1x32x1536xf32, #tpu.memory_space<vmem>>
    %dma_wait3A_410 = tpu.memref_squeeze %dma_wait3A_409 : memref<1x32x1536xf32, #tpu.memory_space<vmem>> -> memref<32x1536xf32, #tpu.memory_space<vmem>>
    %dma_wait3A_411 = arith.constant 0 : i32
    %dma_wait3A_412 = tpu.memref_slice %arg6[%add3A_392, %dma_wait3A_411] : memref<24576x1536xf32, #tpu.memory_space<hbm>> -> memref<32x1536xf32, #tpu.memory_space<hbm>>
    %dma_wait3A_413 = arith.constant 0 : i32
    %dma_wait3A_414 = tpu.memref_slice %arg6[%add3A_392, %dma_wait3A_413] : memref<24576x1536xf32, #tpu.memory_space<hbm>> -> memref<32x1536xf32, #tpu.memory_space<hbm>>
    %dma_wait3A_415 = arith.constant 0 : i32
    %dma_wait3A_416 = arith.constant 0 : i32
    %dma_wait3A_417 = tpu.memref_slice %arg15[%dma_wait3A_406, %dma_wait3A_415, %dma_wait3A_416] : memref<2x32x1536xf32, #tpu.memory_space<vmem>> -> memref<1x32x1536xf32, #tpu.memory_space<vmem>>
    %dma_wait3A_418 = tpu.memref_squeeze %dma_wait3A_417 : memref<1x32x1536xf32, #tpu.memory_space<vmem>> -> memref<32x1536xf32, #tpu.memory_space<vmem>>
    tpu.wait_dma2 semaphore(%arg19 : memref<!tpu.dma_semaphore, #tpu.memory_space<semaphore_mem>>) src(%dma_wait3A_418 : memref<32x1536xf32, #tpu.memory_space<vmem>>) dst(%dma_wait3A_414 : memref<32x1536xf32, #tpu.memory_space<hbm>>)
    %dma_start3A_419 = arith.constant 1 : i32
    %dma_start3A_420 = arith.constant 0 : i32
    %dma_start3A_421 = arith.constant 0 : i32
    %dma_start3A_422 = tpu.memref_slice %arg15[%dma_start3A_419, %dma_start3A_420, %dma_start3A_421] : memref<2x32x1536xf32, #tpu.memory_space<vmem>> -> memref<1x32x1536xf32, #tpu.memory_space<vmem>>
    %dma_start3A_423 = tpu.memref_squeeze %dma_start3A_422 : memref<1x32x1536xf32, #tpu.memory_space<vmem>> -> memref<32x1536xf32, #tpu.memory_space<vmem>>
    %dma_start3A_424 = arith.constant 288 : i32
    %dma_start3A_425 = tpu.memref_slice %arg12[%dma_start3A_424] : memref<768xi32, #tpu.memory_space<vmem>> -> memref<32xi32, #tpu.memory_space<vmem>>
    %dma_start3A_426 = arith.constant 0 : i32
    %dma_start3A_427 = arith.constant 0 : i32
    %dma_start3A_428 = tpu.memref_slice %arg2[%dma_start3A_426, %dma_start3A_427] : memref<2048x1536xf32, #tpu.memory_space<hbm>> -> memref<2048x1536xf32, #tpu.memory_space<hbm>>
    tpu.enqueue_indirect_dma source(%dma_start3A_428 : memref<2048x1536xf32, #tpu.memory_space<hbm>>) target(%dma_start3A_423 : memref<32x1536xf32, #tpu.memory_space<vmem>>) offsets(%dma_start3A_425 : memref<32xi32, #tpu.memory_space<vmem>>) semaphore(%arg17 : memref<!tpu.dma_semaphore, #tpu.memory_space<semaphore_mem>>)
    %dma_wait3A_429 = arith.constant 0 : i32
    %dma_wait3A_430 = arith.constant 0 : i32
    %dma_wait3A_431 = arith.constant 0 : i32
    %dma_wait3A_432 = tpu.memref_slice %arg15[%dma_wait3A_429, %dma_wait3A_430, %dma_wait3A_431] : memref<2x32x1536xf32, #tpu.memory_space<vmem>> -> memref<1x32x1536xf32, #tpu.memory_space<vmem>>
    %dma_wait3A_433 = tpu.memref_squeeze %dma_wait3A_432 : memref<1x32x1536xf32, #tpu.memory_space<vmem>> -> memref<32x1536xf32, #tpu.memory_space<vmem>>
    %dma_wait3A_434 = arith.constant 256 : i32
    %dma_wait3A_435 = tpu.memref_slice %arg12[%dma_wait3A_434] : memref<768xi32, #tpu.memory_space<vmem>> -> memref<32xi32, #tpu.memory_space<vmem>>
    %dma_wait3A_436 = arith.constant 0 : i32
    %dma_wait3A_437 = arith.constant 0 : i32
    %dma_wait3A_438 = tpu.memref_slice %arg2[%dma_wait3A_436, %dma_wait3A_437] : memref<2048x1536xf32, #tpu.memory_space<hbm>> -> memref<2048x1536xf32, #tpu.memory_space<hbm>>
    tpu.wait_indirect_dma semaphore(%arg16 : memref<!tpu.dma_semaphore, #tpu.memory_space<semaphore_mem>>) src(%dma_wait3A_438 : memref<2048x1536xf32, #tpu.memory_space<hbm>>) dst(%dma_wait3A_433 : memref<32x1536xf32, #tpu.memory_space<vmem>>)
    %add3A_439 = arith.constant 256 : i32
    %add3A_440 = arith.addi %mul3A_2, %add3A_439 : i32
    %dma_start3A_441 = arith.constant 0 : i32
    %dma_start3A_442 = arith.constant 0 : i32
    %dma_start3A_443 = arith.constant 0 : i32
    %dma_start3A_444 = tpu.memref_slice %arg15[%dma_start3A_441, %dma_start3A_442, %dma_start3A_443] : memref<2x32x1536xf32, #tpu.memory_space<vmem>> -> memref<1x32x1536xf32, #tpu.memory_space<vmem>>
    %dma_start3A_445 = tpu.memref_squeeze %dma_start3A_444 : memref<1x32x1536xf32, #tpu.memory_space<vmem>> -> memref<32x1536xf32, #tpu.memory_space<vmem>>
    %dma_start3A_446 = arith.constant 0 : i32
    %dma_start3A_447 = tpu.memref_slice %arg6[%add3A_440, %dma_start3A_446] : memref<24576x1536xf32, #tpu.memory_space<hbm>> -> memref<32x1536xf32, #tpu.memory_space<hbm>>
    %dma_start3A_448 = arith.constant 0 : i32
    %dma_start3A_449 = tpu.memref_slice %arg6[%add3A_440, %dma_start3A_448] : memref<24576x1536xf32, #tpu.memory_space<hbm>> -> memref<32x1536xf32, #tpu.memory_space<hbm>>
    %dma_start3A_450 = arith.constant 0 : i32
    %dma_start3A_451 = arith.constant 0 : i32
    %dma_start3A_452 = tpu.memref_slice %arg15[%dma_start3A_441, %dma_start3A_450, %dma_start3A_451] : memref<2x32x1536xf32, #tpu.memory_space<vmem>> -> memref<1x32x1536xf32, #tpu.memory_space<vmem>>
    %dma_start3A_453 = tpu.memref_squeeze %dma_start3A_452 : memref<1x32x1536xf32, #tpu.memory_space<vmem>> -> memref<32x1536xf32, #tpu.memory_space<vmem>>
    tpu.enqueue_dma source(%dma_start3A_453 : memref<32x1536xf32, #tpu.memory_space<vmem>>) target(%dma_start3A_449 : memref<32x1536xf32, #tpu.memory_space<hbm>>) target_semaphore(%arg18 : memref<!tpu.dma_semaphore, #tpu.memory_space<semaphore_mem>>)
    %dma_wait3A_454 = arith.constant 0 : i32
    %dma_wait3A_455 = arith.constant 0 : i32
    %dma_wait3A_456 = arith.constant 0 : i32
    %dma_wait3A_457 = tpu.memref_slice %arg15[%dma_wait3A_454, %dma_wait3A_455, %dma_wait3A_456] : memref<2x32x1536xf32, #tpu.memory_space<vmem>> -> memref<1x32x1536xf32, #tpu.memory_space<vmem>>
    %dma_wait3A_458 = tpu.memref_squeeze %dma_wait3A_457 : memref<1x32x1536xf32, #tpu.memory_space<vmem>> -> memref<32x1536xf32, #tpu.memory_space<vmem>>
    %dma_wait3A_459 = arith.constant 0 : i32
    %dma_wait3A_460 = tpu.memref_slice %arg6[%add3A_440, %dma_wait3A_459] : memref<24576x1536xf32, #tpu.memory_space<hbm>> -> memref<32x1536xf32, #tpu.memory_space<hbm>>
    %dma_wait3A_461 = arith.constant 0 : i32
    %dma_wait3A_462 = tpu.memref_slice %arg6[%add3A_440, %dma_wait3A_461] : memref<24576x1536xf32, #tpu.memory_space<hbm>> -> memref<32x1536xf32, #tpu.memory_space<hbm>>
    %dma_wait3A_463 = arith.constant 0 : i32
    %dma_wait3A_464 = arith.constant 0 : i32
    %dma_wait3A_465 = tpu.memref_slice %arg15[%dma_wait3A_454, %dma_wait3A_463, %dma_wait3A_464] : memref<2x32x1536xf32, #tpu.memory_space<vmem>> -> memref<1x32x1536xf32, #tpu.memory_space<vmem>>
    %dma_wait3A_466 = tpu.memref_squeeze %dma_wait3A_465 : memref<1x32x1536xf32, #tpu.memory_space<vmem>> -> memref<32x1536xf32, #tpu.memory_space<vmem>>
    tpu.wait_dma2 semaphore(%arg18 : memref<!tpu.dma_semaphore, #tpu.memory_space<semaphore_mem>>) src(%dma_wait3A_466 : memref<32x1536xf32, #tpu.memory_space<vmem>>) dst(%dma_wait3A_462 : memref<32x1536xf32, #tpu.memory_space<hbm>>)
    %dma_start3A_467 = arith.constant 0 : i32
    %dma_start3A_468 = arith.constant 0 : i32
    %dma_start3A_469 = arith.constant 0 : i32
    %dma_start3A_470 = tpu.memref_slice %arg15[%dma_start3A_467, %dma_start3A_468, %dma_start3A_469] : memref<2x32x1536xf32, #tpu.memory_space<vmem>> -> memref<1x32x1536xf32, #tpu.memory_space<vmem>>
    %dma_start3A_471 = tpu.memref_squeeze %dma_start3A_470 : memref<1x32x1536xf32, #tpu.memory_space<vmem>> -> memref<32x1536xf32, #tpu.memory_space<vmem>>
    %dma_start3A_472 = arith.constant 320 : i32
    %dma_start3A_473 = tpu.memref_slice %arg12[%dma_start3A_472] : memref<768xi32, #tpu.memory_space<vmem>> -> memref<32xi32, #tpu.memory_space<vmem>>
    %dma_start3A_474 = arith.constant 0 : i32
    %dma_start3A_475 = arith.constant 0 : i32
    %dma_start3A_476 = tpu.memref_slice %arg2[%dma_start3A_474, %dma_start3A_475] : memref<2048x1536xf32, #tpu.memory_space<hbm>> -> memref<2048x1536xf32, #tpu.memory_space<hbm>>
    tpu.enqueue_indirect_dma source(%dma_start3A_476 : memref<2048x1536xf32, #tpu.memory_space<hbm>>) target(%dma_start3A_471 : memref<32x1536xf32, #tpu.memory_space<vmem>>) offsets(%dma_start3A_473 : memref<32xi32, #tpu.memory_space<vmem>>) semaphore(%arg16 : memref<!tpu.dma_semaphore, #tpu.memory_space<semaphore_mem>>)
    %dma_wait3A_477 = arith.constant 1 : i32
    %dma_wait3A_478 = arith.constant 0 : i32
    %dma_wait3A_479 = arith.constant 0 : i32
    %dma_wait3A_480 = tpu.memref_slice %arg15[%dma_wait3A_477, %dma_wait3A_478, %dma_wait3A_479] : memref<2x32x1536xf32, #tpu.memory_space<vmem>> -> memref<1x32x1536xf32, #tpu.memory_space<vmem>>
    %dma_wait3A_481 = tpu.memref_squeeze %dma_wait3A_480 : memref<1x32x1536xf32, #tpu.memory_space<vmem>> -> memref<32x1536xf32, #tpu.memory_space<vmem>>
    %dma_wait3A_482 = arith.constant 288 : i32
    %dma_wait3A_483 = tpu.memref_slice %arg12[%dma_wait3A_482] : memref<768xi32, #tpu.memory_space<vmem>> -> memref<32xi32, #tpu.memory_space<vmem>>
    %dma_wait3A_484 = arith.constant 0 : i32
    %dma_wait3A_485 = arith.constant 0 : i32
    %dma_wait3A_486 = tpu.memref_slice %arg2[%dma_wait3A_484, %dma_wait3A_485] : memref<2048x1536xf32, #tpu.memory_space<hbm>> -> memref<2048x1536xf32, #tpu.memory_space<hbm>>
    tpu.wait_indirect_dma semaphore(%arg17 : memref<!tpu.dma_semaphore, #tpu.memory_space<semaphore_mem>>) src(%dma_wait3A_486 : memref<2048x1536xf32, #tpu.memory_space<hbm>>) dst(%dma_wait3A_481 : memref<32x1536xf32, #tpu.memory_space<vmem>>)
    %add3A_487 = arith.constant 288 : i32
    %add3A_488 = arith.addi %mul3A_2, %add3A_487 : i32
    %dma_start3A_489 = arith.constant 1 : i32
    %dma_start3A_490 = arith.constant 0 : i32
    %dma_start3A_491 = arith.constant 0 : i32
    %dma_start3A_492 = tpu.memref_slice %arg15[%dma_start3A_489, %dma_start3A_490, %dma_start3A_491] : memref<2x32x1536xf32, #tpu.memory_space<vmem>> -> memref<1x32x1536xf32, #tpu.memory_space<vmem>>
    %dma_start3A_493 = tpu.memref_squeeze %dma_start3A_492 : memref<1x32x1536xf32, #tpu.memory_space<vmem>> -> memref<32x1536xf32, #tpu.memory_space<vmem>>
    %dma_start3A_494 = arith.constant 0 : i32
    %dma_start3A_495 = tpu.memref_slice %arg6[%add3A_488, %dma_start3A_494] : memref<24576x1536xf32, #tpu.memory_space<hbm>> -> memref<32x1536xf32, #tpu.memory_space<hbm>>
    %dma_start3A_496 = arith.constant 0 : i32
    %dma_start3A_497 = tpu.memref_slice %arg6[%add3A_488, %dma_start3A_496] : memref<24576x1536xf32, #tpu.memory_space<hbm>> -> memref<32x1536xf32, #tpu.memory_space<hbm>>
    %dma_start3A_498 = arith.constant 0 : i32
    %dma_start3A_499 = arith.constant 0 : i32
    %dma_start3A_500 = tpu.memref_slice %arg15[%dma_start3A_489, %dma_start3A_498, %dma_start3A_499] : memref<2x32x1536xf32, #tpu.memory_space<vmem>> -> memref<1x32x1536xf32, #tpu.memory_space<vmem>>
    %dma_start3A_501 = tpu.memref_squeeze %dma_start3A_500 : memref<1x32x1536xf32, #tpu.memory_space<vmem>> -> memref<32x1536xf32, #tpu.memory_space<vmem>>
    tpu.enqueue_dma source(%dma_start3A_501 : memref<32x1536xf32, #tpu.memory_space<vmem>>) target(%dma_start3A_497 : memref<32x1536xf32, #tpu.memory_space<hbm>>) target_semaphore(%arg19 : memref<!tpu.dma_semaphore, #tpu.memory_space<semaphore_mem>>)
    %dma_wait3A_502 = arith.constant 1 : i32
    %dma_wait3A_503 = arith.constant 0 : i32
    %dma_wait3A_504 = arith.constant 0 : i32
    %dma_wait3A_505 = tpu.memref_slice %arg15[%dma_wait3A_502, %dma_wait3A_503, %dma_wait3A_504] : memref<2x32x1536xf32, #tpu.memory_space<vmem>> -> memref<1x32x1536xf32, #tpu.memory_space<vmem>>
    %dma_wait3A_506 = tpu.memref_squeeze %dma_wait3A_505 : memref<1x32x1536xf32, #tpu.memory_space<vmem>> -> memref<32x1536xf32, #tpu.memory_space<vmem>>
    %dma_wait3A_507 = arith.constant 0 : i32
    %dma_wait3A_508 = tpu.memref_slice %arg6[%add3A_488, %dma_wait3A_507] : memref<24576x1536xf32, #tpu.memory_space<hbm>> -> memref<32x1536xf32, #tpu.memory_space<hbm>>
    %dma_wait3A_509 = arith.constant 0 : i32
    %dma_wait3A_510 = tpu.memref_slice %arg6[%add3A_488, %dma_wait3A_509] : memref<24576x1536xf32, #tpu.memory_space<hbm>> -> memref<32x1536xf32, #tpu.memory_space<hbm>>
    %dma_wait3A_511 = arith.constant 0 : i32
    %dma_wait3A_512 = arith.constant 0 : i32
    %dma_wait3A_513 = tpu.memref_slice %arg15[%dma_wait3A_502, %dma_wait3A_511, %dma_wait3A_512] : memref<2x32x1536xf32, #tpu.memory_space<vmem>> -> memref<1x32x1536xf32, #tpu.memory_space<vmem>>
    %dma_wait3A_514 = tpu.memref_squeeze %dma_wait3A_513 : memref<1x32x1536xf32, #tpu.memory_space<vmem>> -> memref<32x1536xf32, #tpu.memory_space<vmem>>
    tpu.wait_dma2 semaphore(%arg19 : memref<!tpu.dma_semaphore, #tpu.memory_space<semaphore_mem>>) src(%dma_wait3A_514 : memref<32x1536xf32, #tpu.memory_space<vmem>>) dst(%dma_wait3A_510 : memref<32x1536xf32, #tpu.memory_space<hbm>>)
    %dma_start3A_515 = arith.constant 1 : i32
    %dma_start3A_516 = arith.constant 0 : i32
    %dma_start3A_517 = arith.constant 0 : i32
    %dma_start3A_518 = tpu.memref_slice %arg15[%dma_start3A_515, %dma_start3A_516, %dma_start3A_517] : memref<2x32x1536xf32, #tpu.memory_space<vmem>> -> memref<1x32x1536xf32, #tpu.memory_space<vmem>>
    %dma_start3A_519 = tpu.memref_squeeze %dma_start3A_518 : memref<1x32x1536xf32, #tpu.memory_space<vmem>> -> memref<32x1536xf32, #tpu.memory_space<vmem>>
    %dma_start3A_520 = arith.constant 352 : i32
    %dma_start3A_521 = tpu.memref_slice %arg12[%dma_start3A_520] : memref<768xi32, #tpu.memory_space<vmem>> -> memref<32xi32, #tpu.memory_space<vmem>>
    %dma_start3A_522 = arith.constant 0 : i32
    %dma_start3A_523 = arith.constant 0 : i32
    %dma_start3A_524 = tpu.memref_slice %arg2[%dma_start3A_522, %dma_start3A_523] : memref<2048x1536xf32, #tpu.memory_space<hbm>> -> memref<2048x1536xf32, #tpu.memory_space<hbm>>
    tpu.enqueue_indirect_dma source(%dma_start3A_524 : memref<2048x1536xf32, #tpu.memory_space<hbm>>) target(%dma_start3A_519 : memref<32x1536xf32, #tpu.memory_space<vmem>>) offsets(%dma_start3A_521 : memref<32xi32, #tpu.memory_space<vmem>>) semaphore(%arg17 : memref<!tpu.dma_semaphore, #tpu.memory_space<semaphore_mem>>)
    %dma_wait3A_525 = arith.constant 0 : i32
    %dma_wait3A_526 = arith.constant 0 : i32
    %dma_wait3A_527 = arith.constant 0 : i32
    %dma_wait3A_528 = tpu.memref_slice %arg15[%dma_wait3A_525, %dma_wait3A_526, %dma_wait3A_527] : memref<2x32x1536xf32, #tpu.memory_space<vmem>> -> memref<1x32x1536xf32, #tpu.memory_space<vmem>>
    %dma_wait3A_529 = tpu.memref_squeeze %dma_wait3A_528 : memref<1x32x1536xf32, #tpu.memory_space<vmem>> -> memref<32x1536xf32, #tpu.memory_space<vmem>>
    %dma_wait3A_530 = arith.constant 320 : i32
    %dma_wait3A_531 = tpu.memref_slice %arg12[%dma_wait3A_530] : memref<768xi32, #tpu.memory_space<vmem>> -> memref<32xi32, #tpu.memory_space<vmem>>
    %dma_wait3A_532 = arith.constant 0 : i32
    %dma_wait3A_533 = arith.constant 0 : i32
    %dma_wait3A_534 = tpu.memref_slice %arg2[%dma_wait3A_532, %dma_wait3A_533] : memref<2048x1536xf32, #tpu.memory_space<hbm>> -> memref<2048x1536xf32, #tpu.memory_space<hbm>>
    tpu.wait_indirect_dma semaphore(%arg16 : memref<!tpu.dma_semaphore, #tpu.memory_space<semaphore_mem>>) src(%dma_wait3A_534 : memref<2048x1536xf32, #tpu.memory_space<hbm>>) dst(%dma_wait3A_529 : memref<32x1536xf32, #tpu.memory_space<vmem>>)
    %add3A_535 = arith.constant 320 : i32
    %add3A_536 = arith.addi %mul3A_2, %add3A_535 : i32
    %dma_start3A_537 = arith.constant 0 : i32
    %dma_start3A_538 = arith.constant 0 : i32
    %dma_start3A_539 = arith.constant 0 : i32
    %dma_start3A_540 = tpu.memref_slice %arg15[%dma_start3A_537, %dma_start3A_538, %dma_start3A_539] : memref<2x32x1536xf32, #tpu.memory_space<vmem>> -> memref<1x32x1536xf32, #tpu.memory_space<vmem>>
    %dma_start3A_541 = tpu.memref_squeeze %dma_start3A_540 : memref<1x32x1536xf32, #tpu.memory_space<vmem>> -> memref<32x1536xf32, #tpu.memory_space<vmem>>
    %dma_start3A_542 = arith.constant 0 : i32
    %dma_start3A_543 = tpu.memref_slice %arg6[%add3A_536, %dma_start3A_542] : memref<24576x1536xf32, #tpu.memory_space<hbm>> -> memref<32x1536xf32, #tpu.memory_space<hbm>>
    %dma_start3A_544 = arith.constant 0 : i32
    %dma_start3A_545 = tpu.memref_slice %arg6[%add3A_536, %dma_start3A_544] : memref<24576x1536xf32, #tpu.memory_space<hbm>> -> memref<32x1536xf32, #tpu.memory_space<hbm>>
    %dma_start3A_546 = arith.constant 0 : i32
    %dma_start3A_547 = arith.constant 0 : i32
    %dma_start3A_548 = tpu.memref_slice %arg15[%dma_start3A_537, %dma_start3A_546, %dma_start3A_547] : memref<2x32x1536xf32, #tpu.memory_space<vmem>> -> memref<1x32x1536xf32, #tpu.memory_space<vmem>>
    %dma_start3A_549 = tpu.memref_squeeze %dma_start3A_548 : memref<1x32x1536xf32, #tpu.memory_space<vmem>> -> memref<32x1536xf32, #tpu.memory_space<vmem>>
    tpu.enqueue_dma source(%dma_start3A_549 : memref<32x1536xf32, #tpu.memory_space<vmem>>) target(%dma_start3A_545 : memref<32x1536xf32, #tpu.memory_space<hbm>>) target_semaphore(%arg18 : memref<!tpu.dma_semaphore, #tpu.memory_space<semaphore_mem>>)
    %dma_wait3A_550 = arith.constant 0 : i32
    %dma_wait3A_551 = arith.constant 0 : i32
    %dma_wait3A_552 = arith.constant 0 : i32
    %dma_wait3A_553 = tpu.memref_slice %arg15[%dma_wait3A_550, %dma_wait3A_551, %dma_wait3A_552] : memref<2x32x1536xf32, #tpu.memory_space<vmem>> -> memref<1x32x1536xf32, #tpu.memory_space<vmem>>
    %dma_wait3A_554 = tpu.memref_squeeze %dma_wait3A_553 : memref<1x32x1536xf32, #tpu.memory_space<vmem>> -> memref<32x1536xf32, #tpu.memory_space<vmem>>
    %dma_wait3A_555 = arith.constant 0 : i32
    %dma_wait3A_556 = tpu.memref_slice %arg6[%add3A_536, %dma_wait3A_555] : memref<24576x1536xf32, #tpu.memory_space<hbm>> -> memref<32x1536xf32, #tpu.memory_space<hbm>>
    %dma_wait3A_557 = arith.constant 0 : i32
    %dma_wait3A_558 = tpu.memref_slice %arg6[%add3A_536, %dma_wait3A_557] : memref<24576x1536xf32, #tpu.memory_space<hbm>> -> memref<32x1536xf32, #tpu.memory_space<hbm>>
    %dma_wait3A_559 = arith.constant 0 : i32
    %dma_wait3A_560 = arith.constant 0 : i32
    %dma_wait3A_561 = tpu.memref_slice %arg15[%dma_wait3A_550, %dma_wait3A_559, %dma_wait3A_560] : memref<2x32x1536xf32, #tpu.memory_space<vmem>> -> memref<1x32x1536xf32, #tpu.memory_space<vmem>>
    %dma_wait3A_562 = tpu.memref_squeeze %dma_wait3A_561 : memref<1x32x1536xf32, #tpu.memory_space<vmem>> -> memref<32x1536xf32, #tpu.memory_space<vmem>>
    tpu.wait_dma2 semaphore(%arg18 : memref<!tpu.dma_semaphore, #tpu.memory_space<semaphore_mem>>) src(%dma_wait3A_562 : memref<32x1536xf32, #tpu.memory_space<vmem>>) dst(%dma_wait3A_558 : memref<32x1536xf32, #tpu.memory_space<hbm>>)
    %dma_start3A_563 = arith.constant 0 : i32
    %dma_start3A_564 = arith.constant 0 : i32
    %dma_start3A_565 = arith.constant 0 : i32
    %dma_start3A_566 = tpu.memref_slice %arg15[%dma_start3A_563, %dma_start3A_564, %dma_start3A_565] : memref<2x32x1536xf32, #tpu.memory_space<vmem>> -> memref<1x32x1536xf32, #tpu.memory_space<vmem>>
    %dma_start3A_567 = tpu.memref_squeeze %dma_start3A_566 : memref<1x32x1536xf32, #tpu.memory_space<vmem>> -> memref<32x1536xf32, #tpu.memory_space<vmem>>
    %dma_start3A_568 = arith.constant 384 : i32
    %dma_start3A_569 = tpu.memref_slice %arg12[%dma_start3A_568] : memref<768xi32, #tpu.memory_space<vmem>> -> memref<32xi32, #tpu.memory_space<vmem>>
    %dma_start3A_570 = arith.constant 0 : i32
    %dma_start3A_571 = arith.constant 0 : i32
    %dma_start3A_572 = tpu.memref_slice %arg2[%dma_start3A_570, %dma_start3A_571] : memref<2048x1536xf32, #tpu.memory_space<hbm>> -> memref<2048x1536xf32, #tpu.memory_space<hbm>>
    tpu.enqueue_indirect_dma source(%dma_start3A_572 : memref<2048x1536xf32, #tpu.memory_space<hbm>>) target(%dma_start3A_567 : memref<32x1536xf32, #tpu.memory_space<vmem>>) offsets(%dma_start3A_569 : memref<32xi32, #tpu.memory_space<vmem>>) semaphore(%arg16 : memref<!tpu.dma_semaphore, #tpu.memory_space<semaphore_mem>>)
    %dma_wait3A_573 = arith.constant 1 : i32
    %dma_wait3A_574 = arith.constant 0 : i32
    %dma_wait3A_575 = arith.constant 0 : i32
    %dma_wait3A_576 = tpu.memref_slice %arg15[%dma_wait3A_573, %dma_wait3A_574, %dma_wait3A_575] : memref<2x32x1536xf32, #tpu.memory_space<vmem>> -> memref<1x32x1536xf32, #tpu.memory_space<vmem>>
    %dma_wait3A_577 = tpu.memref_squeeze %dma_wait3A_576 : memref<1x32x1536xf32, #tpu.memory_space<vmem>> -> memref<32x1536xf32, #tpu.memory_space<vmem>>
    %dma_wait3A_578 = arith.constant 352 : i32
    %dma_wait3A_579 = tpu.memref_slice %arg12[%dma_wait3A_578] : memref<768xi32, #tpu.memory_space<vmem>> -> memref<32xi32, #tpu.memory_space<vmem>>
    %dma_wait3A_580 = arith.constant 0 : i32
    %dma_wait3A_581 = arith.constant 0 : i32
    %dma_wait3A_582 = tpu.memref_slice %arg2[%dma_wait3A_580, %dma_wait3A_581] : memref<2048x1536xf32, #tpu.memory_space<hbm>> -> memref<2048x1536xf32, #tpu.memory_space<hbm>>
    tpu.wait_indirect_dma semaphore(%arg17 : memref<!tpu.dma_semaphore, #tpu.memory_space<semaphore_mem>>) src(%dma_wait3A_582 : memref<2048x1536xf32, #tpu.memory_space<hbm>>) dst(%dma_wait3A_577 : memref<32x1536xf32, #tpu.memory_space<vmem>>)
    %add3A_583 = arith.constant 352 : i32
    %add3A_584 = arith.addi %mul3A_2, %add3A_583 : i32
    %dma_start3A_585 = arith.constant 1 : i32
    %dma_start3A_586 = arith.constant 0 : i32
    %dma_start3A_587 = arith.constant 0 : i32
    %dma_start3A_588 = tpu.memref_slice %arg15[%dma_start3A_585, %dma_start3A_586, %dma_start3A_587] : memref<2x32x1536xf32, #tpu.memory_space<vmem>> -> memref<1x32x1536xf32, #tpu.memory_space<vmem>>
    %dma_start3A_589 = tpu.memref_squeeze %dma_start3A_588 : memref<1x32x1536xf32, #tpu.memory_space<vmem>> -> memref<32x1536xf32, #tpu.memory_space<vmem>>
    %dma_start3A_590 = arith.constant 0 : i32
    %dma_start3A_591 = tpu.memref_slice %arg6[%add3A_584, %dma_start3A_590] : memref<24576x1536xf32, #tpu.memory_space<hbm>> -> memref<32x1536xf32, #tpu.memory_space<hbm>>
    %dma_start3A_592 = arith.constant 0 : i32
    %dma_start3A_593 = tpu.memref_slice %arg6[%add3A_584, %dma_start3A_592] : memref<24576x1536xf32, #tpu.memory_space<hbm>> -> memref<32x1536xf32, #tpu.memory_space<hbm>>
    %dma_start3A_594 = arith.constant 0 : i32
    %dma_start3A_595 = arith.constant 0 : i32
    %dma_start3A_596 = tpu.memref_slice %arg15[%dma_start3A_585, %dma_start3A_594, %dma_start3A_595] : memref<2x32x1536xf32, #tpu.memory_space<vmem>> -> memref<1x32x1536xf32, #tpu.memory_space<vmem>>
    %dma_start3A_597 = tpu.memref_squeeze %dma_start3A_596 : memref<1x32x1536xf32, #tpu.memory_space<vmem>> -> memref<32x1536xf32, #tpu.memory_space<vmem>>
    tpu.enqueue_dma source(%dma_start3A_597 : memref<32x1536xf32, #tpu.memory_space<vmem>>) target(%dma_start3A_593 : memref<32x1536xf32, #tpu.memory_space<hbm>>) target_semaphore(%arg19 : memref<!tpu.dma_semaphore, #tpu.memory_space<semaphore_mem>>)
    %dma_wait3A_598 = arith.constant 1 : i32
    %dma_wait3A_599 = arith.constant 0 : i32
    %dma_wait3A_600 = arith.constant 0 : i32
    %dma_wait3A_601 = tpu.memref_slice %arg15[%dma_wait3A_598, %dma_wait3A_599, %dma_wait3A_600] : memref<2x32x1536xf32, #tpu.memory_space<vmem>> -> memref<1x32x1536xf32, #tpu.memory_space<vmem>>
    %dma_wait3A_602 = tpu.memref_squeeze %dma_wait3A_601 : memref<1x32x1536xf32, #tpu.memory_space<vmem>> -> memref<32x1536xf32, #tpu.memory_space<vmem>>
    %dma_wait3A_603 = arith.constant 0 : i32
    %dma_wait3A_604 = tpu.memref_slice %arg6[%add3A_584, %dma_wait3A_603] : memref<24576x1536xf32, #tpu.memory_space<hbm>> -> memref<32x1536xf32, #tpu.memory_space<hbm>>
    %dma_wait3A_605 = arith.constant 0 : i32
    %dma_wait3A_606 = tpu.memref_slice %arg6[%add3A_584, %dma_wait3A_605] : memref<24576x1536xf32, #tpu.memory_space<hbm>> -> memref<32x1536xf32, #tpu.memory_space<hbm>>
    %dma_wait3A_607 = arith.constant 0 : i32
    %dma_wait3A_608 = arith.constant 0 : i32
    %dma_wait3A_609 = tpu.memref_slice %arg15[%dma_wait3A_598, %dma_wait3A_607, %dma_wait3A_608] : memref<2x32x1536xf32, #tpu.memory_space<vmem>> -> memref<1x32x1536xf32, #tpu.memory_space<vmem>>
    %dma_wait3A_610 = tpu.memref_squeeze %dma_wait3A_609 : memref<1x32x1536xf32, #tpu.memory_space<vmem>> -> memref<32x1536xf32, #tpu.memory_space<vmem>>
    tpu.wait_dma2 semaphore(%arg19 : memref<!tpu.dma_semaphore, #tpu.memory_space<semaphore_mem>>) src(%dma_wait3A_610 : memref<32x1536xf32, #tpu.memory_space<vmem>>) dst(%dma_wait3A_606 : memref<32x1536xf32, #tpu.memory_space<hbm>>)
    %dma_start3A_611 = arith.constant 1 : i32
    %dma_start3A_612 = arith.constant 0 : i32
    %dma_start3A_613 = arith.constant 0 : i32
    %dma_start3A_614 = tpu.memref_slice %arg15[%dma_start3A_611, %dma_start3A_612, %dma_start3A_613] : memref<2x32x1536xf32, #tpu.memory_space<vmem>> -> memref<1x32x1536xf32, #tpu.memory_space<vmem>>
    %dma_start3A_615 = tpu.memref_squeeze %dma_start3A_614 : memref<1x32x1536xf32, #tpu.memory_space<vmem>> -> memref<32x1536xf32, #tpu.memory_space<vmem>>
    %dma_start3A_616 = arith.constant 416 : i32
    %dma_start3A_617 = tpu.memref_slice %arg12[%dma_start3A_616] : memref<768xi32, #tpu.memory_space<vmem>> -> memref<32xi32, #tpu.memory_space<vmem>>
    %dma_start3A_618 = arith.constant 0 : i32
    %dma_start3A_619 = arith.constant 0 : i32
    %dma_start3A_620 = tpu.memref_slice %arg2[%dma_start3A_618, %dma_start3A_619] : memref<2048x1536xf32, #tpu.memory_space<hbm>> -> memref<2048x1536xf32, #tpu.memory_space<hbm>>
    tpu.enqueue_indirect_dma source(%dma_start3A_620 : memref<2048x1536xf32, #tpu.memory_space<hbm>>) target(%dma_start3A_615 : memref<32x1536xf32, #tpu.memory_space<vmem>>) offsets(%dma_start3A_617 : memref<32xi32, #tpu.memory_space<vmem>>) semaphore(%arg17 : memref<!tpu.dma_semaphore, #tpu.memory_space<semaphore_mem>>)
    %dma_wait3A_621 = arith.constant 0 : i32
    %dma_wait3A_622 = arith.constant 0 : i32
    %dma_wait3A_623 = arith.constant 0 : i32
    %dma_wait3A_624 = tpu.memref_slice %arg15[%dma_wait3A_621, %dma_wait3A_622, %dma_wait3A_623] : memref<2x32x1536xf32, #tpu.memory_space<vmem>> -> memref<1x32x1536xf32, #tpu.memory_space<vmem>>
    %dma_wait3A_625 = tpu.memref_squeeze %dma_wait3A_624 : memref<1x32x1536xf32, #tpu.memory_space<vmem>> -> memref<32x1536xf32, #tpu.memory_space<vmem>>
    %dma_wait3A_626 = arith.constant 384 : i32
    %dma_wait3A_627 = tpu.memref_slice %arg12[%dma_wait3A_626] : memref<768xi32, #tpu.memory_space<vmem>> -> memref<32xi32, #tpu.memory_space<vmem>>
    %dma_wait3A_628 = arith.constant 0 : i32
    %dma_wait3A_629 = arith.constant 0 : i32
    %dma_wait3A_630 = tpu.memref_slice %arg2[%dma_wait3A_628, %dma_wait3A_629] : memref<2048x1536xf32, #tpu.memory_space<hbm>> -> memref<2048x1536xf32, #tpu.memory_space<hbm>>
    tpu.wait_indirect_dma semaphore(%arg16 : memref<!tpu.dma_semaphore, #tpu.memory_space<semaphore_mem>>) src(%dma_wait3A_630 : memref<2048x1536xf32, #tpu.memory_space<hbm>>) dst(%dma_wait3A_625 : memref<32x1536xf32, #tpu.memory_space<vmem>>)
    %add3A_631 = arith.constant 384 : i32
    %add3A_632 = arith.addi %mul3A_2, %add3A_631 : i32
    %dma_start3A_633 = arith.constant 0 : i32
    %dma_start3A_634 = arith.constant 0 : i32
    %dma_start3A_635 = arith.constant 0 : i32
    %dma_start3A_636 = tpu.memref_slice %arg15[%dma_start3A_633, %dma_start3A_634, %dma_start3A_635] : memref<2x32x1536xf32, #tpu.memory_space<vmem>> -> memref<1x32x1536xf32, #tpu.memory_space<vmem>>
    %dma_start3A_637 = tpu.memref_squeeze %dma_start3A_636 : memref<1x32x1536xf32, #tpu.memory_space<vmem>> -> memref<32x1536xf32, #tpu.memory_space<vmem>>
    %dma_start3A_638 = arith.constant 0 : i32
    %dma_start3A_639 = tpu.memref_slice %arg6[%add3A_632, %dma_start3A_638] : memref<24576x1536xf32, #tpu.memory_space<hbm>> -> memref<32x1536xf32, #tpu.memory_space<hbm>>
    %dma_start3A_640 = arith.constant 0 : i32
    %dma_start3A_641 = tpu.memref_slice %arg6[%add3A_632, %dma_start3A_640] : memref<24576x1536xf32, #tpu.memory_space<hbm>> -> memref<32x1536xf32, #tpu.memory_space<hbm>>
    %dma_start3A_642 = arith.constant 0 : i32
    %dma_start3A_643 = arith.constant 0 : i32
    %dma_start3A_644 = tpu.memref_slice %arg15[%dma_start3A_633, %dma_start3A_642, %dma_start3A_643] : memref<2x32x1536xf32, #tpu.memory_space<vmem>> -> memref<1x32x1536xf32, #tpu.memory_space<vmem>>
    %dma_start3A_645 = tpu.memref_squeeze %dma_start3A_644 : memref<1x32x1536xf32, #tpu.memory_space<vmem>> -> memref<32x1536xf32, #tpu.memory_space<vmem>>
    tpu.enqueue_dma source(%dma_start3A_645 : memref<32x1536xf32, #tpu.memory_space<vmem>>) target(%dma_start3A_641 : memref<32x1536xf32, #tpu.memory_space<hbm>>) target_semaphore(%arg18 : memref<!tpu.dma_semaphore, #tpu.memory_space<semaphore_mem>>)
    %dma_wait3A_646 = arith.constant 0 : i32
    %dma_wait3A_647 = arith.constant 0 : i32
    %dma_wait3A_648 = arith.constant 0 : i32
    %dma_wait3A_649 = tpu.memref_slice %arg15[%dma_wait3A_646, %dma_wait3A_647, %dma_wait3A_648] : memref<2x32x1536xf32, #tpu.memory_space<vmem>> -> memref<1x32x1536xf32, #tpu.memory_space<vmem>>
    %dma_wait3A_650 = tpu.memref_squeeze %dma_wait3A_649 : memref<1x32x1536xf32, #tpu.memory_space<vmem>> -> memref<32x1536xf32, #tpu.memory_space<vmem>>
    %dma_wait3A_651 = arith.constant 0 : i32
    %dma_wait3A_652 = tpu.memref_slice %arg6[%add3A_632, %dma_wait3A_651] : memref<24576x1536xf32, #tpu.memory_space<hbm>> -> memref<32x1536xf32, #tpu.memory_space<hbm>>
    %dma_wait3A_653 = arith.constant 0 : i32
    %dma_wait3A_654 = tpu.memref_slice %arg6[%add3A_632, %dma_wait3A_653] : memref<24576x1536xf32, #tpu.memory_space<hbm>> -> memref<32x1536xf32, #tpu.memory_space<hbm>>
    %dma_wait3A_655 = arith.constant 0 : i32
    %dma_wait3A_656 = arith.constant 0 : i32
    %dma_wait3A_657 = tpu.memref_slice %arg15[%dma_wait3A_646, %dma_wait3A_655, %dma_wait3A_656] : memref<2x32x1536xf32, #tpu.memory_space<vmem>> -> memref<1x32x1536xf32, #tpu.memory_space<vmem>>
    %dma_wait3A_658 = tpu.memref_squeeze %dma_wait3A_657 : memref<1x32x1536xf32, #tpu.memory_space<vmem>> -> memref<32x1536xf32, #tpu.memory_space<vmem>>
    tpu.wait_dma2 semaphore(%arg18 : memref<!tpu.dma_semaphore, #tpu.memory_space<semaphore_mem>>) src(%dma_wait3A_658 : memref<32x1536xf32, #tpu.memory_space<vmem>>) dst(%dma_wait3A_654 : memref<32x1536xf32, #tpu.memory_space<hbm>>)
    %dma_start3A_659 = arith.constant 0 : i32
    %dma_start3A_660 = arith.constant 0 : i32
    %dma_start3A_661 = arith.constant 0 : i32
    %dma_start3A_662 = tpu.memref_slice %arg15[%dma_start3A_659, %dma_start3A_660, %dma_start3A_661] : memref<2x32x1536xf32, #tpu.memory_space<vmem>> -> memref<1x32x1536xf32, #tpu.memory_space<vmem>>
    %dma_start3A_663 = tpu.memref_squeeze %dma_start3A_662 : memref<1x32x1536xf32, #tpu.memory_space<vmem>> -> memref<32x1536xf32, #tpu.memory_space<vmem>>
    %dma_start3A_664 = arith.constant 448 : i32
    %dma_start3A_665 = tpu.memref_slice %arg12[%dma_start3A_664] : memref<768xi32, #tpu.memory_space<vmem>> -> memref<32xi32, #tpu.memory_space<vmem>>
    %dma_start3A_666 = arith.constant 0 : i32
    %dma_start3A_667 = arith.constant 0 : i32
    %dma_start3A_668 = tpu.memref_slice %arg2[%dma_start3A_666, %dma_start3A_667] : memref<2048x1536xf32, #tpu.memory_space<hbm>> -> memref<2048x1536xf32, #tpu.memory_space<hbm>>
    tpu.enqueue_indirect_dma source(%dma_start3A_668 : memref<2048x1536xf32, #tpu.memory_space<hbm>>) target(%dma_start3A_663 : memref<32x1536xf32, #tpu.memory_space<vmem>>) offsets(%dma_start3A_665 : memref<32xi32, #tpu.memory_space<vmem>>) semaphore(%arg16 : memref<!tpu.dma_semaphore, #tpu.memory_space<semaphore_mem>>)
    %dma_wait3A_669 = arith.constant 1 : i32
    %dma_wait3A_670 = arith.constant 0 : i32
    %dma_wait3A_671 = arith.constant 0 : i32
    %dma_wait3A_672 = tpu.memref_slice %arg15[%dma_wait3A_669, %dma_wait3A_670, %dma_wait3A_671] : memref<2x32x1536xf32, #tpu.memory_space<vmem>> -> memref<1x32x1536xf32, #tpu.memory_space<vmem>>
    %dma_wait3A_673 = tpu.memref_squeeze %dma_wait3A_672 : memref<1x32x1536xf32, #tpu.memory_space<vmem>> -> memref<32x1536xf32, #tpu.memory_space<vmem>>
    %dma_wait3A_674 = arith.constant 416 : i32
    %dma_wait3A_675 = tpu.memref_slice %arg12[%dma_wait3A_674] : memref<768xi32, #tpu.memory_space<vmem>> -> memref<32xi32, #tpu.memory_space<vmem>>
    %dma_wait3A_676 = arith.constant 0 : i32
    %dma_wait3A_677 = arith.constant 0 : i32
    %dma_wait3A_678 = tpu.memref_slice %arg2[%dma_wait3A_676, %dma_wait3A_677] : memref<2048x1536xf32, #tpu.memory_space<hbm>> -> memref<2048x1536xf32, #tpu.memory_space<hbm>>
    tpu.wait_indirect_dma semaphore(%arg17 : memref<!tpu.dma_semaphore, #tpu.memory_space<semaphore_mem>>) src(%dma_wait3A_678 : memref<2048x1536xf32, #tpu.memory_space<hbm>>) dst(%dma_wait3A_673 : memref<32x1536xf32, #tpu.memory_space<vmem>>)
    %add3A_679 = arith.constant 416 : i32
    %add3A_680 = arith.addi %mul3A_2, %add3A_679 : i32
    %dma_start3A_681 = arith.constant 1 : i32
    %dma_start3A_682 = arith.constant 0 : i32
    %dma_start3A_683 = arith.constant 0 : i32
    %dma_start3A_684 = tpu.memref_slice %arg15[%dma_start3A_681, %dma_start3A_682, %dma_start3A_683] : memref<2x32x1536xf32, #tpu.memory_space<vmem>> -> memref<1x32x1536xf32, #tpu.memory_space<vmem>>
    %dma_start3A_685 = tpu.memref_squeeze %dma_start3A_684 : memref<1x32x1536xf32, #tpu.memory_space<vmem>> -> memref<32x1536xf32, #tpu.memory_space<vmem>>
    %dma_start3A_686 = arith.constant 0 : i32
    %dma_start3A_687 = tpu.memref_slice %arg6[%add3A_680, %dma_start3A_686] : memref<24576x1536xf32, #tpu.memory_space<hbm>> -> memref<32x1536xf32, #tpu.memory_space<hbm>>
    %dma_start3A_688 = arith.constant 0 : i32
    %dma_start3A_689 = tpu.memref_slice %arg6[%add3A_680, %dma_start3A_688] : memref<24576x1536xf32, #tpu.memory_space<hbm>> -> memref<32x1536xf32, #tpu.memory_space<hbm>>
    %dma_start3A_690 = arith.constant 0 : i32
    %dma_start3A_691 = arith.constant 0 : i32
    %dma_start3A_692 = tpu.memref_slice %arg15[%dma_start3A_681, %dma_start3A_690, %dma_start3A_691] : memref<2x32x1536xf32, #tpu.memory_space<vmem>> -> memref<1x32x1536xf32, #tpu.memory_space<vmem>>
    %dma_start3A_693 = tpu.memref_squeeze %dma_start3A_692 : memref<1x32x1536xf32, #tpu.memory_space<vmem>> -> memref<32x1536xf32, #tpu.memory_space<vmem>>
    tpu.enqueue_dma source(%dma_start3A_693 : memref<32x1536xf32, #tpu.memory_space<vmem>>) target(%dma_start3A_689 : memref<32x1536xf32, #tpu.memory_space<hbm>>) target_semaphore(%arg19 : memref<!tpu.dma_semaphore, #tpu.memory_space<semaphore_mem>>)
    %dma_wait3A_694 = arith.constant 1 : i32
    %dma_wait3A_695 = arith.constant 0 : i32
    %dma_wait3A_696 = arith.constant 0 : i32
    %dma_wait3A_697 = tpu.memref_slice %arg15[%dma_wait3A_694, %dma_wait3A_695, %dma_wait3A_696] : memref<2x32x1536xf32, #tpu.memory_space<vmem>> -> memref<1x32x1536xf32, #tpu.memory_space<vmem>>
    %dma_wait3A_698 = tpu.memref_squeeze %dma_wait3A_697 : memref<1x32x1536xf32, #tpu.memory_space<vmem>> -> memref<32x1536xf32, #tpu.memory_space<vmem>>
    %dma_wait3A_699 = arith.constant 0 : i32
    %dma_wait3A_700 = tpu.memref_slice %arg6[%add3A_680, %dma_wait3A_699] : memref<24576x1536xf32, #tpu.memory_space<hbm>> -> memref<32x1536xf32, #tpu.memory_space<hbm>>
    %dma_wait3A_701 = arith.constant 0 : i32
    %dma_wait3A_702 = tpu.memref_slice %arg6[%add3A_680, %dma_wait3A_701] : memref<24576x1536xf32, #tpu.memory_space<hbm>> -> memref<32x1536xf32, #tpu.memory_space<hbm>>
    %dma_wait3A_703 = arith.constant 0 : i32
    %dma_wait3A_704 = arith.constant 0 : i32
    %dma_wait3A_705 = tpu.memref_slice %arg15[%dma_wait3A_694, %dma_wait3A_703, %dma_wait3A_704] : memref<2x32x1536xf32, #tpu.memory_space<vmem>> -> memref<1x32x1536xf32, #tpu.memory_space<vmem>>
    %dma_wait3A_706 = tpu.memref_squeeze %dma_wait3A_705 : memref<1x32x1536xf32, #tpu.memory_space<vmem>> -> memref<32x1536xf32, #tpu.memory_space<vmem>>
    tpu.wait_dma2 semaphore(%arg19 : memref<!tpu.dma_semaphore, #tpu.memory_space<semaphore_mem>>) src(%dma_wait3A_706 : memref<32x1536xf32, #tpu.memory_space<vmem>>) dst(%dma_wait3A_702 : memref<32x1536xf32, #tpu.memory_space<hbm>>)
    %dma_start3A_707 = arith.constant 1 : i32
    %dma_start3A_708 = arith.constant 0 : i32
    %dma_start3A_709 = arith.constant 0 : i32
    %dma_start3A_710 = tpu.memref_slice %arg15[%dma_start3A_707, %dma_start3A_708, %dma_start3A_709] : memref<2x32x1536xf32, #tpu.memory_space<vmem>> -> memref<1x32x1536xf32, #tpu.memory_space<vmem>>
    %dma_start3A_711 = tpu.memref_squeeze %dma_start3A_710 : memref<1x32x1536xf32, #tpu.memory_space<vmem>> -> memref<32x1536xf32, #tpu.memory_space<vmem>>
    %dma_start3A_712 = arith.constant 480 : i32
    %dma_start3A_713 = tpu.memref_slice %arg12[%dma_start3A_712] : memref<768xi32, #tpu.memory_space<vmem>> -> memref<32xi32, #tpu.memory_space<vmem>>
    %dma_start3A_714 = arith.constant 0 : i32
    %dma_start3A_715 = arith.constant 0 : i32
    %dma_start3A_716 = tpu.memref_slice %arg2[%dma_start3A_714, %dma_start3A_715] : memref<2048x1536xf32, #tpu.memory_space<hbm>> -> memref<2048x1536xf32, #tpu.memory_space<hbm>>
    tpu.enqueue_indirect_dma source(%dma_start3A_716 : memref<2048x1536xf32, #tpu.memory_space<hbm>>) target(%dma_start3A_711 : memref<32x1536xf32, #tpu.memory_space<vmem>>) offsets(%dma_start3A_713 : memref<32xi32, #tpu.memory_space<vmem>>) semaphore(%arg17 : memref<!tpu.dma_semaphore, #tpu.memory_space<semaphore_mem>>)
    %dma_wait3A_717 = arith.constant 0 : i32
    %dma_wait3A_718 = arith.constant 0 : i32
    %dma_wait3A_719 = arith.constant 0 : i32
    %dma_wait3A_720 = tpu.memref_slice %arg15[%dma_wait3A_717, %dma_wait3A_718, %dma_wait3A_719] : memref<2x32x1536xf32, #tpu.memory_space<vmem>> -> memref<1x32x1536xf32, #tpu.memory_space<vmem>>
    %dma_wait3A_721 = tpu.memref_squeeze %dma_wait3A_720 : memref<1x32x1536xf32, #tpu.memory_space<vmem>> -> memref<32x1536xf32, #tpu.memory_space<vmem>>
    %dma_wait3A_722 = arith.constant 448 : i32
    %dma_wait3A_723 = tpu.memref_slice %arg12[%dma_wait3A_722] : memref<768xi32, #tpu.memory_space<vmem>> -> memref<32xi32, #tpu.memory_space<vmem>>
    %dma_wait3A_724 = arith.constant 0 : i32
    %dma_wait3A_725 = arith.constant 0 : i32
    %dma_wait3A_726 = tpu.memref_slice %arg2[%dma_wait3A_724, %dma_wait3A_725] : memref<2048x1536xf32, #tpu.memory_space<hbm>> -> memref<2048x1536xf32, #tpu.memory_space<hbm>>
    tpu.wait_indirect_dma semaphore(%arg16 : memref<!tpu.dma_semaphore, #tpu.memory_space<semaphore_mem>>) src(%dma_wait3A_726 : memref<2048x1536xf32, #tpu.memory_space<hbm>>) dst(%dma_wait3A_721 : memref<32x1536xf32, #tpu.memory_space<vmem>>)
    %add3A_727 = arith.constant 448 : i32
    %add3A_728 = arith.addi %mul3A_2, %add3A_727 : i32
    %dma_start3A_729 = arith.constant 0 : i32
    %dma_start3A_730 = arith.constant 0 : i32
    %dma_start3A_731 = arith.constant 0 : i32
    %dma_start3A_732 = tpu.memref_slice %arg15[%dma_start3A_729, %dma_start3A_730, %dma_start3A_731] : memref<2x32x1536xf32, #tpu.memory_space<vmem>> -> memref<1x32x1536xf32, #tpu.memory_space<vmem>>
    %dma_start3A_733 = tpu.memref_squeeze %dma_start3A_732 : memref<1x32x1536xf32, #tpu.memory_space<vmem>> -> memref<32x1536xf32, #tpu.memory_space<vmem>>
    %dma_start3A_734 = arith.constant 0 : i32
    %dma_start3A_735 = tpu.memref_slice %arg6[%add3A_728, %dma_start3A_734] : memref<24576x1536xf32, #tpu.memory_space<hbm>> -> memref<32x1536xf32, #tpu.memory_space<hbm>>
    %dma_start3A_736 = arith.constant 0 : i32
    %dma_start3A_737 = tpu.memref_slice %arg6[%add3A_728, %dma_start3A_736] : memref<24576x1536xf32, #tpu.memory_space<hbm>> -> memref<32x1536xf32, #tpu.memory_space<hbm>>
    %dma_start3A_738 = arith.constant 0 : i32
    %dma_start3A_739 = arith.constant 0 : i32
    %dma_start3A_740 = tpu.memref_slice %arg15[%dma_start3A_729, %dma_start3A_738, %dma_start3A_739] : memref<2x32x1536xf32, #tpu.memory_space<vmem>> -> memref<1x32x1536xf32, #tpu.memory_space<vmem>>
    %dma_start3A_741 = tpu.memref_squeeze %dma_start3A_740 : memref<1x32x1536xf32, #tpu.memory_space<vmem>> -> memref<32x1536xf32, #tpu.memory_space<vmem>>
    tpu.enqueue_dma source(%dma_start3A_741 : memref<32x1536xf32, #tpu.memory_space<vmem>>) target(%dma_start3A_737 : memref<32x1536xf32, #tpu.memory_space<hbm>>) target_semaphore(%arg18 : memref<!tpu.dma_semaphore, #tpu.memory_space<semaphore_mem>>)
    %dma_wait3A_742 = arith.constant 0 : i32
    %dma_wait3A_743 = arith.constant 0 : i32
    %dma_wait3A_744 = arith.constant 0 : i32
    %dma_wait3A_745 = tpu.memref_slice %arg15[%dma_wait3A_742, %dma_wait3A_743, %dma_wait3A_744] : memref<2x32x1536xf32, #tpu.memory_space<vmem>> -> memref<1x32x1536xf32, #tpu.memory_space<vmem>>
    %dma_wait3A_746 = tpu.memref_squeeze %dma_wait3A_745 : memref<1x32x1536xf32, #tpu.memory_space<vmem>> -> memref<32x1536xf32, #tpu.memory_space<vmem>>
    %dma_wait3A_747 = arith.constant 0 : i32
    %dma_wait3A_748 = tpu.memref_slice %arg6[%add3A_728, %dma_wait3A_747] : memref<24576x1536xf32, #tpu.memory_space<hbm>> -> memref<32x1536xf32, #tpu.memory_space<hbm>>
    %dma_wait3A_749 = arith.constant 0 : i32
    %dma_wait3A_750 = tpu.memref_slice %arg6[%add3A_728, %dma_wait3A_749] : memref<24576x1536xf32, #tpu.memory_space<hbm>> -> memref<32x1536xf32, #tpu.memory_space<hbm>>
    %dma_wait3A_751 = arith.constant 0 : i32
    %dma_wait3A_752 = arith.constant 0 : i32
    %dma_wait3A_753 = tpu.memref_slice %arg15[%dma_wait3A_742, %dma_wait3A_751, %dma_wait3A_752] : memref<2x32x1536xf32, #tpu.memory_space<vmem>> -> memref<1x32x1536xf32, #tpu.memory_space<vmem>>
    %dma_wait3A_754 = tpu.memref_squeeze %dma_wait3A_753 : memref<1x32x1536xf32, #tpu.memory_space<vmem>> -> memref<32x1536xf32, #tpu.memory_space<vmem>>
    tpu.wait_dma2 semaphore(%arg18 : memref<!tpu.dma_semaphore, #tpu.memory_space<semaphore_mem>>) src(%dma_wait3A_754 : memref<32x1536xf32, #tpu.memory_space<vmem>>) dst(%dma_wait3A_750 : memref<32x1536xf32, #tpu.memory_space<hbm>>)
    %dma_start3A_755 = arith.constant 0 : i32
    %dma_start3A_756 = arith.constant 0 : i32
    %dma_start3A_757 = arith.constant 0 : i32
    %dma_start3A_758 = tpu.memref_slice %arg15[%dma_start3A_755, %dma_start3A_756, %dma_start3A_757] : memref<2x32x1536xf32, #tpu.memory_space<vmem>> -> memref<1x32x1536xf32, #tpu.memory_space<vmem>>
    %dma_start3A_759 = tpu.memref_squeeze %dma_start3A_758 : memref<1x32x1536xf32, #tpu.memory_space<vmem>> -> memref<32x1536xf32, #tpu.memory_space<vmem>>
    %dma_start3A_760 = arith.constant 512 : i32
    %dma_start3A_761 = tpu.memref_slice %arg12[%dma_start3A_760] : memref<768xi32, #tpu.memory_space<vmem>> -> memref<32xi32, #tpu.memory_space<vmem>>
    %dma_start3A_762 = arith.constant 0 : i32
    %dma_start3A_763 = arith.constant 0 : i32
    %dma_start3A_764 = tpu.memref_slice %arg2[%dma_start3A_762, %dma_start3A_763] : memref<2048x1536xf32, #tpu.memory_space<hbm>> -> memref<2048x1536xf32, #tpu.memory_space<hbm>>
    tpu.enqueue_indirect_dma source(%dma_start3A_764 : memref<2048x1536xf32, #tpu.memory_space<hbm>>) target(%dma_start3A_759 : memref<32x1536xf32, #tpu.memory_space<vmem>>) offsets(%dma_start3A_761 : memref<32xi32, #tpu.memory_space<vmem>>) semaphore(%arg16 : memref<!tpu.dma_semaphore, #tpu.memory_space<semaphore_mem>>)
    %dma_wait3A_765 = arith.constant 1 : i32
    %dma_wait3A_766 = arith.constant 0 : i32
    %dma_wait3A_767 = arith.constant 0 : i32
    %dma_wait3A_768 = tpu.memref_slice %arg15[%dma_wait3A_765, %dma_wait3A_766, %dma_wait3A_767] : memref<2x32x1536xf32, #tpu.memory_space<vmem>> -> memref<1x32x1536xf32, #tpu.memory_space<vmem>>
    %dma_wait3A_769 = tpu.memref_squeeze %dma_wait3A_768 : memref<1x32x1536xf32, #tpu.memory_space<vmem>> -> memref<32x1536xf32, #tpu.memory_space<vmem>>
    %dma_wait3A_770 = arith.constant 480 : i32
    %dma_wait3A_771 = tpu.memref_slice %arg12[%dma_wait3A_770] : memref<768xi32, #tpu.memory_space<vmem>> -> memref<32xi32, #tpu.memory_space<vmem>>
    %dma_wait3A_772 = arith.constant 0 : i32
    %dma_wait3A_773 = arith.constant 0 : i32
    %dma_wait3A_774 = tpu.memref_slice %arg2[%dma_wait3A_772, %dma_wait3A_773] : memref<2048x1536xf32, #tpu.memory_space<hbm>> -> memref<2048x1536xf32, #tpu.memory_space<hbm>>
    tpu.wait_indirect_dma semaphore(%arg17 : memref<!tpu.dma_semaphore, #tpu.memory_space<semaphore_mem>>) src(%dma_wait3A_774 : memref<2048x1536xf32, #tpu.memory_space<hbm>>) dst(%dma_wait3A_769 : memref<32x1536xf32, #tpu.memory_space<vmem>>)
    %add3A_775 = arith.constant 480 : i32
    %add3A_776 = arith.addi %mul3A_2, %add3A_775 : i32
    %dma_start3A_777 = arith.constant 1 : i32
    %dma_start3A_778 = arith.constant 0 : i32
    %dma_start3A_779 = arith.constant 0 : i32
    %dma_start3A_780 = tpu.memref_slice %arg15[%dma_start3A_777, %dma_start3A_778, %dma_start3A_779] : memref<2x32x1536xf32, #tpu.memory_space<vmem>> -> memref<1x32x1536xf32, #tpu.memory_space<vmem>>
    %dma_start3A_781 = tpu.memref_squeeze %dma_start3A_780 : memref<1x32x1536xf32, #tpu.memory_space<vmem>> -> memref<32x1536xf32, #tpu.memory_space<vmem>>
    %dma_start3A_782 = arith.constant 0 : i32
    %dma_start3A_783 = tpu.memref_slice %arg6[%add3A_776, %dma_start3A_782] : memref<24576x1536xf32, #tpu.memory_space<hbm>> -> memref<32x1536xf32, #tpu.memory_space<hbm>>
    %dma_start3A_784 = arith.constant 0 : i32
    %dma_start3A_785 = tpu.memref_slice %arg6[%add3A_776, %dma_start3A_784] : memref<24576x1536xf32, #tpu.memory_space<hbm>> -> memref<32x1536xf32, #tpu.memory_space<hbm>>
    %dma_start3A_786 = arith.constant 0 : i32
    %dma_start3A_787 = arith.constant 0 : i32
    %dma_start3A_788 = tpu.memref_slice %arg15[%dma_start3A_777, %dma_start3A_786, %dma_start3A_787] : memref<2x32x1536xf32, #tpu.memory_space<vmem>> -> memref<1x32x1536xf32, #tpu.memory_space<vmem>>
    %dma_start3A_789 = tpu.memref_squeeze %dma_start3A_788 : memref<1x32x1536xf32, #tpu.memory_space<vmem>> -> memref<32x1536xf32, #tpu.memory_space<vmem>>
    tpu.enqueue_dma source(%dma_start3A_789 : memref<32x1536xf32, #tpu.memory_space<vmem>>) target(%dma_start3A_785 : memref<32x1536xf32, #tpu.memory_space<hbm>>) target_semaphore(%arg19 : memref<!tpu.dma_semaphore, #tpu.memory_space<semaphore_mem>>)
    %dma_wait3A_790 = arith.constant 1 : i32
    %dma_wait3A_791 = arith.constant 0 : i32
    %dma_wait3A_792 = arith.constant 0 : i32
    %dma_wait3A_793 = tpu.memref_slice %arg15[%dma_wait3A_790, %dma_wait3A_791, %dma_wait3A_792] : memref<2x32x1536xf32, #tpu.memory_space<vmem>> -> memref<1x32x1536xf32, #tpu.memory_space<vmem>>
    %dma_wait3A_794 = tpu.memref_squeeze %dma_wait3A_793 : memref<1x32x1536xf32, #tpu.memory_space<vmem>> -> memref<32x1536xf32, #tpu.memory_space<vmem>>
    %dma_wait3A_795 = arith.constant 0 : i32
    %dma_wait3A_796 = tpu.memref_slice %arg6[%add3A_776, %dma_wait3A_795] : memref<24576x1536xf32, #tpu.memory_space<hbm>> -> memref<32x1536xf32, #tpu.memory_space<hbm>>
    %dma_wait3A_797 = arith.constant 0 : i32
    %dma_wait3A_798 = tpu.memref_slice %arg6[%add3A_776, %dma_wait3A_797] : memref<24576x1536xf32, #tpu.memory_space<hbm>> -> memref<32x1536xf32, #tpu.memory_space<hbm>>
    %dma_wait3A_799 = arith.constant 0 : i32
    %dma_wait3A_800 = arith.constant 0 : i32
    %dma_wait3A_801 = tpu.memref_slice %arg15[%dma_wait3A_790, %dma_wait3A_799, %dma_wait3A_800] : memref<2x32x1536xf32, #tpu.memory_space<vmem>> -> memref<1x32x1536xf32, #tpu.memory_space<vmem>>
    %dma_wait3A_802 = tpu.memref_squeeze %dma_wait3A_801 : memref<1x32x1536xf32, #tpu.memory_space<vmem>> -> memref<32x1536xf32, #tpu.memory_space<vmem>>
    tpu.wait_dma2 semaphore(%arg19 : memref<!tpu.dma_semaphore, #tpu.memory_space<semaphore_mem>>) src(%dma_wait3A_802 : memref<32x1536xf32, #tpu.memory_space<vmem>>) dst(%dma_wait3A_798 : memref<32x1536xf32, #tpu.memory_space<hbm>>)
    %dma_start3A_803 = arith.constant 1 : i32
    %dma_start3A_804 = arith.constant 0 : i32
    %dma_start3A_805 = arith.constant 0 : i32
    %dma_start3A_806 = tpu.memref_slice %arg15[%dma_start3A_803, %dma_start3A_804, %dma_start3A_805] : memref<2x32x1536xf32, #tpu.memory_space<vmem>> -> memref<1x32x1536xf32, #tpu.memory_space<vmem>>
    %dma_start3A_807 = tpu.memref_squeeze %dma_start3A_806 : memref<1x32x1536xf32, #tpu.memory_space<vmem>> -> memref<32x1536xf32, #tpu.memory_space<vmem>>
    %dma_start3A_808 = arith.constant 544 : i32
    %dma_start3A_809 = tpu.memref_slice %arg12[%dma_start3A_808] : memref<768xi32, #tpu.memory_space<vmem>> -> memref<32xi32, #tpu.memory_space<vmem>>
    %dma_start3A_810 = arith.constant 0 : i32
    %dma_start3A_811 = arith.constant 0 : i32
    %dma_start3A_812 = tpu.memref_slice %arg2[%dma_start3A_810, %dma_start3A_811] : memref<2048x1536xf32, #tpu.memory_space<hbm>> -> memref<2048x1536xf32, #tpu.memory_space<hbm>>
    tpu.enqueue_indirect_dma source(%dma_start3A_812 : memref<2048x1536xf32, #tpu.memory_space<hbm>>) target(%dma_start3A_807 : memref<32x1536xf32, #tpu.memory_space<vmem>>) offsets(%dma_start3A_809 : memref<32xi32, #tpu.memory_space<vmem>>) semaphore(%arg17 : memref<!tpu.dma_semaphore, #tpu.memory_space<semaphore_mem>>)
    %dma_wait3A_813 = arith.constant 0 : i32
    %dma_wait3A_814 = arith.constant 0 : i32
    %dma_wait3A_815 = arith.constant 0 : i32
    %dma_wait3A_816 = tpu.memref_slice %arg15[%dma_wait3A_813, %dma_wait3A_814, %dma_wait3A_815] : memref<2x32x1536xf32, #tpu.memory_space<vmem>> -> memref<1x32x1536xf32, #tpu.memory_space<vmem>>
    %dma_wait3A_817 = tpu.memref_squeeze %dma_wait3A_816 : memref<1x32x1536xf32, #tpu.memory_space<vmem>> -> memref<32x1536xf32, #tpu.memory_space<vmem>>
    %dma_wait3A_818 = arith.constant 512 : i32
    %dma_wait3A_819 = tpu.memref_slice %arg12[%dma_wait3A_818] : memref<768xi32, #tpu.memory_space<vmem>> -> memref<32xi32, #tpu.memory_space<vmem>>
    %dma_wait3A_820 = arith.constant 0 : i32
    %dma_wait3A_821 = arith.constant 0 : i32
    %dma_wait3A_822 = tpu.memref_slice %arg2[%dma_wait3A_820, %dma_wait3A_821] : memref<2048x1536xf32, #tpu.memory_space<hbm>> -> memref<2048x1536xf32, #tpu.memory_space<hbm>>
    tpu.wait_indirect_dma semaphore(%arg16 : memref<!tpu.dma_semaphore, #tpu.memory_space<semaphore_mem>>) src(%dma_wait3A_822 : memref<2048x1536xf32, #tpu.memory_space<hbm>>) dst(%dma_wait3A_817 : memref<32x1536xf32, #tpu.memory_space<vmem>>)
    %add3A_823 = arith.constant 512 : i32
    %add3A_824 = arith.addi %mul3A_2, %add3A_823 : i32
    %dma_start3A_825 = arith.constant 0 : i32
    %dma_start3A_826 = arith.constant 0 : i32
    %dma_start3A_827 = arith.constant 0 : i32
    %dma_start3A_828 = tpu.memref_slice %arg15[%dma_start3A_825, %dma_start3A_826, %dma_start3A_827] : memref<2x32x1536xf32, #tpu.memory_space<vmem>> -> memref<1x32x1536xf32, #tpu.memory_space<vmem>>
    %dma_start3A_829 = tpu.memref_squeeze %dma_start3A_828 : memref<1x32x1536xf32, #tpu.memory_space<vmem>> -> memref<32x1536xf32, #tpu.memory_space<vmem>>
    %dma_start3A_830 = arith.constant 0 : i32
    %dma_start3A_831 = tpu.memref_slice %arg6[%add3A_824, %dma_start3A_830] : memref<24576x1536xf32, #tpu.memory_space<hbm>> -> memref<32x1536xf32, #tpu.memory_space<hbm>>
    %dma_start3A_832 = arith.constant 0 : i32
    %dma_start3A_833 = tpu.memref_slice %arg6[%add3A_824, %dma_start3A_832] : memref<24576x1536xf32, #tpu.memory_space<hbm>> -> memref<32x1536xf32, #tpu.memory_space<hbm>>
    %dma_start3A_834 = arith.constant 0 : i32
    %dma_start3A_835 = arith.constant 0 : i32
    %dma_start3A_836 = tpu.memref_slice %arg15[%dma_start3A_825, %dma_start3A_834, %dma_start3A_835] : memref<2x32x1536xf32, #tpu.memory_space<vmem>> -> memref<1x32x1536xf32, #tpu.memory_space<vmem>>
    %dma_start3A_837 = tpu.memref_squeeze %dma_start3A_836 : memref<1x32x1536xf32, #tpu.memory_space<vmem>> -> memref<32x1536xf32, #tpu.memory_space<vmem>>
    tpu.enqueue_dma source(%dma_start3A_837 : memref<32x1536xf32, #tpu.memory_space<vmem>>) target(%dma_start3A_833 : memref<32x1536xf32, #tpu.memory_space<hbm>>) target_semaphore(%arg18 : memref<!tpu.dma_semaphore, #tpu.memory_space<semaphore_mem>>)
    %dma_wait3A_838 = arith.constant 0 : i32
    %dma_wait3A_839 = arith.constant 0 : i32
    %dma_wait3A_840 = arith.constant 0 : i32
    %dma_wait3A_841 = tpu.memref_slice %arg15[%dma_wait3A_838, %dma_wait3A_839, %dma_wait3A_840] : memref<2x32x1536xf32, #tpu.memory_space<vmem>> -> memref<1x32x1536xf32, #tpu.memory_space<vmem>>
    %dma_wait3A_842 = tpu.memref_squeeze %dma_wait3A_841 : memref<1x32x1536xf32, #tpu.memory_space<vmem>> -> memref<32x1536xf32, #tpu.memory_space<vmem>>
    %dma_wait3A_843 = arith.constant 0 : i32
    %dma_wait3A_844 = tpu.memref_slice %arg6[%add3A_824, %dma_wait3A_843] : memref<24576x1536xf32, #tpu.memory_space<hbm>> -> memref<32x1536xf32, #tpu.memory_space<hbm>>
    %dma_wait3A_845 = arith.constant 0 : i32
    %dma_wait3A_846 = tpu.memref_slice %arg6[%add3A_824, %dma_wait3A_845] : memref<24576x1536xf32, #tpu.memory_space<hbm>> -> memref<32x1536xf32, #tpu.memory_space<hbm>>
    %dma_wait3A_847 = arith.constant 0 : i32
    %dma_wait3A_848 = arith.constant 0 : i32
    %dma_wait3A_849 = tpu.memref_slice %arg15[%dma_wait3A_838, %dma_wait3A_847, %dma_wait3A_848] : memref<2x32x1536xf32, #tpu.memory_space<vmem>> -> memref<1x32x1536xf32, #tpu.memory_space<vmem>>
    %dma_wait3A_850 = tpu.memref_squeeze %dma_wait3A_849 : memref<1x32x1536xf32, #tpu.memory_space<vmem>> -> memref<32x1536xf32, #tpu.memory_space<vmem>>
    tpu.wait_dma2 semaphore(%arg18 : memref<!tpu.dma_semaphore, #tpu.memory_space<semaphore_mem>>) src(%dma_wait3A_850 : memref<32x1536xf32, #tpu.memory_space<vmem>>) dst(%dma_wait3A_846 : memref<32x1536xf32, #tpu.memory_space<hbm>>)
    %dma_start3A_851 = arith.constant 0 : i32
    %dma_start3A_852 = arith.constant 0 : i32
    %dma_start3A_853 = arith.constant 0 : i32
    %dma_start3A_854 = tpu.memref_slice %arg15[%dma_start3A_851, %dma_start3A_852, %dma_start3A_853] : memref<2x32x1536xf32, #tpu.memory_space<vmem>> -> memref<1x32x1536xf32, #tpu.memory_space<vmem>>
    %dma_start3A_855 = tpu.memref_squeeze %dma_start3A_854 : memref<1x32x1536xf32, #tpu.memory_space<vmem>> -> memref<32x1536xf32, #tpu.memory_space<vmem>>
    %dma_start3A_856 = arith.constant 576 : i32
    %dma_start3A_857 = tpu.memref_slice %arg12[%dma_start3A_856] : memref<768xi32, #tpu.memory_space<vmem>> -> memref<32xi32, #tpu.memory_space<vmem>>
    %dma_start3A_858 = arith.constant 0 : i32
    %dma_start3A_859 = arith.constant 0 : i32
    %dma_start3A_860 = tpu.memref_slice %arg2[%dma_start3A_858, %dma_start3A_859] : memref<2048x1536xf32, #tpu.memory_space<hbm>> -> memref<2048x1536xf32, #tpu.memory_space<hbm>>
    tpu.enqueue_indirect_dma source(%dma_start3A_860 : memref<2048x1536xf32, #tpu.memory_space<hbm>>) target(%dma_start3A_855 : memref<32x1536xf32, #tpu.memory_space<vmem>>) offsets(%dma_start3A_857 : memref<32xi32, #tpu.memory_space<vmem>>) semaphore(%arg16 : memref<!tpu.dma_semaphore, #tpu.memory_space<semaphore_mem>>)
    %dma_wait3A_861 = arith.constant 1 : i32
    %dma_wait3A_862 = arith.constant 0 : i32
    %dma_wait3A_863 = arith.constant 0 : i32
    %dma_wait3A_864 = tpu.memref_slice %arg15[%dma_wait3A_861, %dma_wait3A_862, %dma_wait3A_863] : memref<2x32x1536xf32, #tpu.memory_space<vmem>> -> memref<1x32x1536xf32, #tpu.memory_space<vmem>>
    %dma_wait3A_865 = tpu.memref_squeeze %dma_wait3A_864 : memref<1x32x1536xf32, #tpu.memory_space<vmem>> -> memref<32x1536xf32, #tpu.memory_space<vmem>>
    %dma_wait3A_866 = arith.constant 544 : i32
    %dma_wait3A_867 = tpu.memref_slice %arg12[%dma_wait3A_866] : memref<768xi32, #tpu.memory_space<vmem>> -> memref<32xi32, #tpu.memory_space<vmem>>
    %dma_wait3A_868 = arith.constant 0 : i32
    %dma_wait3A_869 = arith.constant 0 : i32
    %dma_wait3A_870 = tpu.memref_slice %arg2[%dma_wait3A_868, %dma_wait3A_869] : memref<2048x1536xf32, #tpu.memory_space<hbm>> -> memref<2048x1536xf32, #tpu.memory_space<hbm>>
    tpu.wait_indirect_dma semaphore(%arg17 : memref<!tpu.dma_semaphore, #tpu.memory_space<semaphore_mem>>) src(%dma_wait3A_870 : memref<2048x1536xf32, #tpu.memory_space<hbm>>) dst(%dma_wait3A_865 : memref<32x1536xf32, #tpu.memory_space<vmem>>)
    %add3A_871 = arith.constant 544 : i32
    %add3A_872 = arith.addi %mul3A_2, %add3A_871 : i32
    %dma_start3A_873 = arith.constant 1 : i32
    %dma_start3A_874 = arith.constant 0 : i32
    %dma_start3A_875 = arith.constant 0 : i32
    %dma_start3A_876 = tpu.memref_slice %arg15[%dma_start3A_873, %dma_start3A_874, %dma_start3A_875] : memref<2x32x1536xf32, #tpu.memory_space<vmem>> -> memref<1x32x1536xf32, #tpu.memory_space<vmem>>
    %dma_start3A_877 = tpu.memref_squeeze %dma_start3A_876 : memref<1x32x1536xf32, #tpu.memory_space<vmem>> -> memref<32x1536xf32, #tpu.memory_space<vmem>>
    %dma_start3A_878 = arith.constant 0 : i32
    %dma_start3A_879 = tpu.memref_slice %arg6[%add3A_872, %dma_start3A_878] : memref<24576x1536xf32, #tpu.memory_space<hbm>> -> memref<32x1536xf32, #tpu.memory_space<hbm>>
    %dma_start3A_880 = arith.constant 0 : i32
    %dma_start3A_881 = tpu.memref_slice %arg6[%add3A_872, %dma_start3A_880] : memref<24576x1536xf32, #tpu.memory_space<hbm>> -> memref<32x1536xf32, #tpu.memory_space<hbm>>
    %dma_start3A_882 = arith.constant 0 : i32
    %dma_start3A_883 = arith.constant 0 : i32
    %dma_start3A_884 = tpu.memref_slice %arg15[%dma_start3A_873, %dma_start3A_882, %dma_start3A_883] : memref<2x32x1536xf32, #tpu.memory_space<vmem>> -> memref<1x32x1536xf32, #tpu.memory_space<vmem>>
    %dma_start3A_885 = tpu.memref_squeeze %dma_start3A_884 : memref<1x32x1536xf32, #tpu.memory_space<vmem>> -> memref<32x1536xf32, #tpu.memory_space<vmem>>
    tpu.enqueue_dma source(%dma_start3A_885 : memref<32x1536xf32, #tpu.memory_space<vmem>>) target(%dma_start3A_881 : memref<32x1536xf32, #tpu.memory_space<hbm>>) target_semaphore(%arg19 : memref<!tpu.dma_semaphore, #tpu.memory_space<semaphore_mem>>)
    %dma_wait3A_886 = arith.constant 1 : i32
    %dma_wait3A_887 = arith.constant 0 : i32
    %dma_wait3A_888 = arith.constant 0 : i32
    %dma_wait3A_889 = tpu.memref_slice %arg15[%dma_wait3A_886, %dma_wait3A_887, %dma_wait3A_888] : memref<2x32x1536xf32, #tpu.memory_space<vmem>> -> memref<1x32x1536xf32, #tpu.memory_space<vmem>>
    %dma_wait3A_890 = tpu.memref_squeeze %dma_wait3A_889 : memref<1x32x1536xf32, #tpu.memory_space<vmem>> -> memref<32x1536xf32, #tpu.memory_space<vmem>>
    %dma_wait3A_891 = arith.constant 0 : i32
    %dma_wait3A_892 = tpu.memref_slice %arg6[%add3A_872, %dma_wait3A_891] : memref<24576x1536xf32, #tpu.memory_space<hbm>> -> memref<32x1536xf32, #tpu.memory_space<hbm>>
    %dma_wait3A_893 = arith.constant 0 : i32
    %dma_wait3A_894 = tpu.memref_slice %arg6[%add3A_872, %dma_wait3A_893] : memref<24576x1536xf32, #tpu.memory_space<hbm>> -> memref<32x1536xf32, #tpu.memory_space<hbm>>
    %dma_wait3A_895 = arith.constant 0 : i32
    %dma_wait3A_896 = arith.constant 0 : i32
    %dma_wait3A_897 = tpu.memref_slice %arg15[%dma_wait3A_886, %dma_wait3A_895, %dma_wait3A_896] : memref<2x32x1536xf32, #tpu.memory_space<vmem>> -> memref<1x32x1536xf32, #tpu.memory_space<vmem>>
    %dma_wait3A_898 = tpu.memref_squeeze %dma_wait3A_897 : memref<1x32x1536xf32, #tpu.memory_space<vmem>> -> memref<32x1536xf32, #tpu.memory_space<vmem>>
    tpu.wait_dma2 semaphore(%arg19 : memref<!tpu.dma_semaphore, #tpu.memory_space<semaphore_mem>>) src(%dma_wait3A_898 : memref<32x1536xf32, #tpu.memory_space<vmem>>) dst(%dma_wait3A_894 : memref<32x1536xf32, #tpu.memory_space<hbm>>)
    %dma_start3A_899 = arith.constant 1 : i32
    %dma_start3A_900 = arith.constant 0 : i32
    %dma_start3A_901 = arith.constant 0 : i32
    %dma_start3A_902 = tpu.memref_slice %arg15[%dma_start3A_899, %dma_start3A_900, %dma_start3A_901] : memref<2x32x1536xf32, #tpu.memory_space<vmem>> -> memref<1x32x1536xf32, #tpu.memory_space<vmem>>
    %dma_start3A_903 = tpu.memref_squeeze %dma_start3A_902 : memref<1x32x1536xf32, #tpu.memory_space<vmem>> -> memref<32x1536xf32, #tpu.memory_space<vmem>>
    %dma_start3A_904 = arith.constant 608 : i32
    %dma_start3A_905 = tpu.memref_slice %arg12[%dma_start3A_904] : memref<768xi32, #tpu.memory_space<vmem>> -> memref<32xi32, #tpu.memory_space<vmem>>
    %dma_start3A_906 = arith.constant 0 : i32
    %dma_start3A_907 = arith.constant 0 : i32
    %dma_start3A_908 = tpu.memref_slice %arg2[%dma_start3A_906, %dma_start3A_907] : memref<2048x1536xf32, #tpu.memory_space<hbm>> -> memref<2048x1536xf32, #tpu.memory_space<hbm>>
    tpu.enqueue_indirect_dma source(%dma_start3A_908 : memref<2048x1536xf32, #tpu.memory_space<hbm>>) target(%dma_start3A_903 : memref<32x1536xf32, #tpu.memory_space<vmem>>) offsets(%dma_start3A_905 : memref<32xi32, #tpu.memory_space<vmem>>) semaphore(%arg17 : memref<!tpu.dma_semaphore, #tpu.memory_space<semaphore_mem>>)
    %dma_wait3A_909 = arith.constant 0 : i32
    %dma_wait3A_910 = arith.constant 0 : i32
    %dma_wait3A_911 = arith.constant 0 : i32
    %dma_wait3A_912 = tpu.memref_slice %arg15[%dma_wait3A_909, %dma_wait3A_910, %dma_wait3A_911] : memref<2x32x1536xf32, #tpu.memory_space<vmem>> -> memref<1x32x1536xf32, #tpu.memory_space<vmem>>
    %dma_wait3A_913 = tpu.memref_squeeze %dma_wait3A_912 : memref<1x32x1536xf32, #tpu.memory_space<vmem>> -> memref<32x1536xf32, #tpu.memory_space<vmem>>
    %dma_wait3A_914 = arith.constant 576 : i32
    %dma_wait3A_915 = tpu.memref_slice %arg12[%dma_wait3A_914] : memref<768xi32, #tpu.memory_space<vmem>> -> memref<32xi32, #tpu.memory_space<vmem>>
    %dma_wait3A_916 = arith.constant 0 : i32
    %dma_wait3A_917 = arith.constant 0 : i32
    %dma_wait3A_918 = tpu.memref_slice %arg2[%dma_wait3A_916, %dma_wait3A_917] : memref<2048x1536xf32, #tpu.memory_space<hbm>> -> memref<2048x1536xf32, #tpu.memory_space<hbm>>
    tpu.wait_indirect_dma semaphore(%arg16 : memref<!tpu.dma_semaphore, #tpu.memory_space<semaphore_mem>>) src(%dma_wait3A_918 : memref<2048x1536xf32, #tpu.memory_space<hbm>>) dst(%dma_wait3A_913 : memref<32x1536xf32, #tpu.memory_space<vmem>>)
    %add3A_919 = arith.constant 576 : i32
    %add3A_920 = arith.addi %mul3A_2, %add3A_919 : i32
    %dma_start3A_921 = arith.constant 0 : i32
    %dma_start3A_922 = arith.constant 0 : i32
    %dma_start3A_923 = arith.constant 0 : i32
    %dma_start3A_924 = tpu.memref_slice %arg15[%dma_start3A_921, %dma_start3A_922, %dma_start3A_923] : memref<2x32x1536xf32, #tpu.memory_space<vmem>> -> memref<1x32x1536xf32, #tpu.memory_space<vmem>>
    %dma_start3A_925 = tpu.memref_squeeze %dma_start3A_924 : memref<1x32x1536xf32, #tpu.memory_space<vmem>> -> memref<32x1536xf32, #tpu.memory_space<vmem>>
    %dma_start3A_926 = arith.constant 0 : i32
    %dma_start3A_927 = tpu.memref_slice %arg6[%add3A_920, %dma_start3A_926] : memref<24576x1536xf32, #tpu.memory_space<hbm>> -> memref<32x1536xf32, #tpu.memory_space<hbm>>
    %dma_start3A_928 = arith.constant 0 : i32
    %dma_start3A_929 = tpu.memref_slice %arg6[%add3A_920, %dma_start3A_928] : memref<24576x1536xf32, #tpu.memory_space<hbm>> -> memref<32x1536xf32, #tpu.memory_space<hbm>>
    %dma_start3A_930 = arith.constant 0 : i32
    %dma_start3A_931 = arith.constant 0 : i32
    %dma_start3A_932 = tpu.memref_slice %arg15[%dma_start3A_921, %dma_start3A_930, %dma_start3A_931] : memref<2x32x1536xf32, #tpu.memory_space<vmem>> -> memref<1x32x1536xf32, #tpu.memory_space<vmem>>
    %dma_start3A_933 = tpu.memref_squeeze %dma_start3A_932 : memref<1x32x1536xf32, #tpu.memory_space<vmem>> -> memref<32x1536xf32, #tpu.memory_space<vmem>>
    tpu.enqueue_dma source(%dma_start3A_933 : memref<32x1536xf32, #tpu.memory_space<vmem>>) target(%dma_start3A_929 : memref<32x1536xf32, #tpu.memory_space<hbm>>) target_semaphore(%arg18 : memref<!tpu.dma_semaphore, #tpu.memory_space<semaphore_mem>>)
    %dma_wait3A_934 = arith.constant 0 : i32
    %dma_wait3A_935 = arith.constant 0 : i32
    %dma_wait3A_936 = arith.constant 0 : i32
    %dma_wait3A_937 = tpu.memref_slice %arg15[%dma_wait3A_934, %dma_wait3A_935, %dma_wait3A_936] : memref<2x32x1536xf32, #tpu.memory_space<vmem>> -> memref<1x32x1536xf32, #tpu.memory_space<vmem>>
    %dma_wait3A_938 = tpu.memref_squeeze %dma_wait3A_937 : memref<1x32x1536xf32, #tpu.memory_space<vmem>> -> memref<32x1536xf32, #tpu.memory_space<vmem>>
    %dma_wait3A_939 = arith.constant 0 : i32
    %dma_wait3A_940 = tpu.memref_slice %arg6[%add3A_920, %dma_wait3A_939] : memref<24576x1536xf32, #tpu.memory_space<hbm>> -> memref<32x1536xf32, #tpu.memory_space<hbm>>
    %dma_wait3A_941 = arith.constant 0 : i32
    %dma_wait3A_942 = tpu.memref_slice %arg6[%add3A_920, %dma_wait3A_941] : memref<24576x1536xf32, #tpu.memory_space<hbm>> -> memref<32x1536xf32, #tpu.memory_space<hbm>>
    %dma_wait3A_943 = arith.constant 0 : i32
    %dma_wait3A_944 = arith.constant 0 : i32
    %dma_wait3A_945 = tpu.memref_slice %arg15[%dma_wait3A_934, %dma_wait3A_943, %dma_wait3A_944] : memref<2x32x1536xf32, #tpu.memory_space<vmem>> -> memref<1x32x1536xf32, #tpu.memory_space<vmem>>
    %dma_wait3A_946 = tpu.memref_squeeze %dma_wait3A_945 : memref<1x32x1536xf32, #tpu.memory_space<vmem>> -> memref<32x1536xf32, #tpu.memory_space<vmem>>
    tpu.wait_dma2 semaphore(%arg18 : memref<!tpu.dma_semaphore, #tpu.memory_space<semaphore_mem>>) src(%dma_wait3A_946 : memref<32x1536xf32, #tpu.memory_space<vmem>>) dst(%dma_wait3A_942 : memref<32x1536xf32, #tpu.memory_space<hbm>>)
    %dma_start3A_947 = arith.constant 0 : i32
    %dma_start3A_948 = arith.constant 0 : i32
    %dma_start3A_949 = arith.constant 0 : i32
    %dma_start3A_950 = tpu.memref_slice %arg15[%dma_start3A_947, %dma_start3A_948, %dma_start3A_949] : memref<2x32x1536xf32, #tpu.memory_space<vmem>> -> memref<1x32x1536xf32, #tpu.memory_space<vmem>>
    %dma_start3A_951 = tpu.memref_squeeze %dma_start3A_950 : memref<1x32x1536xf32, #tpu.memory_space<vmem>> -> memref<32x1536xf32, #tpu.memory_space<vmem>>
    %dma_start3A_952 = arith.constant 640 : i32
    %dma_start3A_953 = tpu.memref_slice %arg12[%dma_start3A_952] : memref<768xi32, #tpu.memory_space<vmem>> -> memref<32xi32, #tpu.memory_space<vmem>>
    %dma_start3A_954 = arith.constant 0 : i32
    %dma_start3A_955 = arith.constant 0 : i32
    %dma_start3A_956 = tpu.memref_slice %arg2[%dma_start3A_954, %dma_start3A_955] : memref<2048x1536xf32, #tpu.memory_space<hbm>> -> memref<2048x1536xf32, #tpu.memory_space<hbm>>
    tpu.enqueue_indirect_dma source(%dma_start3A_956 : memref<2048x1536xf32, #tpu.memory_space<hbm>>) target(%dma_start3A_951 : memref<32x1536xf32, #tpu.memory_space<vmem>>) offsets(%dma_start3A_953 : memref<32xi32, #tpu.memory_space<vmem>>) semaphore(%arg16 : memref<!tpu.dma_semaphore, #tpu.memory_space<semaphore_mem>>)
    %dma_wait3A_957 = arith.constant 1 : i32
    %dma_wait3A_958 = arith.constant 0 : i32
    %dma_wait3A_959 = arith.constant 0 : i32
    %dma_wait3A_960 = tpu.memref_slice %arg15[%dma_wait3A_957, %dma_wait3A_958, %dma_wait3A_959] : memref<2x32x1536xf32, #tpu.memory_space<vmem>> -> memref<1x32x1536xf32, #tpu.memory_space<vmem>>
    %dma_wait3A_961 = tpu.memref_squeeze %dma_wait3A_960 : memref<1x32x1536xf32, #tpu.memory_space<vmem>> -> memref<32x1536xf32, #tpu.memory_space<vmem>>
    %dma_wait3A_962 = arith.constant 608 : i32
    %dma_wait3A_963 = tpu.memref_slice %arg12[%dma_wait3A_962] : memref<768xi32, #tpu.memory_space<vmem>> -> memref<32xi32, #tpu.memory_space<vmem>>
    %dma_wait3A_964 = arith.constant 0 : i32
    %dma_wait3A_965 = arith.constant 0 : i32
    %dma_wait3A_966 = tpu.memref_slice %arg2[%dma_wait3A_964, %dma_wait3A_965] : memref<2048x1536xf32, #tpu.memory_space<hbm>> -> memref<2048x1536xf32, #tpu.memory_space<hbm>>
    tpu.wait_indirect_dma semaphore(%arg17 : memref<!tpu.dma_semaphore, #tpu.memory_space<semaphore_mem>>) src(%dma_wait3A_966 : memref<2048x1536xf32, #tpu.memory_space<hbm>>) dst(%dma_wait3A_961 : memref<32x1536xf32, #tpu.memory_space<vmem>>)
    %add3A_967 = arith.constant 608 : i32
    %add3A_968 = arith.addi %mul3A_2, %add3A_967 : i32
    %dma_start3A_969 = arith.constant 1 : i32
    %dma_start3A_970 = arith.constant 0 : i32
    %dma_start3A_971 = arith.constant 0 : i32
    %dma_start3A_972 = tpu.memref_slice %arg15[%dma_start3A_969, %dma_start3A_970, %dma_start3A_971] : memref<2x32x1536xf32, #tpu.memory_space<vmem>> -> memref<1x32x1536xf32, #tpu.memory_space<vmem>>
    %dma_start3A_973 = tpu.memref_squeeze %dma_start3A_972 : memref<1x32x1536xf32, #tpu.memory_space<vmem>> -> memref<32x1536xf32, #tpu.memory_space<vmem>>
    %dma_start3A_974 = arith.constant 0 : i32
    %dma_start3A_975 = tpu.memref_slice %arg6[%add3A_968, %dma_start3A_974] : memref<24576x1536xf32, #tpu.memory_space<hbm>> -> memref<32x1536xf32, #tpu.memory_space<hbm>>
    %dma_start3A_976 = arith.constant 0 : i32
    %dma_start3A_977 = tpu.memref_slice %arg6[%add3A_968, %dma_start3A_976] : memref<24576x1536xf32, #tpu.memory_space<hbm>> -> memref<32x1536xf32, #tpu.memory_space<hbm>>
    %dma_start3A_978 = arith.constant 0 : i32
    %dma_start3A_979 = arith.constant 0 : i32
    %dma_start3A_980 = tpu.memref_slice %arg15[%dma_start3A_969, %dma_start3A_978, %dma_start3A_979] : memref<2x32x1536xf32, #tpu.memory_space<vmem>> -> memref<1x32x1536xf32, #tpu.memory_space<vmem>>
    %dma_start3A_981 = tpu.memref_squeeze %dma_start3A_980 : memref<1x32x1536xf32, #tpu.memory_space<vmem>> -> memref<32x1536xf32, #tpu.memory_space<vmem>>
    tpu.enqueue_dma source(%dma_start3A_981 : memref<32x1536xf32, #tpu.memory_space<vmem>>) target(%dma_start3A_977 : memref<32x1536xf32, #tpu.memory_space<hbm>>) target_semaphore(%arg19 : memref<!tpu.dma_semaphore, #tpu.memory_space<semaphore_mem>>)
    %dma_wait3A_982 = arith.constant 1 : i32
    %dma_wait3A_983 = arith.constant 0 : i32
    %dma_wait3A_984 = arith.constant 0 : i32
    %dma_wait3A_985 = tpu.memref_slice %arg15[%dma_wait3A_982, %dma_wait3A_983, %dma_wait3A_984] : memref<2x32x1536xf32, #tpu.memory_space<vmem>> -> memref<1x32x1536xf32, #tpu.memory_space<vmem>>
    %dma_wait3A_986 = tpu.memref_squeeze %dma_wait3A_985 : memref<1x32x1536xf32, #tpu.memory_space<vmem>> -> memref<32x1536xf32, #tpu.memory_space<vmem>>
    %dma_wait3A_987 = arith.constant 0 : i32
    %dma_wait3A_988 = tpu.memref_slice %arg6[%add3A_968, %dma_wait3A_987] : memref<24576x1536xf32, #tpu.memory_space<hbm>> -> memref<32x1536xf32, #tpu.memory_space<hbm>>
    %dma_wait3A_989 = arith.constant 0 : i32
    %dma_wait3A_990 = tpu.memref_slice %arg6[%add3A_968, %dma_wait3A_989] : memref<24576x1536xf32, #tpu.memory_space<hbm>> -> memref<32x1536xf32, #tpu.memory_space<hbm>>
    %dma_wait3A_991 = arith.constant 0 : i32
    %dma_wait3A_992 = arith.constant 0 : i32
    %dma_wait3A_993 = tpu.memref_slice %arg15[%dma_wait3A_982, %dma_wait3A_991, %dma_wait3A_992] : memref<2x32x1536xf32, #tpu.memory_space<vmem>> -> memref<1x32x1536xf32, #tpu.memory_space<vmem>>
    %dma_wait3A_994 = tpu.memref_squeeze %dma_wait3A_993 : memref<1x32x1536xf32, #tpu.memory_space<vmem>> -> memref<32x1536xf32, #tpu.memory_space<vmem>>
    tpu.wait_dma2 semaphore(%arg19 : memref<!tpu.dma_semaphore, #tpu.memory_space<semaphore_mem>>) src(%dma_wait3A_994 : memref<32x1536xf32, #tpu.memory_space<vmem>>) dst(%dma_wait3A_990 : memref<32x1536xf32, #tpu.memory_space<hbm>>)
    %dma_start3A_995 = arith.constant 1 : i32
    %dma_start3A_996 = arith.constant 0 : i32
    %dma_start3A_997 = arith.constant 0 : i32
    %dma_start3A_998 = tpu.memref_slice %arg15[%dma_start3A_995, %dma_start3A_996, %dma_start3A_997] : memref<2x32x1536xf32, #tpu.memory_space<vmem>> -> memref<1x32x1536xf32, #tpu.memory_space<vmem>>
    %dma_start3A_999 = tpu.memref_squeeze %dma_start3A_998 : memref<1x32x1536xf32, #tpu.memory_space<vmem>> -> memref<32x1536xf32, #tpu.memory_space<vmem>>
    %dma_start3A_1000 = arith.constant 672 : i32
    %dma_start3A_1001 = tpu.memref_slice %arg12[%dma_start3A_1000] : memref<768xi32, #tpu.memory_space<vmem>> -> memref<32xi32, #tpu.memory_space<vmem>>
    %dma_start3A_1002 = arith.constant 0 : i32
    %dma_start3A_1003 = arith.constant 0 : i32
    %dma_start3A_1004 = tpu.memref_slice %arg2[%dma_start3A_1002, %dma_start3A_1003] : memref<2048x1536xf32, #tpu.memory_space<hbm>> -> memref<2048x1536xf32, #tpu.memory_space<hbm>>
    tpu.enqueue_indirect_dma source(%dma_start3A_1004 : memref<2048x1536xf32, #tpu.memory_space<hbm>>) target(%dma_start3A_999 : memref<32x1536xf32, #tpu.memory_space<vmem>>) offsets(%dma_start3A_1001 : memref<32xi32, #tpu.memory_space<vmem>>) semaphore(%arg17 : memref<!tpu.dma_semaphore, #tpu.memory_space<semaphore_mem>>)
    %dma_wait3A_1005 = arith.constant 0 : i32
    %dma_wait3A_1006 = arith.constant 0 : i32
    %dma_wait3A_1007 = arith.constant 0 : i32
    %dma_wait3A_1008 = tpu.memref_slice %arg15[%dma_wait3A_1005, %dma_wait3A_1006, %dma_wait3A_1007] : memref<2x32x1536xf32, #tpu.memory_space<vmem>> -> memref<1x32x1536xf32, #tpu.memory_space<vmem>>
    %dma_wait3A_1009 = tpu.memref_squeeze %dma_wait3A_1008 : memref<1x32x1536xf32, #tpu.memory_space<vmem>> -> memref<32x1536xf32, #tpu.memory_space<vmem>>
    %dma_wait3A_1010 = arith.constant 640 : i32
    %dma_wait3A_1011 = tpu.memref_slice %arg12[%dma_wait3A_1010] : memref<768xi32, #tpu.memory_space<vmem>> -> memref<32xi32, #tpu.memory_space<vmem>>
    %dma_wait3A_1012 = arith.constant 0 : i32
    %dma_wait3A_1013 = arith.constant 0 : i32
    %dma_wait3A_1014 = tpu.memref_slice %arg2[%dma_wait3A_1012, %dma_wait3A_1013] : memref<2048x1536xf32, #tpu.memory_space<hbm>> -> memref<2048x1536xf32, #tpu.memory_space<hbm>>
    tpu.wait_indirect_dma semaphore(%arg16 : memref<!tpu.dma_semaphore, #tpu.memory_space<semaphore_mem>>) src(%dma_wait3A_1014 : memref<2048x1536xf32, #tpu.memory_space<hbm>>) dst(%dma_wait3A_1009 : memref<32x1536xf32, #tpu.memory_space<vmem>>)
    %add3A_1015 = arith.constant 640 : i32
    %add3A_1016 = arith.addi %mul3A_2, %add3A_1015 : i32
    %dma_start3A_1017 = arith.constant 0 : i32
    %dma_start3A_1018 = arith.constant 0 : i32
    %dma_start3A_1019 = arith.constant 0 : i32
    %dma_start3A_1020 = tpu.memref_slice %arg15[%dma_start3A_1017, %dma_start3A_1018, %dma_start3A_1019] : memref<2x32x1536xf32, #tpu.memory_space<vmem>> -> memref<1x32x1536xf32, #tpu.memory_space<vmem>>
    %dma_start3A_1021 = tpu.memref_squeeze %dma_start3A_1020 : memref<1x32x1536xf32, #tpu.memory_space<vmem>> -> memref<32x1536xf32, #tpu.memory_space<vmem>>
    %dma_start3A_1022 = arith.constant 0 : i32
    %dma_start3A_1023 = tpu.memref_slice %arg6[%add3A_1016, %dma_start3A_1022] : memref<24576x1536xf32, #tpu.memory_space<hbm>> -> memref<32x1536xf32, #tpu.memory_space<hbm>>
    %dma_start3A_1024 = arith.constant 0 : i32
    %dma_start3A_1025 = tpu.memref_slice %arg6[%add3A_1016, %dma_start3A_1024] : memref<24576x1536xf32, #tpu.memory_space<hbm>> -> memref<32x1536xf32, #tpu.memory_space<hbm>>
    %dma_start3A_1026 = arith.constant 0 : i32
    %dma_start3A_1027 = arith.constant 0 : i32
    %dma_start3A_1028 = tpu.memref_slice %arg15[%dma_start3A_1017, %dma_start3A_1026, %dma_start3A_1027] : memref<2x32x1536xf32, #tpu.memory_space<vmem>> -> memref<1x32x1536xf32, #tpu.memory_space<vmem>>
    %dma_start3A_1029 = tpu.memref_squeeze %dma_start3A_1028 : memref<1x32x1536xf32, #tpu.memory_space<vmem>> -> memref<32x1536xf32, #tpu.memory_space<vmem>>
    tpu.enqueue_dma source(%dma_start3A_1029 : memref<32x1536xf32, #tpu.memory_space<vmem>>) target(%dma_start3A_1025 : memref<32x1536xf32, #tpu.memory_space<hbm>>) target_semaphore(%arg18 : memref<!tpu.dma_semaphore, #tpu.memory_space<semaphore_mem>>)
    %dma_wait3A_1030 = arith.constant 0 : i32
    %dma_wait3A_1031 = arith.constant 0 : i32
    %dma_wait3A_1032 = arith.constant 0 : i32
    %dma_wait3A_1033 = tpu.memref_slice %arg15[%dma_wait3A_1030, %dma_wait3A_1031, %dma_wait3A_1032] : memref<2x32x1536xf32, #tpu.memory_space<vmem>> -> memref<1x32x1536xf32, #tpu.memory_space<vmem>>
    %dma_wait3A_1034 = tpu.memref_squeeze %dma_wait3A_1033 : memref<1x32x1536xf32, #tpu.memory_space<vmem>> -> memref<32x1536xf32, #tpu.memory_space<vmem>>
    %dma_wait3A_1035 = arith.constant 0 : i32
    %dma_wait3A_1036 = tpu.memref_slice %arg6[%add3A_1016, %dma_wait3A_1035] : memref<24576x1536xf32, #tpu.memory_space<hbm>> -> memref<32x1536xf32, #tpu.memory_space<hbm>>
    %dma_wait3A_1037 = arith.constant 0 : i32
    %dma_wait3A_1038 = tpu.memref_slice %arg6[%add3A_1016, %dma_wait3A_1037] : memref<24576x1536xf32, #tpu.memory_space<hbm>> -> memref<32x1536xf32, #tpu.memory_space<hbm>>
    %dma_wait3A_1039 = arith.constant 0 : i32
    %dma_wait3A_1040 = arith.constant 0 : i32
    %dma_wait3A_1041 = tpu.memref_slice %arg15[%dma_wait3A_1030, %dma_wait3A_1039, %dma_wait3A_1040] : memref<2x32x1536xf32, #tpu.memory_space<vmem>> -> memref<1x32x1536xf32, #tpu.memory_space<vmem>>
    %dma_wait3A_1042 = tpu.memref_squeeze %dma_wait3A_1041 : memref<1x32x1536xf32, #tpu.memory_space<vmem>> -> memref<32x1536xf32, #tpu.memory_space<vmem>>
    tpu.wait_dma2 semaphore(%arg18 : memref<!tpu.dma_semaphore, #tpu.memory_space<semaphore_mem>>) src(%dma_wait3A_1042 : memref<32x1536xf32, #tpu.memory_space<vmem>>) dst(%dma_wait3A_1038 : memref<32x1536xf32, #tpu.memory_space<hbm>>)
    %dma_start3A_1043 = arith.constant 0 : i32
    %dma_start3A_1044 = arith.constant 0 : i32
    %dma_start3A_1045 = arith.constant 0 : i32
    %dma_start3A_1046 = tpu.memref_slice %arg15[%dma_start3A_1043, %dma_start3A_1044, %dma_start3A_1045] : memref<2x32x1536xf32, #tpu.memory_space<vmem>> -> memref<1x32x1536xf32, #tpu.memory_space<vmem>>
    %dma_start3A_1047 = tpu.memref_squeeze %dma_start3A_1046 : memref<1x32x1536xf32, #tpu.memory_space<vmem>> -> memref<32x1536xf32, #tpu.memory_space<vmem>>
    %dma_start3A_1048 = arith.constant 704 : i32
    %dma_start3A_1049 = tpu.memref_slice %arg12[%dma_start3A_1048] : memref<768xi32, #tpu.memory_space<vmem>> -> memref<32xi32, #tpu.memory_space<vmem>>
    %dma_start3A_1050 = arith.constant 0 : i32
    %dma_start3A_1051 = arith.constant 0 : i32
    %dma_start3A_1052 = tpu.memref_slice %arg2[%dma_start3A_1050, %dma_start3A_1051] : memref<2048x1536xf32, #tpu.memory_space<hbm>> -> memref<2048x1536xf32, #tpu.memory_space<hbm>>
    tpu.enqueue_indirect_dma source(%dma_start3A_1052 : memref<2048x1536xf32, #tpu.memory_space<hbm>>) target(%dma_start3A_1047 : memref<32x1536xf32, #tpu.memory_space<vmem>>) offsets(%dma_start3A_1049 : memref<32xi32, #tpu.memory_space<vmem>>) semaphore(%arg16 : memref<!tpu.dma_semaphore, #tpu.memory_space<semaphore_mem>>)
    %dma_wait3A_1053 = arith.constant 1 : i32
    %dma_wait3A_1054 = arith.constant 0 : i32
    %dma_wait3A_1055 = arith.constant 0 : i32
    %dma_wait3A_1056 = tpu.memref_slice %arg15[%dma_wait3A_1053, %dma_wait3A_1054, %dma_wait3A_1055] : memref<2x32x1536xf32, #tpu.memory_space<vmem>> -> memref<1x32x1536xf32, #tpu.memory_space<vmem>>
    %dma_wait3A_1057 = tpu.memref_squeeze %dma_wait3A_1056 : memref<1x32x1536xf32, #tpu.memory_space<vmem>> -> memref<32x1536xf32, #tpu.memory_space<vmem>>
    %dma_wait3A_1058 = arith.constant 672 : i32
    %dma_wait3A_1059 = tpu.memref_slice %arg12[%dma_wait3A_1058] : memref<768xi32, #tpu.memory_space<vmem>> -> memref<32xi32, #tpu.memory_space<vmem>>
    %dma_wait3A_1060 = arith.constant 0 : i32
    %dma_wait3A_1061 = arith.constant 0 : i32
    %dma_wait3A_1062 = tpu.memref_slice %arg2[%dma_wait3A_1060, %dma_wait3A_1061] : memref<2048x1536xf32, #tpu.memory_space<hbm>> -> memref<2048x1536xf32, #tpu.memory_space<hbm>>
    tpu.wait_indirect_dma semaphore(%arg17 : memref<!tpu.dma_semaphore, #tpu.memory_space<semaphore_mem>>) src(%dma_wait3A_1062 : memref<2048x1536xf32, #tpu.memory_space<hbm>>) dst(%dma_wait3A_1057 : memref<32x1536xf32, #tpu.memory_space<vmem>>)
    %add3A_1063 = arith.constant 672 : i32
    %add3A_1064 = arith.addi %mul3A_2, %add3A_1063 : i32
    %dma_start3A_1065 = arith.constant 1 : i32
    %dma_start3A_1066 = arith.constant 0 : i32
    %dma_start3A_1067 = arith.constant 0 : i32
    %dma_start3A_1068 = tpu.memref_slice %arg15[%dma_start3A_1065, %dma_start3A_1066, %dma_start3A_1067] : memref<2x32x1536xf32, #tpu.memory_space<vmem>> -> memref<1x32x1536xf32, #tpu.memory_space<vmem>>
    %dma_start3A_1069 = tpu.memref_squeeze %dma_start3A_1068 : memref<1x32x1536xf32, #tpu.memory_space<vmem>> -> memref<32x1536xf32, #tpu.memory_space<vmem>>
    %dma_start3A_1070 = arith.constant 0 : i32
    %dma_start3A_1071 = tpu.memref_slice %arg6[%add3A_1064, %dma_start3A_1070] : memref<24576x1536xf32, #tpu.memory_space<hbm>> -> memref<32x1536xf32, #tpu.memory_space<hbm>>
    %dma_start3A_1072 = arith.constant 0 : i32
    %dma_start3A_1073 = tpu.memref_slice %arg6[%add3A_1064, %dma_start3A_1072] : memref<24576x1536xf32, #tpu.memory_space<hbm>> -> memref<32x1536xf32, #tpu.memory_space<hbm>>
    %dma_start3A_1074 = arith.constant 0 : i32
    %dma_start3A_1075 = arith.constant 0 : i32
    %dma_start3A_1076 = tpu.memref_slice %arg15[%dma_start3A_1065, %dma_start3A_1074, %dma_start3A_1075] : memref<2x32x1536xf32, #tpu.memory_space<vmem>> -> memref<1x32x1536xf32, #tpu.memory_space<vmem>>
    %dma_start3A_1077 = tpu.memref_squeeze %dma_start3A_1076 : memref<1x32x1536xf32, #tpu.memory_space<vmem>> -> memref<32x1536xf32, #tpu.memory_space<vmem>>
    tpu.enqueue_dma source(%dma_start3A_1077 : memref<32x1536xf32, #tpu.memory_space<vmem>>) target(%dma_start3A_1073 : memref<32x1536xf32, #tpu.memory_space<hbm>>) target_semaphore(%arg19 : memref<!tpu.dma_semaphore, #tpu.memory_space<semaphore_mem>>)
    %dma_wait3A_1078 = arith.constant 1 : i32
    %dma_wait3A_1079 = arith.constant 0 : i32
    %dma_wait3A_1080 = arith.constant 0 : i32
    %dma_wait3A_1081 = tpu.memref_slice %arg15[%dma_wait3A_1078, %dma_wait3A_1079, %dma_wait3A_1080] : memref<2x32x1536xf32, #tpu.memory_space<vmem>> -> memref<1x32x1536xf32, #tpu.memory_space<vmem>>
    %dma_wait3A_1082 = tpu.memref_squeeze %dma_wait3A_1081 : memref<1x32x1536xf32, #tpu.memory_space<vmem>> -> memref<32x1536xf32, #tpu.memory_space<vmem>>
    %dma_wait3A_1083 = arith.constant 0 : i32
    %dma_wait3A_1084 = tpu.memref_slice %arg6[%add3A_1064, %dma_wait3A_1083] : memref<24576x1536xf32, #tpu.memory_space<hbm>> -> memref<32x1536xf32, #tpu.memory_space<hbm>>
    %dma_wait3A_1085 = arith.constant 0 : i32
    %dma_wait3A_1086 = tpu.memref_slice %arg6[%add3A_1064, %dma_wait3A_1085] : memref<24576x1536xf32, #tpu.memory_space<hbm>> -> memref<32x1536xf32, #tpu.memory_space<hbm>>
    %dma_wait3A_1087 = arith.constant 0 : i32
    %dma_wait3A_1088 = arith.constant 0 : i32
    %dma_wait3A_1089 = tpu.memref_slice %arg15[%dma_wait3A_1078, %dma_wait3A_1087, %dma_wait3A_1088] : memref<2x32x1536xf32, #tpu.memory_space<vmem>> -> memref<1x32x1536xf32, #tpu.memory_space<vmem>>
    %dma_wait3A_1090 = tpu.memref_squeeze %dma_wait3A_1089 : memref<1x32x1536xf32, #tpu.memory_space<vmem>> -> memref<32x1536xf32, #tpu.memory_space<vmem>>
    tpu.wait_dma2 semaphore(%arg19 : memref<!tpu.dma_semaphore, #tpu.memory_space<semaphore_mem>>) src(%dma_wait3A_1090 : memref<32x1536xf32, #tpu.memory_space<vmem>>) dst(%dma_wait3A_1086 : memref<32x1536xf32, #tpu.memory_space<hbm>>)
    %dma_start3A_1091 = arith.constant 1 : i32
    %dma_start3A_1092 = arith.constant 0 : i32
    %dma_start3A_1093 = arith.constant 0 : i32
    %dma_start3A_1094 = tpu.memref_slice %arg15[%dma_start3A_1091, %dma_start3A_1092, %dma_start3A_1093] : memref<2x32x1536xf32, #tpu.memory_space<vmem>> -> memref<1x32x1536xf32, #tpu.memory_space<vmem>>
    %dma_start3A_1095 = tpu.memref_squeeze %dma_start3A_1094 : memref<1x32x1536xf32, #tpu.memory_space<vmem>> -> memref<32x1536xf32, #tpu.memory_space<vmem>>
    %dma_start3A_1096 = arith.constant 736 : i32
    %dma_start3A_1097 = tpu.memref_slice %arg12[%dma_start3A_1096] : memref<768xi32, #tpu.memory_space<vmem>> -> memref<32xi32, #tpu.memory_space<vmem>>
    %dma_start3A_1098 = arith.constant 0 : i32
    %dma_start3A_1099 = arith.constant 0 : i32
    %dma_start3A_1100 = tpu.memref_slice %arg2[%dma_start3A_1098, %dma_start3A_1099] : memref<2048x1536xf32, #tpu.memory_space<hbm>> -> memref<2048x1536xf32, #tpu.memory_space<hbm>>
    tpu.enqueue_indirect_dma source(%dma_start3A_1100 : memref<2048x1536xf32, #tpu.memory_space<hbm>>) target(%dma_start3A_1095 : memref<32x1536xf32, #tpu.memory_space<vmem>>) offsets(%dma_start3A_1097 : memref<32xi32, #tpu.memory_space<vmem>>) semaphore(%arg17 : memref<!tpu.dma_semaphore, #tpu.memory_space<semaphore_mem>>)
    %dma_wait3A_1101 = arith.constant 0 : i32
    %dma_wait3A_1102 = arith.constant 0 : i32
    %dma_wait3A_1103 = arith.constant 0 : i32
    %dma_wait3A_1104 = tpu.memref_slice %arg15[%dma_wait3A_1101, %dma_wait3A_1102, %dma_wait3A_1103] : memref<2x32x1536xf32, #tpu.memory_space<vmem>> -> memref<1x32x1536xf32, #tpu.memory_space<vmem>>
    %dma_wait3A_1105 = tpu.memref_squeeze %dma_wait3A_1104 : memref<1x32x1536xf32, #tpu.memory_space<vmem>> -> memref<32x1536xf32, #tpu.memory_space<vmem>>
    %dma_wait3A_1106 = arith.constant 704 : i32
    %dma_wait3A_1107 = tpu.memref_slice %arg12[%dma_wait3A_1106] : memref<768xi32, #tpu.memory_space<vmem>> -> memref<32xi32, #tpu.memory_space<vmem>>
    %dma_wait3A_1108 = arith.constant 0 : i32
    %dma_wait3A_1109 = arith.constant 0 : i32
    %dma_wait3A_1110 = tpu.memref_slice %arg2[%dma_wait3A_1108, %dma_wait3A_1109] : memref<2048x1536xf32, #tpu.memory_space<hbm>> -> memref<2048x1536xf32, #tpu.memory_space<hbm>>
    tpu.wait_indirect_dma semaphore(%arg16 : memref<!tpu.dma_semaphore, #tpu.memory_space<semaphore_mem>>) src(%dma_wait3A_1110 : memref<2048x1536xf32, #tpu.memory_space<hbm>>) dst(%dma_wait3A_1105 : memref<32x1536xf32, #tpu.memory_space<vmem>>)
    %add3A_1111 = arith.constant 704 : i32
    %add3A_1112 = arith.addi %mul3A_2, %add3A_1111 : i32
    %dma_start3A_1113 = arith.constant 0 : i32
    %dma_start3A_1114 = arith.constant 0 : i32
    %dma_start3A_1115 = arith.constant 0 : i32
    %dma_start3A_1116 = tpu.memref_slice %arg15[%dma_start3A_1113, %dma_start3A_1114, %dma_start3A_1115] : memref<2x32x1536xf32, #tpu.memory_space<vmem>> -> memref<1x32x1536xf32, #tpu.memory_space<vmem>>
    %dma_start3A_1117 = tpu.memref_squeeze %dma_start3A_1116 : memref<1x32x1536xf32, #tpu.memory_space<vmem>> -> memref<32x1536xf32, #tpu.memory_space<vmem>>
    %dma_start3A_1118 = arith.constant 0 : i32
    %dma_start3A_1119 = tpu.memref_slice %arg6[%add3A_1112, %dma_start3A_1118] : memref<24576x1536xf32, #tpu.memory_space<hbm>> -> memref<32x1536xf32, #tpu.memory_space<hbm>>
    %dma_start3A_1120 = arith.constant 0 : i32
    %dma_start3A_1121 = tpu.memref_slice %arg6[%add3A_1112, %dma_start3A_1120] : memref<24576x1536xf32, #tpu.memory_space<hbm>> -> memref<32x1536xf32, #tpu.memory_space<hbm>>
    %dma_start3A_1122 = arith.constant 0 : i32
    %dma_start3A_1123 = arith.constant 0 : i32
    %dma_start3A_1124 = tpu.memref_slice %arg15[%dma_start3A_1113, %dma_start3A_1122, %dma_start3A_1123] : memref<2x32x1536xf32, #tpu.memory_space<vmem>> -> memref<1x32x1536xf32, #tpu.memory_space<vmem>>
    %dma_start3A_1125 = tpu.memref_squeeze %dma_start3A_1124 : memref<1x32x1536xf32, #tpu.memory_space<vmem>> -> memref<32x1536xf32, #tpu.memory_space<vmem>>
    tpu.enqueue_dma source(%dma_start3A_1125 : memref<32x1536xf32, #tpu.memory_space<vmem>>) target(%dma_start3A_1121 : memref<32x1536xf32, #tpu.memory_space<hbm>>) target_semaphore(%arg18 : memref<!tpu.dma_semaphore, #tpu.memory_space<semaphore_mem>>)
    %dma_wait3A_1126 = arith.constant 1 : i32
    %dma_wait3A_1127 = arith.constant 0 : i32
    %dma_wait3A_1128 = arith.constant 0 : i32
    %dma_wait3A_1129 = tpu.memref_slice %arg15[%dma_wait3A_1126, %dma_wait3A_1127, %dma_wait3A_1128] : memref<2x32x1536xf32, #tpu.memory_space<vmem>> -> memref<1x32x1536xf32, #tpu.memory_space<vmem>>
    %dma_wait3A_1130 = tpu.memref_squeeze %dma_wait3A_1129 : memref<1x32x1536xf32, #tpu.memory_space<vmem>> -> memref<32x1536xf32, #tpu.memory_space<vmem>>
    %dma_wait3A_1131 = arith.constant 736 : i32
    %dma_wait3A_1132 = tpu.memref_slice %arg12[%dma_wait3A_1131] : memref<768xi32, #tpu.memory_space<vmem>> -> memref<32xi32, #tpu.memory_space<vmem>>
    %dma_wait3A_1133 = arith.constant 0 : i32
    %dma_wait3A_1134 = arith.constant 0 : i32
    %dma_wait3A_1135 = tpu.memref_slice %arg2[%dma_wait3A_1133, %dma_wait3A_1134] : memref<2048x1536xf32, #tpu.memory_space<hbm>> -> memref<2048x1536xf32, #tpu.memory_space<hbm>>
    tpu.wait_indirect_dma semaphore(%arg17 : memref<!tpu.dma_semaphore, #tpu.memory_space<semaphore_mem>>) src(%dma_wait3A_1135 : memref<2048x1536xf32, #tpu.memory_space<hbm>>) dst(%dma_wait3A_1130 : memref<32x1536xf32, #tpu.memory_space<vmem>>)
    %add3A_1136 = arith.constant 736 : i32
    %add3A_1137 = arith.addi %mul3A_2, %add3A_1136 : i32
    %dma_start3A_1138 = arith.constant 1 : i32
    %dma_start3A_1139 = arith.constant 0 : i32
    %dma_start3A_1140 = arith.constant 0 : i32
    %dma_start3A_1141 = tpu.memref_slice %arg15[%dma_start3A_1138, %dma_start3A_1139, %dma_start3A_1140] : memref<2x32x1536xf32, #tpu.memory_space<vmem>> -> memref<1x32x1536xf32, #tpu.memory_space<vmem>>
    %dma_start3A_1142 = tpu.memref_squeeze %dma_start3A_1141 : memref<1x32x1536xf32, #tpu.memory_space<vmem>> -> memref<32x1536xf32, #tpu.memory_space<vmem>>
    %dma_start3A_1143 = arith.constant 0 : i32
    %dma_start3A_1144 = tpu.memref_slice %arg6[%add3A_1137, %dma_start3A_1143] : memref<24576x1536xf32, #tpu.memory_space<hbm>> -> memref<32x1536xf32, #tpu.memory_space<hbm>>
    %dma_start3A_1145 = arith.constant 0 : i32
    %dma_start3A_1146 = tpu.memref_slice %arg6[%add3A_1137, %dma_start3A_1145] : memref<24576x1536xf32, #tpu.memory_space<hbm>> -> memref<32x1536xf32, #tpu.memory_space<hbm>>
    %dma_start3A_1147 = arith.constant 0 : i32
    %dma_start3A_1148 = arith.constant 0 : i32
    %dma_start3A_1149 = tpu.memref_slice %arg15[%dma_start3A_1138, %dma_start3A_1147, %dma_start3A_1148] : memref<2x32x1536xf32, #tpu.memory_space<vmem>> -> memref<1x32x1536xf32, #tpu.memory_space<vmem>>
    %dma_start3A_1150 = tpu.memref_squeeze %dma_start3A_1149 : memref<1x32x1536xf32, #tpu.memory_space<vmem>> -> memref<32x1536xf32, #tpu.memory_space<vmem>>
    tpu.enqueue_dma source(%dma_start3A_1150 : memref<32x1536xf32, #tpu.memory_space<vmem>>) target(%dma_start3A_1146 : memref<32x1536xf32, #tpu.memory_space<hbm>>) target_semaphore(%arg19 : memref<!tpu.dma_semaphore, #tpu.memory_space<semaphore_mem>>)
    %dma_wait3A_1151 = arith.constant 0 : i32
    %dma_wait3A_1152 = arith.constant 0 : i32
    %dma_wait3A_1153 = arith.constant 0 : i32
    %dma_wait3A_1154 = tpu.memref_slice %arg15[%dma_wait3A_1151, %dma_wait3A_1152, %dma_wait3A_1153] : memref<2x32x1536xf32, #tpu.memory_space<vmem>> -> memref<1x32x1536xf32, #tpu.memory_space<vmem>>
    %dma_wait3A_1155 = tpu.memref_squeeze %dma_wait3A_1154 : memref<1x32x1536xf32, #tpu.memory_space<vmem>> -> memref<32x1536xf32, #tpu.memory_space<vmem>>
    %dma_wait3A_1156 = arith.constant 0 : i32
    %dma_wait3A_1157 = tpu.memref_slice %arg6[%add3A_1112, %dma_wait3A_1156] : memref<24576x1536xf32, #tpu.memory_space<hbm>> -> memref<32x1536xf32, #tpu.memory_space<hbm>>
    %dma_wait3A_1158 = arith.constant 0 : i32
    %dma_wait3A_1159 = tpu.memref_slice %arg6[%add3A_1112, %dma_wait3A_1158] : memref<24576x1536xf32, #tpu.memory_space<hbm>> -> memref<32x1536xf32, #tpu.memory_space<hbm>>
    %dma_wait3A_1160 = arith.constant 0 : i32
    %dma_wait3A_1161 = arith.constant 0 : i32
    %dma_wait3A_1162 = tpu.memref_slice %arg15[%dma_wait3A_1151, %dma_wait3A_1160, %dma_wait3A_1161] : memref<2x32x1536xf32, #tpu.memory_space<vmem>> -> memref<1x32x1536xf32, #tpu.memory_space<vmem>>
    %dma_wait3A_1163 = tpu.memref_squeeze %dma_wait3A_1162 : memref<1x32x1536xf32, #tpu.memory_space<vmem>> -> memref<32x1536xf32, #tpu.memory_space<vmem>>
    tpu.wait_dma2 semaphore(%arg18 : memref<!tpu.dma_semaphore, #tpu.memory_space<semaphore_mem>>) src(%dma_wait3A_1163 : memref<32x1536xf32, #tpu.memory_space<vmem>>) dst(%dma_wait3A_1159 : memref<32x1536xf32, #tpu.memory_space<hbm>>)
    %dma_wait3A_1164 = arith.constant 1 : i32
    %dma_wait3A_1165 = arith.constant 0 : i32
    %dma_wait3A_1166 = arith.constant 0 : i32
    %dma_wait3A_1167 = tpu.memref_slice %arg15[%dma_wait3A_1164, %dma_wait3A_1165, %dma_wait3A_1166] : memref<2x32x1536xf32, #tpu.memory_space<vmem>> -> memref<1x32x1536xf32, #tpu.memory_space<vmem>>
    %dma_wait3A_1168 = tpu.memref_squeeze %dma_wait3A_1167 : memref<1x32x1536xf32, #tpu.memory_space<vmem>> -> memref<32x1536xf32, #tpu.memory_space<vmem>>
    %dma_wait3A_1169 = arith.constant 0 : i32
    %dma_wait3A_1170 = tpu.memref_slice %arg6[%add3A_1137, %dma_wait3A_1169] : memref<24576x1536xf32, #tpu.memory_space<hbm>> -> memref<32x1536xf32, #tpu.memory_space<hbm>>
    %dma_wait3A_1171 = arith.constant 0 : i32
    %dma_wait3A_1172 = tpu.memref_slice %arg6[%add3A_1137, %dma_wait3A_1171] : memref<24576x1536xf32, #tpu.memory_space<hbm>> -> memref<32x1536xf32, #tpu.memory_space<hbm>>
    %dma_wait3A_1173 = arith.constant 0 : i32
    %dma_wait3A_1174 = arith.constant 0 : i32
    %dma_wait3A_1175 = tpu.memref_slice %arg15[%dma_wait3A_1164, %dma_wait3A_1173, %dma_wait3A_1174] : memref<2x32x1536xf32, #tpu.memory_space<vmem>> -> memref<1x32x1536xf32, #tpu.memory_space<vmem>>
    %dma_wait3A_1176 = tpu.memref_squeeze %dma_wait3A_1175 : memref<1x32x1536xf32, #tpu.memory_space<vmem>> -> memref<32x1536xf32, #tpu.memory_space<vmem>>
    tpu.wait_dma2 semaphore(%arg19 : memref<!tpu.dma_semaphore, #tpu.memory_space<semaphore_mem>>) src(%dma_wait3A_1176 : memref<32x1536xf32, #tpu.memory_space<vmem>>) dst(%dma_wait3A_1172 : memref<32x1536xf32, #tpu.memory_space<hbm>>)
    "tpu.trace_stop"() : () -> ()
    return
  }
}

#map = affine_map<(d0, d1) -> (0, 0)>
#map1 = affine_map<(d0, d1) -> (0)>
module attributes {stable_mosaic.version = 14 : i64} {
  func.func @_combine(%arg0: i32, %arg1: i32, %arg2: memref<24576x256xf32, #tpu.memory_space<hbm>>, %arg3: memref<16384xi32, #tpu.memory_space<hbm>>, %arg4: memref<2048x256xf32, #tpu.memory_space<hbm>>, %arg5: memref<512xi32, #tpu.memory_space<vmem>>, %arg6: memref<128x256xf32, #tpu.memory_space<vmem>>, %arg7: memref<64x256xf32, #tpu.memory_space<vmem>>, %arg8: memref<!tpu.dma_semaphore, #tpu.memory_space<semaphore_mem>>) attributes {dimension_semantics = [#tpu.dimension_semantics<core_parallel>, #tpu.dimension_semantics<subcore_parallel>], iteration_bounds = array<i64: 2, 16>, scalar_prefetch = 0 : i64, scratch_operands = 4 : i64, tpu.core_type = #tpu.core_type<sc_vector_subcore>, window_params = [{transform_indices = #map}, {transform_indices = #map1}, {transform_indices = #map}]} {
    %mul3A = arith.constant 2 : i32
    %mul3A_0 = arith.muli %arg1, %mul3A : i32
    %add3A = arith.addi %mul3A_0, %arg0 : i32
    %mul3A_1 = arith.constant 512 : i32
    %mul3A_2 = arith.muli %add3A, %mul3A_1 : i32
    "tpu.region"() ({
      %run_scoped3A = tpu.sem_alloc : memref<!tpu.dma_semaphore, #tpu.memory_space<semaphore_mem>>
      %dma_start3A_70 = tpu.memref_slice %arg3[%mul3A_2] : memref<16384xi32, #tpu.memory_space<hbm>> -> memref<512xi32, #tpu.memory_space<hbm>>
      %dma_start3A_71 = tpu.memref_slice %arg3[%mul3A_2] : memref<16384xi32, #tpu.memory_space<hbm>> -> memref<512xi32, #tpu.memory_space<hbm>>
      tpu.enqueue_dma source(%dma_start3A_71 : memref<512xi32, #tpu.memory_space<hbm>>) target(%arg5 : memref<512xi32, #tpu.memory_space<vmem>>) target_semaphore(%run_scoped3A : memref<!tpu.dma_semaphore, #tpu.memory_space<semaphore_mem>>)
      %dma_wait3A_72 = tpu.memref_slice %arg3[%mul3A_2] : memref<16384xi32, #tpu.memory_space<hbm>> -> memref<512xi32, #tpu.memory_space<hbm>>
      %dma_wait3A_73 = tpu.memref_slice %arg3[%mul3A_2] : memref<16384xi32, #tpu.memory_space<hbm>> -> memref<512xi32, #tpu.memory_space<hbm>>
      tpu.wait_dma2 semaphore(%run_scoped3A : memref<!tpu.dma_semaphore, #tpu.memory_space<semaphore_mem>>) src(%dma_wait3A_73 : memref<512xi32, #tpu.memory_space<hbm>>) dst(%arg5 : memref<512xi32, #tpu.memory_space<vmem>>)
      tpu.yield
    }) : () -> ()
    %dma_start3A = arith.constant 0 : i32
    %dma_start3A_3 = tpu.memref_slice %arg5[%dma_start3A] : memref<512xi32, #tpu.memory_space<vmem>> -> memref<128xi32, #tpu.memory_space<vmem>>
    %dma_start3A_4 = arith.constant 0 : i32
    %dma_start3A_5 = arith.constant 0 : i32
    %dma_start3A_6 = tpu.memref_slice %arg2[%dma_start3A_4, %dma_start3A_5] : memref<24576x256xf32, #tpu.memory_space<hbm>> -> memref<24576x256xf32, #tpu.memory_space<hbm>>
    tpu.enqueue_indirect_dma source(%dma_start3A_6 : memref<24576x256xf32, #tpu.memory_space<hbm>>) target(%arg6 : memref<128x256xf32, #tpu.memory_space<vmem>>) offsets(%dma_start3A_3 : memref<128xi32, #tpu.memory_space<vmem>>) semaphore(%arg8 : memref<!tpu.dma_semaphore, #tpu.memory_space<semaphore_mem>>)
    %dma_wait3A = arith.constant 0 : i32
    %dma_wait3A_7 = tpu.memref_slice %arg5[%dma_wait3A] : memref<512xi32, #tpu.memory_space<vmem>> -> memref<128xi32, #tpu.memory_space<vmem>>
    %dma_wait3A_8 = arith.constant 0 : i32
    %dma_wait3A_9 = arith.constant 0 : i32
    %dma_wait3A_10 = tpu.memref_slice %arg2[%dma_wait3A_8, %dma_wait3A_9] : memref<24576x256xf32, #tpu.memory_space<hbm>> -> memref<24576x256xf32, #tpu.memory_space<hbm>>
    tpu.wait_indirect_dma semaphore(%arg8 : memref<!tpu.dma_semaphore, #tpu.memory_space<semaphore_mem>>) src(%dma_wait3A_10 : memref<24576x256xf32, #tpu.memory_space<hbm>>) dst(%arg6 : memref<128x256xf32, #tpu.memory_space<vmem>>)
    %scan3A = arith.constant 0 : i32
    %scan3A_11 = arith.constant 0 : i32
    %scan3A_12 = arith.constant 16 : i32
    %scan3A_13 = arith.addi %scan3A_11, %scan3A_12 : i32
    %scan3A_14 = arith.constant 1 : i32
    %scan3A_15 = scf.for %scan3A_70 = %scan3A_11 to %scan3A_13 step %scan3A_14 iter_args(%scan3A_71 = %scan3A) -> (i32)  : i32 {
      %scan3A_72 = arith.constant 0 : i32
      %scan3A_73 = arith.constant 0 : i32
      %scan3A_74 = arith.constant 12 : i32
      %scan3A_75 = arith.addi %scan3A_73, %scan3A_74 : i32
      %scan3A_76 = arith.constant 1 : i32
      %scan3A_77 = scf.for %scan3A_80 = %scan3A_73 to %scan3A_75 step %scan3A_76 iter_args(%scan3A_81 = %scan3A_72) -> (i32)  : i32 {
        %mul3A_82 = arith.constant 16 : i32
        %mul3A_83 = arith.muli %scan3A_80, %mul3A_82 : i32
        %mul3A_84 = arith.constant 8 : i32
        %mul3A_85 = arith.muli %scan3A_70, %mul3A_84 : i32
        %add3A_86 = arith.constant 0 : i32
        %add3A_87 = arith.addi %mul3A_85, %add3A_86 : i32
        %get3A = arith.index_cast %add3A_87 : i32 to index
        %get3A_88 = arith.index_cast %mul3A_83 : i32 to index
        %get3A_89 = tpu.vector_load %arg6[%get3A, %get3A_88] {strides = array<i32>} : memref<128x256xf32, #tpu.memory_space<vmem>>, vector<16xf32>,
        %mul3A_90 = arith.constant 8 : i32
        %mul3A_91 = arith.muli %scan3A_70, %mul3A_90 : i32
        %add3A_92 = arith.constant 1 : i32
        %add3A_93 = arith.addi %mul3A_91, %add3A_92 : i32
        %get3A_94 = arith.index_cast %add3A_93 : i32 to index
        %get3A_95 = arith.index_cast %mul3A_83 : i32 to index
        %get3A_96 = tpu.vector_load %arg6[%get3A_94, %get3A_95] {strides = array<i32>} : memref<128x256xf32, #tpu.memory_space<vmem>>, vector<16xf32>,
        %add3A_97 = arith.addf %get3A_89, %get3A_96 : vector<16xf32>
        %mul3A_98 = arith.constant 8 : i32
        %mul3A_99 = arith.muli %scan3A_70, %mul3A_98 : i32
        %add3A_100 = arith.constant 2 : i32
        %add3A_101 = arith.addi %mul3A_99, %add3A_100 : i32
        %get3A_102 = arith.index_cast %add3A_101 : i32 to index
        %get3A_103 = arith.index_cast %mul3A_83 : i32 to index
        %get3A_104 = tpu.vector_load %arg6[%get3A_102, %get3A_103] {strides = array<i32>} : memref<128x256xf32, #tpu.memory_space<vmem>>, vector<16xf32>,
        %add3A_105 = arith.addf %add3A_97, %get3A_104 : vector<16xf32>
        %mul3A_106 = arith.constant 8 : i32
        %mul3A_107 = arith.muli %scan3A_70, %mul3A_106 : i32
        %add3A_108 = arith.constant 3 : i32
        %add3A_109 = arith.addi %mul3A_107, %add3A_108 : i32
        %get3A_110 = arith.index_cast %add3A_109 : i32 to index
        %get3A_111 = arith.index_cast %mul3A_83 : i32 to index
        %get3A_112 = tpu.vector_load %arg6[%get3A_110, %get3A_111] {strides = array<i32>} : memref<128x256xf32, #tpu.memory_space<vmem>>, vector<16xf32>,
        %add3A_113 = arith.addf %add3A_105, %get3A_112 : vector<16xf32>
        %mul3A_114 = arith.constant 8 : i32
        %mul3A_115 = arith.muli %scan3A_70, %mul3A_114 : i32
        %add3A_116 = arith.constant 4 : i32
        %add3A_117 = arith.addi %mul3A_115, %add3A_116 : i32
        %get3A_118 = arith.index_cast %add3A_117 : i32 to index
        %get3A_119 = arith.index_cast %mul3A_83 : i32 to index
        %get3A_120 = tpu.vector_load %arg6[%get3A_118, %get3A_119] {strides = array<i32>} : memref<128x256xf32, #tpu.memory_space<vmem>>, vector<16xf32>,
        %add3A_121 = arith.addf %add3A_113, %get3A_120 : vector<16xf32>
        %mul3A_122 = arith.constant 8 : i32
        %mul3A_123 = arith.muli %scan3A_70, %mul3A_122 : i32
        %add3A_124 = arith.constant 5 : i32
        %add3A_125 = arith.addi %mul3A_123, %add3A_124 : i32
        %get3A_126 = arith.index_cast %add3A_125 : i32 to index
        %get3A_127 = arith.index_cast %mul3A_83 : i32 to index
        %get3A_128 = tpu.vector_load %arg6[%get3A_126, %get3A_127] {strides = array<i32>} : memref<128x256xf32, #tpu.memory_space<vmem>>, vector<16xf32>,
        %add3A_129 = arith.addf %add3A_121, %get3A_128 : vector<16xf32>
        %mul3A_130 = arith.constant 8 : i32
        %mul3A_131 = arith.muli %scan3A_70, %mul3A_130 : i32
        %add3A_132 = arith.constant 6 : i32
        %add3A_133 = arith.addi %mul3A_131, %add3A_132 : i32
        %get3A_134 = arith.index_cast %add3A_133 : i32 to index
        %get3A_135 = arith.index_cast %mul3A_83 : i32 to index
        %get3A_136 = tpu.vector_load %arg6[%get3A_134, %get3A_135] {strides = array<i32>} : memref<128x256xf32, #tpu.memory_space<vmem>>, vector<16xf32>,
        %add3A_137 = arith.addf %add3A_129, %get3A_136 : vector<16xf32>
        %mul3A_138 = arith.constant 8 : i32
        %mul3A_139 = arith.muli %scan3A_70, %mul3A_138 : i32
        %add3A_140 = arith.constant 7 : i32
        %add3A_141 = arith.addi %mul3A_139, %add3A_140 : i32
        %get3A_142 = arith.index_cast %add3A_141 : i32 to index
        %get3A_143 = arith.index_cast %mul3A_83 : i32 to index
        %get3A_144 = tpu.vector_load %arg6[%get3A_142, %get3A_143] {strides = array<i32>} : memref<128x256xf32, #tpu.memory_space<vmem>>, vector<16xf32>,
        %add3A_145 = arith.addf %add3A_137, %get3A_144 : vector<16xf32>
        %add3A_146 = arith.constant 0 : i32
        %add3A_147 = arith.addi %add3A_146, %scan3A_70 : i32
        %swap3A = arith.index_cast %add3A_147 : i32 to index
        %swap3A_148 = arith.index_cast %mul3A_83 : i32 to index
        %swap3A_149 = tpu.vector_load %arg7[%swap3A, %swap3A_148] {strides = array<i32>} : memref<64x256xf32, #tpu.memory_space<vmem>>, vector<16xf32>,
        tpu.vector_store %arg7[%swap3A, %swap3A_148], %add3A_145 {strides = array<i32>} : memref<64x256xf32, #tpu.memory_space<vmem>>, vector<16xf32>,
        %scan3A_150 = arith.constant 0 : i32
        scf.yield %scan3A_150 : i32
      }
      %scan3A_78 = arith.constant 12 : i32
      %scan3A_79 = arith.constant 0 : i32
      scf.yield %scan3A_79 : i32
    }
    %scan3A_16 = arith.constant 16 : i32
    %dma_start3A_17 = arith.constant 128 : i32
    %dma_start3A_18 = tpu.memref_slice %arg5[%dma_start3A_17] : memref<512xi32, #tpu.memory_space<vmem>> -> memref<128xi32, #tpu.memory_space<vmem>>
    %dma_start3A_19 = arith.constant 0 : i32
    %dma_start3A_20 = arith.constant 0 : i32
    %dma_start3A_21 = tpu.memref_slice %arg2[%dma_start3A_19, %dma_start3A_20] : memref<24576x256xf32, #tpu.memory_space<hbm>> -> memref<24576x256xf32, #tpu.memory_space<hbm>>
    tpu.enqueue_indirect_dma source(%dma_start3A_21 : memref<24576x256xf32, #tpu.memory_space<hbm>>) target(%arg6 : memref<128x256xf32, #tpu.memory_space<vmem>>) offsets(%dma_start3A_18 : memref<128xi32, #tpu.memory_space<vmem>>) semaphore(%arg8 : memref<!tpu.dma_semaphore, #tpu.memory_space<semaphore_mem>>)
    %dma_wait3A_22 = arith.constant 128 : i32
    %dma_wait3A_23 = tpu.memref_slice %arg5[%dma_wait3A_22] : memref<512xi32, #tpu.memory_space<vmem>> -> memref<128xi32, #tpu.memory_space<vmem>>
    %dma_wait3A_24 = arith.constant 0 : i32
    %dma_wait3A_25 = arith.constant 0 : i32
    %dma_wait3A_26 = tpu.memref_slice %arg2[%dma_wait3A_24, %dma_wait3A_25] : memref<24576x256xf32, #tpu.memory_space<hbm>> -> memref<24576x256xf32, #tpu.memory_space<hbm>>
    tpu.wait_indirect_dma semaphore(%arg8 : memref<!tpu.dma_semaphore, #tpu.memory_space<semaphore_mem>>) src(%dma_wait3A_26 : memref<24576x256xf32, #tpu.memory_space<hbm>>) dst(%arg6 : memref<128x256xf32, #tpu.memory_space<vmem>>)
    %scan3A_27 = arith.constant 0 : i32
    %scan3A_28 = arith.constant 0 : i32
    %scan3A_29 = arith.constant 16 : i32
    %scan3A_30 = arith.addi %scan3A_28, %scan3A_29 : i32
    %scan3A_31 = arith.constant 1 : i32
    %scan3A_32 = scf.for %scan3A_70 = %scan3A_28 to %scan3A_30 step %scan3A_31 iter_args(%scan3A_71 = %scan3A_27) -> (i32)  : i32 {
      %scan3A_72 = arith.constant 0 : i32
      %scan3A_73 = arith.constant 0 : i32
      %scan3A_74 = arith.constant 12 : i32
      %scan3A_75 = arith.addi %scan3A_73, %scan3A_74 : i32
      %scan3A_76 = arith.constant 1 : i32
      %scan3A_77 = scf.for %scan3A_80 = %scan3A_73 to %scan3A_75 step %scan3A_76 iter_args(%scan3A_81 = %scan3A_72) -> (i32)  : i32 {
        %mul3A_82 = arith.constant 16 : i32
        %mul3A_83 = arith.muli %scan3A_80, %mul3A_82 : i32
        %mul3A_84 = arith.constant 8 : i32
        %mul3A_85 = arith.muli %scan3A_70, %mul3A_84 : i32
        %add3A_86 = arith.constant 0 : i32
        %add3A_87 = arith.addi %mul3A_85, %add3A_86 : i32
        %get3A = arith.index_cast %add3A_87 : i32 to index
        %get3A_88 = arith.index_cast %mul3A_83 : i32 to index
        %get3A_89 = tpu.vector_load %arg6[%get3A, %get3A_88] {strides = array<i32>} : memref<128x256xf32, #tpu.memory_space<vmem>>, vector<16xf32>,
        %mul3A_90 = arith.constant 8 : i32
        %mul3A_91 = arith.muli %scan3A_70, %mul3A_90 : i32
        %add3A_92 = arith.constant 1 : i32
        %add3A_93 = arith.addi %mul3A_91, %add3A_92 : i32
        %get3A_94 = arith.index_cast %add3A_93 : i32 to index
        %get3A_95 = arith.index_cast %mul3A_83 : i32 to index
        %get3A_96 = tpu.vector_load %arg6[%get3A_94, %get3A_95] {strides = array<i32>} : memref<128x256xf32, #tpu.memory_space<vmem>>, vector<16xf32>,
        %add3A_97 = arith.addf %get3A_89, %get3A_96 : vector<16xf32>
        %mul3A_98 = arith.constant 8 : i32
        %mul3A_99 = arith.muli %scan3A_70, %mul3A_98 : i32
        %add3A_100 = arith.constant 2 : i32
        %add3A_101 = arith.addi %mul3A_99, %add3A_100 : i32
        %get3A_102 = arith.index_cast %add3A_101 : i32 to index
        %get3A_103 = arith.index_cast %mul3A_83 : i32 to index
        %get3A_104 = tpu.vector_load %arg6[%get3A_102, %get3A_103] {strides = array<i32>} : memref<128x256xf32, #tpu.memory_space<vmem>>, vector<16xf32>,
        %add3A_105 = arith.addf %add3A_97, %get3A_104 : vector<16xf32>
        %mul3A_106 = arith.constant 8 : i32
        %mul3A_107 = arith.muli %scan3A_70, %mul3A_106 : i32
        %add3A_108 = arith.constant 3 : i32
        %add3A_109 = arith.addi %mul3A_107, %add3A_108 : i32
        %get3A_110 = arith.index_cast %add3A_109 : i32 to index
        %get3A_111 = arith.index_cast %mul3A_83 : i32 to index
        %get3A_112 = tpu.vector_load %arg6[%get3A_110, %get3A_111] {strides = array<i32>} : memref<128x256xf32, #tpu.memory_space<vmem>>, vector<16xf32>,
        %add3A_113 = arith.addf %add3A_105, %get3A_112 : vector<16xf32>
        %mul3A_114 = arith.constant 8 : i32
        %mul3A_115 = arith.muli %scan3A_70, %mul3A_114 : i32
        %add3A_116 = arith.constant 4 : i32
        %add3A_117 = arith.addi %mul3A_115, %add3A_116 : i32
        %get3A_118 = arith.index_cast %add3A_117 : i32 to index
        %get3A_119 = arith.index_cast %mul3A_83 : i32 to index
        %get3A_120 = tpu.vector_load %arg6[%get3A_118, %get3A_119] {strides = array<i32>} : memref<128x256xf32, #tpu.memory_space<vmem>>, vector<16xf32>,
        %add3A_121 = arith.addf %add3A_113, %get3A_120 : vector<16xf32>
        %mul3A_122 = arith.constant 8 : i32
        %mul3A_123 = arith.muli %scan3A_70, %mul3A_122 : i32
        %add3A_124 = arith.constant 5 : i32
        %add3A_125 = arith.addi %mul3A_123, %add3A_124 : i32
        %get3A_126 = arith.index_cast %add3A_125 : i32 to index
        %get3A_127 = arith.index_cast %mul3A_83 : i32 to index
        %get3A_128 = tpu.vector_load %arg6[%get3A_126, %get3A_127] {strides = array<i32>} : memref<128x256xf32, #tpu.memory_space<vmem>>, vector<16xf32>,
        %add3A_129 = arith.addf %add3A_121, %get3A_128 : vector<16xf32>
        %mul3A_130 = arith.constant 8 : i32
        %mul3A_131 = arith.muli %scan3A_70, %mul3A_130 : i32
        %add3A_132 = arith.constant 6 : i32
        %add3A_133 = arith.addi %mul3A_131, %add3A_132 : i32
        %get3A_134 = arith.index_cast %add3A_133 : i32 to index
        %get3A_135 = arith.index_cast %mul3A_83 : i32 to index
        %get3A_136 = tpu.vector_load %arg6[%get3A_134, %get3A_135] {strides = array<i32>} : memref<128x256xf32, #tpu.memory_space<vmem>>, vector<16xf32>,
        %add3A_137 = arith.addf %add3A_129, %get3A_136 : vector<16xf32>
        %mul3A_138 = arith.constant 8 : i32
        %mul3A_139 = arith.muli %scan3A_70, %mul3A_138 : i32
        %add3A_140 = arith.constant 7 : i32
        %add3A_141 = arith.addi %mul3A_139, %add3A_140 : i32
        %get3A_142 = arith.index_cast %add3A_141 : i32 to index
        %get3A_143 = arith.index_cast %mul3A_83 : i32 to index
        %get3A_144 = tpu.vector_load %arg6[%get3A_142, %get3A_143] {strides = array<i32>} : memref<128x256xf32, #tpu.memory_space<vmem>>, vector<16xf32>,
        %add3A_145 = arith.addf %add3A_137, %get3A_144 : vector<16xf32>
        %add3A_146 = arith.constant 16 : i32
        %add3A_147 = arith.addi %add3A_146, %scan3A_70 : i32
        %swap3A = arith.index_cast %add3A_147 : i32 to index
        %swap3A_148 = arith.index_cast %mul3A_83 : i32 to index
        %swap3A_149 = tpu.vector_load %arg7[%swap3A, %swap3A_148] {strides = array<i32>} : memref<64x256xf32, #tpu.memory_space<vmem>>, vector<16xf32>,
        tpu.vector_store %arg7[%swap3A, %swap3A_148], %add3A_145 {strides = array<i32>} : memref<64x256xf32, #tpu.memory_space<vmem>>, vector<16xf32>,
        %scan3A_150 = arith.constant 0 : i32
        scf.yield %scan3A_150 : i32
      }
      %scan3A_78 = arith.constant 12 : i32
      %scan3A_79 = arith.constant 0 : i32
      scf.yield %scan3A_79 : i32
    }
    %scan3A_33 = arith.constant 16 : i32
    %dma_start3A_34 = arith.constant 256 : i32
    %dma_start3A_35 = tpu.memref_slice %arg5[%dma_start3A_34] : memref<512xi32, #tpu.memory_space<vmem>> -> memref<128xi32, #tpu.memory_space<vmem>>
    %dma_start3A_36 = arith.constant 0 : i32
    %dma_start3A_37 = arith.constant 0 : i32
    %dma_start3A_38 = tpu.memref_slice %arg2[%dma_start3A_36, %dma_start3A_37] : memref<24576x256xf32, #tpu.memory_space<hbm>> -> memref<24576x256xf32, #tpu.memory_space<hbm>>
    tpu.enqueue_indirect_dma source(%dma_start3A_38 : memref<24576x256xf32, #tpu.memory_space<hbm>>) target(%arg6 : memref<128x256xf32, #tpu.memory_space<vmem>>) offsets(%dma_start3A_35 : memref<128xi32, #tpu.memory_space<vmem>>) semaphore(%arg8 : memref<!tpu.dma_semaphore, #tpu.memory_space<semaphore_mem>>)
    %dma_wait3A_39 = arith.constant 256 : i32
    %dma_wait3A_40 = tpu.memref_slice %arg5[%dma_wait3A_39] : memref<512xi32, #tpu.memory_space<vmem>> -> memref<128xi32, #tpu.memory_space<vmem>>
    %dma_wait3A_41 = arith.constant 0 : i32
    %dma_wait3A_42 = arith.constant 0 : i32
    %dma_wait3A_43 = tpu.memref_slice %arg2[%dma_wait3A_41, %dma_wait3A_42] : memref<24576x256xf32, #tpu.memory_space<hbm>> -> memref<24576x256xf32, #tpu.memory_space<hbm>>
    tpu.wait_indirect_dma semaphore(%arg8 : memref<!tpu.dma_semaphore, #tpu.memory_space<semaphore_mem>>) src(%dma_wait3A_43 : memref<24576x256xf32, #tpu.memory_space<hbm>>) dst(%arg6 : memref<128x256xf32, #tpu.memory_space<vmem>>)
    %scan3A_44 = arith.constant 0 : i32
    %scan3A_45 = arith.constant 0 : i32
    %scan3A_46 = arith.constant 16 : i32
    %scan3A_47 = arith.addi %scan3A_45, %scan3A_46 : i32
    %scan3A_48 = arith.constant 1 : i32
    %scan3A_49 = scf.for %scan3A_70 = %scan3A_45 to %scan3A_47 step %scan3A_48 iter_args(%scan3A_71 = %scan3A_44) -> (i32)  : i32 {
      %scan3A_72 = arith.constant 0 : i32
      %scan3A_73 = arith.constant 0 : i32
      %scan3A_74 = arith.constant 12 : i32
      %scan3A_75 = arith.addi %scan3A_73, %scan3A_74 : i32
      %scan3A_76 = arith.constant 1 : i32
      %scan3A_77 = scf.for %scan3A_80 = %scan3A_73 to %scan3A_75 step %scan3A_76 iter_args(%scan3A_81 = %scan3A_72) -> (i32)  : i32 {
        %mul3A_82 = arith.constant 16 : i32
        %mul3A_83 = arith.muli %scan3A_80, %mul3A_82 : i32
        %mul3A_84 = arith.constant 8 : i32
        %mul3A_85 = arith.muli %scan3A_70, %mul3A_84 : i32
        %add3A_86 = arith.constant 0 : i32
        %add3A_87 = arith.addi %mul3A_85, %add3A_86 : i32
        %get3A = arith.index_cast %add3A_87 : i32 to index
        %get3A_88 = arith.index_cast %mul3A_83 : i32 to index
        %get3A_89 = tpu.vector_load %arg6[%get3A, %get3A_88] {strides = array<i32>} : memref<128x256xf32, #tpu.memory_space<vmem>>, vector<16xf32>,
        %mul3A_90 = arith.constant 8 : i32
        %mul3A_91 = arith.muli %scan3A_70, %mul3A_90 : i32
        %add3A_92 = arith.constant 1 : i32
        %add3A_93 = arith.addi %mul3A_91, %add3A_92 : i32
        %get3A_94 = arith.index_cast %add3A_93 : i32 to index
        %get3A_95 = arith.index_cast %mul3A_83 : i32 to index
        %get3A_96 = tpu.vector_load %arg6[%get3A_94, %get3A_95] {strides = array<i32>} : memref<128x256xf32, #tpu.memory_space<vmem>>, vector<16xf32>,
        %add3A_97 = arith.addf %get3A_89, %get3A_96 : vector<16xf32>
        %mul3A_98 = arith.constant 8 : i32
        %mul3A_99 = arith.muli %scan3A_70, %mul3A_98 : i32
        %add3A_100 = arith.constant 2 : i32
        %add3A_101 = arith.addi %mul3A_99, %add3A_100 : i32
        %get3A_102 = arith.index_cast %add3A_101 : i32 to index
        %get3A_103 = arith.index_cast %mul3A_83 : i32 to index
        %get3A_104 = tpu.vector_load %arg6[%get3A_102, %get3A_103] {strides = array<i32>} : memref<128x256xf32, #tpu.memory_space<vmem>>, vector<16xf32>,
        %add3A_105 = arith.addf %add3A_97, %get3A_104 : vector<16xf32>
        %mul3A_106 = arith.constant 8 : i32
        %mul3A_107 = arith.muli %scan3A_70, %mul3A_106 : i32
        %add3A_108 = arith.constant 3 : i32
        %add3A_109 = arith.addi %mul3A_107, %add3A_108 : i32
        %get3A_110 = arith.index_cast %add3A_109 : i32 to index
        %get3A_111 = arith.index_cast %mul3A_83 : i32 to index
        %get3A_112 = tpu.vector_load %arg6[%get3A_110, %get3A_111] {strides = array<i32>} : memref<128x256xf32, #tpu.memory_space<vmem>>, vector<16xf32>,
        %add3A_113 = arith.addf %add3A_105, %get3A_112 : vector<16xf32>
        %mul3A_114 = arith.constant 8 : i32
        %mul3A_115 = arith.muli %scan3A_70, %mul3A_114 : i32
        %add3A_116 = arith.constant 4 : i32
        %add3A_117 = arith.addi %mul3A_115, %add3A_116 : i32
        %get3A_118 = arith.index_cast %add3A_117 : i32 to index
        %get3A_119 = arith.index_cast %mul3A_83 : i32 to index
        %get3A_120 = tpu.vector_load %arg6[%get3A_118, %get3A_119] {strides = array<i32>} : memref<128x256xf32, #tpu.memory_space<vmem>>, vector<16xf32>,
        %add3A_121 = arith.addf %add3A_113, %get3A_120 : vector<16xf32>
        %mul3A_122 = arith.constant 8 : i32
        %mul3A_123 = arith.muli %scan3A_70, %mul3A_122 : i32
        %add3A_124 = arith.constant 5 : i32
        %add3A_125 = arith.addi %mul3A_123, %add3A_124 : i32
        %get3A_126 = arith.index_cast %add3A_125 : i32 to index
        %get3A_127 = arith.index_cast %mul3A_83 : i32 to index
        %get3A_128 = tpu.vector_load %arg6[%get3A_126, %get3A_127] {strides = array<i32>} : memref<128x256xf32, #tpu.memory_space<vmem>>, vector<16xf32>,
        %add3A_129 = arith.addf %add3A_121, %get3A_128 : vector<16xf32>
        %mul3A_130 = arith.constant 8 : i32
        %mul3A_131 = arith.muli %scan3A_70, %mul3A_130 : i32
        %add3A_132 = arith.constant 6 : i32
        %add3A_133 = arith.addi %mul3A_131, %add3A_132 : i32
        %get3A_134 = arith.index_cast %add3A_133 : i32 to index
        %get3A_135 = arith.index_cast %mul3A_83 : i32 to index
        %get3A_136 = tpu.vector_load %arg6[%get3A_134, %get3A_135] {strides = array<i32>} : memref<128x256xf32, #tpu.memory_space<vmem>>, vector<16xf32>,
        %add3A_137 = arith.addf %add3A_129, %get3A_136 : vector<16xf32>
        %mul3A_138 = arith.constant 8 : i32
        %mul3A_139 = arith.muli %scan3A_70, %mul3A_138 : i32
        %add3A_140 = arith.constant 7 : i32
        %add3A_141 = arith.addi %mul3A_139, %add3A_140 : i32
        %get3A_142 = arith.index_cast %add3A_141 : i32 to index
        %get3A_143 = arith.index_cast %mul3A_83 : i32 to index
        %get3A_144 = tpu.vector_load %arg6[%get3A_142, %get3A_143] {strides = array<i32>} : memref<128x256xf32, #tpu.memory_space<vmem>>, vector<16xf32>,
        %add3A_145 = arith.addf %add3A_137, %get3A_144 : vector<16xf32>
        %add3A_146 = arith.constant 32 : i32
        %add3A_147 = arith.addi %add3A_146, %scan3A_70 : i32
        %swap3A = arith.index_cast %add3A_147 : i32 to index
        %swap3A_148 = arith.index_cast %mul3A_83 : i32 to index
        %swap3A_149 = tpu.vector_load %arg7[%swap3A, %swap3A_148] {strides = array<i32>} : memref<64x256xf32, #tpu.memory_space<vmem>>, vector<16xf32>,
        tpu.vector_store %arg7[%swap3A, %swap3A_148], %add3A_145 {strides = array<i32>} : memref<64x256xf32, #tpu.memory_space<vmem>>, vector<16xf32>,
        %scan3A_150 = arith.constant 0 : i32
        scf.yield %scan3A_150 : i32
      }
      %scan3A_78 = arith.constant 12 : i32
      %scan3A_79 = arith.constant 0 : i32
      scf.yield %scan3A_79 : i32
    }
    %scan3A_50 = arith.constant 16 : i32
    %dma_start3A_51 = arith.constant 384 : i32
    %dma_start3A_52 = tpu.memref_slice %arg5[%dma_start3A_51] : memref<512xi32, #tpu.memory_space<vmem>> -> memref<128xi32, #tpu.memory_space<vmem>>
    %dma_start3A_53 = arith.constant 0 : i32
    %dma_start3A_54 = arith.constant 0 : i32
    %dma_start3A_55 = tpu.memref_slice %arg2[%dma_start3A_53, %dma_start3A_54] : memref<24576x256xf32, #tpu.memory_space<hbm>> -> memref<24576x256xf32, #tpu.memory_space<hbm>>
    tpu.enqueue_indirect_dma source(%dma_start3A_55 : memref<24576x256xf32, #tpu.memory_space<hbm>>) target(%arg6 : memref<128x256xf32, #tpu.memory_space<vmem>>) offsets(%dma_start3A_52 : memref<128xi32, #tpu.memory_space<vmem>>) semaphore(%arg8 : memref<!tpu.dma_semaphore, #tpu.memory_space<semaphore_mem>>)
    %dma_wait3A_56 = arith.constant 384 : i32
    %dma_wait3A_57 = tpu.memref_slice %arg5[%dma_wait3A_56] : memref<512xi32, #tpu.memory_space<vmem>> -> memref<128xi32, #tpu.memory_space<vmem>>
    %dma_wait3A_58 = arith.constant 0 : i32
    %dma_wait3A_59 = arith.constant 0 : i32
    %dma_wait3A_60 = tpu.memref_slice %arg2[%dma_wait3A_58, %dma_wait3A_59] : memref<24576x256xf32, #tpu.memory_space<hbm>> -> memref<24576x256xf32, #tpu.memory_space<hbm>>
    tpu.wait_indirect_dma semaphore(%arg8 : memref<!tpu.dma_semaphore, #tpu.memory_space<semaphore_mem>>) src(%dma_wait3A_60 : memref<24576x256xf32, #tpu.memory_space<hbm>>) dst(%arg6 : memref<128x256xf32, #tpu.memory_space<vmem>>)
    %scan3A_61 = arith.constant 0 : i32
    %scan3A_62 = arith.constant 0 : i32
    %scan3A_63 = arith.constant 16 : i32
    %scan3A_64 = arith.addi %scan3A_62, %scan3A_63 : i32
    %scan3A_65 = arith.constant 1 : i32
    %scan3A_66 = scf.for %scan3A_70 = %scan3A_62 to %scan3A_64 step %scan3A_65 iter_args(%scan3A_71 = %scan3A_61) -> (i32)  : i32 {
      %scan3A_72 = arith.constant 0 : i32
      %scan3A_73 = arith.constant 0 : i32
      %scan3A_74 = arith.constant 12 : i32
      %scan3A_75 = arith.addi %scan3A_73, %scan3A_74 : i32
      %scan3A_76 = arith.constant 1 : i32
      %scan3A_77 = scf.for %scan3A_80 = %scan3A_73 to %scan3A_75 step %scan3A_76 iter_args(%scan3A_81 = %scan3A_72) -> (i32)  : i32 {
        %mul3A_82 = arith.constant 16 : i32
        %mul3A_83 = arith.muli %scan3A_80, %mul3A_82 : i32
        %mul3A_84 = arith.constant 8 : i32
        %mul3A_85 = arith.muli %scan3A_70, %mul3A_84 : i32
        %add3A_86 = arith.constant 0 : i32
        %add3A_87 = arith.addi %mul3A_85, %add3A_86 : i32
        %get3A = arith.index_cast %add3A_87 : i32 to index
        %get3A_88 = arith.index_cast %mul3A_83 : i32 to index
        %get3A_89 = tpu.vector_load %arg6[%get3A, %get3A_88] {strides = array<i32>} : memref<128x256xf32, #tpu.memory_space<vmem>>, vector<16xf32>,
        %mul3A_90 = arith.constant 8 : i32
        %mul3A_91 = arith.muli %scan3A_70, %mul3A_90 : i32
        %add3A_92 = arith.constant 1 : i32
        %add3A_93 = arith.addi %mul3A_91, %add3A_92 : i32
        %get3A_94 = arith.index_cast %add3A_93 : i32 to index
        %get3A_95 = arith.index_cast %mul3A_83 : i32 to index
        %get3A_96 = tpu.vector_load %arg6[%get3A_94, %get3A_95] {strides = array<i32>} : memref<128x256xf32, #tpu.memory_space<vmem>>, vector<16xf32>,
        %add3A_97 = arith.addf %get3A_89, %get3A_96 : vector<16xf32>
        %mul3A_98 = arith.constant 8 : i32
        %mul3A_99 = arith.muli %scan3A_70, %mul3A_98 : i32
        %add3A_100 = arith.constant 2 : i32
        %add3A_101 = arith.addi %mul3A_99, %add3A_100 : i32
        %get3A_102 = arith.index_cast %add3A_101 : i32 to index
        %get3A_103 = arith.index_cast %mul3A_83 : i32 to index
        %get3A_104 = tpu.vector_load %arg6[%get3A_102, %get3A_103] {strides = array<i32>} : memref<128x256xf32, #tpu.memory_space<vmem>>, vector<16xf32>,
        %add3A_105 = arith.addf %add3A_97, %get3A_104 : vector<16xf32>
        %mul3A_106 = arith.constant 8 : i32
        %mul3A_107 = arith.muli %scan3A_70, %mul3A_106 : i32
        %add3A_108 = arith.constant 3 : i32
        %add3A_109 = arith.addi %mul3A_107, %add3A_108 : i32
        %get3A_110 = arith.index_cast %add3A_109 : i32 to index
        %get3A_111 = arith.index_cast %mul3A_83 : i32 to index
        %get3A_112 = tpu.vector_load %arg6[%get3A_110, %get3A_111] {strides = array<i32>} : memref<128x256xf32, #tpu.memory_space<vmem>>, vector<16xf32>,
        %add3A_113 = arith.addf %add3A_105, %get3A_112 : vector<16xf32>
        %mul3A_114 = arith.constant 8 : i32
        %mul3A_115 = arith.muli %scan3A_70, %mul3A_114 : i32
        %add3A_116 = arith.constant 4 : i32
        %add3A_117 = arith.addi %mul3A_115, %add3A_116 : i32
        %get3A_118 = arith.index_cast %add3A_117 : i32 to index
        %get3A_119 = arith.index_cast %mul3A_83 : i32 to index
        %get3A_120 = tpu.vector_load %arg6[%get3A_118, %get3A_119] {strides = array<i32>} : memref<128x256xf32, #tpu.memory_space<vmem>>, vector<16xf32>,
        %add3A_121 = arith.addf %add3A_113, %get3A_120 : vector<16xf32>
        %mul3A_122 = arith.constant 8 : i32
        %mul3A_123 = arith.muli %scan3A_70, %mul3A_122 : i32
        %add3A_124 = arith.constant 5 : i32
        %add3A_125 = arith.addi %mul3A_123, %add3A_124 : i32
        %get3A_126 = arith.index_cast %add3A_125 : i32 to index
        %get3A_127 = arith.index_cast %mul3A_83 : i32 to index
        %get3A_128 = tpu.vector_load %arg6[%get3A_126, %get3A_127] {strides = array<i32>} : memref<128x256xf32, #tpu.memory_space<vmem>>, vector<16xf32>,
        %add3A_129 = arith.addf %add3A_121, %get3A_128 : vector<16xf32>
        %mul3A_130 = arith.constant 8 : i32
        %mul3A_131 = arith.muli %scan3A_70, %mul3A_130 : i32
        %add3A_132 = arith.constant 6 : i32
        %add3A_133 = arith.addi %mul3A_131, %add3A_132 : i32
        %get3A_134 = arith.index_cast %add3A_133 : i32 to index
        %get3A_135 = arith.index_cast %mul3A_83 : i32 to index
        %get3A_136 = tpu.vector_load %arg6[%get3A_134, %get3A_135] {strides = array<i32>} : memref<128x256xf32, #tpu.memory_space<vmem>>, vector<16xf32>,
        %add3A_137 = arith.addf %add3A_129, %get3A_136 : vector<16xf32>
        %mul3A_138 = arith.constant 8 : i32
        %mul3A_139 = arith.muli %scan3A_70, %mul3A_138 : i32
        %add3A_140 = arith.constant 7 : i32
        %add3A_141 = arith.addi %mul3A_139, %add3A_140 : i32
        %get3A_142 = arith.index_cast %add3A_141 : i32 to index
        %get3A_143 = arith.index_cast %mul3A_83 : i32 to index
        %get3A_144 = tpu.vector_load %arg6[%get3A_142, %get3A_143] {strides = array<i32>} : memref<128x256xf32, #tpu.memory_space<vmem>>, vector<16xf32>,
        %add3A_145 = arith.addf %add3A_137, %get3A_144 : vector<16xf32>
        %add3A_146 = arith.constant 48 : i32
        %add3A_147 = arith.addi %add3A_146, %scan3A_70 : i32
        %swap3A = arith.index_cast %add3A_147 : i32 to index
        %swap3A_148 = arith.index_cast %mul3A_83 : i32 to index
        %swap3A_149 = tpu.vector_load %arg7[%swap3A, %swap3A_148] {strides = array<i32>} : memref<64x256xf32, #tpu.memory_space<vmem>>, vector<16xf32>,
        tpu.vector_store %arg7[%swap3A, %swap3A_148], %add3A_145 {strides = array<i32>} : memref<64x256xf32, #tpu.memory_space<vmem>>, vector<16xf32>,
        %scan3A_150 = arith.constant 0 : i32
        scf.yield %scan3A_150 : i32
      }
      %scan3A_78 = arith.constant 12 : i32
      %scan3A_79 = arith.constant 0 : i32
      scf.yield %scan3A_79 : i32
    }
    %scan3A_67 = arith.constant 16 : i32
    %mul3A_68 = arith.constant 64 : i32
    %mul3A_69 = arith.muli %add3A, %mul3A_68 : i32
    "tpu.region"() ({
      %run_scoped3A = tpu.sem_alloc : memref<!tpu.dma_semaphore, #tpu.memory_space<semaphore_mem>>
      %dma_start3A_70 = arith.constant 0 : i32
      %dma_start3A_71 = tpu.memref_slice %arg4[%mul3A_69, %dma_start3A_70] : memref<2048x256xf32, #tpu.memory_space<hbm>> -> memref<64x256xf32, #tpu.memory_space<hbm>>
      %dma_start3A_72 = arith.constant 0 : i32
      %dma_start3A_73 = tpu.memref_slice %arg4[%mul3A_69, %dma_start3A_72] : memref<2048x256xf32, #tpu.memory_space<hbm>> -> memref<64x256xf32, #tpu.memory_space<hbm>>
      tpu.enqueue_dma source(%arg7 : memref<64x256xf32, #tpu.memory_space<vmem>>) target(%dma_start3A_73 : memref<64x256xf32, #tpu.memory_space<hbm>>) target_semaphore(%run_scoped3A : memref<!tpu.dma_semaphore, #tpu.memory_space<semaphore_mem>>)
      %dma_wait3A_74 = arith.constant 0 : i32
      %dma_wait3A_75 = tpu.memref_slice %arg4[%mul3A_69, %dma_wait3A_74] : memref<2048x256xf32, #tpu.memory_space<hbm>> -> memref<64x256xf32, #tpu.memory_space<hbm>>
      %dma_wait3A_76 = arith.constant 0 : i32
      %dma_wait3A_77 = tpu.memref_slice %arg4[%mul3A_69, %dma_wait3A_76] : memref<2048x256xf32, #tpu.memory_space<hbm>> -> memref<64x256xf32, #tpu.memory_space<hbm>>
      tpu.wait_dma2 semaphore(%run_scoped3A : memref<!tpu.dma_semaphore, #tpu.memory_space<semaphore_mem>>) src(%arg7 : memref<64x256xf32, #tpu.memory_space<vmem>>) dst(%dma_wait3A_77 : memref<64x256xf32, #tpu.memory_space<hbm>>)
      tpu.yield
    }) : () -> ()
    return
  }
}

module attributes {stable_mosaic.version = 14 : i64} {
  func.func @_router_body(%arg0: i32, %arg1: memref<256x1536xf32, #tpu.memory_space<vmem>>, %arg2: memref<1536x64xf32, #tpu.memory_space<vmem>>, %arg3: memref<1x64xf32, #tpu.memory_space<vmem>>, %arg4: memref<256x8xi32, #tpu.memory_space<vmem>>, %arg5: memref<256x8xf32, #tpu.memory_space<vmem>>, %arg6: memref<1x64xf32, #tpu.memory_space<vmem>>, %arg7: memref<1x64xf32, #tpu.memory_space<vmem>>, %arg8: memref<1x1xf32, #tpu.memory_space<vmem>>, %arg9: memref<1x1xf32, #tpu.memory_space<vmem>>) attributes {dimension_semantics = [#tpu.dimension_semantics<arbitrary>], iteration_bounds = array<i64: 8>, scalar_prefetch = 0 : i64, scratch_operands = 0 : i64, tpu.core_type = #tpu.core_type<tc>, window_params = [{transform_indices = @transform_0, window_bounds = array<i64: 256, 1536>}, {pipeline_mode = #tpu.pipeline_mode<synchronous>, transform_indices = @transform_1, window_bounds = array<i64: 1536, 64>}, {pipeline_mode = #tpu.pipeline_mode<synchronous>, transform_indices = @transform_2, window_bounds = array<i64: 1, 64>}, {transform_indices = @transform_3, window_bounds = array<i64: 256, 8>}, {transform_indices = @transform_4, window_bounds = array<i64: 256, 8>}, {pipeline_mode = #tpu.pipeline_mode<synchronous>, transform_indices = @transform_5, window_bounds = array<i64: 1, 64>}, {pipeline_mode = #tpu.pipeline_mode<synchronous>, transform_indices = @transform_6, window_bounds = array<i64: 1, 64>}, {pipeline_mode = #tpu.pipeline_mode<synchronous>, transform_indices = @transform_7, window_bounds = array<i64: 1, 1>}, {pipeline_mode = #tpu.pipeline_mode<synchronous>, transform_indices = @transform_8, window_bounds = array<i64: 1, 1>}]} {
    %get3A = arith.constant 0 : index
    %get3A_0 = arith.constant 0 : index
    %get3A_1 = vector.load %arg1[%get3A, %get3A_0] : memref<256x1536xf32, #tpu.memory_space<vmem>>, vector<256x1536xf32>
    %get3A_2 = arith.constant 0 : index
    %get3A_3 = arith.constant 0 : index
    %get3A_4 = vector.load %arg2[%get3A_2, %get3A_3] : memref<1536x64xf32, #tpu.memory_space<vmem>>, vector<1536x64xf32>
    %dot_general3A = arith.constant dense<0.000000e+00> : vector<256x64xf32>
    %dot_general3A_5 = tpu.matmul %get3A_1, %get3A_4, %dot_general3A {dimension_numbers = #tpu.dot_dimension_numbers<[1], [0], [0], [1], [0, 0, 1, 1], [], []>, transpose_lhs_hint = false} : vector<256x1536xf32>, vector<1536x64xf32>, vector<256x64xf32> -> vector<256x64xf32>
    %get3A_6 = arith.constant 0 : index
    %get3A_7 = arith.constant 0 : index
    %get3A_8 = vector.load %arg3[%get3A_6, %get3A_7] : memref<1x64xf32, #tpu.memory_space<vmem>>, vector<1x64xf32>
    %add3A = vector.broadcast %get3A_8 : vector<1x64xf32> to vector<256x64xf32>
    %add3A_9 = arith.addf %dot_general3A_5, %add3A : vector<256x64xf32>
    %reduce_max3A = arith.constant dense<0xFF800000> : vector<256xf32>
    %reduce_max3A_10 = vector.multi_reduction <maximumf>, %add3A_9, %reduce_max3A [1] : vector<256x64xf32> to vector<256xf32>
    %broadcast_in_dim3A = vector.shape_cast %reduce_max3A_10 : vector<256xf32> to vector<256x1xf32>
    %sub3A = vector.broadcast %broadcast_in_dim3A : vector<256x1xf32> to vector<256x64xf32>
    %sub3A_11 = arith.subf %add3A_9, %sub3A : vector<256x64xf32>
    %exp3A = math.exp %sub3A_11 : vector<256x64xf32>
    %reduce_sum3A = arith.constant dense<0.000000e+00> : vector<256xf32>
    %reduce_sum3A_12 = vector.multi_reduction <add>, %exp3A, %reduce_sum3A [1] : vector<256x64xf32> to vector<256xf32>
    %broadcast_in_dim3A_13 = vector.shape_cast %reduce_sum3A_12 : vector<256xf32> to vector<256x1xf32>
    %div3A = vector.broadcast %broadcast_in_dim3A_13 : vector<256x1xf32> to vector<256x64xf32>
    %div3A_14 = arith.divf %exp3A, %div3A : vector<256x64xf32>
    %log3A = math.log %broadcast_in_dim3A_13 : vector<256x1xf32>
    %add3A_15 = arith.addf %broadcast_in_dim3A, %log3A : vector<256x1xf32>
    %iota3A = tpu.iota {dimensions = array<i32: 1>} : vector<256x64xi32>
    %reduce_max3A_16 = arith.constant dense<0xFF800000> : vector<256xf32>
    %reduce_max3A_17 = vector.multi_reduction <maximumf>, %div3A_14, %reduce_max3A_16 [1] : vector<256x64xf32> to vector<256xf32>
    %broadcast_in_dim3A_18 = vector.shape_cast %reduce_max3A_17 : vector<256xf32> to vector<256x1xf32>
    %eq3A = vector.broadcast %broadcast_in_dim3A_18 : vector<256x1xf32> to vector<256x64xf32>
    %eq3A_19 = arith.cmpf oeq, %div3A_14, %eq3A : vector<256x64xf32>
    %jit3A = arith.constant 64 : i32
    %broadcast_in_dim3A_20 = vector.broadcast %jit3A : i32 to vector<256x64xi32>
    %select_n3A = arith.select %eq3A_19, %iota3A, %broadcast_in_dim3A_20 : vector<256x64xi1>, vector<256x64xi32>
    %reduce_min3A = arith.constant dense<2147483647> : vector<256xi32>
    %reduce_min3A_21 = vector.multi_reduction <minsi>, %select_n3A, %reduce_min3A [1] : vector<256x64xi32> to vector<256xi32>
    %broadcast_in_dim3A_22 = vector.shape_cast %reduce_min3A_21 : vector<256xi32> to vector<256x1xi32>
    %eq3A_23 = vector.broadcast %broadcast_in_dim3A_22 : vector<256x1xi32> to vector<256x64xi32>
    %eq3A_24 = arith.cmpi eq, %iota3A, %eq3A_23 : vector<256x64xi32>
    %jit3A_25 = arith.constant 0xFF800000 : f32
    %broadcast_in_dim3A_26 = vector.broadcast %jit3A_25 : f32 to vector<256x64xf32>
    %select_n3A_27 = arith.select %eq3A_24, %broadcast_in_dim3A_26, %div3A_14 : vector<256x64xi1>, vector<256x64xf32>
    %reduce_max3A_28 = arith.constant dense<0xFF800000> : vector<256xf32>
    %reduce_max3A_29 = vector.multi_reduction <maximumf>, %select_n3A_27, %reduce_max3A_28 [1] : vector<256x64xf32> to vector<256xf32>
    %broadcast_in_dim3A_30 = vector.shape_cast %reduce_max3A_29 : vector<256xf32> to vector<256x1xf32>
    %eq3A_31 = vector.broadcast %broadcast_in_dim3A_30 : vector<256x1xf32> to vector<256x64xf32>
    %eq3A_32 = arith.cmpf oeq, %select_n3A_27, %eq3A_31 : vector<256x64xf32>
    %jit3A_33 = arith.constant 64 : i32
    %broadcast_in_dim3A_34 = vector.broadcast %jit3A_33 : i32 to vector<256x64xi32>
    %select_n3A_35 = arith.select %eq3A_32, %iota3A, %broadcast_in_dim3A_34 : vector<256x64xi1>, vector<256x64xi32>
    %reduce_min3A_36 = arith.constant dense<2147483647> : vector<256xi32>
    %reduce_min3A_37 = vector.multi_reduction <minsi>, %select_n3A_35, %reduce_min3A_36 [1] : vector<256x64xi32> to vector<256xi32>
    %broadcast_in_dim3A_38 = vector.shape_cast %reduce_min3A_37 : vector<256xi32> to vector<256x1xi32>
    %eq3A_39 = vector.broadcast %broadcast_in_dim3A_38 : vector<256x1xi32> to vector<256x64xi32>
    %eq3A_40 = arith.cmpi eq, %iota3A, %eq3A_39 : vector<256x64xi32>
    %jit3A_41 = arith.constant 0xFF800000 : f32
    %broadcast_in_dim3A_42 = vector.broadcast %jit3A_41 : f32 to vector<256x64xf32>
    %select_n3A_43 = arith.select %eq3A_40, %broadcast_in_dim3A_42, %select_n3A_27 : vector<256x64xi1>, vector<256x64xf32>
    %reduce_max3A_44 = arith.constant dense<0xFF800000> : vector<256xf32>
    %reduce_max3A_45 = vector.multi_reduction <maximumf>, %select_n3A_43, %reduce_max3A_44 [1] : vector<256x64xf32> to vector<256xf32>
    %broadcast_in_dim3A_46 = vector.shape_cast %reduce_max3A_45 : vector<256xf32> to vector<256x1xf32>
    %eq3A_47 = vector.broadcast %broadcast_in_dim3A_46 : vector<256x1xf32> to vector<256x64xf32>
    %eq3A_48 = arith.cmpf oeq, %select_n3A_43, %eq3A_47 : vector<256x64xf32>
    %jit3A_49 = arith.constant 64 : i32
    %broadcast_in_dim3A_50 = vector.broadcast %jit3A_49 : i32 to vector<256x64xi32>
    %select_n3A_51 = arith.select %eq3A_48, %iota3A, %broadcast_in_dim3A_50 : vector<256x64xi1>, vector<256x64xi32>
    %reduce_min3A_52 = arith.constant dense<2147483647> : vector<256xi32>
    %reduce_min3A_53 = vector.multi_reduction <minsi>, %select_n3A_51, %reduce_min3A_52 [1] : vector<256x64xi32> to vector<256xi32>
    %broadcast_in_dim3A_54 = vector.shape_cast %reduce_min3A_53 : vector<256xi32> to vector<256x1xi32>
    %eq3A_55 = vector.broadcast %broadcast_in_dim3A_54 : vector<256x1xi32> to vector<256x64xi32>
    %eq3A_56 = arith.cmpi eq, %iota3A, %eq3A_55 : vector<256x64xi32>
    %jit3A_57 = arith.constant 0xFF800000 : f32
    %broadcast_in_dim3A_58 = vector.broadcast %jit3A_57 : f32 to vector<256x64xf32>
    %select_n3A_59 = arith.select %eq3A_56, %broadcast_in_dim3A_58, %select_n3A_43 : vector<256x64xi1>, vector<256x64xf32>
    %reduce_max3A_60 = arith.constant dense<0xFF800000> : vector<256xf32>
    %reduce_max3A_61 = vector.multi_reduction <maximumf>, %select_n3A_59, %reduce_max3A_60 [1] : vector<256x64xf32> to vector<256xf32>
    %broadcast_in_dim3A_62 = vector.shape_cast %reduce_max3A_61 : vector<256xf32> to vector<256x1xf32>
    %eq3A_63 = vector.broadcast %broadcast_in_dim3A_62 : vector<256x1xf32> to vector<256x64xf32>
    %eq3A_64 = arith.cmpf oeq, %select_n3A_59, %eq3A_63 : vector<256x64xf32>
    %jit3A_65 = arith.constant 64 : i32
    %broadcast_in_dim3A_66 = vector.broadcast %jit3A_65 : i32 to vector<256x64xi32>
    %select_n3A_67 = arith.select %eq3A_64, %iota3A, %broadcast_in_dim3A_66 : vector<256x64xi1>, vector<256x64xi32>
    %reduce_min3A_68 = arith.constant dense<2147483647> : vector<256xi32>
    %reduce_min3A_69 = vector.multi_reduction <minsi>, %select_n3A_67, %reduce_min3A_68 [1] : vector<256x64xi32> to vector<256xi32>
    %broadcast_in_dim3A_70 = vector.shape_cast %reduce_min3A_69 : vector<256xi32> to vector<256x1xi32>
    %eq3A_71 = vector.broadcast %broadcast_in_dim3A_70 : vector<256x1xi32> to vector<256x64xi32>
    %eq3A_72 = arith.cmpi eq, %iota3A, %eq3A_71 : vector<256x64xi32>
    %jit3A_73 = arith.constant 0xFF800000 : f32
    %broadcast_in_dim3A_74 = vector.broadcast %jit3A_73 : f32 to vector<256x64xf32>
    %select_n3A_75 = arith.select %eq3A_72, %broadcast_in_dim3A_74, %select_n3A_59 : vector<256x64xi1>, vector<256x64xf32>
    %reduce_max3A_76 = arith.constant dense<0xFF800000> : vector<256xf32>
    %reduce_max3A_77 = vector.multi_reduction <maximumf>, %select_n3A_75, %reduce_max3A_76 [1] : vector<256x64xf32> to vector<256xf32>
    %broadcast_in_dim3A_78 = vector.shape_cast %reduce_max3A_77 : vector<256xf32> to vector<256x1xf32>
    %eq3A_79 = vector.broadcast %broadcast_in_dim3A_78 : vector<256x1xf32> to vector<256x64xf32>
    %eq3A_80 = arith.cmpf oeq, %select_n3A_75, %eq3A_79 : vector<256x64xf32>
    %jit3A_81 = arith.constant 64 : i32
    %broadcast_in_dim3A_82 = vector.broadcast %jit3A_81 : i32 to vector<256x64xi32>
    %select_n3A_83 = arith.select %eq3A_80, %iota3A, %broadcast_in_dim3A_82 : vector<256x64xi1>, vector<256x64xi32>
    %reduce_min3A_84 = arith.constant dense<2147483647> : vector<256xi32>
    %reduce_min3A_85 = vector.multi_reduction <minsi>, %select_n3A_83, %reduce_min3A_84 [1] : vector<256x64xi32> to vector<256xi32>
    %broadcast_in_dim3A_86 = vector.shape_cast %reduce_min3A_85 : vector<256xi32> to vector<256x1xi32>
    %eq3A_87 = vector.broadcast %broadcast_in_dim3A_86 : vector<256x1xi32> to vector<256x64xi32>
    %eq3A_88 = arith.cmpi eq, %iota3A, %eq3A_87 : vector<256x64xi32>
    %jit3A_89 = arith.constant 0xFF800000 : f32
    %broadcast_in_dim3A_90 = vector.broadcast %jit3A_89 : f32 to vector<256x64xf32>
    %select_n3A_91 = arith.select %eq3A_88, %broadcast_in_dim3A_90, %select_n3A_75 : vector<256x64xi1>, vector<256x64xf32>
    %reduce_max3A_92 = arith.constant dense<0xFF800000> : vector<256xf32>
    %reduce_max3A_93 = vector.multi_reduction <maximumf>, %select_n3A_91, %reduce_max3A_92 [1] : vector<256x64xf32> to vector<256xf32>
    %broadcast_in_dim3A_94 = vector.shape_cast %reduce_max3A_93 : vector<256xf32> to vector<256x1xf32>
    %eq3A_95 = vector.broadcast %broadcast_in_dim3A_94 : vector<256x1xf32> to vector<256x64xf32>
    %eq3A_96 = arith.cmpf oeq, %select_n3A_91, %eq3A_95 : vector<256x64xf32>
    %jit3A_97 = arith.constant 64 : i32
    %broadcast_in_dim3A_98 = vector.broadcast %jit3A_97 : i32 to vector<256x64xi32>
    %select_n3A_99 = arith.select %eq3A_96, %iota3A, %broadcast_in_dim3A_98 : vector<256x64xi1>, vector<256x64xi32>
    %reduce_min3A_100 = arith.constant dense<2147483647> : vector<256xi32>
    %reduce_min3A_101 = vector.multi_reduction <minsi>, %select_n3A_99, %reduce_min3A_100 [1] : vector<256x64xi32> to vector<256xi32>
    %broadcast_in_dim3A_102 = vector.shape_cast %reduce_min3A_101 : vector<256xi32> to vector<256x1xi32>
    %eq3A_103 = vector.broadcast %broadcast_in_dim3A_102 : vector<256x1xi32> to vector<256x64xi32>
    %eq3A_104 = arith.cmpi eq, %iota3A, %eq3A_103 : vector<256x64xi32>
    %jit3A_105 = arith.constant 0xFF800000 : f32
    %broadcast_in_dim3A_106 = vector.broadcast %jit3A_105 : f32 to vector<256x64xf32>
    %select_n3A_107 = arith.select %eq3A_104, %broadcast_in_dim3A_106, %select_n3A_91 : vector<256x64xi1>, vector<256x64xf32>
    %reduce_max3A_108 = arith.constant dense<0xFF800000> : vector<256xf32>
    %reduce_max3A_109 = vector.multi_reduction <maximumf>, %select_n3A_107, %reduce_max3A_108 [1] : vector<256x64xf32> to vector<256xf32>
    %broadcast_in_dim3A_110 = vector.shape_cast %reduce_max3A_109 : vector<256xf32> to vector<256x1xf32>
    %eq3A_111 = vector.broadcast %broadcast_in_dim3A_110 : vector<256x1xf32> to vector<256x64xf32>
    %eq3A_112 = arith.cmpf oeq, %select_n3A_107, %eq3A_111 : vector<256x64xf32>
    %jit3A_113 = arith.constant 64 : i32
    %broadcast_in_dim3A_114 = vector.broadcast %jit3A_113 : i32 to vector<256x64xi32>
    %select_n3A_115 = arith.select %eq3A_112, %iota3A, %broadcast_in_dim3A_114 : vector<256x64xi1>, vector<256x64xi32>
    %reduce_min3A_116 = arith.constant dense<2147483647> : vector<256xi32>
    %reduce_min3A_117 = vector.multi_reduction <minsi>, %select_n3A_115, %reduce_min3A_116 [1] : vector<256x64xi32> to vector<256xi32>
    %broadcast_in_dim3A_118 = vector.shape_cast %reduce_min3A_117 : vector<256xi32> to vector<256x1xi32>
    %eq3A_119 = vector.broadcast %broadcast_in_dim3A_118 : vector<256x1xi32> to vector<256x64xi32>
    %eq3A_120 = arith.cmpi eq, %iota3A, %eq3A_119 : vector<256x64xi32>
    %jit3A_121 = arith.constant 0xFF800000 : f32
    %broadcast_in_dim3A_122 = vector.broadcast %jit3A_121 : f32 to vector<256x64xf32>
    %select_n3A_123 = arith.select %eq3A_120, %broadcast_in_dim3A_122, %select_n3A_107 : vector<256x64xi1>, vector<256x64xf32>
    %reduce_max3A_124 = arith.constant dense<0xFF800000> : vector<256xf32>
    %reduce_max3A_125 = vector.multi_reduction <maximumf>, %select_n3A_123, %reduce_max3A_124 [1] : vector<256x64xf32> to vector<256xf32>
    %broadcast_in_dim3A_126 = vector.shape_cast %reduce_max3A_125 : vector<256xf32> to vector<256x1xf32>
    %eq3A_127 = vector.broadcast %broadcast_in_dim3A_126 : vector<256x1xf32> to vector<256x64xf32>
    %eq3A_128 = arith.cmpf oeq, %select_n3A_123, %eq3A_127 : vector<256x64xf32>
    %jit3A_129 = arith.constant 64 : i32
    %broadcast_in_dim3A_130 = vector.broadcast %jit3A_129 : i32 to vector<256x64xi32>
    %select_n3A_131 = arith.select %eq3A_128, %iota3A, %broadcast_in_dim3A_130 : vector<256x64xi1>, vector<256x64xi32>
    %reduce_min3A_132 = arith.constant dense<2147483647> : vector<256xi32>
    %reduce_min3A_133 = vector.multi_reduction <minsi>, %select_n3A_131, %reduce_min3A_132 [1] : vector<256x64xi32> to vector<256xi32>
    %broadcast_in_dim3A_134 = vector.shape_cast %reduce_min3A_133 : vector<256xi32> to vector<256x1xi32>
    %eq3A_135 = vector.broadcast %broadcast_in_dim3A_134 : vector<256x1xi32> to vector<256x64xi32>
    %eq3A_136 = arith.cmpi eq, %iota3A, %eq3A_135 : vector<256x64xi32>
    %concatenate3A = tpu.concatenate %broadcast_in_dim3A_18, %broadcast_in_dim3A_30, %broadcast_in_dim3A_46, %broadcast_in_dim3A_62, %broadcast_in_dim3A_78, %broadcast_in_dim3A_94, %broadcast_in_dim3A_110, %broadcast_in_dim3A_126 in 1 : vector<256x1xf32>, vector<256x1xf32>, vector<256x1xf32>, vector<256x1xf32>, vector<256x1xf32>, vector<256x1xf32>, vector<256x1xf32>, vector<256x1xf32> -> vector<256x8xf32>
    %reduce_sum3A_137 = arith.constant dense<0.000000e+00> : vector<256xf32>
    %reduce_sum3A_138 = vector.multi_reduction <add>, %concatenate3A, %reduce_sum3A_137 [1] : vector<256x8xf32> to vector<256xf32>
    %broadcast_in_dim3A_139 = vector.shape_cast %reduce_sum3A_138 : vector<256xf32> to vector<256x1xf32>
    %div3A_140 = vector.broadcast %broadcast_in_dim3A_139 : vector<256x1xf32> to vector<256x8xf32>
    %div3A_141 = arith.divf %concatenate3A, %div3A_140 : vector<256x8xf32>
    %swap3A = arith.constant 0 : index
    %swap3A_142 = arith.constant 0 : index
    %swap3A_143 = vector.load %arg5[%swap3A, %swap3A_142] : memref<256x8xf32, #tpu.memory_space<vmem>>, vector<256x8xf32>
    tpu.vector_store %arg5[%swap3A, %swap3A_142], %div3A_141 {strides = array<i32>} : memref<256x8xf32, #tpu.memory_space<vmem>>, vector<256x8xf32>,
    %eq3A_144 = arith.constant 0 : i32
    %eq3A_145 = arith.cmpi eq, %arg0, %eq3A_144 : i32
    %convert_element_type3A = arith.extui %eq3A_145 : i1 to i32
    %cond3A = arith.constant 0 : i32
    %cond3A_146 = arith.cmpi ne, %convert_element_type3A, %cond3A : i32
    scf.if %cond3A_146 {
      %broadcast_in_dim3A_333 = arith.constant 0.000000e+00 : f32
      %broadcast_in_dim3A_334 = vector.broadcast %broadcast_in_dim3A_333 : f32 to vector<1x64xf32>
      %swap3A_335 = arith.constant 0 : index
      %swap3A_336 = arith.constant 0 : index
      %swap3A_337 = vector.load %arg6[%swap3A_335, %swap3A_336] : memref<1x64xf32, #tpu.memory_space<vmem>>, vector<1x64xf32>
      tpu.vector_store %arg6[%swap3A_335, %swap3A_336], %broadcast_in_dim3A_334 {strides = array<i32>} : memref<1x64xf32, #tpu.memory_space<vmem>>, vector<1x64xf32>,
      %broadcast_in_dim3A_338 = arith.constant 0.000000e+00 : f32
      %broadcast_in_dim3A_339 = vector.broadcast %broadcast_in_dim3A_338 : f32 to vector<1x64xf32>
      %swap3A_340 = arith.constant 0 : index
      %swap3A_341 = arith.constant 0 : index
      %swap3A_342 = vector.load %arg7[%swap3A_340, %swap3A_341] : memref<1x64xf32, #tpu.memory_space<vmem>>, vector<1x64xf32>
      tpu.vector_store %arg7[%swap3A_340, %swap3A_341], %broadcast_in_dim3A_339 {strides = array<i32>} : memref<1x64xf32, #tpu.memory_space<vmem>>, vector<1x64xf32>,
      %broadcast_in_dim3A_343 = arith.constant 0.000000e+00 : f32
      %broadcast_in_dim3A_344 = vector.broadcast %broadcast_in_dim3A_343 : f32 to vector<1x1xf32>
      %swap3A_345 = arith.constant 0 : index
      %swap3A_346 = arith.constant 0 : index
      %swap3A_347 = vector.load %arg8[%swap3A_345, %swap3A_346] : memref<1x1xf32, #tpu.memory_space<vmem>>, vector<1x1xf32>
      tpu.vector_store %arg8[%swap3A_345, %swap3A_346], %broadcast_in_dim3A_344 {strides = array<i32>} : memref<1x1xf32, #tpu.memory_space<vmem>>, vector<1x1xf32>,
    } else {
    }
    %convert_element_type3A_147 = arith.extui %eq3A_24 : vector<256x64xi1> to vector<256x64xi32>
    %convert_element_type3A_148 = arith.sitofp %convert_element_type3A_147 : vector<256x64xi32> to vector<256x64xf32>
    %convert_element_type3A_149 = arith.extui %eq3A_40 : vector<256x64xi1> to vector<256x64xi32>
    %convert_element_type3A_150 = arith.sitofp %convert_element_type3A_149 : vector<256x64xi32> to vector<256x64xf32>
    %add3A_151 = arith.addf %convert_element_type3A_148, %convert_element_type3A_150 : vector<256x64xf32>
    %convert_element_type3A_152 = arith.extui %eq3A_56 : vector<256x64xi1> to vector<256x64xi32>
    %convert_element_type3A_153 = arith.sitofp %convert_element_type3A_152 : vector<256x64xi32> to vector<256x64xf32>
    %add3A_154 = arith.addf %add3A_151, %convert_element_type3A_153 : vector<256x64xf32>
    %convert_element_type3A_155 = arith.extui %eq3A_72 : vector<256x64xi1> to vector<256x64xi32>
    %convert_element_type3A_156 = arith.sitofp %convert_element_type3A_155 : vector<256x64xi32> to vector<256x64xf32>
    %add3A_157 = arith.addf %add3A_154, %convert_element_type3A_156 : vector<256x64xf32>
    %convert_element_type3A_158 = arith.extui %eq3A_88 : vector<256x64xi1> to vector<256x64xi32>
    %convert_element_type3A_159 = arith.sitofp %convert_element_type3A_158 : vector<256x64xi32> to vector<256x64xf32>
    %add3A_160 = arith.addf %add3A_157, %convert_element_type3A_159 : vector<256x64xf32>
    %convert_element_type3A_161 = arith.extui %eq3A_104 : vector<256x64xi1> to vector<256x64xi32>
    %convert_element_type3A_162 = arith.sitofp %convert_element_type3A_161 : vector<256x64xi32> to vector<256x64xf32>
    %add3A_163 = arith.addf %add3A_160, %convert_element_type3A_162 : vector<256x64xf32>
    %convert_element_type3A_164 = arith.extui %eq3A_120 : vector<256x64xi1> to vector<256x64xi32>
    %convert_element_type3A_165 = arith.sitofp %convert_element_type3A_164 : vector<256x64xi32> to vector<256x64xf32>
    %add3A_166 = arith.addf %add3A_163, %convert_element_type3A_165 : vector<256x64xf32>
    %convert_element_type3A_167 = arith.extui %eq3A_136 : vector<256x64xi1> to vector<256x64xi32>
    %convert_element_type3A_168 = arith.sitofp %convert_element_type3A_167 : vector<256x64xi32> to vector<256x64xf32>
    %add3A_169 = arith.addf %add3A_166, %convert_element_type3A_168 : vector<256x64xf32>
    %iota3A_170 = tpu.iota {dimensions = array<i32: 0>} : vector<256x256xi32>
    %iota3A_171 = tpu.iota {dimensions = array<i32: 1>} : vector<256x256xi32>
    %gt3A = arith.cmpi sgt, %iota3A_170, %iota3A_171 : vector<256x256xi32>
    %convert_element_type3A_172 = arith.extui %gt3A : vector<256x256xi1> to vector<256x256xi32>
    %convert_element_type3A_173 = arith.sitofp %convert_element_type3A_172 : vector<256x256xi32> to vector<256x256xf32>
    %dot_general3A_174 = arith.constant dense<0.000000e+00> : vector<256x64xf32>
    %dot_general3A_175 = tpu.matmul %convert_element_type3A_173, %add3A_169, %dot_general3A_174 {dimension_numbers = #tpu.dot_dimension_numbers<[1], [0], [0], [1], [0, 0, 1, 1], [], []>, transpose_lhs_hint = false} : vector<256x256xf32>, vector<256x64xf32>, vector<256x64xf32> -> vector<256x64xf32>
    %get3A_176 = arith.constant 0 : index
    %get3A_177 = arith.constant 0 : index
    %get3A_178 = vector.load %arg6[%get3A_176, %get3A_177] : memref<1x64xf32, #tpu.memory_space<vmem>>, vector<1x64xf32>
    %add3A_179 = vector.broadcast %get3A_178 : vector<1x64xf32> to vector<256x64xf32>
    %add3A_180 = arith.addf %dot_general3A_175, %add3A_179 : vector<256x64xf32>
    %jit3A_181 = arith.constant 0.000000e+00 : f32
    %broadcast_in_dim3A_182 = vector.broadcast %jit3A_181 : f32 to vector<256x64xf32>
    %select_n3A_183 = arith.select %eq3A_24, %add3A_180, %broadcast_in_dim3A_182 : vector<256x64xi1>, vector<256x64xf32>
    %reduce_sum3A_184 = arith.constant dense<0.000000e+00> : vector<256xf32>
    %reduce_sum3A_185 = vector.multi_reduction <add>, %select_n3A_183, %reduce_sum3A_184 [1] : vector<256x64xf32> to vector<256xf32>
    %broadcast_in_dim3A_186 = vector.shape_cast %reduce_sum3A_185 : vector<256xf32> to vector<256x1xf32>
    %jit3A_187 = arith.constant 0.000000e+00 : f32
    %broadcast_in_dim3A_188 = vector.broadcast %jit3A_187 : f32 to vector<256x64xf32>
    %select_n3A_189 = arith.select %eq3A_40, %add3A_180, %broadcast_in_dim3A_188 : vector<256x64xi1>, vector<256x64xf32>
    %reduce_sum3A_190 = arith.constant dense<0.000000e+00> : vector<256xf32>
    %reduce_sum3A_191 = vector.multi_reduction <add>, %select_n3A_189, %reduce_sum3A_190 [1] : vector<256x64xf32> to vector<256xf32>
    %broadcast_in_dim3A_192 = vector.shape_cast %reduce_sum3A_191 : vector<256xf32> to vector<256x1xf32>
    %jit3A_193 = arith.constant 0.000000e+00 : f32
    %broadcast_in_dim3A_194 = vector.broadcast %jit3A_193 : f32 to vector<256x64xf32>
    %select_n3A_195 = arith.select %eq3A_56, %add3A_180, %broadcast_in_dim3A_194 : vector<256x64xi1>, vector<256x64xf32>
    %reduce_sum3A_196 = arith.constant dense<0.000000e+00> : vector<256xf32>
    %reduce_sum3A_197 = vector.multi_reduction <add>, %select_n3A_195, %reduce_sum3A_196 [1] : vector<256x64xf32> to vector<256xf32>
    %broadcast_in_dim3A_198 = vector.shape_cast %reduce_sum3A_197 : vector<256xf32> to vector<256x1xf32>
    %jit3A_199 = arith.constant 0.000000e+00 : f32
    %broadcast_in_dim3A_200 = vector.broadcast %jit3A_199 : f32 to vector<256x64xf32>
    %select_n3A_201 = arith.select %eq3A_72, %add3A_180, %broadcast_in_dim3A_200 : vector<256x64xi1>, vector<256x64xf32>
    %reduce_sum3A_202 = arith.constant dense<0.000000e+00> : vector<256xf32>
    %reduce_sum3A_203 = vector.multi_reduction <add>, %select_n3A_201, %reduce_sum3A_202 [1] : vector<256x64xf32> to vector<256xf32>
    %broadcast_in_dim3A_204 = vector.shape_cast %reduce_sum3A_203 : vector<256xf32> to vector<256x1xf32>
    %jit3A_205 = arith.constant 0.000000e+00 : f32
    %broadcast_in_dim3A_206 = vector.broadcast %jit3A_205 : f32 to vector<256x64xf32>
    %select_n3A_207 = arith.select %eq3A_88, %add3A_180, %broadcast_in_dim3A_206 : vector<256x64xi1>, vector<256x64xf32>
    %reduce_sum3A_208 = arith.constant dense<0.000000e+00> : vector<256xf32>
    %reduce_sum3A_209 = vector.multi_reduction <add>, %select_n3A_207, %reduce_sum3A_208 [1] : vector<256x64xf32> to vector<256xf32>
    %broadcast_in_dim3A_210 = vector.shape_cast %reduce_sum3A_209 : vector<256xf32> to vector<256x1xf32>
    %jit3A_211 = arith.constant 0.000000e+00 : f32
    %broadcast_in_dim3A_212 = vector.broadcast %jit3A_211 : f32 to vector<256x64xf32>
    %select_n3A_213 = arith.select %eq3A_104, %add3A_180, %broadcast_in_dim3A_212 : vector<256x64xi1>, vector<256x64xf32>
    %reduce_sum3A_214 = arith.constant dense<0.000000e+00> : vector<256xf32>
    %reduce_sum3A_215 = vector.multi_reduction <add>, %select_n3A_213, %reduce_sum3A_214 [1] : vector<256x64xf32> to vector<256xf32>
    %broadcast_in_dim3A_216 = vector.shape_cast %reduce_sum3A_215 : vector<256xf32> to vector<256x1xf32>
    %jit3A_217 = arith.constant 0.000000e+00 : f32
    %broadcast_in_dim3A_218 = vector.broadcast %jit3A_217 : f32 to vector<256x64xf32>
    %select_n3A_219 = arith.select %eq3A_120, %add3A_180, %broadcast_in_dim3A_218 : vector<256x64xi1>, vector<256x64xf32>
    %reduce_sum3A_220 = arith.constant dense<0.000000e+00> : vector<256xf32>
    %reduce_sum3A_221 = vector.multi_reduction <add>, %select_n3A_219, %reduce_sum3A_220 [1] : vector<256x64xf32> to vector<256xf32>
    %broadcast_in_dim3A_222 = vector.shape_cast %reduce_sum3A_221 : vector<256xf32> to vector<256x1xf32>
    %jit3A_223 = arith.constant 0.000000e+00 : f32
    %broadcast_in_dim3A_224 = vector.broadcast %jit3A_223 : f32 to vector<256x64xf32>
    %select_n3A_225 = arith.select %eq3A_136, %add3A_180, %broadcast_in_dim3A_224 : vector<256x64xi1>, vector<256x64xf32>
    %reduce_sum3A_226 = arith.constant dense<0.000000e+00> : vector<256xf32>
    %reduce_sum3A_227 = vector.multi_reduction <add>, %select_n3A_225, %reduce_sum3A_226 [1] : vector<256x64xf32> to vector<256xf32>
    %broadcast_in_dim3A_228 = vector.shape_cast %reduce_sum3A_227 : vector<256xf32> to vector<256x1xf32>
    %concatenate3A_229 = tpu.concatenate %broadcast_in_dim3A_186, %broadcast_in_dim3A_192, %broadcast_in_dim3A_198, %broadcast_in_dim3A_204, %broadcast_in_dim3A_210, %broadcast_in_dim3A_216, %broadcast_in_dim3A_222, %broadcast_in_dim3A_228 in 1 : vector<256x1xf32>, vector<256x1xf32>, vector<256x1xf32>, vector<256x1xf32>, vector<256x1xf32>, vector<256x1xf32>, vector<256x1xf32>, vector<256x1xf32> -> vector<256x8xf32>
    %convert_element_type3A_230 = arith.fptosi %concatenate3A_229 : vector<256x8xf32> to vector<256x8xi32>
    %concatenate3A_231 = tpu.concatenate %broadcast_in_dim3A_22, %broadcast_in_dim3A_38, %broadcast_in_dim3A_54, %broadcast_in_dim3A_70, %broadcast_in_dim3A_86, %broadcast_in_dim3A_102, %broadcast_in_dim3A_118, %broadcast_in_dim3A_134 in 1 : vector<256x1xi32>, vector<256x1xi32>, vector<256x1xi32>, vector<256x1xi32>, vector<256x1xi32>, vector<256x1xi32>, vector<256x1xi32>, vector<256x1xi32> -> vector<256x8xi32>
    %mul3A = arith.constant 65536 : i32
    %mul3A_232 = vector.broadcast %mul3A : i32 to vector<256x8xi32>
    %mul3A_233 = arith.muli %concatenate3A_231, %mul3A_232 : vector<256x8xi32>
    %add3A_234 = arith.addi %mul3A_233, %convert_element_type3A_230 : vector<256x8xi32>
    %swap3A_235 = arith.constant 0 : index
    %swap3A_236 = arith.constant 0 : index
    %swap3A_237 = vector.load %arg4[%swap3A_235, %swap3A_236] : memref<256x8xi32, #tpu.memory_space<vmem>>, vector<256x8xi32>
    tpu.vector_store %arg4[%swap3A_235, %swap3A_236], %add3A_234 {strides = array<i32>} : memref<256x8xi32, #tpu.memory_space<vmem>>, vector<256x8xi32>,
    %get3A_238 = arith.constant 0 : index
    %get3A_239 = arith.constant 0 : index
    %get3A_240 = vector.load %arg6[%get3A_238, %get3A_239] : memref<1x64xf32, #tpu.memory_space<vmem>>, vector<1x64xf32>
    %reduce_sum3A_241 = arith.constant dense<0.000000e+00> : vector<64xf32>
    %reduce_sum3A_242 = vector.multi_reduction <add>, %add3A_169, %reduce_sum3A_241 [0] : vector<256x64xf32> to vector<64xf32>
    %broadcast_in_dim3A_243 = vector.shape_cast %reduce_sum3A_242 : vector<64xf32> to vector<1x64xf32>
    %add3A_244 = arith.addf %get3A_240, %broadcast_in_dim3A_243 : vector<1x64xf32>
    %swap3A_245 = arith.constant 0 : index
    %swap3A_246 = arith.constant 0 : index
    %swap3A_247 = vector.load %arg6[%swap3A_245, %swap3A_246] : memref<1x64xf32, #tpu.memory_space<vmem>>, vector<1x64xf32>
    tpu.vector_store %arg6[%swap3A_245, %swap3A_246], %add3A_244 {strides = array<i32>} : memref<1x64xf32, #tpu.memory_space<vmem>>, vector<1x64xf32>,
    %broadcast_in_dim3A_248 = arith.constant 0.000000e+00 : f32
    %broadcast_in_dim3A_249 = vector.broadcast %broadcast_in_dim3A_248 : f32 to vector<256x64xf32>
    %slice3A = vector.extract_strided_slice %div3A_141 {offsets = [0, 0], sizes = [256, 1], strides = [1, 1]} : vector<256x8xf32> to vector<256x1xf32>
    %jit3A_250 = arith.constant 0.000000e+00 : f32
    %broadcast_in_dim3A_251 = vector.shape_cast %slice3A : vector<256x1xf32> to vector<256x1xf32>
    %broadcast_in_dim3A_252 = vector.broadcast %broadcast_in_dim3A_251 : vector<256x1xf32> to vector<256x64xf32>
    %broadcast_in_dim3A_253 = vector.broadcast %jit3A_250 : f32 to vector<256x64xf32>
    %select_n3A_254 = arith.select %eq3A_24, %broadcast_in_dim3A_252, %broadcast_in_dim3A_253 : vector<256x64xi1>, vector<256x64xf32>
    %add3A_255 = arith.addf %broadcast_in_dim3A_249, %select_n3A_254 : vector<256x64xf32>
    %slice3A_256 = vector.extract_strided_slice %div3A_141 {offsets = [0, 1], sizes = [256, 1], strides = [1, 1]} : vector<256x8xf32> to vector<256x1xf32>
    %jit3A_257 = arith.constant 0.000000e+00 : f32
    %broadcast_in_dim3A_258 = vector.shape_cast %slice3A_256 : vector<256x1xf32> to vector<256x1xf32>
    %broadcast_in_dim3A_259 = vector.broadcast %broadcast_in_dim3A_258 : vector<256x1xf32> to vector<256x64xf32>
    %broadcast_in_dim3A_260 = vector.broadcast %jit3A_257 : f32 to vector<256x64xf32>
    %select_n3A_261 = arith.select %eq3A_40, %broadcast_in_dim3A_259, %broadcast_in_dim3A_260 : vector<256x64xi1>, vector<256x64xf32>
    %add3A_262 = arith.addf %add3A_255, %select_n3A_261 : vector<256x64xf32>
    %slice3A_263 = vector.extract_strided_slice %div3A_141 {offsets = [0, 2], sizes = [256, 1], strides = [1, 1]} : vector<256x8xf32> to vector<256x1xf32>
    %jit3A_264 = arith.constant 0.000000e+00 : f32
    %broadcast_in_dim3A_265 = vector.shape_cast %slice3A_263 : vector<256x1xf32> to vector<256x1xf32>
    %broadcast_in_dim3A_266 = vector.broadcast %broadcast_in_dim3A_265 : vector<256x1xf32> to vector<256x64xf32>
    %broadcast_in_dim3A_267 = vector.broadcast %jit3A_264 : f32 to vector<256x64xf32>
    %select_n3A_268 = arith.select %eq3A_56, %broadcast_in_dim3A_266, %broadcast_in_dim3A_267 : vector<256x64xi1>, vector<256x64xf32>
    %add3A_269 = arith.addf %add3A_262, %select_n3A_268 : vector<256x64xf32>
    %slice3A_270 = vector.extract_strided_slice %div3A_141 {offsets = [0, 3], sizes = [256, 1], strides = [1, 1]} : vector<256x8xf32> to vector<256x1xf32>
    %jit3A_271 = arith.constant 0.000000e+00 : f32
    %broadcast_in_dim3A_272 = vector.shape_cast %slice3A_270 : vector<256x1xf32> to vector<256x1xf32>
    %broadcast_in_dim3A_273 = vector.broadcast %broadcast_in_dim3A_272 : vector<256x1xf32> to vector<256x64xf32>
    %broadcast_in_dim3A_274 = vector.broadcast %jit3A_271 : f32 to vector<256x64xf32>
    %select_n3A_275 = arith.select %eq3A_72, %broadcast_in_dim3A_273, %broadcast_in_dim3A_274 : vector<256x64xi1>, vector<256x64xf32>
    %add3A_276 = arith.addf %add3A_269, %select_n3A_275 : vector<256x64xf32>
    %slice3A_277 = vector.extract_strided_slice %div3A_141 {offsets = [0, 4], sizes = [256, 1], strides = [1, 1]} : vector<256x8xf32> to vector<256x1xf32>
    %jit3A_278 = arith.constant 0.000000e+00 : f32
    %broadcast_in_dim3A_279 = vector.shape_cast %slice3A_277 : vector<256x1xf32> to vector<256x1xf32>
    %broadcast_in_dim3A_280 = vector.broadcast %broadcast_in_dim3A_279 : vector<256x1xf32> to vector<256x64xf32>
    %broadcast_in_dim3A_281 = vector.broadcast %jit3A_278 : f32 to vector<256x64xf32>
    %select_n3A_282 = arith.select %eq3A_88, %broadcast_in_dim3A_280, %broadcast_in_dim3A_281 : vector<256x64xi1>, vector<256x64xf32>
    %add3A_283 = arith.addf %add3A_276, %select_n3A_282 : vector<256x64xf32>
    %slice3A_284 = vector.extract_strided_slice %div3A_141 {offsets = [0, 5], sizes = [256, 1], strides = [1, 1]} : vector<256x8xf32> to vector<256x1xf32>
    %jit3A_285 = arith.constant 0.000000e+00 : f32
    %broadcast_in_dim3A_286 = vector.shape_cast %slice3A_284 : vector<256x1xf32> to vector<256x1xf32>
    %broadcast_in_dim3A_287 = vector.broadcast %broadcast_in_dim3A_286 : vector<256x1xf32> to vector<256x64xf32>
    %broadcast_in_dim3A_288 = vector.broadcast %jit3A_285 : f32 to vector<256x64xf32>
    %select_n3A_289 = arith.select %eq3A_104, %broadcast_in_dim3A_287, %broadcast_in_dim3A_288 : vector<256x64xi1>, vector<256x64xf32>
    %add3A_290 = arith.addf %add3A_283, %select_n3A_289 : vector<256x64xf32>
    %slice3A_291 = vector.extract_strided_slice %div3A_141 {offsets = [0, 6], sizes = [256, 1], strides = [1, 1]} : vector<256x8xf32> to vector<256x1xf32>
    %jit3A_292 = arith.constant 0.000000e+00 : f32
    %broadcast_in_dim3A_293 = vector.shape_cast %slice3A_291 : vector<256x1xf32> to vector<256x1xf32>
    %broadcast_in_dim3A_294 = vector.broadcast %broadcast_in_dim3A_293 : vector<256x1xf32> to vector<256x64xf32>
    %broadcast_in_dim3A_295 = vector.broadcast %jit3A_292 : f32 to vector<256x64xf32>
    %select_n3A_296 = arith.select %eq3A_120, %broadcast_in_dim3A_294, %broadcast_in_dim3A_295 : vector<256x64xi1>, vector<256x64xf32>
    %add3A_297 = arith.addf %add3A_290, %select_n3A_296 : vector<256x64xf32>
    %slice3A_298 = vector.extract_strided_slice %div3A_141 {offsets = [0, 7], sizes = [256, 1], strides = [1, 1]} : vector<256x8xf32> to vector<256x1xf32>
    %jit3A_299 = arith.constant 0.000000e+00 : f32
    %broadcast_in_dim3A_300 = vector.shape_cast %slice3A_298 : vector<256x1xf32> to vector<256x1xf32>
    %broadcast_in_dim3A_301 = vector.broadcast %broadcast_in_dim3A_300 : vector<256x1xf32> to vector<256x64xf32>
    %broadcast_in_dim3A_302 = vector.broadcast %jit3A_299 : f32 to vector<256x64xf32>
    %select_n3A_303 = arith.select %eq3A_136, %broadcast_in_dim3A_301, %broadcast_in_dim3A_302 : vector<256x64xi1>, vector<256x64xf32>
    %add3A_304 = arith.addf %add3A_297, %select_n3A_303 : vector<256x64xf32>
    %get3A_305 = arith.constant 0 : index
    %get3A_306 = arith.constant 0 : index
    %get3A_307 = vector.load %arg7[%get3A_305, %get3A_306] : memref<1x64xf32, #tpu.memory_space<vmem>>, vector<1x64xf32>
    %reduce_sum3A_308 = arith.constant dense<0.000000e+00> : vector<64xf32>
    %reduce_sum3A_309 = vector.multi_reduction <add>, %add3A_304, %reduce_sum3A_308 [0] : vector<256x64xf32> to vector<64xf32>
    %broadcast_in_dim3A_310 = vector.shape_cast %reduce_sum3A_309 : vector<64xf32> to vector<1x64xf32>
    %add3A_311 = arith.addf %get3A_307, %broadcast_in_dim3A_310 : vector<1x64xf32>
    %swap3A_312 = arith.constant 0 : index
    %swap3A_313 = arith.constant 0 : index
    %swap3A_314 = vector.load %arg7[%swap3A_312, %swap3A_313] : memref<1x64xf32, #tpu.memory_space<vmem>>, vector<1x64xf32>
    tpu.vector_store %arg7[%swap3A_312, %swap3A_313], %add3A_311 {strides = array<i32>} : memref<1x64xf32, #tpu.memory_space<vmem>>, vector<1x64xf32>,
    %get3A_315 = arith.constant 0 : index
    %get3A_316 = arith.constant 0 : index
    %get3A_317 = vector.load %arg8[%get3A_315, %get3A_316] : memref<1x1xf32, #tpu.memory_space<vmem>>, vector<1x1xf32>
    %mul3A_318 = arith.mulf %add3A_15, %add3A_15 : vector<256x1xf32>
    %reduce_sum3A_319 = vector.shape_cast %mul3A_318 : vector<256x1xf32> to vector<1x256x1xf32>
    %reduce_sum3A_320 = arith.constant dense<0.000000e+00> : vector<1xf32>
    %reduce_sum3A_321 = vector.multi_reduction <add>, %reduce_sum3A_319, %reduce_sum3A_320 [1, 2] : vector<1x256x1xf32> to vector<1xf32>
    %reduce_sum3A_322 = vector.shape_cast %reduce_sum3A_321 : vector<1xf32> to vector<1x1x1xf32>
    %reduce_sum3A_323 = vector.extract %reduce_sum3A_322[0, 0, 0] : f32 from vector<1x1x1xf32>
    %reshape3A = vector.broadcast %reduce_sum3A_323 : f32 to vector<1x1xf32>
    %add3A_324 = arith.addf %get3A_317, %reshape3A : vector<1x1xf32>
    %swap3A_325 = arith.constant 0 : index
    %swap3A_326 = arith.constant 0 : index
    %swap3A_327 = vector.load %arg8[%swap3A_325, %swap3A_326] : memref<1x1xf32, #tpu.memory_space<vmem>>, vector<1x1xf32>
    tpu.vector_store %arg8[%swap3A_325, %swap3A_326], %add3A_324 {strides = array<i32>} : memref<1x1xf32, #tpu.memory_space<vmem>>, vector<1x1xf32>,
    %eq3A_328 = arith.constant 7 : i32
    %eq3A_329 = arith.cmpi eq, %arg0, %eq3A_328 : i32
    %convert_element_type3A_330 = arith.extui %eq3A_329 : i1 to i32
    %cond3A_331 = arith.constant 0 : i32
    %cond3A_332 = arith.cmpi ne, %convert_element_type3A_330, %cond3A_331 : i32
    scf.if %cond3A_332 {
      %get3A_333 = arith.constant 0 : index
      %get3A_334 = arith.constant 0 : index
      %get3A_335 = vector.load %arg7[%get3A_333, %get3A_334] : memref<1x64xf32, #tpu.memory_space<vmem>>, vector<1x64xf32>
      %div3A_336 = arith.constant 2.048000e+03 : f32
      %div3A_337 = vector.broadcast %div3A_336 : f32 to vector<1x64xf32>
      %div3A_338 = arith.divf %get3A_335, %div3A_337 : vector<1x64xf32>
      %sub3A_339 = arith.constant 1.562500e-02 : f32
      %sub3A_340 = vector.broadcast %sub3A_339 : f32 to vector<1x64xf32>
      %sub3A_341 = arith.subf %div3A_338, %sub3A_340 : vector<1x64xf32>
      %integer_pow3A = arith.mulf %sub3A_341, %sub3A_341 : vector<1x64xf32>
      %reduce_sum3A_342 = vector.shape_cast %integer_pow3A : vector<1x64xf32> to vector<1x1x64xf32>
      %reduce_sum3A_343 = arith.constant dense<0.000000e+00> : vector<1xf32>
      %reduce_sum3A_344 = vector.multi_reduction <add>, %reduce_sum3A_342, %reduce_sum3A_343 [1, 2] : vector<1x1x64xf32> to vector<1xf32>
      %reduce_sum3A_345 = vector.shape_cast %reduce_sum3A_344 : vector<1xf32> to vector<1x1x1xf32>
      %reduce_sum3A_346 = vector.extract %reduce_sum3A_345[0, 0, 0] : f32 from vector<1x1x1xf32>
      %mul3A_347 = arith.constant 1.000000e-01 : f32
      %mul3A_348 = arith.mulf %mul3A_347, %reduce_sum3A_346 : f32
      %get3A_349 = arith.constant 0 : index
      %get3A_350 = arith.constant 0 : index
      %get3A_351 = vector.load %arg8[%get3A_349, %get3A_350] : memref<1x1xf32, #tpu.memory_space<vmem>>, vector<1x1xf32>
      %mul3A_352 = arith.constant 1.000000e-01 : f32
      %mul3A_353 = vector.broadcast %mul3A_352 : f32 to vector<1x1xf32>
      %mul3A_354 = arith.mulf %mul3A_353, %get3A_351 : vector<1x1xf32>
      %div3A_355 = arith.constant 2.048000e+03 : f32
      %div3A_356 = vector.broadcast %div3A_355 : f32 to vector<1x1xf32>
      %div3A_357 = arith.divf %mul3A_354, %div3A_356 : vector<1x1xf32>
      %add3A_358 = vector.broadcast %mul3A_348 : f32 to vector<1x1xf32>
      %add3A_359 = arith.addf %add3A_358, %div3A_357 : vector<1x1xf32>
      %swap3A_360 = arith.constant 0 : index
      %swap3A_361 = arith.constant 0 : index
      %swap3A_362 = vector.load %arg9[%swap3A_360, %swap3A_361] : memref<1x1xf32, #tpu.memory_space<vmem>>, vector<1x1xf32>
      tpu.vector_store %arg9[%swap3A_360, %swap3A_361], %add3A_359 {strides = array<i32>} : memref<1x1xf32, #tpu.memory_space<vmem>>, vector<1x1xf32>,
    } else {
    }
    return
  }
  func.func @transform_0(%arg0: i32) -> (i32, i32) {
    %c0_i32 = arith.constant 0 : i32
    %c0_i32_0 = arith.constant 0 : i32
    return %arg0, %c0_i32 : i32, i32
  }
  func.func @transform_1(%arg0: i32) -> (i32, i32) {
    %c0_i32 = arith.constant 0 : i32
    %c0_i32_0 = arith.constant 0 : i32
    %c0_i32_1 = arith.constant 0 : i32
    return %c0_i32, %c0_i32_0 : i32, i32
  }
  func.func @transform_2(%arg0: i32) -> (i32, i32) {
    %c0_i32 = arith.constant 0 : i32
    %c0_i32_0 = arith.constant 0 : i32
    %c0_i32_1 = arith.constant 0 : i32
    return %c0_i32, %c0_i32_0 : i32, i32
  }
  func.func @transform_3(%arg0: i32) -> (i32, i32) {
    %c0_i32 = arith.constant 0 : i32
    %c0_i32_0 = arith.constant 0 : i32
    return %arg0, %c0_i32 : i32, i32
  }
  func.func @transform_4(%arg0: i32) -> (i32, i32) {
    %c0_i32 = arith.constant 0 : i32
    %c0_i32_0 = arith.constant 0 : i32
    return %arg0, %c0_i32 : i32, i32
  }
  func.func @transform_5(%arg0: i32) -> (i32, i32) {
    %c0_i32 = arith.constant 0 : i32
    %c0_i32_0 = arith.constant 0 : i32
    %c0_i32_1 = arith.constant 0 : i32
    return %c0_i32, %c0_i32_0 : i32, i32
  }
  func.func @transform_6(%arg0: i32) -> (i32, i32) {
    %c0_i32 = arith.constant 0 : i32
    %c0_i32_0 = arith.constant 0 : i32
    %c0_i32_1 = arith.constant 0 : i32
    return %c0_i32, %c0_i32_0 : i32, i32
  }
  func.func @transform_7(%arg0: i32) -> (i32, i32) {
    %c0_i32 = arith.constant 0 : i32
    %c0_i32_0 = arith.constant 0 : i32
    %c0_i32_1 = arith.constant 0 : i32
    return %c0_i32, %c0_i32_0 : i32, i32
  }
  func.func @transform_8(%arg0: i32) -> (i32, i32) {
    %c0_i32 = arith.constant 0 : i32
    %c0_i32_0 = arith.constant 0 : i32
    %c0_i32_1 = arith.constant 0 : i32
    return %c0_i32, %c0_i32_0 : i32, i32
  }
}

module attributes {stable_mosaic.version = 14 : i64} {
  func.func @_expert_body(%arg0: i32, %arg1: memref<192xi32, #tpu.memory_space<smem>>, %arg2: memref<192xi32, #tpu.memory_space<smem>>, %arg3: memref<192xi32, #tpu.memory_space<smem>>, %arg4: memref<128x1536xf32, #tpu.memory_space<vmem>>, %arg5: memref<128x1xf32, #tpu.memory_space<vmem>>, %arg6: memref<1x1536x768xf32, #tpu.memory_space<vmem>>, %arg7: memref<1x1x768xf32, #tpu.memory_space<vmem>>, %arg8: memref<1x768x191xf32, #tpu.memory_space<vmem>>, %arg9: memref<1x1x191xf32, #tpu.memory_space<vmem>>, %arg10: memref<128x256xf32, #tpu.memory_space<vmem>>, %arg11: memref<1536x768xbf16, #tpu.memory_space<vmem>>) attributes {dimension_semantics = [#tpu.dimension_semantics<arbitrary>], iteration_bounds = array<i64: 192>, scalar_prefetch = 3 : i64, scratch_operands = 1 : i64, tpu.core_type = #tpu.core_type<tc>, window_params = [{transform_indices = @transform_0, window_bounds = array<i64: 128, 1536>}, {transform_indices = @transform_1, window_bounds = array<i64: 128, 1>}, {transform_indices = @transform_2, window_bounds = array<i64: 1, 1536, 768>}, {transform_indices = @transform_3, window_bounds = array<i64: 1, 1, 768>}, {transform_indices = @transform_4, window_bounds = array<i64: 1, 768, 191>}, {transform_indices = @transform_5, window_bounds = array<i64: 1, 1, 191>}, {transform_indices = @transform_6, window_bounds = array<i64: 128, 256>}]} {
    %get3A = arith.index_cast %arg0 : i32 to index
    %get3A_0 = memref.load %arg3[%get3A] : memref<192xi32, #tpu.memory_space<smem>>
    %eq3A = arith.constant 1 : i32
    %eq3A_1 = arith.cmpi eq, %get3A_0, %eq3A : i32
    %eq3A_2 = arith.constant 0 : i32
    %eq3A_3 = arith.cmpi eq, %arg0, %eq3A_2 : i32
    %get3A_4 = arith.index_cast %arg0 : i32 to index
    %get3A_5 = memref.load %arg1[%get3A_4] : memref<192xi32, #tpu.memory_space<smem>>
    %sub3A = arith.constant 1 : i32
    %sub3A_6 = arith.subi %arg0, %sub3A : i32
    %max3A = arith.constant 0 : i32
    %max3A_7 = arith.maxsi %sub3A_6, %max3A : i32
    %get3A_8 = arith.index_cast %max3A_7 : i32 to index
    %get3A_9 = memref.load %arg1[%get3A_8] : memref<192xi32, #tpu.memory_space<smem>>
    %ne3A = arith.cmpi ne, %get3A_5, %get3A_9 : i32
    %or3A = arith.ori %eq3A_3, %ne3A : i1
    %and3A = arith.andi %eq3A_1, %or3A : i1
    %convert_element_type3A = arith.extui %and3A : i1 to i32
    %cond3A = arith.constant 0 : i32
    %cond3A_10 = arith.cmpi ne, %convert_element_type3A, %cond3A : i32
    scf.if %cond3A_10 {
      %get3A_18 = arith.constant 0 : index
      %get3A_19 = arith.constant 0 : index
      %get3A_20 = arith.constant 0 : index
      %get3A_21 = vector.load %arg6[%get3A_18, %get3A_19, %get3A_20] : memref<1x1536x768xf32, #tpu.memory_space<vmem>>, vector<1x1536x768xf32>
      %get3A_22 = vector.shape_cast %get3A_21 : vector<1x1536x768xf32> to vector<1536x768xf32>
      %convert_element_type3A_23 = arith.truncf %get3A_22 : vector<1536x768xf32> to vector<1536x768xbf16>
      %swap3A = arith.constant 0 : index
      %swap3A_24 = arith.constant 0 : index
      %swap3A_25 = vector.load %arg11[%swap3A, %swap3A_24] : memref<1536x768xbf16, #tpu.memory_space<vmem>>, vector<1536x768xbf16>
      tpu.vector_store %arg11[%swap3A, %swap3A_24], %convert_element_type3A_23 {strides = array<i32>} : memref<1536x768xbf16, #tpu.memory_space<vmem>>, vector<1536x768xbf16>,
    } else {
    }
    %get3A_11 = arith.index_cast %arg0 : i32 to index
    %get3A_12 = memref.load %arg3[%get3A_11] : memref<192xi32, #tpu.memory_space<smem>>
    %eq3A_13 = arith.constant 1 : i32
    %eq3A_14 = arith.cmpi eq, %get3A_12, %eq3A_13 : i32
    %convert_element_type3A_15 = arith.extui %eq3A_14 : i1 to i32
    %cond3A_16 = arith.constant 0 : i32
    %cond3A_17 = arith.cmpi ne, %convert_element_type3A_15, %cond3A_16 : i32
    scf.if %cond3A_17 {
      %get3A_18 = arith.constant 0 : index
      %get3A_19 = arith.constant 0 : index
      %get3A_20 = vector.load %arg4[%get3A_18, %get3A_19] : memref<128x1536xf32, #tpu.memory_space<vmem>>, vector<128x1536xf32>
      %convert_element_type3A_21 = arith.truncf %get3A_20 : vector<128x1536xf32> to vector<128x1536xbf16>
      %get3A_22 = arith.constant 0 : index
      %get3A_23 = arith.constant 0 : index
      %get3A_24 = vector.load %arg11[%get3A_22, %get3A_23] : memref<1536x768xbf16, #tpu.memory_space<vmem>>, vector<1536x768xbf16>
      %dot_general3A = arith.constant dense<0.000000e+00> : vector<128x768xf32>
      %dot_general3A_25 = tpu.matmul %convert_element_type3A_21, %get3A_24, %dot_general3A {dimension_numbers = #tpu.dot_dimension_numbers<[1], [0], [0], [1], [0, 0, 1, 1], [], []>, transpose_lhs_hint = false} : vector<128x1536xbf16>, vector<1536x768xbf16>, vector<128x768xf32> -> vector<128x768xf32>
      %get3A_26 = arith.constant 0 : index
      %get3A_27 = arith.constant 0 : index
      %get3A_28 = arith.constant 0 : index
      %get3A_29 = vector.load %arg7[%get3A_26, %get3A_27, %get3A_28] : memref<1x1x768xf32, #tpu.memory_space<vmem>>, vector<1x1x768xf32>
      %get3A_30 = vector.shape_cast %get3A_29 : vector<1x1x768xf32> to vector<1x768xf32>
      %add3A = vector.broadcast %get3A_30 : vector<1x768xf32> to vector<128x768xf32>
      %add3A_31 = arith.addf %dot_general3A_25, %add3A : vector<128x768xf32>
      %max3A_32 = arith.constant 0.000000e+00 : f32
      %max3A_33 = vector.broadcast %max3A_32 : f32 to vector<128x768xf32>
      %max3A_34 = arith.maximumf %add3A_31, %max3A_33 : vector<128x768xf32>
      %get3A_35 = arith.constant 0 : index
      %get3A_36 = arith.constant 0 : index
      %get3A_37 = arith.constant 0 : index
      %get3A_38 = vector.load %arg8[%get3A_35, %get3A_36, %get3A_37] : memref<1x768x191xf32, #tpu.memory_space<vmem>>, vector<1x768x191xf32>
      %get3A_39 = vector.shape_cast %get3A_38 : vector<1x768x191xf32> to vector<768x191xf32>
      %convert_element_type3A_40 = arith.truncf %get3A_39 : vector<768x191xf32> to vector<768x191xbf16>
      %convert_element_type3A_41 = arith.truncf %max3A_34 : vector<128x768xf32> to vector<128x768xbf16>
      %dot_general3A_42 = arith.constant dense<0.000000e+00> : vector<128x191xf32>
      %dot_general3A_43 = tpu.matmul %convert_element_type3A_41, %convert_element_type3A_40, %dot_general3A_42 {dimension_numbers = #tpu.dot_dimension_numbers<[1], [0], [0], [1], [0, 0, 1, 1], [], []>, transpose_lhs_hint = false} : vector<128x768xbf16>, vector<768x191xbf16>, vector<128x191xf32> -> vector<128x191xf32>
      %get3A_44 = arith.constant 0 : index
      %get3A_45 = arith.constant 0 : index
      %get3A_46 = arith.constant 0 : index
      %get3A_47 = vector.load %arg9[%get3A_44, %get3A_45, %get3A_46] : memref<1x1x191xf32, #tpu.memory_space<vmem>>, vector<1x1x191xf32>
      %get3A_48 = vector.shape_cast %get3A_47 : vector<1x1x191xf32> to vector<1x191xf32>
      %add3A_49 = vector.broadcast %get3A_48 : vector<1x191xf32> to vector<128x191xf32>
      %add3A_50 = arith.addf %dot_general3A_43, %add3A_49 : vector<128x191xf32>
      %get3A_51 = arith.constant 0 : index
      %get3A_52 = arith.constant 0 : index
      %get3A_53 = vector.load %arg5[%get3A_51, %get3A_52] : memref<128x1xf32, #tpu.memory_space<vmem>>, vector<128x1xf32>
      %mul3A = vector.broadcast %get3A_53 : vector<128x1xf32> to vector<128x191xf32>
      %mul3A_54 = arith.mulf %add3A_50, %mul3A : vector<128x191xf32>
      %broadcast_in_dim3A = arith.constant 0.000000e+00 : f32
      %broadcast_in_dim3A_55 = vector.broadcast %broadcast_in_dim3A : f32 to vector<128x65xf32>
      %concatenate3A = tpu.concatenate %mul3A_54, %broadcast_in_dim3A_55 in 1 : vector<128x191xf32>, vector<128x65xf32> -> vector<128x256xf32>
      %swap3A = arith.constant 0 : index
      %swap3A_56 = arith.constant 0 : index
      %swap3A_57 = vector.load %arg10[%swap3A, %swap3A_56] : memref<128x256xf32, #tpu.memory_space<vmem>>, vector<128x256xf32>
      tpu.vector_store %arg10[%swap3A, %swap3A_56], %concatenate3A {strides = array<i32>} : memref<128x256xf32, #tpu.memory_space<vmem>>, vector<128x256xf32>,
    } else {
    }
    return
  }
  func.func @transform_0(%arg0: i32, %arg1: memref<192xi32, #tpu.memory_space<smem>>, %arg2: memref<192xi32, #tpu.memory_space<smem>>, %arg3: memref<192xi32, #tpu.memory_space<smem>>) -> (i32, i32) {
    %get3A = arith.index_cast %arg0 : i32 to index
    %get3A_0 = memref.load %arg2[%get3A] : memref<192xi32, #tpu.memory_space<smem>>
    %c0_i32 = arith.constant 0 : i32
    %c0_i32_1 = arith.constant 0 : i32
    return %get3A_0, %c0_i32 : i32, i32
  }
  func.func @transform_1(%arg0: i32, %arg1: memref<192xi32, #tpu.memory_space<smem>>, %arg2: memref<192xi32, #tpu.memory_space<smem>>, %arg3: memref<192xi32, #tpu.memory_space<smem>>) -> (i32, i32) {
    %get3A = arith.index_cast %arg0 : i32 to index
    %get3A_0 = memref.load %arg2[%get3A] : memref<192xi32, #tpu.memory_space<smem>>
    %c0_i32 = arith.constant 0 : i32
    %c0_i32_1 = arith.constant 0 : i32
    return %get3A_0, %c0_i32 : i32, i32
  }
  func.func @transform_2(%arg0: i32, %arg1: memref<192xi32, #tpu.memory_space<smem>>, %arg2: memref<192xi32, #tpu.memory_space<smem>>, %arg3: memref<192xi32, #tpu.memory_space<smem>>) -> (i32, i32, i32) {
    %get3A = arith.index_cast %arg0 : i32 to index
    %get3A_0 = memref.load %arg1[%get3A] : memref<192xi32, #tpu.memory_space<smem>>
    %c0_i32 = arith.constant 0 : i32
    %c0_i32_1 = arith.constant 0 : i32
    %c0_i32_2 = arith.constant 0 : i32
    return %get3A_0, %c0_i32, %c0_i32_1 : i32, i32, i32
  }
  func.func @transform_3(%arg0: i32, %arg1: memref<192xi32, #tpu.memory_space<smem>>, %arg2: memref<192xi32, #tpu.memory_space<smem>>, %arg3: memref<192xi32, #tpu.memory_space<smem>>) -> (i32, i32, i32) {
    %get3A = arith.index_cast %arg0 : i32 to index
    %get3A_0 = memref.load %arg1[%get3A] : memref<192xi32, #tpu.memory_space<smem>>
    %c0_i32 = arith.constant 0 : i32
    %c0_i32_1 = arith.constant 0 : i32
    %c0_i32_2 = arith.constant 0 : i32
    return %get3A_0, %c0_i32, %c0_i32_1 : i32, i32, i32
  }
  func.func @transform_4(%arg0: i32, %arg1: memref<192xi32, #tpu.memory_space<smem>>, %arg2: memref<192xi32, #tpu.memory_space<smem>>, %arg3: memref<192xi32, #tpu.memory_space<smem>>) -> (i32, i32, i32) {
    %get3A = arith.index_cast %arg0 : i32 to index
    %get3A_0 = memref.load %arg1[%get3A] : memref<192xi32, #tpu.memory_space<smem>>
    %c0_i32 = arith.constant 0 : i32
    %c0_i32_1 = arith.constant 0 : i32
    %c0_i32_2 = arith.constant 0 : i32
    return %get3A_0, %c0_i32, %c0_i32_1 : i32, i32, i32
  }
  func.func @transform_5(%arg0: i32, %arg1: memref<192xi32, #tpu.memory_space<smem>>, %arg2: memref<192xi32, #tpu.memory_space<smem>>, %arg3: memref<192xi32, #tpu.memory_space<smem>>) -> (i32, i32, i32) {
    %get3A = arith.index_cast %arg0 : i32 to index
    %get3A_0 = memref.load %arg1[%get3A] : memref<192xi32, #tpu.memory_space<smem>>
    %c0_i32 = arith.constant 0 : i32
    %c0_i32_1 = arith.constant 0 : i32
    %c0_i32_2 = arith.constant 0 : i32
    return %get3A_0, %c0_i32, %c0_i32_1 : i32, i32, i32
  }
  func.func @transform_6(%arg0: i32, %arg1: memref<192xi32, #tpu.memory_space<smem>>, %arg2: memref<192xi32, #tpu.memory_space<smem>>, %arg3: memref<192xi32, #tpu.memory_space<smem>>) -> (i32, i32) {
    %get3A = arith.index_cast %arg0 : i32 to index
    %get3A_0 = memref.load %arg2[%get3A] : memref<192xi32, #tpu.memory_space<smem>>
    %c0_i32 = arith.constant 0 : i32
    %c0_i32_1 = arith.constant 0 : i32
    return %get3A_0, %c0_i32 : i32, i32
  }
}

</mosaic_0001>

<sc_bundles>
// kernel: kernel.6.cloned.1.call-start
scs
__scs_entry_jumppad:
0x0: {  	(pc) =	sbr.rel $0x88, $3  }
0x1: {  	(tag) =	ssettag $0x0;
	lr =	simm.s32 $0x1  }
0x2: {  	[smem:$0x3F9A] =	sst lr;
	_ =	strace $0xD0000000  }
0x3: {  	_ = 	snop  }
0x4: {  	_ = 	snop  }
0x5: {  	_ = 	snop  }
0x6: {  	_ = 	snop  }
0x7: {  	_ = 	snop  }
__scs_overlays_trampoline_lowered:
0x8: {  	[smem:$0x3FA9] =	sst s0  }
0x9: {  	[smem:$0x3FAA] =	sst s1  }
0xa: {  	[smem:$0x3FAB] =	sst s2  }
0xb: {  	[smem:$0x3FAC] =	sst s3  }
0xc: {  	[smem:$0x3FAD] =	sst s4  }
0xd: {  	[smem:$0x3FAE] =	sst s5  }
0xe: {  	[smem:$0x3FAF] =	sst s6  }
0xf: {  	[smem:$0x3FB0] =	sst s7  }
0x10: {  	[smem:$0x3FB1] =	sst s8  }
0x11: {  	[smem:$0x3FB2] =	sst s9;
	s0 =	simm.s32 @!p0 $0x0  }
0x12: {  	s1 =	sld [smem:$0x3F98];
	s0 =	simm.s32 @p0 $0x1  }
0x13: {  	[smem:$0x3FB3] =	sst s0;
	s0 =	simm.s32 @!p1 $0x0  }
0x14: {  	s2 =	sld [smem:$0x3F97];
	s0 =	simm.s32 @p1 $0x1  }
0x15: {  	[smem:$0x3FB4] =	sst s0;
	s0 =	simm.s32 @!p2 $0x0  }
0x16: {  	s3 =	sld [smem:$0x3FDB];
	s0 =	simm.s32 @p2 $0x1  }
0x17: {  	s4 =	simm.s32 $0x1BF5;
	[smem:$0x3FB6] =	sst s0  }
0x18: {  	s0 =	sld [smem:$0x3F99];
	_ =	swait.ge [sflag:s4], $0x0  }
0x19: {  	s7 =	sld [smem:$0x3F9A]  }
0x1a: {  	s8 =	sadd.s32 $0xFFFFE003, lr  }
0x1b: {  	s9 =	sadd.s32 $0xFFFFFEF7, lr;
	s5 =	simm.s32 $0xFFFFFFFF;
	p2 =	slt.u32 s8, $0xFFFFF086  }
0x1c: {  	p1 =	slt.u32 s9, $0xF7A;
	s5 =	simm.s32 @!p2 $0x0  }
0x1d: {  	s5 =	simm.s32 @p1 $0x1;
	p0 =	seq.s32 s7, s2  }
0x1e: {  	s7 =	smul.u32 @!p0 $0xF7A, s2;
	p2 =	seq.s32 @!p0 s5, $0x0  }
0x1f: {  	s9 =	smul.u32 $0xF7A, s1;
	s8 =	simm.s32 @!p0 $0x1BF5;
	p2 =	por !p2, p0  }
0x20: {  	[sflag:s8] =	ssyncset.s32 @!p0 $0xFFFFF086;
	s6 =	sadd.s32 @!p0 s3, s7;
	s7 =	simm.s32 @!p0 $0x108  }
0x21: {  	s3 =	sadd.s32 s3, s9;
	s6 =	sadd.s32 @!p0 $0x88, s6;
	s7 =	simm.s32 @p2 $0x1082  }
0x22: {  	[simem:s7], [sflag:s8] =	dma.local @!p0 [hbm:s6], $0xF7A  }
0x23: {  	s9 =	sor.u32 $0xD0000000, s2;
	s6 =	simm.s32 $0x108;
	_ =	swait.ge @!p0 [sflag:s8], $0x0  }
0x24: {  	s3 =	sadd.s32 $0x88, s3;
	s6 =	simm.s32 @!p1 $0x1082;
	[sflag:s4] =	ssyncset.s32 $0xFFFFF086  }
0x25: {  	[simem:s6], [sflag:s4] =	dma.local [hbm:s3], $0xF7A  }
0x26: {  	[smem:$0x3F9A] =	sst s1;
	(tag) =	ssettag s2;
	_ =	strace s9  }
0x27: {  	s1 =	sld [smem:$0x3FAA]  }
0x28: {  	s2 =	sld [smem:$0x3FAB]  }
0x29: {  	s4 =	sld [smem:$0x3FAD]  }
0x2a: {  	p0 =	seq.s32 s5, $0x0;
	s5 =	sld [smem:$0x3FAE]  }
0x2b: {  	s6 =	sld [smem:$0x3FAF]  }
0x2c: {  	s7 =	sld [smem:$0x3FB0]  }
0x2d: {  	s3 =	simm.s32 $0x108;
	s8 =	sld [smem:$0x3FB1]  }
0x2e: {  	s3 =	simm.s32 @!p0 $0x1082;
	s9 =	sld [smem:$0x3FB2]  }
0x2f: {  	lr =	sadd.s32 s0, s3;
	s0 =	sld [smem:$0x3FA9]  }
0x30: {  	s3 =	sld [smem:$0x3FAC]  }
0x31: {  	[smem:$0x3FB5] =	sst s10  }
0x32: {  	s10 =	sld [smem:$0x3FB3];
	_ =	sdelay $0x3  }
0x33: {  	p0 =	seq.s32 s10, $0x1;
	s10 =	sld [smem:$0x3FB5];
	_ =	sdelay $0x3  }
0x34: {  	[smem:$0x3FB5] =	sst s10  }
0x35: {  	s10 =	sld [smem:$0x3FB4];
	_ =	sdelay $0x3  }
0x36: {  	p1 =	seq.s32 s10, $0x1;
	s10 =	sld [smem:$0x3FB5];
	_ =	sdelay $0x3  }
0x37: {  	[smem:$0x3FB5] =	sst s10  }
0x38: {  	s10 =	sld [smem:$0x3FB6]  }
0x39: {  	_ = 	snop;
	(pc) =	sbr.ind lr, $3  }
0x3a: {  	_ = 	snop  }
0x3b: {  	_ = 	snop  }
0x3c: {  	p2 =	seq.s32 s10, $0x1;
	s10 =	sld [smem:$0x3FB5]  }
0x3d: {  	_ =	shalt  }
0x3e: {  	_ =	shalt  }
0x3f: {  	_ =	shalt  }
0x40: {  	_ =	shalt  }
0x41: {  	_ =	shalt  }
0x42: {  	_ =	shalt  }
0x43: {  	_ =	shalt  }
0x44: {  	_ =	shalt  }
0x45: {  	_ =	shalt  }
0x46: {  	_ =	shalt  }
0x47: {  	_ =	shalt  }
0x48: {  	_ =	shalt  }
0x49: {  	_ =	shalt  }
0x4a: {  	_ =	shalt  }
0x4b: {  	_ =	shalt  }
0x4c: {  	_ =	shalt  }
0x4d: {  	_ =	shalt  }
0x4e: {  	_ =	shalt  }
0x4f: {  	_ =	shalt  }
0x50: {  	_ =	shalt  }
0x51: {  	_ =	shalt  }
0x52: {  	_ =	shalt  }
0x53: {  	_ =	shalt  }
0x54: {  	_ =	shalt  }
0x55: {  	_ =	shalt  }
0x56: {  	_ =	shalt  }
0x57: {  	_ =	shalt  }
0x58: {  	_ =	shalt  }
0x59: {  	_ =	shalt  }
0x5a: {  	_ =	shalt  }
0x5b: {  	_ =	shalt  }
0x5c: {  	_ =	shalt  }
0x5d: {  	_ =	shalt  }
0x5e: {  	_ =	shalt  }
0x5f: {  	_ =	shalt  }
0x60: {  	_ =	shalt  }
0x61: {  	_ =	shalt  }
0x62: {  	_ =	shalt  }
0x63: {  	_ =	shalt  }
0x64: {  	_ =	shalt  }
0x65: {  	_ =	shalt  }
0x66: {  	_ =	shalt  }
0x67: {  	_ =	shalt  }
0x68: {  	_ =	shalt  }
0x69: {  	_ =	shalt  }
0x6a: {  	_ =	shalt  }
0x6b: {  	_ =	shalt  }
0x6c: {  	_ =	shalt  }
0x6d: {  	_ =	shalt  }
0x6e: {  	_ =	shalt  }
0x6f: {  	_ =	shalt  }
0x70: {  	_ =	shalt  }
0x71: {  	_ =	shalt  }
0x72: {  	_ =	shalt  }
0x73: {  	_ =	shalt  }
0x74: {  	_ =	shalt  }
0x75: {  	_ =	shalt  }
0x76: {  	_ =	shalt  }
0x77: {  	_ =	shalt  }
0x78: {  	_ =	shalt  }
0x79: {  	_ =	shalt  }
0x7a: {  	_ =	shalt  }
0x7b: {  	_ =	shalt  }
0x7c: {  	_ =	shalt  }
0x7d: {  	_ =	shalt  }
0x7e: {  	_ =	shalt  }
0x7f: {  	_ =	shalt  }
0x80: {  	_ =	shalt  }
0x81: {  	_ =	shalt  }
0x82: {  	_ =	shalt  }
0x83: {  	_ =	shalt  }
0x84: {  	_ =	shalt  }
0x85: {  	_ =	shalt  }
0x86: {  	_ =	shalt  }
0x87: {  	_ =	shalt  }
.Lfunc_end0:
.L_simem_size_0:
called_computation_lowered:
.L_overlay_start_0:
0x88: {  	s2 =	sld [smem:$0x3FD9]  }
0x89: {  	s3 =	sld [smem:$0x3FFE];
	_ =	sdelay $0x1  }
0x8a: {  	s1 =	srdreg.scid  }
0x8b: {  	s0 =	sand.u32 $0x1, s1  }
0x8c: {  	s14 =	sshll.u32 s0, $0xA;
	s2 =	sadd.s32 s3, s2  }
0x8d: {  	s2 =	sadd.s32 s2, s14  }
0x8e: {  	[smem:$0x3FC1] =	sst s2  }
0x8f: {  	_ = 	snop  }
0x90: {  	s2 =	sld [smem:$0x3FD0];
	_ =	sdelay $0x2  }
0x91: {  	s4 =	simm.s32 $0xA;
	s5 =	simm.s32 $0x10;
	s15 =	sld [smem:$0x3FC9]  }
0x92: {  	[smem:s5], [sflag:s4] =	dma.local [hbm:s2], $0x1  }
0x93: {  	_ =	swait.eq [sflag:s4], $0x1  }
0x94: {  	[sflag:s4] =	ssyncset.done $0x0  }
0x95: {  	[sflag:s4] =	ssyncadd.s32 $0xFFFFFFFF  }
0x96: {  	s16 =	sld [smem:$0x10];
	(tm) =	ssettm $0x1  }
0x97: {  	s17 =	sld [smem:$0x3FFB];
	_ =	sdelay $0x3  }
0x98: {  	_ =	strace s17  }
0x99: {  	s4 =	sld [smem:$0x3FFC];
	_ =	sdelay $0x3  }
0x9a: {  	_ =	strace s4  }
0x9b: {  	s4 =	sld [smem:$0x3FFD];
	_ =	sdelay $0x3  }
0x9c: {  	_ =	strace s4  }
0x9d: {  	_ =	strace $0x8FFFFFFF  }
0x9e: {  	s18 =	sld [smem:$0x3FDB];
	_ =	sdelay $0x1  }
0x9f: {  	s19 =	simm.s32 $_scs_section_size  }
0xa0: {  	s6 =	simm.s32 $_size__tile_overlayer_lowered;
	s7 =	simm.s32 $_tile_overlayer_lowered  }
0xa1: {  	s22 =	simm.s32 $0x1BFF;
	s21 =	sshll.u32 s7, $0x1;
	s4 =	sadd.s32 s19, s18  }
0xa2: {  	s8 =	simm.s32 $0x0;
	s20 =	sshll.u32 s6, $0x1;
	s6 =	sadd.s32 s21, s4  }
0xa3: {  	[timem:s8], [sflag:s22] =	dma.local [hbm:s6], s20  }
0xa4: {  	_ =	swait.ge [sflag:s22], s20  }
0xa5: {  	s5 =	ssub.s32 $0x0, s20;
	[sflag:s22] =	ssyncset.done $0x0  }
0xa6: {  	[sflag:s22] =	ssyncadd.s32 s5;
	_ =	sdelay $0x1  }
0xa7: {  	s23 =	simm.s32 $0x1B8B  }
0xa8: {  	_ =	swait.ge [sflag:s23], $0x1  }
0xa9: {  	[sflag:s23] =	ssyncset.done $0x0  }
0xaa: {  	s25 =	simm.s32 $0x1B8E;
	s24 =	sld [smem:$0x3FFE];
	[sflag:s23] =	ssyncadd.s32 $0xFFFFFFFF  }
0xab: {  	s26 =	simm.s32 $execute0_lowered;
	[smem:$0x3FD2] =	sst s25  }
0xac: {  	s6 =	sshll.u32 s26, $0x1;
	_ =	strace $0x80000046;
	[dreg:$0x1] =	wrdreg $0xFFFFFFFF  }
0xad: {  	s28 =	simm.s32 $_size_execute0_lowered;
	s4 =	sadd.s32 s4, s6;
	[dreg:$0x0] =	wrdreg $0x0  }
0xae: {  	s6 =	sshll.u32 s28, $0x1;
	[dreg:$0x2] =	wrdreg s4  }
0xaf: {  	[dreg:$0x3] =	wrdreg s6  }
0xb0: {  	[dreg:$0x4] =	wrdreg $0xC0  }
0xb1: {  	_ =	task [dreg:s8], $0x5FFFF  }
0xb2: {  	[dreg:$0x1] =	wrdreg $0xFFFFFFFF  }
0xb3: {  	[dreg:$0x0] =	wrdreg $0x60  }
0xb4: {  	[dreg:$0x2] =	wrdreg s15  }
0xb5: {  	[dreg:$0x3] =	wrdreg s24  }
0xb6: {  	[dreg:$0x4] =	wrdreg s16  }
0xb7: {  	[dreg:$0x5] =	wrdreg $0x9  }
0xb8: {  	_ =	task.clear_ibuf [dreg:s8], $0x6FFFF;
	_ =	strace $0x90000046  }
0xb9: {  	s29 =	simm.s32 $0x9;
	_ =	strace $0x8000004C  }
0xba: {  	_ =	swait.ge [sflag:s29], $0x1  }
0xbb: {  	[sflag:s29] =	ssyncadd.s32 $0xFFFFFFFF  }
0xbc: {  	_ =	strace $0x9000004C  }
0xbd: {  	_ =	sfence  }
0xbe: {  	s30 =	sld [smem:$0x0];
	_ =	sdelay $0x2  }
0xbf: {  	s31 =	sshll.u32 s1, $0xD;
	s1 =	sshrl.u32 s1, $0x2  }
0xc0: {  	s3 =	sand.u32 $0x4000, s31;
	s1 =	sadd.s32 s1, s30  }
0xc1: {  	s0 =	sor.u32 s3, s0;
	s1 =	sshll.u32 s1, $0x11  }
0xc2: {  	s0 =	sor.u32 s1, s0  }
0xc3: {  	s0 =	sadd.s32 $0x8F2B, s0  }
0xc4: {  	[sflag:s0] =	ssyncadd.remote.s32 $0x1  }
0xc5: {  	_ =	sfence.sel $0xFFFF  }
0xc6: {  	[dreg:$0x0] =	wrdreg $0xFFFFFFFF;
	(pc) =	sbr.abs _section_cstart, $3  }
0xc7: {  	[dreg:$0x1] =	wrdreg $0xFFFFFFFF  }
0xc8: {  	_ =	task.clear_ibuf [dreg:s8], $0x2FFFF;
	_ =	strace $0x9FFFFFFF  }
0xc9: {  	(tm) =	ssettm $0x7FFFFFFF  }
tec
execute0_lowered:
.L_overlay_start_1:
0x0: {  	(tag) =	ssettag $0x1  }
0x1: {  	s1 =	rddreg [dreg:$0x0]  }
0x2: {  	s0 =	rddreg [dreg:$0x1]  }
0x3: {  	s2 =	rddreg [dreg:$0x2]  }
0x4: {  	s3 =	simm.s32 $0x0;
	s4 =	srdreg.scid;
	s14 =	stileid.u32  }
0x5: {  	[smem:$0x7FF] =	sst s3;
	s6 =	sand.u32 $0x1, s4;
	s17 =	sshll.u32 s14, $0x1  }
0x6: {  	s5 =	sadd.s32 $0x1200, s0;
	s18 =	sadd.s32 $0x800, s0;
	s19 =	sadd.s32 $0x1000, s0  }
0x7: {  	s9 =	sadd.s32 $0x1A00, s0;
	_ =	strace $0x80000047;
	[dreg:$0x4] =	wrdreg s5  }
0x8: {  	s15 =	sadd.s32 $0x1600, s0;
	s26 =	smul.u32 $0x600, s14;
	[dreg:$0x5] =	wrdreg s18  }
0x9: {  	s7 =	sor.u32 s6, s17;
	[dreg:$0x6] =	wrdreg s19;
	s20 =	ssub.s32 $0x2, s6  }
0xa: {  	[dreg:$0x7] =	wrdreg s15;
	s30 =	smul.u32 $0x300, s6;
	s15 =	sshll.u32 s14, $0xC  }
0xb: {  	s6 =	sshll.u32 s6, $0xB;
	s4 =	smul.u32 $0x300, s7;
	s8 =	sshll.u32 s7, $0x6  }
0xc: {  	s10 =	sshrl.u32 s20, $0x1;
	s6 =	sor.u32 s15, s6;
	s11 =	sadd.s32 s8, s0  }
0xd: {  	s10 =	ssub.s32 s20, s10;
	s0 =	sadd.s32 $0xC00, s0;
	s19 =	ssub.s32 $0x0, s6  }
0xe: {  	s20 =	ssub.s32 $0x8000, s6;
	[dreg:$0x8] =	wrdreg s0;
	s21 =	sadd.s32 $0x481A00, s11  }
0xf: {  	s12 =	sshrl.u32 s4, $0x3;
	s0 =	sadd.s32 s30, s26;
	[dreg:$0x9] =	wrdreg s21  }
0x10: {  	s22 =	smul.u32 $0x600, s12;
	s2 =	sadd.s32 s2, s12;
	[dreg:$0x10] =	wrdreg s0  }
0x11: {  	s0 =	sshra.s32 s19, $0x2;
	s21 =	smax.u32 s10, $0x1;
	[dreg:$0xa] =	wrdreg s2  }
0x12: {  	s13 =	smul.u32 $0x3000, s12;
	[dreg:$0x12] =	wrdreg s21;
	s0 =	sadd.s32 $0x4680, s0  }
0x13: {  	s12 =	sadd.s32 s9, s22;
	[dreg:$0x13] =	wrdreg s0;
	s22 =	sshra.s32 s20, $0x2  }
0x14: {  	s23 =	sshrl.u32 s13, $0x3;
	s0 =	sadd.s32 $0x4680, s22;
	[dreg:$0xb] =	wrdreg s12  }
0x15: {  	s24 =	sadd.s32 s9, s23;
	s23 =	sadd.s32 $0x1800, s12;
	[dreg:$0x14] =	wrdreg s0  }
0x16: {  	s30 =	sadd.s32 $0x3000, s12;
	[dreg:$0x15] =	wrdreg s23  }
0x17: {  	s6 =	sadd.s32 $0xD800, s12;
	[dreg:$0x16] =	wrdreg s30  }
0x18: {  	s9 =	sadd.s32 $0xF000, s12;
	[dreg:$0x18] =	wrdreg s6  }
0x19: {  	s10 =	sadd.s32 $0x10800, s12;
	[dreg:$0x19] =	wrdreg s9  }
0x1a: {  	s11 =	sadd.s32 $0x12000, s12;
	[dreg:$0x1a] =	wrdreg s10  }
0x1b: {  	s14 =	sadd.s32 $0x13800, s12;
	[dreg:$0x1b] =	wrdreg s11  }
0x1c: {  	s15 =	sadd.s32 $0x15000, s12;
	[dreg:$0x1c] =	wrdreg s14  }
0x1d: {  	s29 =	simm.s32 $0x4000;
	s19 =	sadd.s32 $0x1B000, s12;
	[dreg:$0x1d] =	wrdreg s15  }
0x1e: {  	s31 =	simm.s32 $0x4080;
	s20 =	sadd.s32 $0x1C800, s12;
	[smem:$0x7F8] =	sst s19  }
0x1f: {  	s28 =	sadd.s32 $0x500, s1;
	s21 =	sadd.s32 $0x1E000, s12;
	[smem:$0x7F9] =	sst s20  }
0x20: {  	s7 =	sshll.u32 s7, $0x5;
	s22 =	sadd.s32 $0x1F800, s12;
	[smem:$0x7FA] =	sst s21  }
0x21: {  	s8 =	sadd.s32 $0x20, s7;
	s25 =	sadd.s32 $0x4800, s24;
	[smem:$0x7FB] =	sst s22  }
0x22: {  	s5 =	sadd.s32 $0x300, s4;
	s16 =	sadd.s32 $0x6000, s24;
	[dreg:$0xc] =	wrdreg s25  }
0x23: {  	s26 =	sadd.s32 $0x400, s1;
	s17 =	sadd.s32 $0x7800, s24;
	[dreg:$0xd] =	wrdreg s16  }
0x24: {  	v0 =	vmov s4;
	s4 =	simm.s32 $0x4;
	s18 =	sadd.s32 $0x9000, s24;
	[dreg:$0xe] =	wrdreg s17  }
0x25: {  	v1 =	vmov s5;
	s5 =	simm.s32 $0x0;
	s2 =	sadd.s32 $0xA800, s24;
	[dreg:$0xf] =	wrdreg s18  }
0x26: {  	s13 =	sadd.s32 $0x100, s1;
	s23 =	sadd.s32 $0x21000, s12;
	[dreg:$0x11] =	wrdreg s2  }
0x27: {  	s24 =	sadd.s32 $0x200, s1;
	s30 =	sadd.s32 $0x22800, s12;
	[smem:$0x7FC] =	sst s23  }
0x28: {  	s0 =	simm.s32 $0x4380;
	s2 =	sadd.s32 $0xC000, s12;
	[smem:$0x7FD] =	sst s30  }
0x29: {  	vm0 =	vcmask $0x3F24;
	vm1 =	vcmask $0x1F04;
	s14 =	simm.s32 $0x3;
	s16 =	sadd.s32 $0x16800, s12;
	[dreg:$0x17] =	wrdreg s2  }
0x2a: {  	v2 =	vlaneseq.u32;
	v3 =	vimm.f32 $0.0e+00;
	v4 =	vimm.s32 $0x0;
	s19 =	simm.s32 $0x2;
	s17 =	sadd.s32 $0x18000, s12;
	[dreg:$0x1e] =	wrdreg s16  }
0x2b: {  	vm0 =	vmor vm1, vm0;
	v5 =	vand.u32 $0x7, v2;
	v6 =	vshrl.u32 v2, $0x3;
	s25 =	sadd.s32 $0x300, s1;
	s18 =	sadd.s32 $0x19800, s12;
	[dreg:$0x1f] =	wrdreg s17  }
0x2c: {  	vm1 =	vmmov $0xffff;
	v7 =	vor.u32 $0x8, v2;
	v6 =	vmul.u32 $0x8, v6;
	s12 =	simm.s32 $0x5;
	[smem:$0x7F7] =	sst s18;
	s16 =	simm.s32 $0x1  }
.LBB2_1:
0x2d: {  	_ =	strace $0x80000048  }
0x2e: {  	s6 =	rddreg [dreg:$0x6]  }
0x2f: {  	[tilespmem:s29], [sflag:$0x5] =	stream.linear.gather [hbm4b:s6+s3], $0x80, $0x200038;
	[tilespmem:$0x1C880] =	vst v63  }
0x30: {  	_ =	swait.ge [sflag:s12], $0x80  }
0x31: {  	s9 =	rddreg [dreg:$0x10]  }
0x32: {  	[sflag:s12] =	ssyncset.done $0x0;
	v8 =	vor.u32 s9, v2  }
0x33: {  	s10 =	simm.s32 $0x0;
	s6 =	simm.s32 $0x40;
	[sflag:s12] =	ssyncadd.s32 $0xFFFFFF80;
	v8 =	vand.u32 $0x7FF, v8  }
.LBB2_2:
0x34: {  	p0 =	sne.s32 s6, $0xBC0  }
0x35: {  	[tilespmem:s10+$0x4080] =	vst v8;
	s9 =	sadd.s32 $0x10, s9;
	s11 =	smov.u32 s6;
	s6 =	sadd.s32 $0x40, s6  }
.Ltmp0:
0x36: {  	[tilespmem:s10+$0x4380] =	vst v3;
	(pc) =	sbr.rel @p0 .LBB2_2-.Ltmp0, $3  }
0x37: {  	_ =	sdelay $0x1  }
0x38: {  	v8 =	vor.u32 s9, v2  }
0x39: {  	s10 =	sshra.s32 s11, $0x2;
	v8 =	vand.u32 $0x7FF, v8  }
0x3a: {  	[tilespmem:s10+$0x4080] =	vst v8  }
0x3b: {  	[tilespmem:s10+$0x4380] =	vst v3  }
0x3c: {  	_ =	strace $0x90000048  }
0x3d: {  	_ =	strace $0x80000049  }
0x3e: {  	s6 =	simm.s32 $0x0;
	s9 =	rddreg [dreg:$0x4]  }
0x3f: {  	[tilespmem:s6], [sflag:$0x5] =	stream.linear.gather [hbm4b:s9+s6], $0x2000, $0x200038;
	[tilespmem:$0x1C880] =	vst v63  }
0x40: {  	_ =	swait.ge [sflag:s12], $0x2000  }
0x41: {  	[sflag:s12] =	ssyncset.done $0x0  }
0x42: {  	s22 =	simm.s32 $0x2000;
	s30 =	rddreg [dreg:$0x5];
	[sflag:s12] =	ssyncadd.s32 $0xFFFFE000  }
0x43: {  	[tilespmem:s22], [sflag:$0x5] =	stream.linear.gather [hbm4b:s30+s6], $0x2000, $0x200038;
	[tilespmem:$0x1C880] =	vst v63  }
0x44: {  	_ =	swait.ge [sflag:s12], $0x2000  }
0x45: {  	s11 =	simm.s32 $0x0;
	[sflag:s12] =	ssyncset.done $0x0  }
0x46: {  	s9 =	simm.s32 $0x0;
	s10 =	rddreg [dreg:$0x13];
	[sflag:s12] =	ssyncadd.s32 $0xFFFFE000  }
.LBB2_4:
0x47: {  	v8 =	vld [tilespmem:s6+$0x0];
	_ =	sdelay $0x4  }
0x48: {  	v9 =	vshrl.u32 v8, $0x10;
	_ =	sdelay $0x4  }
0x49: {  	v9 =	vld.idx.msk [tilespmem:v9+s29+$0x0], $0xffff;
	_ =	sdelay $0x3  }
0x4a: {  	v8 =	vand.u32 $0xFFFF, v8  }
0x4b: {  	v8 =	vadd.s32 v8, v9  }
0x4c: {  	v9 =	vsub.s32 v8, v0;
	vm2 =	vge.s32 v8, v0;
	vm3 =	vlt.s32 v8, v1  }
0x4d: {  	v10 =	vand.u32 $0x7F, v8;
	vm2 =	vmand vm2, vm3;
	v9 =	vand.u32 $0xFFFFFF80, v9  }
0x4e: {  	v11 =	vmov s9;
	v9 =	vor.u32 v10, v9  }
0x4f: {  	vm3 =	veq.s32 v11, v2  }
0x50: {  	v62 =	vor.u32 s9, v2;
	vm3 =	vmand vm3, vm0  }
0x51: {  	v10 =	vshrl.u32 v62, $0x3;
	v63 =	vsel vm3, $0xFFFFFFFF, v4  }
0x52: {  	v10 =	vadd.s32 v63, v10  }
0x53: {  	[tilespmem:v9+s31+$0x0] =	vst.idx.msk vm2, v10  }
0x54: {  	v10 =	vld [tilespmem:s22+$0x0];
	_ =	sdelay $0x2  }
0x55: {  	p0 =	slt.u32 s11, s7  }
0x56: {  	p1 =	sge.u32 @!p0 s11, s8  }
0x57: {  	s11 =	sadd.s32 $0x1, s11;
	p0 =	por p1, p0;
	[tilespmem:v9+s0+$0x0] =	vst.idx.msk vm2, v10  }
0x58: {  	[tilespmem:s10+$0x0] =	vst @!p0 v8;
	p0 =	sne.s32 s11, $0x200  }
.Ltmp1:
0x59: {  	_ = 	snop;
	(pc) =	sbr.rel @p0 .LBB2_4-.Ltmp1, $3  }
0x5a: {  	_ =	sdelay $0x1  }
0x5b: {  	s9 =	sadd.s32 $0x10, s9  }
0x5c: {  	s6 =	sadd.s32 $0x10, s6;
	s22 =	sadd.s32 $0x10, s22;
	s10 =	sadd.s32 $0x10, s10  }
0x5d: {  	[smem:$0x7F6] =	sst s5  }
0x5e: {  	s6 =	simm.s32 $0x0;
	s9 =	rddreg [dreg:$0x7]  }
0x5f: {  	[tilespmem:s6], [sflag:$0x5] =	stream.linear.gather [hbm4b:s9+s6], $0x2000, $0x200038;
	[tilespmem:$0x1C880] =	vst v63  }
0x60: {  	_ =	swait.ge [sflag:s12], $0x2000  }
0x61: {  	[sflag:s12] =	ssyncset.done $0x0  }
0x62: {  	s9 =	simm.s32 $0x2000;
	s10 =	rddreg [dreg:$0x8];
	[sflag:s12] =	ssyncadd.s32 $0xFFFFE000  }
0x63: {  	[tilespmem:s9], [sflag:$0x5] =	stream.linear.gather [hbm4b:s10+s6], $0x2000, $0x200038;
	[tilespmem:$0x1C880] =	vst v63  }
0x64: {  	_ =	swait.ge [sflag:s12], $0x2000  }
0x65: {  	s11 =	simm.s32 $0x2000;
	[sflag:s12] =	ssyncset.done $0x0  }
0x66: {  	s10 =	simm.s32 $0x200;
	s22 =	rddreg [dreg:$0x14];
	[sflag:s12] =	ssyncadd.s32 $0xFFFFE000  }
.LBB2_6:
0x67: {  	v8 =	vld [tilespmem:s6+$0x0];
	_ =	sdelay $0x4  }
0x68: {  	v9 =	vshrl.u32 v8, $0x10;
	_ =	sdelay $0x4  }
0x69: {  	v9 =	vld.idx.msk [tilespmem:v9+s29+$0x0], $0xffff;
	_ =	sdelay $0x3  }
0x6a: {  	v8 =	vand.u32 $0xFFFF, v8  }
0x6b: {  	v8 =	vadd.s32 v8, v9  }
0x6c: {  	v9 =	vsub.s32 v8, v0;
	vm2 =	vge.s32 v8, v0;
	vm3 =	vlt.s32 v8, v1  }
0x6d: {  	v10 =	vand.u32 $0x7F, v8;
	vm2 =	vmand vm2, vm3;
	v9 =	vand.u32 $0xFFFFFF80, v9  }
0x6e: {  	v9 =	vor.u32 v10, v9;
	_ =	sdelay $0x2  }
0x6f: {  	v63 =	vor.u32 s11, v2  }
0x70: {  	v10 =	vshrl.u32 v63, $0x3  }
0x71: {  	[tilespmem:v9+s31+$0x0] =	vst.idx.msk vm2, v10  }
0x72: {  	v10 =	vld [tilespmem:s9+$0x0];
	_ =	sdelay $0x2  }
0x73: {  	p0 =	slt.u32 s10, s7  }
0x74: {  	p1 =	sge.u32 @!p0 s10, s8  }
0x75: {  	s10 =	sadd.s32 $0x1, s10;
	p0 =	por p1, p0;
	[tilespmem:v9+s0+$0x0] =	vst.idx.msk vm2, v10  }
0x76: {  	[tilespmem:s22+$0x0] =	vst @!p0 v8;
	p0 =	sne.s32 s10, $0x400  }
.Ltmp2:
0x77: {  	_ = 	snop;
	(pc) =	sbr.rel @p0 .LBB2_6-.Ltmp2, $3  }
0x78: {  	_ =	sdelay $0x1  }
0x79: {  	s11 =	sadd.s32 $0x10, s11  }
0x7a: {  	s6 =	sadd.s32 $0x10, s6;
	s9 =	sadd.s32 $0x10, s9;
	s22 =	sadd.s32 $0x10, s22  }
0x7b: {  	_ =	strace $0x90000049  }
0x7c: {  	_ =	strace $0x8000004A  }
0x7d: {  	s9 =	simm.s32 $0x4680;
	s6 =	rddreg [dreg:$0x9]  }
0x7e: {  	[hbm4b:s6+s3] =	stream.linear.scatter [tilespmem:s9], [sflag:$0x5], $0x200, $0x200038;
	[tilespmem:$0x1C880] =	vst v63  }
0x7f: {  	_ =	swait.ge [sflag:s12], $0x200  }
0x80: {  	[sflag:s12] =	ssyncset.done $0x0  }
0x81: {  	s10 =	rddreg [dreg:$0xa];
	[sflag:s12] =	ssyncadd.s32 $0xFFFFFE00  }
0x82: {  	[hbm4b:s10+s3] =	stream.linear.scatter [tilespmem:s0], [sflag:$0x5], $0x300, $0x200038;
	[tilespmem:$0x1C880] =	vst v63  }
0x83: {  	_ =	swait.ge [sflag:s12], $0x300  }
0x84: {  	[sflag:s12] =	ssyncset.done $0x0  }
0x85: {  	[sflag:s12] =	ssyncadd.s32 $0xFFFFFD00  }
0x86: {  	_ =	strace $0x9000004A  }
0x87: {  	_ =	strace $0x8000004B  }
0x88: {  	v8 =	vld [tilespmem:$0x4080];
	_ =	sdelay $0x4  }
0x89: {  	v9 =	vshrl.u32 v8, $0x3  }
0x8a: {  	v9 =	vmul.u32 $0x60, v9  }
0x8b: {  	v8 =	vand.u32 $0x7, v8  }
0x8c: {  	v8 =	vor.u32 v8, v9  }
0x8d: {  	v9 =	vperm.xlane v8, v5;
	_ =	sdelay $0x1  }
0x8e: {  	v9 =	vadd.s32 v6, v9;
	_ =	sdelay $0x3  }
0x8f: {  	s2 =	simm.s32 $0x4880  }
0x90: {  	[tilespmem:s2], [sflag:$0x1] =	stream.indirect_vreg.gather [hbm4b:s1+s3], $0x80, v9, vm1, $0x2000b8;
	[tilespmem:$0x1C880] =	vst v63  }
0x91: {  	s5 =	simm.s32 $0x5080  }
0x92: {  	[tilespmem:s5], [sflag:$0x1] =	stream.indirect_vreg.gather [hbm4b:s13+s3], $0x80, v9, vm1, $0x2000b8;
	[tilespmem:$0x1C880] =	vst v63  }
0x93: {  	s11 =	simm.s32 $0x5880  }
0x94: {  	[tilespmem:s11], [sflag:$0x1] =	stream.indirect_vreg.gather [hbm4b:s24+s3], $0x80, v9, vm1, $0x2000b8;
	[tilespmem:$0x1C880] =	vst v63  }
0x95: {  	s12 =	simm.s32 $0x6080;
	v8 =	vperm.xlane v8, v7  }
0x96: {  	[tilespmem:s12], [sflag:$0x1] =	stream.indirect_vreg.gather [hbm4b:s25+s3], $0x80, v9, vm1, $0x2000b8;
	[tilespmem:$0x1C880] =	vst v63  }
0x97: {  	s15 =	simm.s32 $0x6880;
	v8 =	vadd.s32 v6, v8  }
0x98: {  	[tilespmem:s15], [sflag:$0x1] =	stream.indirect_vreg.gather [hbm4b:s26+s3], $0x80, v9, vm1, $0x2000b8;
	[tilespmem:$0x1C880] =	vst v63  }
0x99: {  	s17 =	simm.s32 $0x7080  }
0x9a: {  	[tilespmem:s17], [sflag:$0x1] =	stream.indirect_vreg.gather [hbm4b:s28+s3], $0x80, v9, vm1, $0x2000b8;
	[tilespmem:$0x1C880] =	vst v63  }
0x9b: {  	s18 =	simm.s32 $0x7880  }
0x9c: {  	[tilespmem:s18], [sflag:$0x1] =	stream.indirect_vreg.gather [hbm4b:s1+s3], $0x80, v8, vm1, $0x2000b8;
	[tilespmem:$0x1C880] =	vst v63  }
0x9d: {  	s20 =	simm.s32 $0x8080  }
0x9e: {  	[tilespmem:s20], [sflag:$0x1] =	stream.indirect_vreg.gather [hbm4b:s13+s3], $0x80, v8, vm1, $0x2000b8;
	[tilespmem:$0x1C880] =	vst v63  }
0x9f: {  	s21 =	simm.s32 $0x8880  }
0xa0: {  	[tilespmem:s21], [sflag:$0x1] =	stream.indirect_vreg.gather [hbm4b:s24+s3], $0x80, v8, vm1, $0x2000b8;
	[tilespmem:$0x1C880] =	vst v63  }
0xa1: {  	s22 =	simm.s32 $0x9080  }
0xa2: {  	[tilespmem:s22], [sflag:$0x1] =	stream.indirect_vreg.gather [hbm4b:s25+s3], $0x80, v8, vm1, $0x2000b8;
	[tilespmem:$0x1C880] =	vst v63  }
0xa3: {  	s23 =	simm.s32 $0x9880  }
0xa4: {  	[tilespmem:s23], [sflag:$0x1] =	stream.indirect_vreg.gather [hbm4b:s26+s3], $0x80, v8, vm1, $0x2000b8;
	[tilespmem:$0x1C880] =	vst v63  }
0xa5: {  	s30 =	simm.s32 $0xA080  }
0xa6: {  	[tilespmem:s30], [sflag:$0x1] =	stream.indirect_vreg.gather [hbm4b:s28+s3], $0x80, v8, vm1, $0x2000b8;
	[tilespmem:$0x1C880] =	vst v63  }
0xa7: {  	v8 =	vld [tilespmem:$0x4090];
	_ =	sdelay $0x4  }
0xa8: {  	v17 =	vshrl.u32 v8, $0x3  }
0xa9: {  	v9 =	vmul.u32 $0x60, v17  }
0xaa: {  	v8 =	vand.u32 $0x7, v8  }
0xab: {  	v8 =	vor.u32 v8, v9  }
0xac: {  	v9 =	vperm.xlane v8, v5;
	_ =	sdelay $0x1  }
0xad: {  	v9 =	vadd.s32 v6, v9;
	_ =	sdelay $0x3  }
0xae: {  	s2 =	simm.s32 $0xA880  }
0xaf: {  	[tilespmem:s2], [sflag:$0x1] =	stream.indirect_vreg.gather [hbm4b:s1+s3], $0x80, v9, vm1, $0x2000b8;
	[tilespmem:$0x1C880] =	vst v63  }
0xb0: {  	s6 =	simm.s32 $0xB080  }
0xb1: {  	[tilespmem:s6], [sflag:$0x1] =	stream.indirect_vreg.gather [hbm4b:s13+s3], $0x80, v9, vm1, $0x2000b8;
	[tilespmem:$0x1C880] =	vst v63  }
0xb2: {  	s11 =	simm.s32 $0xB880  }
0xb3: {  	[tilespmem:s11], [sflag:$0x1] =	stream.indirect_vreg.gather [hbm4b:s24+s3], $0x80, v9, vm1, $0x2000b8;
	[tilespmem:$0x1C880] =	vst v63  }
0xb4: {  	s12 =	simm.s32 $0xC080;
	v8 =	vperm.xlane v8, v7  }
0xb5: {  	[tilespmem:s12], [sflag:$0x1] =	stream.indirect_vreg.gather [hbm4b:s25+s3], $0x80, v9, vm1, $0x2000b8;
	[tilespmem:$0x1C880] =	vst v63  }
0xb6: {  	s15 =	simm.s32 $0xC880;
	v8 =	vadd.s32 v6, v8  }
0xb7: {  	[tilespmem:s15], [sflag:$0x1] =	stream.indirect_vreg.gather [hbm4b:s26+s3], $0x80, v9, vm1, $0x2000b8;
	[tilespmem:$0x1C880] =	vst v63  }
0xb8: {  	s18 =	simm.s32 $0xD080  }
0xb9: {  	[tilespmem:s18], [sflag:$0x1] =	stream.indirect_vreg.gather [hbm4b:s28+s3], $0x80, v9, vm1, $0x2000b8;
	[tilespmem:$0x1C880] =	vst v63  }
0xba: {  	s21 =	simm.s32 $0xD880  }
0xbb: {  	[tilespmem:s21], [sflag:$0x1] =	stream.indirect_vreg.gather [hbm4b:s1+s3], $0x80, v8, vm1, $0x2000b8;
	[tilespmem:$0x1C880] =	vst v63  }
0xbc: {  	s23 =	simm.s32 $0xE080  }
0xbd: {  	[tilespmem:s23], [sflag:$0x1] =	stream.indirect_vreg.gather [hbm4b:s13+s3], $0x80, v8, vm1, $0x2000b8;
	[tilespmem:$0x1C880] =	vst v63  }
0xbe: {  	s30 =	simm.s32 $0xE880  }
0xbf: {  	[tilespmem:s30], [sflag:$0x1] =	stream.indirect_vreg.gather [hbm4b:s24+s3], $0x80, v8, vm1, $0x2000b8;
	[tilespmem:$0x1C880] =	vst v63  }
0xc0: {  	s2 =	simm.s32 $0xF080  }
0xc1: {  	[tilespmem:s2], [sflag:$0x1] =	stream.indirect_vreg.gather [hbm4b:s25+s3], $0x80, v8, vm1, $0x2000b8;
	[tilespmem:$0x1C880] =	vst v63  }
0xc2: {  	s6 =	simm.s32 $0xF880  }
0xc3: {  	[tilespmem:s6], [sflag:$0x1] =	stream.indirect_vreg.gather [hbm4b:s26+s3], $0x80, v8, vm1, $0x2000b8;
	[tilespmem:$0x1C880] =	vst v63  }
0xc4: {  	s11 =	simm.s32 $0x10080  }
0xc5: {  	[tilespmem:s11], [sflag:$0x1] =	stream.indirect_vreg.gather [hbm4b:s28+s3], $0x80, v8, vm1, $0x2000b8;
	[tilespmem:$0x1C880] =	vst v63  }
0xc6: {  	v8 =	vld [tilespmem:$0x40A0];
	_ =	sdelay $0x4  }
0xc7: {  	v18 =	vshrl.u32 v8, $0x3  }
0xc8: {  	v9 =	vmul.u32 $0x60, v18  }
0xc9: {  	v8 =	vand.u32 $0x7, v8  }
0xca: {  	v8 =	vor.u32 v8, v9  }
0xcb: {  	v9 =	vperm.xlane v8, v5;
	_ =	sdelay $0x1  }
0xcc: {  	v9 =	vadd.s32 v6, v9;
	_ =	sdelay $0x3  }
0xcd: {  	s12 =	simm.s32 $0x10880  }
0xce: {  	[tilespmem:s12], [sflag:$0x2] =	stream.indirect_vreg.gather [hbm4b:s1+s3], $0x80, v9, vm1, $0x2000b8;
	[tilespmem:$0x1C880] =	vst v63  }
0xcf: {  	s15 =	simm.s32 $0x11080  }
0xd0: {  	[tilespmem:s15], [sflag:$0x2] =	stream.indirect_vreg.gather [hbm4b:s13+s3], $0x80, v9, vm1, $0x2000b8;
	[tilespmem:$0x1C880] =	vst v63  }
0xd1: {  	s18 =	simm.s32 $0x11880  }
0xd2: {  	[tilespmem:s18], [sflag:$0x2] =	stream.indirect_vreg.gather [hbm4b:s24+s3], $0x80, v9, vm1, $0x2000b8;
	[tilespmem:$0x1C880] =	vst v63  }
0xd3: {  	s23 =	simm.s32 $0x12080;
	v8 =	vperm.xlane v8, v7  }
0xd4: {  	[tilespmem:s23], [sflag:$0x2] =	stream.indirect_vreg.gather [hbm4b:s25+s3], $0x80, v9, vm1, $0x2000b8;
	[tilespmem:$0x1C880] =	vst v63  }
0xd5: {  	s30 =	simm.s32 $0x12880;
	v8 =	vadd.s32 v6, v8  }
0xd6: {  	[tilespmem:s30], [sflag:$0x2] =	stream.indirect_vreg.gather [hbm4b:s26+s3], $0x80, v9, vm1, $0x2000b8;
	[tilespmem:$0x1C880] =	vst v63  }
0xd7: {  	s2 =	simm.s32 $0x13080  }
0xd8: {  	[tilespmem:s2], [sflag:$0x2] =	stream.indirect_vreg.gather [hbm4b:s28+s3], $0x80, v9, vm1, $0x2000b8;
	[tilespmem:$0x1C880] =	vst v63  }
0xd9: {  	s5 =	simm.s32 $0x13880  }
0xda: {  	[tilespmem:s5], [sflag:$0x2] =	stream.indirect_vreg.gather [hbm4b:s1+s3], $0x80, v8, vm1, $0x2000b8;
	[tilespmem:$0x1C880] =	vst v63  }
0xdb: {  	s11 =	simm.s32 $0x14080  }
0xdc: {  	[tilespmem:s11], [sflag:$0x2] =	stream.indirect_vreg.gather [hbm4b:s13+s3], $0x80, v8, vm1, $0x2000b8;
	[tilespmem:$0x1C880] =	vst v63  }
0xdd: {  	s12 =	simm.s32 $0x14880  }
0xde: {  	[tilespmem:s12], [sflag:$0x2] =	stream.indirect_vreg.gather [hbm4b:s24+s3], $0x80, v8, vm1, $0x2000b8;
	[tilespmem:$0x1C880] =	vst v63  }
0xdf: {  	s15 =	simm.s32 $0x15080  }
0xe0: {  	[tilespmem:s15], [sflag:$0x2] =	stream.indirect_vreg.gather [hbm4b:s25+s3], $0x80, v8, vm1, $0x2000b8;
	[tilespmem:$0x1C880] =	vst v63  }
0xe1: {  	s18 =	simm.s32 $0x15880  }
0xe2: {  	[tilespmem:s18], [sflag:$0x2] =	stream.indirect_vreg.gather [hbm4b:s26+s3], $0x80, v8, vm1, $0x2000b8;
	[tilespmem:$0x1C880] =	vst v63  }
0xe3: {  	s23 =	simm.s32 $0x16080  }
0xe4: {  	[tilespmem:s23], [sflag:$0x2] =	stream.indirect_vreg.gather [hbm4b:s28+s3], $0x80, v8, vm1, $0x2000b8;
	[tilespmem:$0x1C880] =	vst v63  }
0xe5: {  	v8 =	vld [tilespmem:$0x40B0];
	_ =	sdelay $0x4  }
0xe6: {  	v19 =	vshrl.u32 v8, $0x3  }
0xe7: {  	v9 =	vmul.u32 $0x60, v19  }
0xe8: {  	v8 =	vand.u32 $0x7, v8  }
0xe9: {  	v8 =	vor.u32 v8, v9  }
0xea: {  	v9 =	vperm.xlane v8, v5;
	_ =	sdelay $0x1  }
0xeb: {  	v9 =	vadd.s32 v6, v9;
	_ =	sdelay $0x3  }
0xec: {  	s30 =	simm.s32 $0x16880  }
0xed: {  	[tilespmem:s30], [sflag:$0x2] =	stream.indirect_vreg.gather [hbm4b:s1+s3], $0x80, v9, vm1, $0x2000b8;
	[tilespmem:$0x1C880] =	vst v63  }
0xee: {  	s2 =	simm.s32 $0x17080  }
0xef: {  	[tilespmem:s2], [sflag:$0x2] =	stream.indirect_vreg.gather [hbm4b:s13+s3], $0x80, v9, vm1, $0x2000b8;
	[tilespmem:$0x1C880] =	vst v63  }
0xf0: {  	s5 =	simm.s32 $0x17880  }
0xf1: {  	[tilespmem:s5], [sflag:$0x2] =	stream.indirect_vreg.gather [hbm4b:s24+s3], $0x80, v9, vm1, $0x2000b8;
	[tilespmem:$0x1C880] =	vst v63  }
0xf2: {  	s11 =	simm.s32 $0x18080;
	v8 =	vperm.xlane v8, v7  }
0xf3: {  	[tilespmem:s11], [sflag:$0x2] =	stream.indirect_vreg.gather [hbm4b:s25+s3], $0x80, v9, vm1, $0x2000b8;
	[tilespmem:$0x1C880] =	vst v63  }
0xf4: {  	s12 =	simm.s32 $0x18880;
	v8 =	vadd.s32 v6, v8  }
0xf5: {  	[tilespmem:s12], [sflag:$0x2] =	stream.indirect_vreg.gather [hbm4b:s26+s3], $0x80, v9, vm1, $0x2000b8;
	[tilespmem:$0x1C880] =	vst v63  }
0xf6: {  	s15 =	simm.s32 $0x19080  }
0xf7: {  	[tilespmem:s15], [sflag:$0x2] =	stream.indirect_vreg.gather [hbm4b:s28+s3], $0x80, v9, vm1, $0x2000b8;
	[tilespmem:$0x1C880] =	vst v63  }
0xf8: {  	s18 =	simm.s32 $0x19880  }
0xf9: {  	[tilespmem:s18], [sflag:$0x2] =	stream.indirect_vreg.gather [hbm4b:s1+s3], $0x80, v8, vm1, $0x2000b8;
	[tilespmem:$0x1C880] =	vst v63  }
0xfa: {  	s23 =	simm.s32 $0x1A080  }
0xfb: {  	[tilespmem:s23], [sflag:$0x2] =	stream.indirect_vreg.gather [hbm4b:s13+s3], $0x80, v8, vm1, $0x2000b8;
	[tilespmem:$0x1C880] =	vst v63  }
0xfc: {  	s30 =	simm.s32 $0x1A880  }
0xfd: {  	[tilespmem:s30], [sflag:$0x2] =	stream.indirect_vreg.gather [hbm4b:s24+s3], $0x80, v8, vm1, $0x2000b8;
	[tilespmem:$0x1C880] =	vst v63  }
0xfe: {  	s2 =	simm.s32 $0x1B080  }
0xff: {  	[tilespmem:s2], [sflag:$0x2] =	stream.indirect_vreg.gather [hbm4b:s25+s3], $0x80, v8, vm1, $0x2000b8;
	[tilespmem:$0x1C880] =	vst v63  }
0x100: {  	s5 =	simm.s32 $0x1B880  }
0x101: {  	[tilespmem:s5], [sflag:$0x2] =	stream.indirect_vreg.gather [hbm4b:s26+s3], $0x80, v8, vm1, $0x2000b8;
	[tilespmem:$0x1C880] =	vst v63  }
0x102: {  	s11 =	simm.s32 $0x1C080  }
0x103: {  	[tilespmem:s11], [sflag:$0x2] =	stream.indirect_vreg.gather [hbm4b:s28+s3], $0x80, v8, vm1, $0x2000b8;
	[tilespmem:$0x1C880] =	vst v63  }
0x104: {  	_ =	swait.ge [sflag:s16], $0xC000  }
0x105: {  	[sflag:s16] =	ssyncset.done $0x0  }
0x106: {  	s15 =	simm.s32 $0x4880;
	s12 =	rddreg [dreg:$0xb];
	[sflag:s16] =	ssyncadd.s32 $0xFFFF4000  }
0x107: {  	[hbm4b:s12+s3] =	stream.linear.scatter [tilespmem:s15], [sflag:$0x3], $0xC000, $0x200038;
	[tilespmem:$0x1C880] =	vst v63  }
0x108: {  	_ =	swait.ge [sflag:s14], $0xC000  }
0x109: {  	[sflag:s14] =	ssyncset.done $0x0  }
0x10a: {  	[sflag:s14] =	ssyncadd.s32 $0xFFFF4000  }
0x10b: {  	v8 =	vld [tilespmem:$0x40C0];
	_ =	sdelay $0x4  }
0x10c: {  	v20 =	vshrl.u32 v8, $0x3  }
0x10d: {  	v9 =	vmul.u32 $0x60, v20  }
0x10e: {  	v8 =	vand.u32 $0x7, v8  }
0x10f: {  	v8 =	vor.u32 v8, v9  }
0x110: {  	v9 =	vperm.xlane v8, v5;
	_ =	sdelay $0x1  }
0x111: {  	v9 =	vadd.s32 v6, v9;
	_ =	sdelay $0x4  }
0x112: {  	[tilespmem:s15], [sflag:$0x1] =	stream.indirect_vreg.gather [hbm4b:s1+s3], $0x80, v9, vm1, $0x2000b8;
	[tilespmem:$0x1C880] =	vst v63  }
0x113: {  	s2 =	simm.s32 $0x5080  }
0x114: {  	[tilespmem:s2], [sflag:$0x1] =	stream.indirect_vreg.gather [hbm4b:s13+s3], $0x80, v9, vm1, $0x2000b8;
	[tilespmem:$0x1C880] =	vst v63  }
0x115: {  	s9 =	simm.s32 $0x5880  }
0x116: {  	[tilespmem:s9], [sflag:$0x1] =	stream.indirect_vreg.gather [hbm4b:s24+s3], $0x80, v9, vm1, $0x2000b8;
	[tilespmem:$0x1C880] =	vst v63  }
0x117: {  	s10 =	simm.s32 $0x6080;
	v8 =	vperm.xlane v8, v7  }
0x118: {  	[tilespmem:s10], [sflag:$0x1] =	stream.indirect_vreg.gather [hbm4b:s25+s3], $0x80, v9, vm1, $0x2000b8;
	[tilespmem:$0x1C880] =	vst v63  }
0x119: {  	s5 =	simm.s32 $0x6880;
	v8 =	vadd.s32 v6, v8  }
0x11a: {  	[tilespmem:s5], [sflag:$0x1] =	stream.indirect_vreg.gather [hbm4b:s26+s3], $0x80, v9, vm1, $0x2000b8;
	[tilespmem:$0x1C880] =	vst v63  }
0x11b: {  	s9 =	simm.s32 $0x7080  }
0x11c: {  	[tilespmem:s9], [sflag:$0x1] =	stream.indirect_vreg.gather [hbm4b:s28+s3], $0x80, v9, vm1, $0x2000b8;
	[tilespmem:$0x1C880] =	vst v63  }
0x11d: {  	s10 =	simm.s32 $0x7880  }
0x11e: {  	[tilespmem:s10], [sflag:$0x1] =	stream.indirect_vreg.gather [hbm4b:s1+s3], $0x80, v8, vm1, $0x2000b8;
	[tilespmem:$0x1C880] =	vst v63  }
0x11f: {  	s11 =	simm.s32 $0x8080  }
0x120: {  	[tilespmem:s11], [sflag:$0x1] =	stream.indirect_vreg.gather [hbm4b:s13+s3], $0x80, v8, vm1, $0x2000b8;
	[tilespmem:$0x1C880] =	vst v63  }
0x121: {  	s12 =	simm.s32 $0x8880  }
0x122: {  	[tilespmem:s12], [sflag:$0x1] =	stream.indirect_vreg.gather [hbm4b:s24+s3], $0x80, v8, vm1, $0x2000b8;
	[tilespmem:$0x1C880] =	vst v63  }
0x123: {  	s18 =	simm.s32 $0x9080  }
0x124: {  	[tilespmem:s18], [sflag:$0x1] =	stream.indirect_vreg.gather [hbm4b:s25+s3], $0x80, v8, vm1, $0x2000b8;
	[tilespmem:$0x1C880] =	vst v63  }
0x125: {  	s15 =	simm.s32 $0x9880  }
0x126: {  	[tilespmem:s15], [sflag:$0x1] =	stream.indirect_vreg.gather [hbm4b:s26+s3], $0x80, v8, vm1, $0x2000b8;
	[tilespmem:$0x1C880] =	vst v63  }
0x127: {  	s17 =	simm.s32 $0xA080  }
0x128: {  	[tilespmem:s17], [sflag:$0x1] =	stream.indirect_vreg.gather [hbm4b:s28+s3], $0x80, v8, vm1, $0x2000b8;
	[tilespmem:$0x1C880] =	vst v63  }
0x129: {  	v8 =	vld [tilespmem:$0x40D0];
	_ =	sdelay $0x4  }
0x12a: {  	v21 =	vshrl.u32 v8, $0x3  }
0x12b: {  	v9 =	vmul.u32 $0x60, v21  }
0x12c: {  	v8 =	vand.u32 $0x7, v8  }
0x12d: {  	v8 =	vor.u32 v8, v9  }
0x12e: {  	v9 =	vperm.xlane v8, v5;
	_ =	sdelay $0x1  }
0x12f: {  	v9 =	vadd.s32 v6, v9;
	_ =	sdelay $0x3  }
0x130: {  	s17 =	simm.s32 $0xA880  }
0x131: {  	[tilespmem:s17], [sflag:$0x1] =	stream.indirect_vreg.gather [hbm4b:s1+s3], $0x80, v9, vm1, $0x2000b8;
	[tilespmem:$0x1C880] =	vst v63  }
0x132: {  	s18 =	simm.s32 $0xB080  }
0x133: {  	[tilespmem:s18], [sflag:$0x1] =	stream.indirect_vreg.gather [hbm4b:s13+s3], $0x80, v9, vm1, $0x2000b8;
	[tilespmem:$0x1C880] =	vst v63  }
0x134: {  	s20 =	simm.s32 $0xB880  }
0x135: {  	[tilespmem:s20], [sflag:$0x1] =	stream.indirect_vreg.gather [hbm4b:s24+s3], $0x80, v9, vm1, $0x2000b8;
	[tilespmem:$0x1C880] =	vst v63  }
0x136: {  	s22 =	simm.s32 $0xC080;
	v8 =	vperm.xlane v8, v7  }
0x137: {  	[tilespmem:s22], [sflag:$0x1] =	stream.indirect_vreg.gather [hbm4b:s25+s3], $0x80, v9, vm1, $0x2000b8;
	[tilespmem:$0x1C880] =	vst v63  }
0x138: {  	v8 =	vadd.s32 v6, v8;
	s20 =	simm.s32 $0xC880  }
0x139: {  	[tilespmem:s20], [sflag:$0x1] =	stream.indirect_vreg.gather [hbm4b:s26+s3], $0x80, v9, vm1, $0x2000b8;
	[tilespmem:$0x1C880] =	vst v63  }
0x13a: {  	s22 =	simm.s32 $0xD080  }
0x13b: {  	[tilespmem:s22], [sflag:$0x1] =	stream.indirect_vreg.gather [hbm4b:s28+s3], $0x80, v9, vm1, $0x2000b8;
	[tilespmem:$0x1C880] =	vst v63  }
0x13c: {  	s30 =	simm.s32 $0xD880  }
0x13d: {  	[tilespmem:s30], [sflag:$0x1] =	stream.indirect_vreg.gather [hbm4b:s1+s3], $0x80, v8, vm1, $0x2000b8;
	[tilespmem:$0x1C880] =	vst v63  }
0x13e: {  	s23 =	simm.s32 $0xE080  }
0x13f: {  	[tilespmem:s23], [sflag:$0x1] =	stream.indirect_vreg.gather [hbm4b:s13+s3], $0x80, v8, vm1, $0x2000b8;
	[tilespmem:$0x1C880] =	vst v63  }
0x140: {  	s6 =	simm.s32 $0xE880  }
0x141: {  	[tilespmem:s6], [sflag:$0x1] =	stream.indirect_vreg.gather [hbm4b:s24+s3], $0x80, v8, vm1, $0x2000b8;
	[tilespmem:$0x1C880] =	vst v63  }
0x142: {  	s6 =	simm.s32 $0xF080  }
0x143: {  	[tilespmem:s6], [sflag:$0x1] =	stream.indirect_vreg.gather [hbm4b:s25+s3], $0x80, v8, vm1, $0x2000b8;
	[tilespmem:$0x1C880] =	vst v63  }
0x144: {  	s6 =	simm.s32 $0xF880  }
0x145: {  	[tilespmem:s6], [sflag:$0x1] =	stream.indirect_vreg.gather [hbm4b:s26+s3], $0x80, v8, vm1, $0x2000b8;
	[tilespmem:$0x1C880] =	vst v63  }
0x146: {  	s21 =	simm.s32 $0x10080  }
0x147: {  	[tilespmem:s21], [sflag:$0x1] =	stream.indirect_vreg.gather [hbm4b:s28+s3], $0x80, v8, vm1, $0x2000b8;
	[tilespmem:$0x1C880] =	vst v63  }
0x148: {  	_ =	swait.ge [sflag:s19], $0xC000  }
0x149: {  	[sflag:s19] =	ssyncset.done $0x0  }
0x14a: {  	s21 =	simm.s32 $0x10880;
	s6 =	rddreg [dreg:$0x15];
	[sflag:s19] =	ssyncadd.s32 $0xFFFF4000  }
0x14b: {  	[hbm4b:s6+s3] =	stream.linear.scatter [tilespmem:s21], [sflag:$0x4], $0xC000, $0x200038;
	[tilespmem:$0x1C880] =	vst v63  }
0x14c: {  	_ =	swait.ge [sflag:s4], $0xC000  }
0x14d: {  	[sflag:s4] =	ssyncset.done $0x0  }
0x14e: {  	[sflag:s4] =	ssyncadd.s32 $0xFFFF4000  }
0x14f: {  	v8 =	vld [tilespmem:$0x40E0];
	_ =	sdelay $0x4  }
0x150: {  	v22 =	vshrl.u32 v8, $0x3  }
0x151: {  	v9 =	vmul.u32 $0x60, v22  }
0x152: {  	v8 =	vand.u32 $0x7, v8  }
0x153: {  	v8 =	vor.u32 v8, v9  }
0x154: {  	v9 =	vperm.xlane v8, v5;
	_ =	sdelay $0x1  }
0x155: {  	v9 =	vadd.s32 v6, v9;
	_ =	sdelay $0x4  }
0x156: {  	[tilespmem:s21], [sflag:$0x2] =	stream.indirect_vreg.gather [hbm4b:s1+s3], $0x80, v9, vm1, $0x2000b8;
	[tilespmem:$0x1C880] =	vst v63  }
0x157: {  	s21 =	simm.s32 $0x11080  }
0x158: {  	[tilespmem:s21], [sflag:$0x2] =	stream.indirect_vreg.gather [hbm4b:s13+s3], $0x80, v9, vm1, $0x2000b8;
	[tilespmem:$0x1C880] =	vst v63  }
0x159: {  	s21 =	simm.s32 $0x11880  }
0x15a: {  	[tilespmem:s21], [sflag:$0x2] =	stream.indirect_vreg.gather [hbm4b:s24+s3], $0x80, v9, vm1, $0x2000b8;
	[tilespmem:$0x1C880] =	vst v63  }
0x15b: {  	v8 =	vperm.xlane v8, v7;
	s21 =	simm.s32 $0x12080  }
0x15c: {  	[tilespmem:s21], [sflag:$0x2] =	stream.indirect_vreg.gather [hbm4b:s25+s3], $0x80, v9, vm1, $0x2000b8;
	[tilespmem:$0x1C880] =	vst v63  }
0x15d: {  	v8 =	vadd.s32 v6, v8;
	s21 =	simm.s32 $0x12880  }
0x15e: {  	[tilespmem:s21], [sflag:$0x2] =	stream.indirect_vreg.gather [hbm4b:s26+s3], $0x80, v9, vm1, $0x2000b8;
	[tilespmem:$0x1C880] =	vst v63  }
0x15f: {  	s21 =	simm.s32 $0x13080  }
0x160: {  	[tilespmem:s21], [sflag:$0x2] =	stream.indirect_vreg.gather [hbm4b:s28+s3], $0x80, v9, vm1, $0x2000b8;
	[tilespmem:$0x1C880] =	vst v63  }
0x161: {  	s21 =	simm.s32 $0x13880  }
0x162: {  	[tilespmem:s21], [sflag:$0x2] =	stream.indirect_vreg.gather [hbm4b:s1+s3], $0x80, v8, vm1, $0x2000b8;
	[tilespmem:$0x1C880] =	vst v63  }
0x163: {  	s21 =	simm.s32 $0x14080  }
0x164: {  	[tilespmem:s21], [sflag:$0x2] =	stream.indirect_vreg.gather [hbm4b:s13+s3], $0x80, v8, vm1, $0x2000b8;
	[tilespmem:$0x1C880] =	vst v63  }
0x165: {  	s21 =	simm.s32 $0x14880  }
0x166: {  	[tilespmem:s21], [sflag:$0x2] =	stream.indirect_vreg.gather [hbm4b:s24+s3], $0x80, v8, vm1, $0x2000b8;
	[tilespmem:$0x1C880] =	vst v63  }
0x167: {  	s21 =	simm.s32 $0x15080  }
0x168: {  	[tilespmem:s21], [sflag:$0x2] =	stream.indirect_vreg.gather [hbm4b:s25+s3], $0x80, v8, vm1, $0x2000b8;
	[tilespmem:$0x1C880] =	vst v63  }
0x169: {  	s21 =	simm.s32 $0x15880  }
0x16a: {  	[tilespmem:s21], [sflag:$0x2] =	stream.indirect_vreg.gather [hbm4b:s26+s3], $0x80, v8, vm1, $0x2000b8;
	[tilespmem:$0x1C880] =	vst v63  }
0x16b: {  	s21 =	simm.s32 $0x16080  }
0x16c: {  	[tilespmem:s21], [sflag:$0x2] =	stream.indirect_vreg.gather [hbm4b:s28+s3], $0x80, v8, vm1, $0x2000b8;
	[tilespmem:$0x1C880] =	vst v63  }
0x16d: {  	v8 =	vld [tilespmem:$0x40F0];
	_ =	sdelay $0x4  }
0x16e: {  	v23 =	vshrl.u32 v8, $0x3  }
0x16f: {  	v9 =	vmul.u32 $0x60, v23  }
0x170: {  	v8 =	vand.u32 $0x7, v8  }
0x171: {  	v8 =	vor.u32 v8, v9  }
0x172: {  	v9 =	vperm.xlane v8, v5;
	_ =	sdelay $0x1  }
0x173: {  	v9 =	vadd.s32 v6, v9;
	_ =	sdelay $0x3  }
0x174: {  	s21 =	simm.s32 $0x16880  }
0x175: {  	[tilespmem:s21], [sflag:$0x2] =	stream.indirect_vreg.gather [hbm4b:s1+s3], $0x80, v9, vm1, $0x2000b8;
	[tilespmem:$0x1C880] =	vst v63  }
0x176: {  	s21 =	simm.s32 $0x17080  }
0x177: {  	[tilespmem:s21], [sflag:$0x2] =	stream.indirect_vreg.gather [hbm4b:s13+s3], $0x80, v9, vm1, $0x2000b8;
	[tilespmem:$0x1C880] =	vst v63  }
0x178: {  	s21 =	simm.s32 $0x17880  }
0x179: {  	[tilespmem:s21], [sflag:$0x2] =	stream.indirect_vreg.gather [hbm4b:s24+s3], $0x80, v9, vm1, $0x2000b8;
	[tilespmem:$0x1C880] =	vst v63  }
0x17a: {  	v8 =	vperm.xlane v8, v7;
	s21 =	simm.s32 $0x18080  }
0x17b: {  	[tilespmem:s21], [sflag:$0x2] =	stream.indirect_vreg.gather [hbm4b:s25+s3], $0x80, v9, vm1, $0x2000b8;
	[tilespmem:$0x1C880] =	vst v63  }
0x17c: {  	v8 =	vadd.s32 v6, v8;
	s21 =	simm.s32 $0x18880  }
0x17d: {  	[tilespmem:s21], [sflag:$0x2] =	stream.indirect_vreg.gather [hbm4b:s26+s3], $0x80, v9, vm1, $0x2000b8;
	[tilespmem:$0x1C880] =	vst v63  }
0x17e: {  	s21 =	simm.s32 $0x19080  }
0x17f: {  	[tilespmem:s21], [sflag:$0x2] =	stream.indirect_vreg.gather [hbm4b:s28+s3], $0x80, v9, vm1, $0x2000b8;
	[tilespmem:$0x1C880] =	vst v63  }
0x180: {  	s21 =	simm.s32 $0x19880  }
0x181: {  	[tilespmem:s21], [sflag:$0x2] =	stream.indirect_vreg.gather [hbm4b:s1+s3], $0x80, v8, vm1, $0x2000b8;
	[tilespmem:$0x1C880] =	vst v63  }
0x182: {  	s21 =	simm.s32 $0x1A080  }
0x183: {  	[tilespmem:s21], [sflag:$0x2] =	stream.indirect_vreg.gather [hbm4b:s13+s3], $0x80, v8, vm1, $0x2000b8;
	[tilespmem:$0x1C880] =	vst v63  }
0x184: {  	s21 =	simm.s32 $0x1A880  }
0x185: {  	[tilespmem:s21], [sflag:$0x2] =	stream.indirect_vreg.gather [hbm4b:s24+s3], $0x80, v8, vm1, $0x2000b8;
	[tilespmem:$0x1C880] =	vst v63  }
0x186: {  	s21 =	simm.s32 $0x1B080  }
0x187: {  	[tilespmem:s21], [sflag:$0x2] =	stream.indirect_vreg.gather [hbm4b:s25+s3], $0x80, v8, vm1, $0x2000b8;
	[tilespmem:$0x1C880] =	vst v63  }
0x188: {  	s21 =	simm.s32 $0x1B880  }
0x189: {  	[tilespmem:s21], [sflag:$0x2] =	stream.indirect_vreg.gather [hbm4b:s26+s3], $0x80, v8, vm1, $0x2000b8;
	[tilespmem:$0x1C880] =	vst v63  }
0x18a: {  	s21 =	simm.s32 $0x1C080  }
0x18b: {  	[tilespmem:s21], [sflag:$0x2] =	stream.indirect_vreg.gather [hbm4b:s28+s3], $0x80, v8, vm1, $0x2000b8;
	[tilespmem:$0x1C880] =	vst v63  }
0x18c: {  	_ =	swait.ge [sflag:s16], $0xC000  }
0x18d: {  	[sflag:s16] =	ssyncset.done $0x0  }
0x18e: {  	s21 =	simm.s32 $0x4880;
	s6 =	rddreg [dreg:$0x16];
	[sflag:s16] =	ssyncadd.s32 $0xFFFF4000  }
0x18f: {  	[hbm4b:s6+s3] =	stream.linear.scatter [tilespmem:s21], [sflag:$0x3], $0xC000, $0x200038;
	[tilespmem:$0x1C880] =	vst v63  }
0x190: {  	_ =	swait.ge [sflag:s14], $0xC000  }
0x191: {  	[sflag:s14] =	ssyncset.done $0x0  }
0x192: {  	[sflag:s14] =	ssyncadd.s32 $0xFFFF4000  }
0x193: {  	v8 =	vld [tilespmem:$0x4100];
	_ =	sdelay $0x4  }
0x194: {  	v24 =	vshrl.u32 v8, $0x3  }
0x195: {  	v9 =	vmul.u32 $0x60, v24  }
0x196: {  	v8 =	vand.u32 $0x7, v8  }
0x197: {  	v8 =	vor.u32 v8, v9  }
0x198: {  	v9 =	vperm.xlane v8, v5;
	_ =	sdelay $0x1  }
0x199: {  	v9 =	vadd.s32 v6, v9;
	_ =	sdelay $0x4  }
0x19a: {  	[tilespmem:s21], [sflag:$0x1] =	stream.indirect_vreg.gather [hbm4b:s1+s3], $0x80, v9, vm1, $0x2000b8;
	[tilespmem:$0x1C880] =	vst v63  }
0x19b: {  	_ = 	snop  }
0x19c: {  	[tilespmem:s2], [sflag:$0x1] =	stream.indirect_vreg.gather [hbm4b:s13+s3], $0x80, v9, vm1, $0x2000b8;
	[tilespmem:$0x1C880] =	vst v63  }
0x19d: {  	s2 =	simm.s32 $0x5880  }
0x19e: {  	[tilespmem:s2], [sflag:$0x1] =	stream.indirect_vreg.gather [hbm4b:s24+s3], $0x80, v9, vm1, $0x2000b8;
	[tilespmem:$0x1C880] =	vst v63  }
0x19f: {  	v8 =	vperm.xlane v8, v7;
	s21 =	simm.s32 $0x6080  }
0x1a0: {  	[tilespmem:s21], [sflag:$0x1] =	stream.indirect_vreg.gather [hbm4b:s25+s3], $0x80, v9, vm1, $0x2000b8;
	[tilespmem:$0x1C880] =	vst v63  }
0x1a1: {  	v8 =	vadd.s32 v6, v8  }
0x1a2: {  	[tilespmem:s5], [sflag:$0x1] =	stream.indirect_vreg.gather [hbm4b:s26+s3], $0x80, v9, vm1, $0x2000b8;
	[tilespmem:$0x1C880] =	vst v63  }
0x1a3: {  	_ = 	snop  }
0x1a4: {  	[tilespmem:s9], [sflag:$0x1] =	stream.indirect_vreg.gather [hbm4b:s28+s3], $0x80, v9, vm1, $0x2000b8;
	[tilespmem:$0x1C880] =	vst v63  }
0x1a5: {  	_ = 	snop  }
0x1a6: {  	[tilespmem:s10], [sflag:$0x1] =	stream.indirect_vreg.gather [hbm4b:s1+s3], $0x80, v8, vm1, $0x2000b8;
	[tilespmem:$0x1C880] =	vst v63  }
0x1a7: {  	_ = 	snop  }
0x1a8: {  	[tilespmem:s11], [sflag:$0x1] =	stream.indirect_vreg.gather [hbm4b:s13+s3], $0x80, v8, vm1, $0x2000b8;
	[tilespmem:$0x1C880] =	vst v63  }
0x1a9: {  	_ = 	snop  }
0x1aa: {  	[tilespmem:s12], [sflag:$0x1] =	stream.indirect_vreg.gather [hbm4b:s24+s3], $0x80, v8, vm1, $0x2000b8;
	[tilespmem:$0x1C880] =	vst v63  }
0x1ab: {  	s12 =	simm.s32 $0x9080  }
0x1ac: {  	[tilespmem:s12], [sflag:$0x1] =	stream.indirect_vreg.gather [hbm4b:s25+s3], $0x80, v8, vm1, $0x2000b8;
	[tilespmem:$0x1C880] =	vst v63  }
0x1ad: {  	_ = 	snop  }
0x1ae: {  	[tilespmem:s15], [sflag:$0x1] =	stream.indirect_vreg.gather [hbm4b:s26+s3], $0x80, v8, vm1, $0x2000b8;
	[tilespmem:$0x1C880] =	vst v63  }
0x1af: {  	s9 =	simm.s32 $0xA080  }
0x1b0: {  	[tilespmem:s9], [sflag:$0x1] =	stream.indirect_vreg.gather [hbm4b:s28+s3], $0x80, v8, vm1, $0x2000b8;
	[tilespmem:$0x1C880] =	vst v63  }
0x1b1: {  	v8 =	vld [tilespmem:$0x4110];
	_ =	sdelay $0x4  }
0x1b2: {  	v25 =	vshrl.u32 v8, $0x3  }
0x1b3: {  	v9 =	vmul.u32 $0x60, v25  }
0x1b4: {  	v8 =	vand.u32 $0x7, v8  }
0x1b5: {  	v8 =	vor.u32 v8, v9  }
0x1b6: {  	v9 =	vperm.xlane v8, v5;
	_ =	sdelay $0x1  }
0x1b7: {  	v9 =	vadd.s32 v6, v9;
	_ =	sdelay $0x4  }
0x1b8: {  	[tilespmem:s17], [sflag:$0x1] =	stream.indirect_vreg.gather [hbm4b:s1+s3], $0x80, v9, vm1, $0x2000b8;
	[tilespmem:$0x1C880] =	vst v63  }
0x1b9: {  	_ = 	snop  }
0x1ba: {  	[tilespmem:s18], [sflag:$0x1] =	stream.indirect_vreg.gather [hbm4b:s13+s3], $0x80, v9, vm1, $0x2000b8;
	[tilespmem:$0x1C880] =	vst v63  }
0x1bb: {  	s10 =	simm.s32 $0xB880  }
0x1bc: {  	[tilespmem:s10], [sflag:$0x1] =	stream.indirect_vreg.gather [hbm4b:s24+s3], $0x80, v9, vm1, $0x2000b8;
	[tilespmem:$0x1C880] =	vst v63  }
0x1bd: {  	s6 =	simm.s32 $0xC080;
	v8 =	vperm.xlane v8, v7  }
0x1be: {  	[tilespmem:s6], [sflag:$0x1] =	stream.indirect_vreg.gather [hbm4b:s25+s3], $0x80, v9, vm1, $0x2000b8;
	[tilespmem:$0x1C880] =	vst v63  }
0x1bf: {  	v8 =	vadd.s32 v6, v8  }
0x1c0: {  	[tilespmem:s20], [sflag:$0x1] =	stream.indirect_vreg.gather [hbm4b:s26+s3], $0x80, v9, vm1, $0x2000b8;
	[tilespmem:$0x1C880] =	vst v63  }
0x1c1: {  	_ = 	snop  }
0x1c2: {  	[tilespmem:s22], [sflag:$0x1] =	stream.indirect_vreg.gather [hbm4b:s28+s3], $0x80, v9, vm1, $0x2000b8;
	[tilespmem:$0x1C880] =	vst v63  }
0x1c3: {  	_ = 	snop  }
0x1c4: {  	[tilespmem:s30], [sflag:$0x1] =	stream.indirect_vreg.gather [hbm4b:s1+s3], $0x80, v8, vm1, $0x2000b8;
	[tilespmem:$0x1C880] =	vst v63  }
0x1c5: {  	_ = 	snop  }
0x1c6: {  	[tilespmem:s23], [sflag:$0x1] =	stream.indirect_vreg.gather [hbm4b:s13+s3], $0x80, v8, vm1, $0x2000b8;
	[tilespmem:$0x1C880] =	vst v63  }
0x1c7: {  	s23 =	simm.s32 $0xE880  }
0x1c8: {  	[tilespmem:s23], [sflag:$0x1] =	stream.indirect_vreg.gather [hbm4b:s24+s3], $0x80, v8, vm1, $0x2000b8;
	[tilespmem:$0x1C880] =	vst v63  }
0x1c9: {  	s11 =	simm.s32 $0xF080  }
0x1ca: {  	[tilespmem:s11], [sflag:$0x1] =	stream.indirect_vreg.gather [hbm4b:s25+s3], $0x80, v8, vm1, $0x2000b8;
	[tilespmem:$0x1C880] =	vst v63  }
0x1cb: {  	s12 =	simm.s32 $0xF880  }
0x1cc: {  	[tilespmem:s12], [sflag:$0x1] =	stream.indirect_vreg.gather [hbm4b:s26+s3], $0x80, v8, vm1, $0x2000b8;
	[tilespmem:$0x1C880] =	vst v63  }
0x1cd: {  	s15 =	simm.s32 $0x10080  }
0x1ce: {  	[tilespmem:s15], [sflag:$0x1] =	stream.indirect_vreg.gather [hbm4b:s28+s3], $0x80, v8, vm1, $0x2000b8;
	[tilespmem:$0x1C880] =	vst v63  }
0x1cf: {  	_ =	swait.ge [sflag:s19], $0xC000  }
0x1d0: {  	[sflag:s19] =	ssyncset.done $0x0  }
0x1d1: {  	s18 =	simm.s32 $0x10880;
	s17 =	rddreg [dreg:$0xc];
	[sflag:s19] =	ssyncadd.s32 $0xFFFF4000  }
0x1d2: {  	[hbm4b:s17+s3] =	stream.linear.scatter [tilespmem:s18], [sflag:$0x4], $0xC000, $0x200038;
	[tilespmem:$0x1C880] =	vst v63  }
0x1d3: {  	_ =	swait.ge [sflag:s4], $0xC000  }
0x1d4: {  	[sflag:s4] =	ssyncset.done $0x0  }
0x1d5: {  	[sflag:s4] =	ssyncadd.s32 $0xFFFF4000  }
0x1d6: {  	v8 =	vld [tilespmem:$0x4120];
	_ =	sdelay $0x4  }
0x1d7: {  	v26 =	vshrl.u32 v8, $0x3  }
0x1d8: {  	v9 =	vmul.u32 $0x60, v26  }
0x1d9: {  	v8 =	vand.u32 $0x7, v8  }
0x1da: {  	v8 =	vor.u32 v8, v9  }
0x1db: {  	v9 =	vperm.xlane v8, v5;
	_ =	sdelay $0x1  }
0x1dc: {  	v9 =	vadd.s32 v6, v9;
	_ =	sdelay $0x4  }
0x1dd: {  	[tilespmem:s18], [sflag:$0x2] =	stream.indirect_vreg.gather [hbm4b:s1+s3], $0x80, v9, vm1, $0x2000b8;
	[tilespmem:$0x1C880] =	vst v63  }
0x1de: {  	s5 =	simm.s32 $0x11080  }
0x1df: {  	[tilespmem:s5], [sflag:$0x2] =	stream.indirect_vreg.gather [hbm4b:s13+s3], $0x80, v9, vm1, $0x2000b8;
	[tilespmem:$0x1C880] =	vst v63  }
0x1e0: {  	s20 =	simm.s32 $0x11880  }
0x1e1: {  	[tilespmem:s20], [sflag:$0x2] =	stream.indirect_vreg.gather [hbm4b:s24+s3], $0x80, v9, vm1, $0x2000b8;
	[tilespmem:$0x1C880] =	vst v63  }
0x1e2: {  	s22 =	simm.s32 $0x12080;
	v8 =	vperm.xlane v8, v7  }
0x1e3: {  	[tilespmem:s22], [sflag:$0x2] =	stream.indirect_vreg.gather [hbm4b:s25+s3], $0x80, v9, vm1, $0x2000b8;
	[tilespmem:$0x1C880] =	vst v63  }
0x1e4: {  	s30 =	simm.s32 $0x12880;
	v8 =	vadd.s32 v6, v8  }
0x1e5: {  	[tilespmem:s30], [sflag:$0x2] =	stream.indirect_vreg.gather [hbm4b:s26+s3], $0x80, v9, vm1, $0x2000b8;
	[tilespmem:$0x1C880] =	vst v63  }
0x1e6: {  	s12 =	simm.s32 $0x13080  }
0x1e7: {  	[tilespmem:s12], [sflag:$0x2] =	stream.indirect_vreg.gather [hbm4b:s28+s3], $0x80, v9, vm1, $0x2000b8;
	[tilespmem:$0x1C880] =	vst v63  }
0x1e8: {  	s17 =	simm.s32 $0x13880  }
0x1e9: {  	[tilespmem:s17], [sflag:$0x2] =	stream.indirect_vreg.gather [hbm4b:s1+s3], $0x80, v8, vm1, $0x2000b8;
	[tilespmem:$0x1C880] =	vst v63  }
0x1ea: {  	s18 =	simm.s32 $0x14080  }
0x1eb: {  	[tilespmem:s18], [sflag:$0x2] =	stream.indirect_vreg.gather [hbm4b:s13+s3], $0x80, v8, vm1, $0x2000b8;
	[tilespmem:$0x1C880] =	vst v63  }
0x1ec: {  	s20 =	simm.s32 $0x14880  }
0x1ed: {  	[tilespmem:s20], [sflag:$0x2] =	stream.indirect_vreg.gather [hbm4b:s24+s3], $0x80, v8, vm1, $0x2000b8;
	[tilespmem:$0x1C880] =	vst v63  }
0x1ee: {  	s22 =	simm.s32 $0x15080  }
0x1ef: {  	[tilespmem:s22], [sflag:$0x2] =	stream.indirect_vreg.gather [hbm4b:s25+s3], $0x80, v8, vm1, $0x2000b8;
	[tilespmem:$0x1C880] =	vst v63  }
0x1f0: {  	s30 =	simm.s32 $0x15880  }
0x1f1: {  	[tilespmem:s30], [sflag:$0x2] =	stream.indirect_vreg.gather [hbm4b:s26+s3], $0x80, v8, vm1, $0x2000b8;
	[tilespmem:$0x1C880] =	vst v63  }
0x1f2: {  	s11 =	simm.s32 $0x16080  }
0x1f3: {  	[tilespmem:s11], [sflag:$0x2] =	stream.indirect_vreg.gather [hbm4b:s28+s3], $0x80, v8, vm1, $0x2000b8;
	[tilespmem:$0x1C880] =	vst v63  }
0x1f4: {  	v8 =	vld [tilespmem:$0x4130];
	_ =	sdelay $0x4  }
0x1f5: {  	v27 =	vshrl.u32 v8, $0x3  }
0x1f6: {  	v9 =	vmul.u32 $0x60, v27  }
0x1f7: {  	v8 =	vand.u32 $0x7, v8  }
0x1f8: {  	v8 =	vor.u32 v8, v9  }
0x1f9: {  	v9 =	vperm.xlane v8, v5;
	_ =	sdelay $0x1  }
0x1fa: {  	v9 =	vadd.s32 v6, v9;
	_ =	sdelay $0x3  }
0x1fb: {  	s15 =	simm.s32 $0x16880  }
0x1fc: {  	[tilespmem:s15], [sflag:$0x2] =	stream.indirect_vreg.gather [hbm4b:s1+s3], $0x80, v9, vm1, $0x2000b8;
	[tilespmem:$0x1C880] =	vst v63  }
0x1fd: {  	s11 =	simm.s32 $0x17080  }
0x1fe: {  	[tilespmem:s11], [sflag:$0x2] =	stream.indirect_vreg.gather [hbm4b:s13+s3], $0x80, v9, vm1, $0x2000b8;
	[tilespmem:$0x1C880] =	vst v63  }
0x1ff: {  	s15 =	simm.s32 $0x17880  }
0x200: {  	[tilespmem:s15], [sflag:$0x2] =	stream.indirect_vreg.gather [hbm4b:s24+s3], $0x80, v9, vm1, $0x2000b8;
	[tilespmem:$0x1C880] =	vst v63  }
0x201: {  	v8 =	vperm.xlane v8, v7;
	s11 =	simm.s32 $0x18080  }
0x202: {  	[tilespmem:s11], [sflag:$0x2] =	stream.indirect_vreg.gather [hbm4b:s25+s3], $0x80, v9, vm1, $0x2000b8;
	[tilespmem:$0x1C880] =	vst v63  }
0x203: {  	v8 =	vadd.s32 v6, v8;
	s15 =	simm.s32 $0x18880  }
0x204: {  	[tilespmem:s15], [sflag:$0x2] =	stream.indirect_vreg.gather [hbm4b:s26+s3], $0x80, v9, vm1, $0x2000b8;
	[tilespmem:$0x1C880] =	vst v63  }
0x205: {  	s11 =	simm.s32 $0x19080  }
0x206: {  	[tilespmem:s11], [sflag:$0x2] =	stream.indirect_vreg.gather [hbm4b:s28+s3], $0x80, v9, vm1, $0x2000b8;
	[tilespmem:$0x1C880] =	vst v63  }
0x207: {  	s15 =	simm.s32 $0x19880  }
0x208: {  	[tilespmem:s15], [sflag:$0x2] =	stream.indirect_vreg.gather [hbm4b:s1+s3], $0x80, v8, vm1, $0x2000b8;
	[tilespmem:$0x1C880] =	vst v63  }
0x209: {  	s11 =	simm.s32 $0x1A080  }
0x20a: {  	[tilespmem:s11], [sflag:$0x2] =	stream.indirect_vreg.gather [hbm4b:s13+s3], $0x80, v8, vm1, $0x2000b8;
	[tilespmem:$0x1C880] =	vst v63  }
0x20b: {  	s15 =	simm.s32 $0x1A880  }
0x20c: {  	[tilespmem:s15], [sflag:$0x2] =	stream.indirect_vreg.gather [hbm4b:s24+s3], $0x80, v8, vm1, $0x2000b8;
	[tilespmem:$0x1C880] =	vst v63  }
0x20d: {  	s11 =	simm.s32 $0x1B080  }
0x20e: {  	[tilespmem:s11], [sflag:$0x2] =	stream.indirect_vreg.gather [hbm4b:s25+s3], $0x80, v8, vm1, $0x2000b8;
	[tilespmem:$0x1C880] =	vst v63  }
0x20f: {  	s15 =	simm.s32 $0x1B880  }
0x210: {  	[tilespmem:s15], [sflag:$0x2] =	stream.indirect_vreg.gather [hbm4b:s26+s3], $0x80, v8, vm1, $0x2000b8;
	[tilespmem:$0x1C880] =	vst v63  }
0x211: {  	s11 =	simm.s32 $0x1C080  }
0x212: {  	[tilespmem:s11], [sflag:$0x2] =	stream.indirect_vreg.gather [hbm4b:s28+s3], $0x80, v8, vm1, $0x2000b8;
	[tilespmem:$0x1C880] =	vst v63  }
0x213: {  	_ =	swait.ge [sflag:s16], $0xC000  }
0x214: {  	[sflag:s16] =	ssyncset.done $0x0  }
0x215: {  	s11 =	simm.s32 $0x4880;
	s15 =	rddreg [dreg:$0xd];
	[sflag:s16] =	ssyncadd.s32 $0xFFFF4000  }
0x216: {  	[hbm4b:s15+s3] =	stream.linear.scatter [tilespmem:s11], [sflag:$0x3], $0xC000, $0x200038;
	[tilespmem:$0x1C880] =	vst v63  }
0x217: {  	_ =	swait.ge [sflag:s14], $0xC000  }
0x218: {  	[sflag:s14] =	ssyncset.done $0x0  }
0x219: {  	[sflag:s14] =	ssyncadd.s32 $0xFFFF4000  }
0x21a: {  	v8 =	vld [tilespmem:$0x4140];
	_ =	sdelay $0x4  }
0x21b: {  	v28 =	vshrl.u32 v8, $0x3  }
0x21c: {  	v9 =	vmul.u32 $0x60, v28  }
0x21d: {  	v8 =	vand.u32 $0x7, v8  }
0x21e: {  	v8 =	vor.u32 v8, v9  }
0x21f: {  	v9 =	vperm.xlane v8, v5;
	_ =	sdelay $0x1  }
0x220: {  	v9 =	vadd.s32 v6, v9;
	_ =	sdelay $0x4  }
0x221: {  	[tilespmem:s11], [sflag:$0x1] =	stream.indirect_vreg.gather [hbm4b:s1+s3], $0x80, v9, vm1, $0x2000b8;
	[tilespmem:$0x1C880] =	vst v63  }
0x222: {  	s11 =	simm.s32 $0x5080  }
0x223: {  	[tilespmem:s11], [sflag:$0x1] =	stream.indirect_vreg.gather [hbm4b:s13+s3], $0x80, v9, vm1, $0x2000b8;
	[tilespmem:$0x1C880] =	vst v63  }
0x224: {  	_ = 	snop  }
0x225: {  	[tilespmem:s2], [sflag:$0x1] =	stream.indirect_vreg.gather [hbm4b:s24+s3], $0x80, v9, vm1, $0x2000b8;
	[tilespmem:$0x1C880] =	vst v63  }
0x226: {  	v8 =	vperm.xlane v8, v7  }
0x227: {  	[tilespmem:s21], [sflag:$0x1] =	stream.indirect_vreg.gather [hbm4b:s25+s3], $0x80, v9, vm1, $0x2000b8;
	[tilespmem:$0x1C880] =	vst v63  }
0x228: {  	s15 =	simm.s32 $0x6880;
	v8 =	vadd.s32 v6, v8  }
0x229: {  	[tilespmem:s15], [sflag:$0x1] =	stream.indirect_vreg.gather [hbm4b:s26+s3], $0x80, v9, vm1, $0x2000b8;
	[tilespmem:$0x1C880] =	vst v63  }
0x22a: {  	s6 =	simm.s32 $0x7080  }
0x22b: {  	[tilespmem:s6], [sflag:$0x1] =	stream.indirect_vreg.gather [hbm4b:s28+s3], $0x80, v9, vm1, $0x2000b8;
	[tilespmem:$0x1C880] =	vst v63  }
0x22c: {  	s6 =	simm.s32 $0x7880  }
0x22d: {  	[tilespmem:s6], [sflag:$0x1] =	stream.indirect_vreg.gather [hbm4b:s1+s3], $0x80, v8, vm1, $0x2000b8;
	[tilespmem:$0x1C880] =	vst v63  }
0x22e: {  	s6 =	simm.s32 $0x8080  }
0x22f: {  	[tilespmem:s6], [sflag:$0x1] =	stream.indirect_vreg.gather [hbm4b:s13+s3], $0x80, v8, vm1, $0x2000b8;
	[tilespmem:$0x1C880] =	vst v63  }
0x230: {  	s6 =	simm.s32 $0x8880  }
0x231: {  	[tilespmem:s6], [sflag:$0x1] =	stream.indirect_vreg.gather [hbm4b:s24+s3], $0x80, v8, vm1, $0x2000b8;
	[tilespmem:$0x1C880] =	vst v63  }
0x232: {  	s6 =	simm.s32 $0x9080  }
0x233: {  	[tilespmem:s6], [sflag:$0x1] =	stream.indirect_vreg.gather [hbm4b:s25+s3], $0x80, v8, vm1, $0x2000b8;
	[tilespmem:$0x1C880] =	vst v63  }
0x234: {  	s6 =	simm.s32 $0x9880  }
0x235: {  	[tilespmem:s6], [sflag:$0x1] =	stream.indirect_vreg.gather [hbm4b:s26+s3], $0x80, v8, vm1, $0x2000b8;
	[tilespmem:$0x1C880] =	vst v63  }
0x236: {  	_ = 	snop  }
0x237: {  	[tilespmem:s9], [sflag:$0x1] =	stream.indirect_vreg.gather [hbm4b:s28+s3], $0x80, v8, vm1, $0x2000b8;
	[tilespmem:$0x1C880] =	vst v63  }
0x238: {  	v8 =	vld [tilespmem:$0x4150];
	_ =	sdelay $0x4  }
0x239: {  	v29 =	vshrl.u32 v8, $0x3  }
0x23a: {  	v9 =	vmul.u32 $0x60, v29  }
0x23b: {  	v8 =	vand.u32 $0x7, v8  }
0x23c: {  	v8 =	vor.u32 v8, v9  }
0x23d: {  	v9 =	vperm.xlane v8, v5;
	_ =	sdelay $0x1  }
0x23e: {  	v9 =	vadd.s32 v6, v9;
	_ =	sdelay $0x3  }
0x23f: {  	s6 =	simm.s32 $0xA880  }
0x240: {  	[tilespmem:s6], [sflag:$0x1] =	stream.indirect_vreg.gather [hbm4b:s1+s3], $0x80, v9, vm1, $0x2000b8;
	[tilespmem:$0x1C880] =	vst v63  }
0x241: {  	s9 =	simm.s32 $0xB080  }
0x242: {  	[tilespmem:s9], [sflag:$0x1] =	stream.indirect_vreg.gather [hbm4b:s13+s3], $0x80, v9, vm1, $0x2000b8;
	[tilespmem:$0x1C880] =	vst v63  }
0x243: {  	_ = 	snop  }
0x244: {  	[tilespmem:s10], [sflag:$0x1] =	stream.indirect_vreg.gather [hbm4b:s24+s3], $0x80, v9, vm1, $0x2000b8;
	[tilespmem:$0x1C880] =	vst v63  }
0x245: {  	v8 =	vperm.xlane v8, v7;
	s6 =	simm.s32 $0xC080  }
0x246: {  	[tilespmem:s6], [sflag:$0x1] =	stream.indirect_vreg.gather [hbm4b:s25+s3], $0x80, v9, vm1, $0x2000b8;
	[tilespmem:$0x1C880] =	vst v63  }
0x247: {  	v8 =	vadd.s32 v6, v8;
	s9 =	simm.s32 $0xC880  }
0x248: {  	[tilespmem:s9], [sflag:$0x1] =	stream.indirect_vreg.gather [hbm4b:s26+s3], $0x80, v9, vm1, $0x2000b8;
	[tilespmem:$0x1C880] =	vst v63  }
0x249: {  	s10 =	simm.s32 $0xD080  }
0x24a: {  	[tilespmem:s10], [sflag:$0x1] =	stream.indirect_vreg.gather [hbm4b:s28+s3], $0x80, v9, vm1, $0x2000b8;
	[tilespmem:$0x1C880] =	vst v63  }
0x24b: {  	s6 =	simm.s32 $0xD880  }
0x24c: {  	[tilespmem:s6], [sflag:$0x1] =	stream.indirect_vreg.gather [hbm4b:s1+s3], $0x80, v8, vm1, $0x2000b8;
	[tilespmem:$0x1C880] =	vst v63  }
0x24d: {  	s9 =	simm.s32 $0xE080  }
0x24e: {  	[tilespmem:s9], [sflag:$0x1] =	stream.indirect_vreg.gather [hbm4b:s13+s3], $0x80, v8, vm1, $0x2000b8;
	[tilespmem:$0x1C880] =	vst v63  }
0x24f: {  	_ = 	snop  }
0x250: {  	[tilespmem:s23], [sflag:$0x1] =	stream.indirect_vreg.gather [hbm4b:s24+s3], $0x80, v8, vm1, $0x2000b8;
	[tilespmem:$0x1C880] =	vst v63  }
0x251: {  	s10 =	simm.s32 $0xF080  }
0x252: {  	[tilespmem:s10], [sflag:$0x1] =	stream.indirect_vreg.gather [hbm4b:s25+s3], $0x80, v8, vm1, $0x2000b8;
	[tilespmem:$0x1C880] =	vst v63  }
0x253: {  	s23 =	simm.s32 $0xF880  }
0x254: {  	[tilespmem:s23], [sflag:$0x1] =	stream.indirect_vreg.gather [hbm4b:s26+s3], $0x80, v8, vm1, $0x2000b8;
	[tilespmem:$0x1C880] =	vst v63  }
0x255: {  	s6 =	simm.s32 $0x10080  }
0x256: {  	[tilespmem:s6], [sflag:$0x1] =	stream.indirect_vreg.gather [hbm4b:s28+s3], $0x80, v8, vm1, $0x2000b8;
	[tilespmem:$0x1C880] =	vst v63  }
0x257: {  	_ =	swait.ge [sflag:s19], $0xC000  }
0x258: {  	[sflag:s19] =	ssyncset.done $0x0  }
0x259: {  	s10 =	simm.s32 $0x10880;
	s9 =	rddreg [dreg:$0xe];
	[sflag:s19] =	ssyncadd.s32 $0xFFFF4000  }
0x25a: {  	[hbm4b:s9+s3] =	stream.linear.scatter [tilespmem:s10], [sflag:$0x4], $0xC000, $0x200038;
	[tilespmem:$0x1C880] =	vst v63  }
0x25b: {  	_ =	swait.ge [sflag:s4], $0xC000  }
0x25c: {  	[sflag:s4] =	ssyncset.done $0x0  }
0x25d: {  	[sflag:s4] =	ssyncadd.s32 $0xFFFF4000  }
0x25e: {  	v8 =	vld [tilespmem:$0x4160];
	_ =	sdelay $0x4  }
0x25f: {  	v30 =	vshrl.u32 v8, $0x3  }
0x260: {  	v9 =	vmul.u32 $0x60, v30  }
0x261: {  	v8 =	vand.u32 $0x7, v8  }
0x262: {  	v8 =	vor.u32 v8, v9  }
0x263: {  	v9 =	vperm.xlane v8, v5;
	_ =	sdelay $0x1  }
0x264: {  	v9 =	vadd.s32 v6, v9;
	_ =	sdelay $0x4  }
0x265: {  	[tilespmem:s10], [sflag:$0x2] =	stream.indirect_vreg.gather [hbm4b:s1+s3], $0x80, v9, vm1, $0x2000b8;
	[tilespmem:$0x1C880] =	vst v63  }
0x266: {  	_ = 	snop  }
0x267: {  	[tilespmem:s5], [sflag:$0x2] =	stream.indirect_vreg.gather [hbm4b:s13+s3], $0x80, v9, vm1, $0x2000b8;
	[tilespmem:$0x1C880] =	vst v63  }
0x268: {  	s23 =	simm.s32 $0x11880  }
0x269: {  	[tilespmem:s23], [sflag:$0x2] =	stream.indirect_vreg.gather [hbm4b:s24+s3], $0x80, v9, vm1, $0x2000b8;
	[tilespmem:$0x1C880] =	vst v63  }
0x26a: {  	v8 =	vperm.xlane v8, v7;
	s5 =	simm.s32 $0x12080  }
0x26b: {  	[tilespmem:s5], [sflag:$0x2] =	stream.indirect_vreg.gather [hbm4b:s25+s3], $0x80, v9, vm1, $0x2000b8;
	[tilespmem:$0x1C880] =	vst v63  }
0x26c: {  	s6 =	simm.s32 $0x12880;
	v8 =	vadd.s32 v6, v8  }
0x26d: {  	[tilespmem:s6], [sflag:$0x2] =	stream.indirect_vreg.gather [hbm4b:s26+s3], $0x80, v9, vm1, $0x2000b8;
	[tilespmem:$0x1C880] =	vst v63  }
0x26e: {  	_ = 	snop  }
0x26f: {  	[tilespmem:s12], [sflag:$0x2] =	stream.indirect_vreg.gather [hbm4b:s28+s3], $0x80, v9, vm1, $0x2000b8;
	[tilespmem:$0x1C880] =	vst v63  }
0x270: {  	_ = 	snop  }
0x271: {  	[tilespmem:s17], [sflag:$0x2] =	stream.indirect_vreg.gather [hbm4b:s1+s3], $0x80, v8, vm1, $0x2000b8;
	[tilespmem:$0x1C880] =	vst v63  }
0x272: {  	_ = 	snop  }
0x273: {  	[tilespmem:s18], [sflag:$0x2] =	stream.indirect_vreg.gather [hbm4b:s13+s3], $0x80, v8, vm1, $0x2000b8;
	[tilespmem:$0x1C880] =	vst v63  }
0x274: {  	_ = 	snop  }
0x275: {  	[tilespmem:s20], [sflag:$0x2] =	stream.indirect_vreg.gather [hbm4b:s24+s3], $0x80, v8, vm1, $0x2000b8;
	[tilespmem:$0x1C880] =	vst v63  }
0x276: {  	_ = 	snop  }
0x277: {  	[tilespmem:s22], [sflag:$0x2] =	stream.indirect_vreg.gather [hbm4b:s25+s3], $0x80, v8, vm1, $0x2000b8;
	[tilespmem:$0x1C880] =	vst v63  }
0x278: {  	_ = 	snop  }
0x279: {  	[tilespmem:s30], [sflag:$0x2] =	stream.indirect_vreg.gather [hbm4b:s26+s3], $0x80, v8, vm1, $0x2000b8;
	[tilespmem:$0x1C880] =	vst v63  }
0x27a: {  	s9 =	simm.s32 $0x16080  }
0x27b: {  	[tilespmem:s9], [sflag:$0x2] =	stream.indirect_vreg.gather [hbm4b:s28+s3], $0x80, v8, vm1, $0x2000b8;
	[tilespmem:$0x1C880] =	vst v63  }
0x27c: {  	v8 =	vld [tilespmem:$0x4170];
	_ =	sdelay $0x4  }
0x27d: {  	v31 =	vshrl.u32 v8, $0x3  }
0x27e: {  	v9 =	vmul.u32 $0x60, v31  }
0x27f: {  	v8 =	vand.u32 $0x7, v8  }
0x280: {  	v8 =	vor.u32 v8, v9  }
0x281: {  	v9 =	vperm.xlane v8, v5;
	_ =	sdelay $0x1  }
0x282: {  	v9 =	vadd.s32 v6, v9;
	_ =	sdelay $0x3  }
0x283: {  	s10 =	simm.s32 $0x16880  }
0x284: {  	[tilespmem:s10], [sflag:$0x2] =	stream.indirect_vreg.gather [hbm4b:s1+s3], $0x80, v9, vm1, $0x2000b8;
	[tilespmem:$0x1C880] =	vst v63  }
0x285: {  	s12 =	simm.s32 $0x17080  }
0x286: {  	[tilespmem:s12], [sflag:$0x2] =	stream.indirect_vreg.gather [hbm4b:s13+s3], $0x80, v9, vm1, $0x2000b8;
	[tilespmem:$0x1C880] =	vst v63  }
0x287: {  	s17 =	simm.s32 $0x17880  }
0x288: {  	[tilespmem:s17], [sflag:$0x2] =	stream.indirect_vreg.gather [hbm4b:s24+s3], $0x80, v9, vm1, $0x2000b8;
	[tilespmem:$0x1C880] =	vst v63  }
0x289: {  	s18 =	simm.s32 $0x18080;
	v8 =	vperm.xlane v8, v7  }
0x28a: {  	[tilespmem:s18], [sflag:$0x2] =	stream.indirect_vreg.gather [hbm4b:s25+s3], $0x80, v9, vm1, $0x2000b8;
	[tilespmem:$0x1C880] =	vst v63  }
0x28b: {  	s20 =	simm.s32 $0x18880;
	v8 =	vadd.s32 v6, v8  }
0x28c: {  	[tilespmem:s20], [sflag:$0x2] =	stream.indirect_vreg.gather [hbm4b:s26+s3], $0x80, v9, vm1, $0x2000b8;
	[tilespmem:$0x1C880] =	vst v63  }
0x28d: {  	s22 =	simm.s32 $0x19080  }
0x28e: {  	[tilespmem:s22], [sflag:$0x2] =	stream.indirect_vreg.gather [hbm4b:s28+s3], $0x80, v9, vm1, $0x2000b8;
	[tilespmem:$0x1C880] =	vst v63  }
0x28f: {  	s23 =	simm.s32 $0x19880  }
0x290: {  	[tilespmem:s23], [sflag:$0x2] =	stream.indirect_vreg.gather [hbm4b:s1+s3], $0x80, v8, vm1, $0x2000b8;
	[tilespmem:$0x1C880] =	vst v63  }
0x291: {  	s30 =	simm.s32 $0x1A080  }
0x292: {  	[tilespmem:s30], [sflag:$0x2] =	stream.indirect_vreg.gather [hbm4b:s13+s3], $0x80, v8, vm1, $0x2000b8;
	[tilespmem:$0x1C880] =	vst v63  }
0x293: {  	s5 =	simm.s32 $0x1A880  }
0x294: {  	[tilespmem:s5], [sflag:$0x2] =	stream.indirect_vreg.gather [hbm4b:s24+s3], $0x80, v8, vm1, $0x2000b8;
	[tilespmem:$0x1C880] =	vst v63  }
0x295: {  	s6 =	simm.s32 $0x1B080  }
0x296: {  	[tilespmem:s6], [sflag:$0x2] =	stream.indirect_vreg.gather [hbm4b:s25+s3], $0x80, v8, vm1, $0x2000b8;
	[tilespmem:$0x1C880] =	vst v63  }
0x297: {  	s9 =	simm.s32 $0x1B880  }
0x298: {  	[tilespmem:s9], [sflag:$0x2] =	stream.indirect_vreg.gather [hbm4b:s26+s3], $0x80, v8, vm1, $0x2000b8;
	[tilespmem:$0x1C880] =	vst v63  }
0x299: {  	s10 =	simm.s32 $0x1C080  }
0x29a: {  	[tilespmem:s10], [sflag:$0x2] =	stream.indirect_vreg.gather [hbm4b:s28+s3], $0x80, v8, vm1, $0x2000b8;
	[tilespmem:$0x1C880] =	vst v63  }
0x29b: {  	_ =	swait.ge [sflag:s16], $0xC000  }
0x29c: {  	[sflag:s16] =	ssyncset.done $0x0  }
0x29d: {  	s17 =	simm.s32 $0x4880;
	s12 =	rddreg [dreg:$0xf];
	[sflag:s16] =	ssyncadd.s32 $0xFFFF4000  }
0x29e: {  	[hbm4b:s12+s3] =	stream.linear.scatter [tilespmem:s17], [sflag:$0x3], $0xC000, $0x200038;
	[tilespmem:$0x1C880] =	vst v63  }
0x29f: {  	_ =	swait.ge [sflag:s14], $0xC000  }
0x2a0: {  	[sflag:s14] =	ssyncset.done $0x0  }
0x2a1: {  	[sflag:s14] =	ssyncadd.s32 $0xFFFF4000  }
0x2a2: {  	v8 =	vld [tilespmem:$0x4180];
	_ =	sdelay $0x4  }
0x2a3: {  	v32 =	vshrl.u32 v8, $0x3  }
0x2a4: {  	v9 =	vmul.u32 $0x60, v32  }
0x2a5: {  	v8 =	vand.u32 $0x7, v8  }
0x2a6: {  	v8 =	vor.u32 v8, v9  }
0x2a7: {  	v9 =	vperm.xlane v8, v5;
	_ =	sdelay $0x1  }
0x2a8: {  	v9 =	vadd.s32 v6, v9;
	_ =	sdelay $0x4  }
0x2a9: {  	[tilespmem:s17], [sflag:$0x1] =	stream.indirect_vreg.gather [hbm4b:s1+s3], $0x80, v9, vm1, $0x2000b8;
	[tilespmem:$0x1C880] =	vst v63  }
0x2aa: {  	_ = 	snop  }
0x2ab: {  	[tilespmem:s11], [sflag:$0x1] =	stream.indirect_vreg.gather [hbm4b:s13+s3], $0x80, v9, vm1, $0x2000b8;
	[tilespmem:$0x1C880] =	vst v63  }
0x2ac: {  	s18 =	simm.s32 $0x5880  }
0x2ad: {  	[tilespmem:s18], [sflag:$0x1] =	stream.indirect_vreg.gather [hbm4b:s24+s3], $0x80, v9, vm1, $0x2000b8;
	[tilespmem:$0x1C880] =	vst v63  }
0x2ae: {  	s21 =	simm.s32 $0x6080;
	v8 =	vperm.xlane v8, v7  }
0x2af: {  	[tilespmem:s21], [sflag:$0x1] =	stream.indirect_vreg.gather [hbm4b:s25+s3], $0x80, v9, vm1, $0x2000b8;
	[tilespmem:$0x1C880] =	vst v63  }
0x2b0: {  	v8 =	vadd.s32 v6, v8  }
0x2b1: {  	[tilespmem:s15], [sflag:$0x1] =	stream.indirect_vreg.gather [hbm4b:s26+s3], $0x80, v9, vm1, $0x2000b8;
	[tilespmem:$0x1C880] =	vst v63  }
0x2b2: {  	s15 =	simm.s32 $0x7080  }
0x2b3: {  	[tilespmem:s15], [sflag:$0x1] =	stream.indirect_vreg.gather [hbm4b:s28+s3], $0x80, v9, vm1, $0x2000b8;
	[tilespmem:$0x1C880] =	vst v63  }
0x2b4: {  	s20 =	simm.s32 $0x7880  }
0x2b5: {  	[tilespmem:s20], [sflag:$0x1] =	stream.indirect_vreg.gather [hbm4b:s1+s3], $0x80, v8, vm1, $0x2000b8;
	[tilespmem:$0x1C880] =	vst v63  }
0x2b6: {  	s9 =	simm.s32 $0x8080  }
0x2b7: {  	[tilespmem:s9], [sflag:$0x1] =	stream.indirect_vreg.gather [hbm4b:s13+s3], $0x80, v8, vm1, $0x2000b8;
	[tilespmem:$0x1C880] =	vst v63  }
0x2b8: {  	s10 =	simm.s32 $0x8880  }
0x2b9: {  	[tilespmem:s10], [sflag:$0x1] =	stream.indirect_vreg.gather [hbm4b:s24+s3], $0x80, v8, vm1, $0x2000b8;
	[tilespmem:$0x1C880] =	vst v63  }
0x2ba: {  	s11 =	simm.s32 $0x9080  }
0x2bb: {  	[tilespmem:s11], [sflag:$0x1] =	stream.indirect_vreg.gather [hbm4b:s25+s3], $0x80, v8, vm1, $0x2000b8;
	[tilespmem:$0x1C880] =	vst v63  }
0x2bc: {  	s12 =	simm.s32 $0x9880  }
0x2bd: {  	[tilespmem:s12], [sflag:$0x1] =	stream.indirect_vreg.gather [hbm4b:s26+s3], $0x80, v8, vm1, $0x2000b8;
	[tilespmem:$0x1C880] =	vst v63  }
0x2be: {  	s21 =	simm.s32 $0xA080  }
0x2bf: {  	[tilespmem:s21], [sflag:$0x1] =	stream.indirect_vreg.gather [hbm4b:s28+s3], $0x80, v8, vm1, $0x2000b8;
	[tilespmem:$0x1C880] =	vst v63  }
0x2c0: {  	v8 =	vld [tilespmem:$0x4190];
	_ =	sdelay $0x4  }
0x2c1: {  	v33 =	vshrl.u32 v8, $0x3  }
0x2c2: {  	v9 =	vmul.u32 $0x60, v33  }
0x2c3: {  	v8 =	vand.u32 $0x7, v8  }
0x2c4: {  	v8 =	vor.u32 v8, v9  }
0x2c5: {  	v9 =	vperm.xlane v8, v5;
	_ =	sdelay $0x1  }
0x2c6: {  	v9 =	vadd.s32 v6, v9;
	_ =	sdelay $0x3  }
0x2c7: {  	s17 =	simm.s32 $0xA880  }
0x2c8: {  	[tilespmem:s17], [sflag:$0x1] =	stream.indirect_vreg.gather [hbm4b:s1+s3], $0x80, v9, vm1, $0x2000b8;
	[tilespmem:$0x1C880] =	vst v63  }
0x2c9: {  	s18 =	simm.s32 $0xB080  }
0x2ca: {  	[tilespmem:s18], [sflag:$0x1] =	stream.indirect_vreg.gather [hbm4b:s13+s3], $0x80, v9, vm1, $0x2000b8;
	[tilespmem:$0x1C880] =	vst v63  }
0x2cb: {  	s22 =	simm.s32 $0xB880  }
0x2cc: {  	[tilespmem:s22], [sflag:$0x1] =	stream.indirect_vreg.gather [hbm4b:s24+s3], $0x80, v9, vm1, $0x2000b8;
	[tilespmem:$0x1C880] =	vst v63  }
0x2cd: {  	s23 =	simm.s32 $0xC080;
	v8 =	vperm.xlane v8, v7  }
0x2ce: {  	[tilespmem:s23], [sflag:$0x1] =	stream.indirect_vreg.gather [hbm4b:s25+s3], $0x80, v9, vm1, $0x2000b8;
	[tilespmem:$0x1C880] =	vst v63  }
0x2cf: {  	s20 =	simm.s32 $0xC880;
	v8 =	vadd.s32 v6, v8  }
0x2d0: {  	[tilespmem:s20], [sflag:$0x1] =	stream.indirect_vreg.gather [hbm4b:s26+s3], $0x80, v9, vm1, $0x2000b8;
	[tilespmem:$0x1C880] =	vst v63  }
0x2d1: {  	s21 =	simm.s32 $0xD080  }
0x2d2: {  	[tilespmem:s21], [sflag:$0x1] =	stream.indirect_vreg.gather [hbm4b:s28+s3], $0x80, v9, vm1, $0x2000b8;
	[tilespmem:$0x1C880] =	vst v63  }
0x2d3: {  	s22 =	simm.s32 $0xD880  }
0x2d4: {  	[tilespmem:s22], [sflag:$0x1] =	stream.indirect_vreg.gather [hbm4b:s1+s3], $0x80, v8, vm1, $0x2000b8;
	[tilespmem:$0x1C880] =	vst v63  }
0x2d5: {  	s23 =	simm.s32 $0xE080  }
0x2d6: {  	[tilespmem:s23], [sflag:$0x1] =	stream.indirect_vreg.gather [hbm4b:s13+s3], $0x80, v8, vm1, $0x2000b8;
	[tilespmem:$0x1C880] =	vst v63  }
0x2d7: {  	s2 =	simm.s32 $0xE880  }
0x2d8: {  	[tilespmem:s2], [sflag:$0x1] =	stream.indirect_vreg.gather [hbm4b:s24+s3], $0x80, v8, vm1, $0x2000b8;
	[tilespmem:$0x1C880] =	vst v63  }
0x2d9: {  	s30 =	simm.s32 $0xF080  }
0x2da: {  	[tilespmem:s30], [sflag:$0x1] =	stream.indirect_vreg.gather [hbm4b:s25+s3], $0x80, v8, vm1, $0x2000b8;
	[tilespmem:$0x1C880] =	vst v63  }
0x2db: {  	s6 =	simm.s32 $0xF880  }
0x2dc: {  	[tilespmem:s6], [sflag:$0x1] =	stream.indirect_vreg.gather [hbm4b:s26+s3], $0x80, v8, vm1, $0x2000b8;
	[tilespmem:$0x1C880] =	vst v63  }
0x2dd: {  	s30 =	simm.s32 $0x10080  }
0x2de: {  	[tilespmem:s30], [sflag:$0x1] =	stream.indirect_vreg.gather [hbm4b:s28+s3], $0x80, v8, vm1, $0x2000b8;
	[tilespmem:$0x1C880] =	vst v63  }
0x2df: {  	_ =	swait.ge [sflag:s19], $0xC000  }
0x2e0: {  	[sflag:s19] =	ssyncset.done $0x0  }
0x2e1: {  	s5 =	simm.s32 $0x10880;
	s6 =	rddreg [dreg:$0x11];
	[sflag:s19] =	ssyncadd.s32 $0xFFFF4000  }
0x2e2: {  	[hbm4b:s6+s3] =	stream.linear.scatter [tilespmem:s5], [sflag:$0x4], $0xC000, $0x200038;
	[tilespmem:$0x1C880] =	vst v63  }
0x2e3: {  	_ =	swait.ge [sflag:s4], $0xC000  }
0x2e4: {  	[sflag:s4] =	ssyncset.done $0x0  }
0x2e5: {  	[sflag:s4] =	ssyncadd.s32 $0xFFFF4000  }
0x2e6: {  	v8 =	vld [tilespmem:$0x41A0];
	_ =	sdelay $0x4  }
0x2e7: {  	v34 =	vshrl.u32 v8, $0x3  }
0x2e8: {  	v9 =	vmul.u32 $0x60, v34  }
0x2e9: {  	v8 =	vand.u32 $0x7, v8  }
0x2ea: {  	v8 =	vor.u32 v8, v9  }
0x2eb: {  	v9 =	vperm.xlane v8, v5;
	_ =	sdelay $0x1  }
0x2ec: {  	v9 =	vadd.s32 v6, v9;
	_ =	sdelay $0x4  }
0x2ed: {  	[tilespmem:s5], [sflag:$0x2] =	stream.indirect_vreg.gather [hbm4b:s1+s3], $0x80, v9, vm1, $0x2000b8;
	[tilespmem:$0x1C880] =	vst v63  }
0x2ee: {  	s5 =	simm.s32 $0x11080  }
0x2ef: {  	[tilespmem:s5], [sflag:$0x2] =	stream.indirect_vreg.gather [hbm4b:s13+s3], $0x80, v9, vm1, $0x2000b8;
	[tilespmem:$0x1C880] =	vst v63  }
0x2f0: {  	s30 =	simm.s32 $0x11880  }
0x2f1: {  	[tilespmem:s30], [sflag:$0x2] =	stream.indirect_vreg.gather [hbm4b:s24+s3], $0x80, v9, vm1, $0x2000b8;
	[tilespmem:$0x1C880] =	vst v63  }
0x2f2: {  	v8 =	vperm.xlane v8, v7;
	s30 =	simm.s32 $0x12080  }
0x2f3: {  	[tilespmem:s30], [sflag:$0x2] =	stream.indirect_vreg.gather [hbm4b:s25+s3], $0x80, v9, vm1, $0x2000b8;
	[tilespmem:$0x1C880] =	vst v63  }
0x2f4: {  	v8 =	vadd.s32 v6, v8;
	s30 =	simm.s32 $0x12880  }
0x2f5: {  	[tilespmem:s30], [sflag:$0x2] =	stream.indirect_vreg.gather [hbm4b:s26+s3], $0x80, v9, vm1, $0x2000b8;
	[tilespmem:$0x1C880] =	vst v63  }
0x2f6: {  	s30 =	simm.s32 $0x13080  }
0x2f7: {  	[tilespmem:s30], [sflag:$0x2] =	stream.indirect_vreg.gather [hbm4b:s28+s3], $0x80, v9, vm1, $0x2000b8;
	[tilespmem:$0x1C880] =	vst v63  }
0x2f8: {  	s30 =	simm.s32 $0x13880  }
0x2f9: {  	[tilespmem:s30], [sflag:$0x2] =	stream.indirect_vreg.gather [hbm4b:s1+s3], $0x80, v8, vm1, $0x2000b8;
	[tilespmem:$0x1C880] =	vst v63  }
0x2fa: {  	s30 =	simm.s32 $0x14080  }
0x2fb: {  	[tilespmem:s30], [sflag:$0x2] =	stream.indirect_vreg.gather [hbm4b:s13+s3], $0x80, v8, vm1, $0x2000b8;
	[tilespmem:$0x1C880] =	vst v63  }
0x2fc: {  	s30 =	simm.s32 $0x14880  }
0x2fd: {  	[tilespmem:s30], [sflag:$0x2] =	stream.indirect_vreg.gather [hbm4b:s24+s3], $0x80, v8, vm1, $0x2000b8;
	[tilespmem:$0x1C880] =	vst v63  }
0x2fe: {  	s30 =	simm.s32 $0x15080  }
0x2ff: {  	[tilespmem:s30], [sflag:$0x2] =	stream.indirect_vreg.gather [hbm4b:s25+s3], $0x80, v8, vm1, $0x2000b8;
	[tilespmem:$0x1C880] =	vst v63  }
0x300: {  	s30 =	simm.s32 $0x15880  }
0x301: {  	[tilespmem:s30], [sflag:$0x2] =	stream.indirect_vreg.gather [hbm4b:s26+s3], $0x80, v8, vm1, $0x2000b8;
	[tilespmem:$0x1C880] =	vst v63  }
0x302: {  	s30 =	simm.s32 $0x16080  }
0x303: {  	[tilespmem:s30], [sflag:$0x2] =	stream.indirect_vreg.gather [hbm4b:s28+s3], $0x80, v8, vm1, $0x2000b8;
	[tilespmem:$0x1C880] =	vst v63  }
0x304: {  	v8 =	vld [tilespmem:$0x41B0];
	_ =	sdelay $0x4  }
0x305: {  	v35 =	vshrl.u32 v8, $0x3  }
0x306: {  	v9 =	vmul.u32 $0x60, v35  }
0x307: {  	v8 =	vand.u32 $0x7, v8  }
0x308: {  	v8 =	vor.u32 v8, v9  }
0x309: {  	v9 =	vperm.xlane v8, v5;
	_ =	sdelay $0x1  }
0x30a: {  	v9 =	vadd.s32 v6, v9;
	_ =	sdelay $0x3  }
0x30b: {  	s30 =	simm.s32 $0x16880  }
0x30c: {  	[tilespmem:s30], [sflag:$0x2] =	stream.indirect_vreg.gather [hbm4b:s1+s3], $0x80, v9, vm1, $0x2000b8;
	[tilespmem:$0x1C880] =	vst v63  }
0x30d: {  	s30 =	simm.s32 $0x17080  }
0x30e: {  	[tilespmem:s30], [sflag:$0x2] =	stream.indirect_vreg.gather [hbm4b:s13+s3], $0x80, v9, vm1, $0x2000b8;
	[tilespmem:$0x1C880] =	vst v63  }
0x30f: {  	s30 =	simm.s32 $0x17880  }
0x310: {  	[tilespmem:s30], [sflag:$0x2] =	stream.indirect_vreg.gather [hbm4b:s24+s3], $0x80, v9, vm1, $0x2000b8;
	[tilespmem:$0x1C880] =	vst v63  }
0x311: {  	v8 =	vperm.xlane v8, v7;
	s30 =	simm.s32 $0x18080  }
0x312: {  	[tilespmem:s30], [sflag:$0x2] =	stream.indirect_vreg.gather [hbm4b:s25+s3], $0x80, v9, vm1, $0x2000b8;
	[tilespmem:$0x1C880] =	vst v63  }
0x313: {  	v8 =	vadd.s32 v6, v8;
	s30 =	simm.s32 $0x18880  }
0x314: {  	[tilespmem:s30], [sflag:$0x2] =	stream.indirect_vreg.gather [hbm4b:s26+s3], $0x80, v9, vm1, $0x2000b8;
	[tilespmem:$0x1C880] =	vst v63  }
0x315: {  	s30 =	simm.s32 $0x19080  }
0x316: {  	[tilespmem:s30], [sflag:$0x2] =	stream.indirect_vreg.gather [hbm4b:s28+s3], $0x80, v9, vm1, $0x2000b8;
	[tilespmem:$0x1C880] =	vst v63  }
0x317: {  	s30 =	simm.s32 $0x19880  }
0x318: {  	[tilespmem:s30], [sflag:$0x2] =	stream.indirect_vreg.gather [hbm4b:s1+s3], $0x80, v8, vm1, $0x2000b8;
	[tilespmem:$0x1C880] =	vst v63  }
0x319: {  	s30 =	simm.s32 $0x1A080  }
0x31a: {  	[tilespmem:s30], [sflag:$0x2] =	stream.indirect_vreg.gather [hbm4b:s13+s3], $0x80, v8, vm1, $0x2000b8;
	[tilespmem:$0x1C880] =	vst v63  }
0x31b: {  	s30 =	simm.s32 $0x1A880  }
0x31c: {  	[tilespmem:s30], [sflag:$0x2] =	stream.indirect_vreg.gather [hbm4b:s24+s3], $0x80, v8, vm1, $0x2000b8;
	[tilespmem:$0x1C880] =	vst v63  }
0x31d: {  	s30 =	simm.s32 $0x1B080  }
0x31e: {  	[tilespmem:s30], [sflag:$0x2] =	stream.indirect_vreg.gather [hbm4b:s25+s3], $0x80, v8, vm1, $0x2000b8;
	[tilespmem:$0x1C880] =	vst v63  }
0x31f: {  	s30 =	simm.s32 $0x1B880  }
0x320: {  	[tilespmem:s30], [sflag:$0x2] =	stream.indirect_vreg.gather [hbm4b:s26+s3], $0x80, v8, vm1, $0x2000b8;
	[tilespmem:$0x1C880] =	vst v63  }
0x321: {  	s30 =	simm.s32 $0x1C080  }
0x322: {  	[tilespmem:s30], [sflag:$0x2] =	stream.indirect_vreg.gather [hbm4b:s28+s3], $0x80, v8, vm1, $0x2000b8;
	[tilespmem:$0x1C880] =	vst v63  }
0x323: {  	_ =	swait.ge [sflag:s16], $0xC000  }
0x324: {  	[sflag:s16] =	ssyncset.done $0x0  }
0x325: {  	s30 =	simm.s32 $0x4880;
	s6 =	rddreg [dreg:$0x17];
	[sflag:s16] =	ssyncadd.s32 $0xFFFF4000  }
0x326: {  	[hbm4b:s6+s3] =	stream.linear.scatter [tilespmem:s30], [sflag:$0x3], $0xC000, $0x200038;
	[tilespmem:$0x1C880] =	vst v63  }
0x327: {  	_ =	swait.ge [sflag:s14], $0xC000  }
0x328: {  	[sflag:s14] =	ssyncset.done $0x0  }
0x329: {  	[sflag:s14] =	ssyncadd.s32 $0xFFFF4000  }
0x32a: {  	v8 =	vld [tilespmem:$0x41C0];
	_ =	sdelay $0x4  }
0x32b: {  	v36 =	vshrl.u32 v8, $0x3  }
0x32c: {  	v9 =	vmul.u32 $0x60, v36  }
0x32d: {  	v8 =	vand.u32 $0x7, v8  }
0x32e: {  	v8 =	vor.u32 v8, v9  }
0x32f: {  	v9 =	vperm.xlane v8, v5;
	_ =	sdelay $0x1  }
0x330: {  	v9 =	vadd.s32 v6, v9;
	_ =	sdelay $0x4  }
0x331: {  	[tilespmem:s30], [sflag:$0x1] =	stream.indirect_vreg.gather [hbm4b:s1+s3], $0x80, v9, vm1, $0x2000b8;
	[tilespmem:$0x1C880] =	vst v63  }
0x332: {  	s30 =	simm.s32 $0x5080  }
0x333: {  	[tilespmem:s30], [sflag:$0x1] =	stream.indirect_vreg.gather [hbm4b:s13+s3], $0x80, v9, vm1, $0x2000b8;
	[tilespmem:$0x1C880] =	vst v63  }
0x334: {  	s30 =	simm.s32 $0x5880  }
0x335: {  	[tilespmem:s30], [sflag:$0x1] =	stream.indirect_vreg.gather [hbm4b:s24+s3], $0x80, v9, vm1, $0x2000b8;
	[tilespmem:$0x1C880] =	vst v63  }
0x336: {  	s6 =	simm.s32 $0x6080;
	v8 =	vperm.xlane v8, v7  }
0x337: {  	[tilespmem:s6], [sflag:$0x1] =	stream.indirect_vreg.gather [hbm4b:s25+s3], $0x80, v9, vm1, $0x2000b8;
	[tilespmem:$0x1C880] =	vst v63  }
0x338: {  	v8 =	vadd.s32 v6, v8;
	s6 =	simm.s32 $0x6880  }
0x339: {  	[tilespmem:s6], [sflag:$0x1] =	stream.indirect_vreg.gather [hbm4b:s26+s3], $0x80, v9, vm1, $0x2000b8;
	[tilespmem:$0x1C880] =	vst v63  }
0x33a: {  	_ = 	snop  }
0x33b: {  	[tilespmem:s15], [sflag:$0x1] =	stream.indirect_vreg.gather [hbm4b:s28+s3], $0x80, v9, vm1, $0x2000b8;
	[tilespmem:$0x1C880] =	vst v63  }
0x33c: {  	s15 =	simm.s32 $0x7880  }
0x33d: {  	[tilespmem:s15], [sflag:$0x1] =	stream.indirect_vreg.gather [hbm4b:s1+s3], $0x80, v8, vm1, $0x2000b8;
	[tilespmem:$0x1C880] =	vst v63  }
0x33e: {  	_ = 	snop  }
0x33f: {  	[tilespmem:s9], [sflag:$0x1] =	stream.indirect_vreg.gather [hbm4b:s13+s3], $0x80, v8, vm1, $0x2000b8;
	[tilespmem:$0x1C880] =	vst v63  }
0x340: {  	_ = 	snop  }
0x341: {  	[tilespmem:s10], [sflag:$0x1] =	stream.indirect_vreg.gather [hbm4b:s24+s3], $0x80, v8, vm1, $0x2000b8;
	[tilespmem:$0x1C880] =	vst v63  }
0x342: {  	_ = 	snop  }
0x343: {  	[tilespmem:s11], [sflag:$0x1] =	stream.indirect_vreg.gather [hbm4b:s25+s3], $0x80, v8, vm1, $0x2000b8;
	[tilespmem:$0x1C880] =	vst v63  }
0x344: {  	_ = 	snop  }
0x345: {  	[tilespmem:s12], [sflag:$0x1] =	stream.indirect_vreg.gather [hbm4b:s26+s3], $0x80, v8, vm1, $0x2000b8;
	[tilespmem:$0x1C880] =	vst v63  }
0x346: {  	s12 =	simm.s32 $0xA080  }
0x347: {  	[tilespmem:s12], [sflag:$0x1] =	stream.indirect_vreg.gather [hbm4b:s28+s3], $0x80, v8, vm1, $0x2000b8;
	[tilespmem:$0x1C880] =	vst v63  }
0x348: {  	v8 =	vld [tilespmem:$0x41D0];
	_ =	sdelay $0x4  }
0x349: {  	v37 =	vshrl.u32 v8, $0x3  }
0x34a: {  	v9 =	vmul.u32 $0x60, v37  }
0x34b: {  	v8 =	vand.u32 $0x7, v8  }
0x34c: {  	v8 =	vor.u32 v8, v9  }
0x34d: {  	v9 =	vperm.xlane v8, v5;
	_ =	sdelay $0x1  }
0x34e: {  	v9 =	vadd.s32 v6, v9;
	_ =	sdelay $0x4  }
0x34f: {  	[tilespmem:s17], [sflag:$0x1] =	stream.indirect_vreg.gather [hbm4b:s1+s3], $0x80, v9, vm1, $0x2000b8;
	[tilespmem:$0x1C880] =	vst v63  }
0x350: {  	_ = 	snop  }
0x351: {  	[tilespmem:s18], [sflag:$0x1] =	stream.indirect_vreg.gather [hbm4b:s13+s3], $0x80, v9, vm1, $0x2000b8;
	[tilespmem:$0x1C880] =	vst v63  }
0x352: {  	s15 =	simm.s32 $0xB880  }
0x353: {  	[tilespmem:s15], [sflag:$0x1] =	stream.indirect_vreg.gather [hbm4b:s24+s3], $0x80, v9, vm1, $0x2000b8;
	[tilespmem:$0x1C880] =	vst v63  }
0x354: {  	v8 =	vperm.xlane v8, v7;
	s17 =	simm.s32 $0xC080  }
0x355: {  	[tilespmem:s17], [sflag:$0x1] =	stream.indirect_vreg.gather [hbm4b:s25+s3], $0x80, v9, vm1, $0x2000b8;
	[tilespmem:$0x1C880] =	vst v63  }
0x356: {  	v8 =	vadd.s32 v6, v8  }
0x357: {  	[tilespmem:s20], [sflag:$0x1] =	stream.indirect_vreg.gather [hbm4b:s26+s3], $0x80, v9, vm1, $0x2000b8;
	[tilespmem:$0x1C880] =	vst v63  }
0x358: {  	_ = 	snop  }
0x359: {  	[tilespmem:s21], [sflag:$0x1] =	stream.indirect_vreg.gather [hbm4b:s28+s3], $0x80, v9, vm1, $0x2000b8;
	[tilespmem:$0x1C880] =	vst v63  }
0x35a: {  	_ = 	snop  }
0x35b: {  	[tilespmem:s22], [sflag:$0x1] =	stream.indirect_vreg.gather [hbm4b:s1+s3], $0x80, v8, vm1, $0x2000b8;
	[tilespmem:$0x1C880] =	vst v63  }
0x35c: {  	_ = 	snop  }
0x35d: {  	[tilespmem:s23], [sflag:$0x1] =	stream.indirect_vreg.gather [hbm4b:s13+s3], $0x80, v8, vm1, $0x2000b8;
	[tilespmem:$0x1C880] =	vst v63  }
0x35e: {  	_ = 	snop  }
0x35f: {  	[tilespmem:s2], [sflag:$0x1] =	stream.indirect_vreg.gather [hbm4b:s24+s3], $0x80, v8, vm1, $0x2000b8;
	[tilespmem:$0x1C880] =	vst v63  }
0x360: {  	s2 =	simm.s32 $0xF080  }
0x361: {  	[tilespmem:s2], [sflag:$0x1] =	stream.indirect_vreg.gather [hbm4b:s25+s3], $0x80, v8, vm1, $0x2000b8;
	[tilespmem:$0x1C880] =	vst v63  }
0x362: {  	s10 =	simm.s32 $0xF880  }
0x363: {  	[tilespmem:s10], [sflag:$0x1] =	stream.indirect_vreg.gather [hbm4b:s26+s3], $0x80, v8, vm1, $0x2000b8;
	[tilespmem:$0x1C880] =	vst v63  }
0x364: {  	s9 =	simm.s32 $0x10080  }
0x365: {  	[tilespmem:s9], [sflag:$0x1] =	stream.indirect_vreg.gather [hbm4b:s28+s3], $0x80, v8, vm1, $0x2000b8;
	[tilespmem:$0x1C880] =	vst v63  }
0x366: {  	_ =	swait.ge [sflag:s19], $0xC000  }
0x367: {  	[sflag:s19] =	ssyncset.done $0x0  }
0x368: {  	s18 =	simm.s32 $0x10880;
	s11 =	rddreg [dreg:$0x18];
	[sflag:s19] =	ssyncadd.s32 $0xFFFF4000  }
0x369: {  	[hbm4b:s11+s3] =	stream.linear.scatter [tilespmem:s18], [sflag:$0x4], $0xC000, $0x200038;
	[tilespmem:$0x1C880] =	vst v63  }
0x36a: {  	_ =	swait.ge [sflag:s4], $0xC000  }
0x36b: {  	[sflag:s4] =	ssyncset.done $0x0  }
0x36c: {  	[sflag:s4] =	ssyncadd.s32 $0xFFFF4000  }
0x36d: {  	v8 =	vld [tilespmem:$0x41E0];
	_ =	sdelay $0x4  }
0x36e: {  	v38 =	vshrl.u32 v8, $0x3  }
0x36f: {  	v9 =	vmul.u32 $0x60, v38  }
0x370: {  	v8 =	vand.u32 $0x7, v8  }
0x371: {  	v8 =	vor.u32 v8, v9  }
0x372: {  	v9 =	vperm.xlane v8, v5;
	_ =	sdelay $0x1  }
0x373: {  	v9 =	vadd.s32 v6, v9;
	_ =	sdelay $0x4  }
0x374: {  	[tilespmem:s18], [sflag:$0x2] =	stream.indirect_vreg.gather [hbm4b:s1+s3], $0x80, v9, vm1, $0x2000b8;
	[tilespmem:$0x1C880] =	vst v63  }
0x375: {  	_ = 	snop  }
0x376: {  	[tilespmem:s5], [sflag:$0x2] =	stream.indirect_vreg.gather [hbm4b:s13+s3], $0x80, v9, vm1, $0x2000b8;
	[tilespmem:$0x1C880] =	vst v63  }
0x377: {  	s20 =	simm.s32 $0x11880  }
0x378: {  	[tilespmem:s20], [sflag:$0x2] =	stream.indirect_vreg.gather [hbm4b:s24+s3], $0x80, v9, vm1, $0x2000b8;
	[tilespmem:$0x1C880] =	vst v63  }
0x379: {  	s21 =	simm.s32 $0x12080;
	v8 =	vperm.xlane v8, v7  }
0x37a: {  	[tilespmem:s21], [sflag:$0x2] =	stream.indirect_vreg.gather [hbm4b:s25+s3], $0x80, v9, vm1, $0x2000b8;
	[tilespmem:$0x1C880] =	vst v63  }
0x37b: {  	s22 =	simm.s32 $0x12880;
	v8 =	vadd.s32 v6, v8  }
0x37c: {  	[tilespmem:s22], [sflag:$0x2] =	stream.indirect_vreg.gather [hbm4b:s26+s3], $0x80, v9, vm1, $0x2000b8;
	[tilespmem:$0x1C880] =	vst v63  }
0x37d: {  	s23 =	simm.s32 $0x13080  }
0x37e: {  	[tilespmem:s23], [sflag:$0x2] =	stream.indirect_vreg.gather [hbm4b:s28+s3], $0x80, v9, vm1, $0x2000b8;
	[tilespmem:$0x1C880] =	vst v63  }
0x37f: {  	s6 =	simm.s32 $0x13880  }
0x380: {  	[tilespmem:s6], [sflag:$0x2] =	stream.indirect_vreg.gather [hbm4b:s1+s3], $0x80, v8, vm1, $0x2000b8;
	[tilespmem:$0x1C880] =	vst v63  }
0x381: {  	s11 =	simm.s32 $0x14080  }
0x382: {  	[tilespmem:s11], [sflag:$0x2] =	stream.indirect_vreg.gather [hbm4b:s13+s3], $0x80, v8, vm1, $0x2000b8;
	[tilespmem:$0x1C880] =	vst v63  }
0x383: {  	s18 =	simm.s32 $0x14880  }
0x384: {  	[tilespmem:s18], [sflag:$0x2] =	stream.indirect_vreg.gather [hbm4b:s24+s3], $0x80, v8, vm1, $0x2000b8;
	[tilespmem:$0x1C880] =	vst v63  }
0x385: {  	s20 =	simm.s32 $0x15080  }
0x386: {  	[tilespmem:s20], [sflag:$0x2] =	stream.indirect_vreg.gather [hbm4b:s25+s3], $0x80, v8, vm1, $0x2000b8;
	[tilespmem:$0x1C880] =	vst v63  }
0x387: {  	s21 =	simm.s32 $0x15880  }
0x388: {  	[tilespmem:s21], [sflag:$0x2] =	stream.indirect_vreg.gather [hbm4b:s26+s3], $0x80, v8, vm1, $0x2000b8;
	[tilespmem:$0x1C880] =	vst v63  }
0x389: {  	s22 =	simm.s32 $0x16080  }
0x38a: {  	[tilespmem:s22], [sflag:$0x2] =	stream.indirect_vreg.gather [hbm4b:s28+s3], $0x80, v8, vm1, $0x2000b8;
	[tilespmem:$0x1C880] =	vst v63  }
0x38b: {  	v8 =	vld [tilespmem:$0x41F0];
	_ =	sdelay $0x4  }
0x38c: {  	v39 =	vshrl.u32 v8, $0x3  }
0x38d: {  	v9 =	vmul.u32 $0x60, v39  }
0x38e: {  	v8 =	vand.u32 $0x7, v8  }
0x38f: {  	v8 =	vor.u32 v8, v9  }
0x390: {  	v9 =	vperm.xlane v8, v5;
	_ =	sdelay $0x1  }
0x391: {  	v9 =	vadd.s32 v6, v9;
	_ =	sdelay $0x3  }
0x392: {  	s23 =	simm.s32 $0x16880  }
0x393: {  	[tilespmem:s23], [sflag:$0x2] =	stream.indirect_vreg.gather [hbm4b:s1+s3], $0x80, v9, vm1, $0x2000b8;
	[tilespmem:$0x1C880] =	vst v63  }
0x394: {  	s6 =	simm.s32 $0x17080  }
0x395: {  	[tilespmem:s6], [sflag:$0x2] =	stream.indirect_vreg.gather [hbm4b:s13+s3], $0x80, v9, vm1, $0x2000b8;
	[tilespmem:$0x1C880] =	vst v63  }
0x396: {  	s11 =	simm.s32 $0x17880  }
0x397: {  	[tilespmem:s11], [sflag:$0x2] =	stream.indirect_vreg.gather [hbm4b:s24+s3], $0x80, v9, vm1, $0x2000b8;
	[tilespmem:$0x1C880] =	vst v63  }
0x398: {  	s18 =	simm.s32 $0x18080;
	v8 =	vperm.xlane v8, v7  }
0x399: {  	[tilespmem:s18], [sflag:$0x2] =	stream.indirect_vreg.gather [hbm4b:s25+s3], $0x80, v9, vm1, $0x2000b8;
	[tilespmem:$0x1C880] =	vst v63  }
0x39a: {  	s20 =	simm.s32 $0x18880;
	v8 =	vadd.s32 v6, v8  }
0x39b: {  	[tilespmem:s20], [sflag:$0x2] =	stream.indirect_vreg.gather [hbm4b:s26+s3], $0x80, v9, vm1, $0x2000b8;
	[tilespmem:$0x1C880] =	vst v63  }
0x39c: {  	s21 =	simm.s32 $0x19080  }
0x39d: {  	[tilespmem:s21], [sflag:$0x2] =	stream.indirect_vreg.gather [hbm4b:s28+s3], $0x80, v9, vm1, $0x2000b8;
	[tilespmem:$0x1C880] =	vst v63  }
0x39e: {  	s22 =	simm.s32 $0x19880  }
0x39f: {  	[tilespmem:s22], [sflag:$0x2] =	stream.indirect_vreg.gather [hbm4b:s1+s3], $0x80, v8, vm1, $0x2000b8;
	[tilespmem:$0x1C880] =	vst v63  }
0x3a0: {  	s23 =	simm.s32 $0x1A080  }
0x3a1: {  	[tilespmem:s23], [sflag:$0x2] =	stream.indirect_vreg.gather [hbm4b:s13+s3], $0x80, v8, vm1, $0x2000b8;
	[tilespmem:$0x1C880] =	vst v63  }
0x3a2: {  	s6 =	simm.s32 $0x1A880  }
0x3a3: {  	[tilespmem:s6], [sflag:$0x2] =	stream.indirect_vreg.gather [hbm4b:s24+s3], $0x80, v8, vm1, $0x2000b8;
	[tilespmem:$0x1C880] =	vst v63  }
0x3a4: {  	s11 =	simm.s32 $0x1B080  }
0x3a5: {  	[tilespmem:s11], [sflag:$0x2] =	stream.indirect_vreg.gather [hbm4b:s25+s3], $0x80, v8, vm1, $0x2000b8;
	[tilespmem:$0x1C880] =	vst v63  }
0x3a6: {  	s18 =	simm.s32 $0x1B880  }
0x3a7: {  	[tilespmem:s18], [sflag:$0x2] =	stream.indirect_vreg.gather [hbm4b:s26+s3], $0x80, v8, vm1, $0x2000b8;
	[tilespmem:$0x1C880] =	vst v63  }
0x3a8: {  	s20 =	simm.s32 $0x1C080  }
0x3a9: {  	[tilespmem:s20], [sflag:$0x2] =	stream.indirect_vreg.gather [hbm4b:s28+s3], $0x80, v8, vm1, $0x2000b8;
	[tilespmem:$0x1C880] =	vst v63  }
0x3aa: {  	_ =	swait.ge [sflag:s16], $0xC000  }
0x3ab: {  	[sflag:s16] =	ssyncset.done $0x0  }
0x3ac: {  	s22 =	simm.s32 $0x4880;
	s21 =	rddreg [dreg:$0x19];
	[sflag:s16] =	ssyncadd.s32 $0xFFFF4000  }
0x3ad: {  	[hbm4b:s21+s3] =	stream.linear.scatter [tilespmem:s22], [sflag:$0x3], $0xC000, $0x200038;
	[tilespmem:$0x1C880] =	vst v63  }
0x3ae: {  	_ =	swait.ge [sflag:s14], $0xC000  }
0x3af: {  	[sflag:s14] =	ssyncset.done $0x0  }
0x3b0: {  	[sflag:s14] =	ssyncadd.s32 $0xFFFF4000  }
0x3b1: {  	v8 =	vld [tilespmem:$0x4200];
	_ =	sdelay $0x4  }
0x3b2: {  	v40 =	vshrl.u32 v8, $0x3  }
0x3b3: {  	v9 =	vmul.u32 $0x60, v40  }
0x3b4: {  	v8 =	vand.u32 $0x7, v8  }
0x3b5: {  	v8 =	vor.u32 v8, v9  }
0x3b6: {  	v9 =	vperm.xlane v8, v5;
	_ =	sdelay $0x1  }
0x3b7: {  	v9 =	vadd.s32 v6, v9;
	_ =	sdelay $0x4  }
0x3b8: {  	[tilespmem:s22], [sflag:$0x1] =	stream.indirect_vreg.gather [hbm4b:s1+s3], $0x80, v9, vm1, $0x2000b8;
	[tilespmem:$0x1C880] =	vst v63  }
0x3b9: {  	s5 =	simm.s32 $0x5080  }
0x3ba: {  	[tilespmem:s5], [sflag:$0x1] =	stream.indirect_vreg.gather [hbm4b:s13+s3], $0x80, v9, vm1, $0x2000b8;
	[tilespmem:$0x1C880] =	vst v63  }
0x3bb: {  	_ = 	snop  }
0x3bc: {  	[tilespmem:s30], [sflag:$0x1] =	stream.indirect_vreg.gather [hbm4b:s24+s3], $0x80, v9, vm1, $0x2000b8;
	[tilespmem:$0x1C880] =	vst v63  }
0x3bd: {  	s23 =	simm.s32 $0x6080;
	v8 =	vperm.xlane v8, v7  }
0x3be: {  	[tilespmem:s23], [sflag:$0x1] =	stream.indirect_vreg.gather [hbm4b:s25+s3], $0x80, v9, vm1, $0x2000b8;
	[tilespmem:$0x1C880] =	vst v63  }
0x3bf: {  	s11 =	simm.s32 $0x6880;
	v8 =	vadd.s32 v6, v8  }
0x3c0: {  	[tilespmem:s11], [sflag:$0x1] =	stream.indirect_vreg.gather [hbm4b:s26+s3], $0x80, v9, vm1, $0x2000b8;
	[tilespmem:$0x1C880] =	vst v63  }
0x3c1: {  	s18 =	simm.s32 $0x7080  }
0x3c2: {  	[tilespmem:s18], [sflag:$0x1] =	stream.indirect_vreg.gather [hbm4b:s28+s3], $0x80, v9, vm1, $0x2000b8;
	[tilespmem:$0x1C880] =	vst v63  }
0x3c3: {  	s20 =	simm.s32 $0x7880  }
0x3c4: {  	[tilespmem:s20], [sflag:$0x1] =	stream.indirect_vreg.gather [hbm4b:s1+s3], $0x80, v8, vm1, $0x2000b8;
	[tilespmem:$0x1C880] =	vst v63  }
0x3c5: {  	s21 =	simm.s32 $0x8080  }
0x3c6: {  	[tilespmem:s21], [sflag:$0x1] =	stream.indirect_vreg.gather [hbm4b:s13+s3], $0x80, v8, vm1, $0x2000b8;
	[tilespmem:$0x1C880] =	vst v63  }
0x3c7: {  	s22 =	simm.s32 $0x8880  }
0x3c8: {  	[tilespmem:s22], [sflag:$0x1] =	stream.indirect_vreg.gather [hbm4b:s24+s3], $0x80, v8, vm1, $0x2000b8;
	[tilespmem:$0x1C880] =	vst v63  }
0x3c9: {  	s23 =	simm.s32 $0x9080  }
0x3ca: {  	[tilespmem:s23], [sflag:$0x1] =	stream.indirect_vreg.gather [hbm4b:s25+s3], $0x80, v8, vm1, $0x2000b8;
	[tilespmem:$0x1C880] =	vst v63  }
0x3cb: {  	s30 =	simm.s32 $0x9880  }
0x3cc: {  	[tilespmem:s30], [sflag:$0x1] =	stream.indirect_vreg.gather [hbm4b:s26+s3], $0x80, v8, vm1, $0x2000b8;
	[tilespmem:$0x1C880] =	vst v63  }
0x3cd: {  	_ = 	snop  }
0x3ce: {  	[tilespmem:s12], [sflag:$0x1] =	stream.indirect_vreg.gather [hbm4b:s28+s3], $0x80, v8, vm1, $0x2000b8;
	[tilespmem:$0x1C880] =	vst v63  }
0x3cf: {  	v8 =	vld [tilespmem:$0x4210];
	_ =	sdelay $0x4  }
0x3d0: {  	v41 =	vshrl.u32 v8, $0x3  }
0x3d1: {  	v9 =	vmul.u32 $0x60, v41  }
0x3d2: {  	v8 =	vand.u32 $0x7, v8  }
0x3d3: {  	v8 =	vor.u32 v8, v9  }
0x3d4: {  	v9 =	vperm.xlane v8, v5;
	_ =	sdelay $0x1  }
0x3d5: {  	v9 =	vadd.s32 v6, v9;
	_ =	sdelay $0x3  }
0x3d6: {  	s30 =	simm.s32 $0xA880  }
0x3d7: {  	[tilespmem:s30], [sflag:$0x1] =	stream.indirect_vreg.gather [hbm4b:s1+s3], $0x80, v9, vm1, $0x2000b8;
	[tilespmem:$0x1C880] =	vst v63  }
0x3d8: {  	s30 =	simm.s32 $0xB080  }
0x3d9: {  	[tilespmem:s30], [sflag:$0x1] =	stream.indirect_vreg.gather [hbm4b:s13+s3], $0x80, v9, vm1, $0x2000b8;
	[tilespmem:$0x1C880] =	vst v63  }
0x3da: {  	_ = 	snop  }
0x3db: {  	[tilespmem:s15], [sflag:$0x1] =	stream.indirect_vreg.gather [hbm4b:s24+s3], $0x80, v9, vm1, $0x2000b8;
	[tilespmem:$0x1C880] =	vst v63  }
0x3dc: {  	v8 =	vperm.xlane v8, v7  }
0x3dd: {  	[tilespmem:s17], [sflag:$0x1] =	stream.indirect_vreg.gather [hbm4b:s25+s3], $0x80, v9, vm1, $0x2000b8;
	[tilespmem:$0x1C880] =	vst v63  }
0x3de: {  	v8 =	vadd.s32 v6, v8;
	s30 =	simm.s32 $0xC880  }
0x3df: {  	[tilespmem:s30], [sflag:$0x1] =	stream.indirect_vreg.gather [hbm4b:s26+s3], $0x80, v9, vm1, $0x2000b8;
	[tilespmem:$0x1C880] =	vst v63  }
0x3e0: {  	s30 =	simm.s32 $0xD080  }
0x3e1: {  	[tilespmem:s30], [sflag:$0x1] =	stream.indirect_vreg.gather [hbm4b:s28+s3], $0x80, v9, vm1, $0x2000b8;
	[tilespmem:$0x1C880] =	vst v63  }
0x3e2: {  	s30 =	simm.s32 $0xD880  }
0x3e3: {  	[tilespmem:s30], [sflag:$0x1] =	stream.indirect_vreg.gather [hbm4b:s1+s3], $0x80, v8, vm1, $0x2000b8;
	[tilespmem:$0x1C880] =	vst v63  }
0x3e4: {  	s30 =	simm.s32 $0xE080  }
0x3e5: {  	[tilespmem:s30], [sflag:$0x1] =	stream.indirect_vreg.gather [hbm4b:s13+s3], $0x80, v8, vm1, $0x2000b8;
	[tilespmem:$0x1C880] =	vst v63  }
0x3e6: {  	s30 =	simm.s32 $0xE880  }
0x3e7: {  	[tilespmem:s30], [sflag:$0x1] =	stream.indirect_vreg.gather [hbm4b:s24+s3], $0x80, v8, vm1, $0x2000b8;
	[tilespmem:$0x1C880] =	vst v63  }
0x3e8: {  	_ = 	snop  }
0x3e9: {  	[tilespmem:s2], [sflag:$0x1] =	stream.indirect_vreg.gather [hbm4b:s25+s3], $0x80, v8, vm1, $0x2000b8;
	[tilespmem:$0x1C880] =	vst v63  }
0x3ea: {  	_ = 	snop  }
0x3eb: {  	[tilespmem:s10], [sflag:$0x1] =	stream.indirect_vreg.gather [hbm4b:s26+s3], $0x80, v8, vm1, $0x2000b8;
	[tilespmem:$0x1C880] =	vst v63  }
0x3ec: {  	_ = 	snop  }
0x3ed: {  	[tilespmem:s9], [sflag:$0x1] =	stream.indirect_vreg.gather [hbm4b:s28+s3], $0x80, v8, vm1, $0x2000b8;
	[tilespmem:$0x1C880] =	vst v63  }
0x3ee: {  	_ =	swait.ge [sflag:s19], $0xC000  }
0x3ef: {  	[sflag:s19] =	ssyncset.done $0x0  }
0x3f0: {  	s9 =	simm.s32 $0x10880;
	s2 =	rddreg [dreg:$0x1a];
	[sflag:s19] =	ssyncadd.s32 $0xFFFF4000  }
0x3f1: {  	[hbm4b:s2+s3] =	stream.linear.scatter [tilespmem:s9], [sflag:$0x4], $0xC000, $0x200038;
	[tilespmem:$0x1C880] =	vst v63  }
0x3f2: {  	_ =	swait.ge [sflag:s4], $0xC000  }
0x3f3: {  	[sflag:s4] =	ssyncset.done $0x0  }
0x3f4: {  	[sflag:s4] =	ssyncadd.s32 $0xFFFF4000  }
0x3f5: {  	v8 =	vld [tilespmem:$0x4220];
	_ =	sdelay $0x4  }
0x3f6: {  	v42 =	vshrl.u32 v8, $0x3  }
0x3f7: {  	v9 =	vmul.u32 $0x60, v42  }
0x3f8: {  	v8 =	vand.u32 $0x7, v8  }
0x3f9: {  	v8 =	vor.u32 v8, v9  }
0x3fa: {  	v9 =	vperm.xlane v8, v5;
	_ =	sdelay $0x1  }
0x3fb: {  	v9 =	vadd.s32 v6, v9;
	_ =	sdelay $0x4  }
0x3fc: {  	[tilespmem:s9], [sflag:$0x2] =	stream.indirect_vreg.gather [hbm4b:s1+s3], $0x80, v9, vm1, $0x2000b8;
	[tilespmem:$0x1C880] =	vst v63  }
0x3fd: {  	s2 =	simm.s32 $0x11080  }
0x3fe: {  	[tilespmem:s2], [sflag:$0x2] =	stream.indirect_vreg.gather [hbm4b:s13+s3], $0x80, v9, vm1, $0x2000b8;
	[tilespmem:$0x1C880] =	vst v63  }
0x3ff: {  	s10 =	simm.s32 $0x11880  }
0x400: {  	[tilespmem:s10], [sflag:$0x2] =	stream.indirect_vreg.gather [hbm4b:s24+s3], $0x80, v9, vm1, $0x2000b8;
	[tilespmem:$0x1C880] =	vst v63  }
0x401: {  	s30 =	simm.s32 $0x12080;
	v8 =	vperm.xlane v8, v7  }
0x402: {  	[tilespmem:s30], [sflag:$0x2] =	stream.indirect_vreg.gather [hbm4b:s25+s3], $0x80, v9, vm1, $0x2000b8;
	[tilespmem:$0x1C880] =	vst v63  }
0x403: {  	v8 =	vadd.s32 v6, v8;
	s30 =	simm.s32 $0x12880  }
0x404: {  	[tilespmem:s30], [sflag:$0x2] =	stream.indirect_vreg.gather [hbm4b:s26+s3], $0x80, v9, vm1, $0x2000b8;
	[tilespmem:$0x1C880] =	vst v63  }
0x405: {  	s10 =	simm.s32 $0x13080  }
0x406: {  	[tilespmem:s10], [sflag:$0x2] =	stream.indirect_vreg.gather [hbm4b:s28+s3], $0x80, v9, vm1, $0x2000b8;
	[tilespmem:$0x1C880] =	vst v63  }
0x407: {  	s9 =	simm.s32 $0x13880  }
0x408: {  	[tilespmem:s9], [sflag:$0x2] =	stream.indirect_vreg.gather [hbm4b:s1+s3], $0x80, v8, vm1, $0x2000b8;
	[tilespmem:$0x1C880] =	vst v63  }
0x409: {  	s9 =	simm.s32 $0x14080  }
0x40a: {  	[tilespmem:s9], [sflag:$0x2] =	stream.indirect_vreg.gather [hbm4b:s13+s3], $0x80, v8, vm1, $0x2000b8;
	[tilespmem:$0x1C880] =	vst v63  }
0x40b: {  	s9 =	simm.s32 $0x14880  }
0x40c: {  	[tilespmem:s9], [sflag:$0x2] =	stream.indirect_vreg.gather [hbm4b:s24+s3], $0x80, v8, vm1, $0x2000b8;
	[tilespmem:$0x1C880] =	vst v63  }
0x40d: {  	s9 =	simm.s32 $0x15080  }
0x40e: {  	[tilespmem:s9], [sflag:$0x2] =	stream.indirect_vreg.gather [hbm4b:s25+s3], $0x80, v8, vm1, $0x2000b8;
	[tilespmem:$0x1C880] =	vst v63  }
0x40f: {  	s9 =	simm.s32 $0x15880  }
0x410: {  	[tilespmem:s9], [sflag:$0x2] =	stream.indirect_vreg.gather [hbm4b:s26+s3], $0x80, v8, vm1, $0x2000b8;
	[tilespmem:$0x1C880] =	vst v63  }
0x411: {  	s9 =	simm.s32 $0x16080  }
0x412: {  	[tilespmem:s9], [sflag:$0x2] =	stream.indirect_vreg.gather [hbm4b:s28+s3], $0x80, v8, vm1, $0x2000b8;
	[tilespmem:$0x1C880] =	vst v63  }
0x413: {  	v8 =	vld [tilespmem:$0x4230];
	_ =	sdelay $0x4  }
0x414: {  	v43 =	vshrl.u32 v8, $0x3  }
0x415: {  	v9 =	vmul.u32 $0x60, v43  }
0x416: {  	v8 =	vand.u32 $0x7, v8  }
0x417: {  	v8 =	vor.u32 v8, v9  }
0x418: {  	v9 =	vperm.xlane v8, v5;
	_ =	sdelay $0x1  }
0x419: {  	v9 =	vadd.s32 v6, v9;
	_ =	sdelay $0x3  }
0x41a: {  	s9 =	simm.s32 $0x16880  }
0x41b: {  	[tilespmem:s9], [sflag:$0x2] =	stream.indirect_vreg.gather [hbm4b:s1+s3], $0x80, v9, vm1, $0x2000b8;
	[tilespmem:$0x1C880] =	vst v63  }
0x41c: {  	s9 =	simm.s32 $0x17080  }
0x41d: {  	[tilespmem:s9], [sflag:$0x2] =	stream.indirect_vreg.gather [hbm4b:s13+s3], $0x80, v9, vm1, $0x2000b8;
	[tilespmem:$0x1C880] =	vst v63  }
0x41e: {  	s9 =	simm.s32 $0x17880  }
0x41f: {  	[tilespmem:s9], [sflag:$0x2] =	stream.indirect_vreg.gather [hbm4b:s24+s3], $0x80, v9, vm1, $0x2000b8;
	[tilespmem:$0x1C880] =	vst v63  }
0x420: {  	v8 =	vperm.xlane v8, v7;
	s9 =	simm.s32 $0x18080  }
0x421: {  	[tilespmem:s9], [sflag:$0x2] =	stream.indirect_vreg.gather [hbm4b:s25+s3], $0x80, v9, vm1, $0x2000b8;
	[tilespmem:$0x1C880] =	vst v63  }
0x422: {  	v8 =	vadd.s32 v6, v8;
	s9 =	simm.s32 $0x18880  }
0x423: {  	[tilespmem:s9], [sflag:$0x2] =	stream.indirect_vreg.gather [hbm4b:s26+s3], $0x80, v9, vm1, $0x2000b8;
	[tilespmem:$0x1C880] =	vst v63  }
0x424: {  	s9 =	simm.s32 $0x19080  }
0x425: {  	[tilespmem:s9], [sflag:$0x2] =	stream.indirect_vreg.gather [hbm4b:s28+s3], $0x80, v9, vm1, $0x2000b8;
	[tilespmem:$0x1C880] =	vst v63  }
0x426: {  	s9 =	simm.s32 $0x19880  }
0x427: {  	[tilespmem:s9], [sflag:$0x2] =	stream.indirect_vreg.gather [hbm4b:s1+s3], $0x80, v8, vm1, $0x2000b8;
	[tilespmem:$0x1C880] =	vst v63  }
0x428: {  	s9 =	simm.s32 $0x1A080  }
0x429: {  	[tilespmem:s9], [sflag:$0x2] =	stream.indirect_vreg.gather [hbm4b:s13+s3], $0x80, v8, vm1, $0x2000b8;
	[tilespmem:$0x1C880] =	vst v63  }
0x42a: {  	s9 =	simm.s32 $0x1A880  }
0x42b: {  	[tilespmem:s9], [sflag:$0x2] =	stream.indirect_vreg.gather [hbm4b:s24+s3], $0x80, v8, vm1, $0x2000b8;
	[tilespmem:$0x1C880] =	vst v63  }
0x42c: {  	s9 =	simm.s32 $0x1B080  }
0x42d: {  	[tilespmem:s9], [sflag:$0x2] =	stream.indirect_vreg.gather [hbm4b:s25+s3], $0x80, v8, vm1, $0x2000b8;
	[tilespmem:$0x1C880] =	vst v63  }
0x42e: {  	s9 =	simm.s32 $0x1B880  }
0x42f: {  	[tilespmem:s9], [sflag:$0x2] =	stream.indirect_vreg.gather [hbm4b:s26+s3], $0x80, v8, vm1, $0x2000b8;
	[tilespmem:$0x1C880] =	vst v63  }
0x430: {  	s9 =	simm.s32 $0x1C080  }
0x431: {  	[tilespmem:s9], [sflag:$0x2] =	stream.indirect_vreg.gather [hbm4b:s28+s3], $0x80, v8, vm1, $0x2000b8;
	[tilespmem:$0x1C880] =	vst v63  }
0x432: {  	_ =	swait.ge [sflag:s16], $0xC000  }
0x433: {  	[sflag:s16] =	ssyncset.done $0x0  }
0x434: {  	s9 =	simm.s32 $0x4880;
	s6 =	rddreg [dreg:$0x1b];
	[sflag:s16] =	ssyncadd.s32 $0xFFFF4000  }
0x435: {  	[hbm4b:s6+s3] =	stream.linear.scatter [tilespmem:s9], [sflag:$0x3], $0xC000, $0x200038;
	[tilespmem:$0x1C880] =	vst v63  }
0x436: {  	_ =	swait.ge [sflag:s14], $0xC000  }
0x437: {  	[sflag:s14] =	ssyncset.done $0x0  }
0x438: {  	[sflag:s14] =	ssyncadd.s32 $0xFFFF4000  }
0x439: {  	v8 =	vld [tilespmem:$0x4240];
	_ =	sdelay $0x4  }
0x43a: {  	v44 =	vshrl.u32 v8, $0x3  }
0x43b: {  	v9 =	vmul.u32 $0x60, v44  }
0x43c: {  	v8 =	vand.u32 $0x7, v8  }
0x43d: {  	v8 =	vor.u32 v8, v9  }
0x43e: {  	v9 =	vperm.xlane v8, v5;
	_ =	sdelay $0x1  }
0x43f: {  	v9 =	vadd.s32 v6, v9;
	_ =	sdelay $0x4  }
0x440: {  	[tilespmem:s9], [sflag:$0x1] =	stream.indirect_vreg.gather [hbm4b:s1+s3], $0x80, v9, vm1, $0x2000b8;
	[tilespmem:$0x1C880] =	vst v63  }
0x441: {  	_ = 	snop  }
0x442: {  	[tilespmem:s5], [sflag:$0x1] =	stream.indirect_vreg.gather [hbm4b:s13+s3], $0x80, v9, vm1, $0x2000b8;
	[tilespmem:$0x1C880] =	vst v63  }
0x443: {  	s6 =	simm.s32 $0x5880  }
0x444: {  	[tilespmem:s6], [sflag:$0x1] =	stream.indirect_vreg.gather [hbm4b:s24+s3], $0x80, v9, vm1, $0x2000b8;
	[tilespmem:$0x1C880] =	vst v63  }
0x445: {  	v8 =	vperm.xlane v8, v7;
	s9 =	simm.s32 $0x6080  }
0x446: {  	[tilespmem:s9], [sflag:$0x1] =	stream.indirect_vreg.gather [hbm4b:s25+s3], $0x80, v9, vm1, $0x2000b8;
	[tilespmem:$0x1C880] =	vst v63  }
0x447: {  	v8 =	vadd.s32 v6, v8  }
0x448: {  	[tilespmem:s11], [sflag:$0x1] =	stream.indirect_vreg.gather [hbm4b:s26+s3], $0x80, v9, vm1, $0x2000b8;
	[tilespmem:$0x1C880] =	vst v63  }
0x449: {  	_ = 	snop  }
0x44a: {  	[tilespmem:s18], [sflag:$0x1] =	stream.indirect_vreg.gather [hbm4b:s28+s3], $0x80, v9, vm1, $0x2000b8;
	[tilespmem:$0x1C880] =	vst v63  }
0x44b: {  	_ = 	snop  }
0x44c: {  	[tilespmem:s20], [sflag:$0x1] =	stream.indirect_vreg.gather [hbm4b:s1+s3], $0x80, v8, vm1, $0x2000b8;
	[tilespmem:$0x1C880] =	vst v63  }
0x44d: {  	_ = 	snop  }
0x44e: {  	[tilespmem:s21], [sflag:$0x1] =	stream.indirect_vreg.gather [hbm4b:s13+s3], $0x80, v8, vm1, $0x2000b8;
	[tilespmem:$0x1C880] =	vst v63  }
0x44f: {  	_ = 	snop  }
0x450: {  	[tilespmem:s22], [sflag:$0x1] =	stream.indirect_vreg.gather [hbm4b:s24+s3], $0x80, v8, vm1, $0x2000b8;
	[tilespmem:$0x1C880] =	vst v63  }
0x451: {  	_ = 	snop  }
0x452: {  	[tilespmem:s23], [sflag:$0x1] =	stream.indirect_vreg.gather [hbm4b:s25+s3], $0x80, v8, vm1, $0x2000b8;
	[tilespmem:$0x1C880] =	vst v63  }
0x453: {  	s23 =	simm.s32 $0x9880  }
0x454: {  	[tilespmem:s23], [sflag:$0x1] =	stream.indirect_vreg.gather [hbm4b:s26+s3], $0x80, v8, vm1, $0x2000b8;
	[tilespmem:$0x1C880] =	vst v63  }
0x455: {  	s12 =	simm.s32 $0xA080  }
0x456: {  	[tilespmem:s12], [sflag:$0x1] =	stream.indirect_vreg.gather [hbm4b:s28+s3], $0x80, v8, vm1, $0x2000b8;
	[tilespmem:$0x1C880] =	vst v63  }
0x457: {  	v8 =	vld [tilespmem:$0x4250];
	_ =	sdelay $0x4  }
0x458: {  	v45 =	vshrl.u32 v8, $0x3  }
0x459: {  	v9 =	vmul.u32 $0x60, v45  }
0x45a: {  	v8 =	vand.u32 $0x7, v8  }
0x45b: {  	v8 =	vor.u32 v8, v9  }
0x45c: {  	v9 =	vperm.xlane v8, v5;
	_ =	sdelay $0x1  }
0x45d: {  	v9 =	vadd.s32 v6, v9;
	_ =	sdelay $0x3  }
0x45e: {  	s21 =	simm.s32 $0xA880  }
0x45f: {  	[tilespmem:s21], [sflag:$0x1] =	stream.indirect_vreg.gather [hbm4b:s1+s3], $0x80, v9, vm1, $0x2000b8;
	[tilespmem:$0x1C880] =	vst v63  }
0x460: {  	s9 =	simm.s32 $0xB080  }
0x461: {  	[tilespmem:s9], [sflag:$0x1] =	stream.indirect_vreg.gather [hbm4b:s13+s3], $0x80, v9, vm1, $0x2000b8;
	[tilespmem:$0x1C880] =	vst v63  }
0x462: {  	s15 =	simm.s32 $0xB880  }
0x463: {  	[tilespmem:s15], [sflag:$0x1] =	stream.indirect_vreg.gather [hbm4b:s24+s3], $0x80, v9, vm1, $0x2000b8;
	[tilespmem:$0x1C880] =	vst v63  }
0x464: {  	s17 =	simm.s32 $0xC080;
	v8 =	vperm.xlane v8, v7  }
0x465: {  	[tilespmem:s17], [sflag:$0x1] =	stream.indirect_vreg.gather [hbm4b:s25+s3], $0x80, v9, vm1, $0x2000b8;
	[tilespmem:$0x1C880] =	vst v63  }
0x466: {  	s20 =	simm.s32 $0xC880;
	v8 =	vadd.s32 v6, v8  }
0x467: {  	[tilespmem:s20], [sflag:$0x1] =	stream.indirect_vreg.gather [hbm4b:s26+s3], $0x80, v9, vm1, $0x2000b8;
	[tilespmem:$0x1C880] =	vst v63  }
0x468: {  	s11 =	simm.s32 $0xD080  }
0x469: {  	[tilespmem:s11], [sflag:$0x1] =	stream.indirect_vreg.gather [hbm4b:s28+s3], $0x80, v9, vm1, $0x2000b8;
	[tilespmem:$0x1C880] =	vst v63  }
0x46a: {  	s22 =	simm.s32 $0xD880  }
0x46b: {  	[tilespmem:s22], [sflag:$0x1] =	stream.indirect_vreg.gather [hbm4b:s1+s3], $0x80, v8, vm1, $0x2000b8;
	[tilespmem:$0x1C880] =	vst v63  }
0x46c: {  	s15 =	simm.s32 $0xE080  }
0x46d: {  	[tilespmem:s15], [sflag:$0x1] =	stream.indirect_vreg.gather [hbm4b:s13+s3], $0x80, v8, vm1, $0x2000b8;
	[tilespmem:$0x1C880] =	vst v63  }
0x46e: {  	s17 =	simm.s32 $0xE880  }
0x46f: {  	[tilespmem:s17], [sflag:$0x1] =	stream.indirect_vreg.gather [hbm4b:s24+s3], $0x80, v8, vm1, $0x2000b8;
	[tilespmem:$0x1C880] =	vst v63  }
0x470: {  	s6 =	simm.s32 $0xF080  }
0x471: {  	[tilespmem:s6], [sflag:$0x1] =	stream.indirect_vreg.gather [hbm4b:s25+s3], $0x80, v8, vm1, $0x2000b8;
	[tilespmem:$0x1C880] =	vst v63  }
0x472: {  	s12 =	simm.s32 $0xF880  }
0x473: {  	[tilespmem:s12], [sflag:$0x1] =	stream.indirect_vreg.gather [hbm4b:s26+s3], $0x80, v8, vm1, $0x2000b8;
	[tilespmem:$0x1C880] =	vst v63  }
0x474: {  	s18 =	simm.s32 $0x10080  }
0x475: {  	[tilespmem:s18], [sflag:$0x1] =	stream.indirect_vreg.gather [hbm4b:s28+s3], $0x80, v8, vm1, $0x2000b8;
	[tilespmem:$0x1C880] =	vst v63  }
0x476: {  	_ =	swait.ge [sflag:s19], $0xC000  }
0x477: {  	[sflag:s19] =	ssyncset.done $0x0  }
0x478: {  	s22 =	simm.s32 $0x10880;
	s20 =	rddreg [dreg:$0x1c];
	[sflag:s19] =	ssyncadd.s32 $0xFFFF4000  }
0x479: {  	[hbm4b:s20+s3] =	stream.linear.scatter [tilespmem:s22], [sflag:$0x4], $0xC000, $0x200038;
	[tilespmem:$0x1C880] =	vst v63  }
0x47a: {  	_ =	swait.ge [sflag:s4], $0xC000  }
0x47b: {  	[sflag:s4] =	ssyncset.done $0x0  }
0x47c: {  	[sflag:s4] =	ssyncadd.s32 $0xFFFF4000  }
0x47d: {  	v8 =	vld [tilespmem:$0x4260];
	_ =	sdelay $0x4  }
0x47e: {  	v46 =	vshrl.u32 v8, $0x3  }
0x47f: {  	v9 =	vmul.u32 $0x60, v46  }
0x480: {  	v8 =	vand.u32 $0x7, v8  }
0x481: {  	v8 =	vor.u32 v8, v9  }
0x482: {  	v9 =	vperm.xlane v8, v5;
	_ =	sdelay $0x1  }
0x483: {  	v9 =	vadd.s32 v6, v9;
	_ =	sdelay $0x4  }
0x484: {  	[tilespmem:s22], [sflag:$0x2] =	stream.indirect_vreg.gather [hbm4b:s1+s3], $0x80, v9, vm1, $0x2000b8;
	[tilespmem:$0x1C880] =	vst v63  }
0x485: {  	_ = 	snop  }
0x486: {  	[tilespmem:s2], [sflag:$0x2] =	stream.indirect_vreg.gather [hbm4b:s13+s3], $0x80, v9, vm1, $0x2000b8;
	[tilespmem:$0x1C880] =	vst v63  }
0x487: {  	s5 =	simm.s32 $0x11880  }
0x488: {  	[tilespmem:s5], [sflag:$0x2] =	stream.indirect_vreg.gather [hbm4b:s24+s3], $0x80, v9, vm1, $0x2000b8;
	[tilespmem:$0x1C880] =	vst v63  }
0x489: {  	s6 =	simm.s32 $0x12080;
	v8 =	vperm.xlane v8, v7  }
0x48a: {  	[tilespmem:s6], [sflag:$0x2] =	stream.indirect_vreg.gather [hbm4b:s25+s3], $0x80, v9, vm1, $0x2000b8;
	[tilespmem:$0x1C880] =	vst v63  }
0x48b: {  	v8 =	vadd.s32 v6, v8  }
0x48c: {  	[tilespmem:s30], [sflag:$0x2] =	stream.indirect_vreg.gather [hbm4b:s26+s3], $0x80, v9, vm1, $0x2000b8;
	[tilespmem:$0x1C880] =	vst v63  }
0x48d: {  	_ = 	snop  }
0x48e: {  	[tilespmem:s10], [sflag:$0x2] =	stream.indirect_vreg.gather [hbm4b:s28+s3], $0x80, v9, vm1, $0x2000b8;
	[tilespmem:$0x1C880] =	vst v63  }
0x48f: {  	s12 =	simm.s32 $0x13880  }
0x490: {  	[tilespmem:s12], [sflag:$0x2] =	stream.indirect_vreg.gather [hbm4b:s1+s3], $0x80, v8, vm1, $0x2000b8;
	[tilespmem:$0x1C880] =	vst v63  }
0x491: {  	s18 =	simm.s32 $0x14080  }
0x492: {  	[tilespmem:s18], [sflag:$0x2] =	stream.indirect_vreg.gather [hbm4b:s13+s3], $0x80, v8, vm1, $0x2000b8;
	[tilespmem:$0x1C880] =	vst v63  }
0x493: {  	s20 =	simm.s32 $0x14880  }
0x494: {  	[tilespmem:s20], [sflag:$0x2] =	stream.indirect_vreg.gather [hbm4b:s24+s3], $0x80, v8, vm1, $0x2000b8;
	[tilespmem:$0x1C880] =	vst v63  }
0x495: {  	s22 =	simm.s32 $0x15080  }
0x496: {  	[tilespmem:s22], [sflag:$0x2] =	stream.indirect_vreg.gather [hbm4b:s25+s3], $0x80, v8, vm1, $0x2000b8;
	[tilespmem:$0x1C880] =	vst v63  }
0x497: {  	s30 =	simm.s32 $0x15880  }
0x498: {  	[tilespmem:s30], [sflag:$0x2] =	stream.indirect_vreg.gather [hbm4b:s26+s3], $0x80, v8, vm1, $0x2000b8;
	[tilespmem:$0x1C880] =	vst v63  }
0x499: {  	s5 =	simm.s32 $0x16080  }
0x49a: {  	[tilespmem:s5], [sflag:$0x2] =	stream.indirect_vreg.gather [hbm4b:s28+s3], $0x80, v8, vm1, $0x2000b8;
	[tilespmem:$0x1C880] =	vst v63  }
0x49b: {  	v8 =	vld [tilespmem:$0x4270];
	_ =	sdelay $0x4  }
0x49c: {  	v47 =	vshrl.u32 v8, $0x3  }
0x49d: {  	v9 =	vmul.u32 $0x60, v47  }
0x49e: {  	v8 =	vand.u32 $0x7, v8  }
0x49f: {  	v8 =	vor.u32 v8, v9  }
0x4a0: {  	v9 =	vperm.xlane v8, v5;
	_ =	sdelay $0x1  }
0x4a1: {  	v9 =	vadd.s32 v6, v9;
	_ =	sdelay $0x3  }
0x4a2: {  	s6 =	simm.s32 $0x16880  }
0x4a3: {  	[tilespmem:s6], [sflag:$0x2] =	stream.indirect_vreg.gather [hbm4b:s1+s3], $0x80, v9, vm1, $0x2000b8;
	[tilespmem:$0x1C880] =	vst v63  }
0x4a4: {  	s10 =	simm.s32 $0x17080  }
0x4a5: {  	[tilespmem:s10], [sflag:$0x2] =	stream.indirect_vreg.gather [hbm4b:s13+s3], $0x80, v9, vm1, $0x2000b8;
	[tilespmem:$0x1C880] =	vst v63  }
0x4a6: {  	s12 =	simm.s32 $0x17880  }
0x4a7: {  	[tilespmem:s12], [sflag:$0x2] =	stream.indirect_vreg.gather [hbm4b:s24+s3], $0x80, v9, vm1, $0x2000b8;
	[tilespmem:$0x1C880] =	vst v63  }
0x4a8: {  	s18 =	simm.s32 $0x18080;
	v8 =	vperm.xlane v8, v7  }
0x4a9: {  	[tilespmem:s18], [sflag:$0x2] =	stream.indirect_vreg.gather [hbm4b:s25+s3], $0x80, v9, vm1, $0x2000b8;
	[tilespmem:$0x1C880] =	vst v63  }
0x4aa: {  	s20 =	simm.s32 $0x18880;
	v8 =	vadd.s32 v6, v8  }
0x4ab: {  	[tilespmem:s20], [sflag:$0x2] =	stream.indirect_vreg.gather [hbm4b:s26+s3], $0x80, v9, vm1, $0x2000b8;
	[tilespmem:$0x1C880] =	vst v63  }
0x4ac: {  	s22 =	simm.s32 $0x19080  }
0x4ad: {  	[tilespmem:s22], [sflag:$0x2] =	stream.indirect_vreg.gather [hbm4b:s28+s3], $0x80, v9, vm1, $0x2000b8;
	[tilespmem:$0x1C880] =	vst v63  }
0x4ae: {  	s30 =	simm.s32 $0x19880  }
0x4af: {  	[tilespmem:s30], [sflag:$0x2] =	stream.indirect_vreg.gather [hbm4b:s1+s3], $0x80, v8, vm1, $0x2000b8;
	[tilespmem:$0x1C880] =	vst v63  }
0x4b0: {  	s5 =	simm.s32 $0x1A080  }
0x4b1: {  	[tilespmem:s5], [sflag:$0x2] =	stream.indirect_vreg.gather [hbm4b:s13+s3], $0x80, v8, vm1, $0x2000b8;
	[tilespmem:$0x1C880] =	vst v63  }
0x4b2: {  	s6 =	simm.s32 $0x1A880  }
0x4b3: {  	[tilespmem:s6], [sflag:$0x2] =	stream.indirect_vreg.gather [hbm4b:s24+s3], $0x80, v8, vm1, $0x2000b8;
	[tilespmem:$0x1C880] =	vst v63  }
0x4b4: {  	s10 =	simm.s32 $0x1B080  }
0x4b5: {  	[tilespmem:s10], [sflag:$0x2] =	stream.indirect_vreg.gather [hbm4b:s25+s3], $0x80, v8, vm1, $0x2000b8;
	[tilespmem:$0x1C880] =	vst v63  }
0x4b6: {  	s12 =	simm.s32 $0x1B880  }
0x4b7: {  	[tilespmem:s12], [sflag:$0x2] =	stream.indirect_vreg.gather [hbm4b:s26+s3], $0x80, v8, vm1, $0x2000b8;
	[tilespmem:$0x1C880] =	vst v63  }
0x4b8: {  	s18 =	simm.s32 $0x1C080  }
0x4b9: {  	[tilespmem:s18], [sflag:$0x2] =	stream.indirect_vreg.gather [hbm4b:s28+s3], $0x80, v8, vm1, $0x2000b8;
	[tilespmem:$0x1C880] =	vst v63  }
0x4ba: {  	_ =	swait.ge [sflag:s16], $0xC000  }
0x4bb: {  	[sflag:s16] =	ssyncset.done $0x0  }
0x4bc: {  	s22 =	simm.s32 $0x4880;
	s20 =	rddreg [dreg:$0x1d];
	[sflag:s16] =	ssyncadd.s32 $0xFFFF4000  }
0x4bd: {  	[hbm4b:s20+s3] =	stream.linear.scatter [tilespmem:s22], [sflag:$0x3], $0xC000, $0x200038;
	[tilespmem:$0x1C880] =	vst v63  }
0x4be: {  	_ =	swait.ge [sflag:s14], $0xC000  }
0x4bf: {  	[sflag:s14] =	ssyncset.done $0x0  }
0x4c0: {  	[sflag:s14] =	ssyncadd.s32 $0xFFFF4000  }
0x4c1: {  	v8 =	vld [tilespmem:$0x4280];
	_ =	sdelay $0x4  }
0x4c2: {  	v48 =	vshrl.u32 v8, $0x3  }
0x4c3: {  	v9 =	vmul.u32 $0x60, v48  }
0x4c4: {  	v8 =	vand.u32 $0x7, v8  }
0x4c5: {  	v8 =	vor.u32 v8, v9  }
0x4c6: {  	v9 =	vperm.xlane v8, v5;
	_ =	sdelay $0x1  }
0x4c7: {  	v9 =	vadd.s32 v6, v9;
	_ =	sdelay $0x4  }
0x4c8: {  	[tilespmem:s22], [sflag:$0x1] =	stream.indirect_vreg.gather [hbm4b:s1+s3], $0x80, v9, vm1, $0x2000b8;
	[tilespmem:$0x1C880] =	vst v63  }
0x4c9: {  	s5 =	simm.s32 $0x5080  }
0x4ca: {  	[tilespmem:s5], [sflag:$0x1] =	stream.indirect_vreg.gather [hbm4b:s13+s3], $0x80, v9, vm1, $0x2000b8;
	[tilespmem:$0x1C880] =	vst v63  }
0x4cb: {  	s18 =	simm.s32 $0x5880  }
0x4cc: {  	[tilespmem:s18], [sflag:$0x1] =	stream.indirect_vreg.gather [hbm4b:s24+s3], $0x80, v9, vm1, $0x2000b8;
	[tilespmem:$0x1C880] =	vst v63  }
0x4cd: {  	s20 =	simm.s32 $0x6080;
	v8 =	vperm.xlane v8, v7  }
0x4ce: {  	[tilespmem:s20], [sflag:$0x1] =	stream.indirect_vreg.gather [hbm4b:s25+s3], $0x80, v9, vm1, $0x2000b8;
	[tilespmem:$0x1C880] =	vst v63  }
0x4cf: {  	v8 =	vadd.s32 v6, v8;
	s22 =	simm.s32 $0x6880  }
0x4d0: {  	[tilespmem:s22], [sflag:$0x1] =	stream.indirect_vreg.gather [hbm4b:s26+s3], $0x80, v9, vm1, $0x2000b8;
	[tilespmem:$0x1C880] =	vst v63  }
0x4d1: {  	s30 =	simm.s32 $0x7080  }
0x4d2: {  	[tilespmem:s30], [sflag:$0x1] =	stream.indirect_vreg.gather [hbm4b:s28+s3], $0x80, v9, vm1, $0x2000b8;
	[tilespmem:$0x1C880] =	vst v63  }
0x4d3: {  	s6 =	simm.s32 $0x7880  }
0x4d4: {  	[tilespmem:s6], [sflag:$0x1] =	stream.indirect_vreg.gather [hbm4b:s1+s3], $0x80, v8, vm1, $0x2000b8;
	[tilespmem:$0x1C880] =	vst v63  }
0x4d5: {  	s10 =	simm.s32 $0x8080  }
0x4d6: {  	[tilespmem:s10], [sflag:$0x1] =	stream.indirect_vreg.gather [hbm4b:s13+s3], $0x80, v8, vm1, $0x2000b8;
	[tilespmem:$0x1C880] =	vst v63  }
0x4d7: {  	s30 =	simm.s32 $0x8880  }
0x4d8: {  	[tilespmem:s30], [sflag:$0x1] =	stream.indirect_vreg.gather [hbm4b:s24+s3], $0x80, v8, vm1, $0x2000b8;
	[tilespmem:$0x1C880] =	vst v63  }
0x4d9: {  	s12 =	simm.s32 $0x9080  }
0x4da: {  	[tilespmem:s12], [sflag:$0x1] =	stream.indirect_vreg.gather [hbm4b:s25+s3], $0x80, v8, vm1, $0x2000b8;
	[tilespmem:$0x1C880] =	vst v63  }
0x4db: {  	_ = 	snop  }
0x4dc: {  	[tilespmem:s23], [sflag:$0x1] =	stream.indirect_vreg.gather [hbm4b:s26+s3], $0x80, v8, vm1, $0x2000b8;
	[tilespmem:$0x1C880] =	vst v63  }
0x4dd: {  	s10 =	simm.s32 $0xA080  }
0x4de: {  	[tilespmem:s10], [sflag:$0x1] =	stream.indirect_vreg.gather [hbm4b:s28+s3], $0x80, v8, vm1, $0x2000b8;
	[tilespmem:$0x1C880] =	vst v63  }
0x4df: {  	v8 =	vld [tilespmem:$0x4290];
	_ =	sdelay $0x4  }
0x4e0: {  	v49 =	vshrl.u32 v8, $0x3  }
0x4e1: {  	v9 =	vmul.u32 $0x60, v49  }
0x4e2: {  	v8 =	vand.u32 $0x7, v8  }
0x4e3: {  	v8 =	vor.u32 v8, v9  }
0x4e4: {  	v9 =	vperm.xlane v8, v5;
	_ =	sdelay $0x1  }
0x4e5: {  	v9 =	vadd.s32 v6, v9;
	_ =	sdelay $0x4  }
0x4e6: {  	[tilespmem:s21], [sflag:$0x1] =	stream.indirect_vreg.gather [hbm4b:s1+s3], $0x80, v9, vm1, $0x2000b8;
	[tilespmem:$0x1C880] =	vst v63  }
0x4e7: {  	_ = 	snop  }
0x4e8: {  	[tilespmem:s9], [sflag:$0x1] =	stream.indirect_vreg.gather [hbm4b:s13+s3], $0x80, v9, vm1, $0x2000b8;
	[tilespmem:$0x1C880] =	vst v63  }
0x4e9: {  	s12 =	simm.s32 $0xB880  }
0x4ea: {  	[tilespmem:s12], [sflag:$0x1] =	stream.indirect_vreg.gather [hbm4b:s24+s3], $0x80, v9, vm1, $0x2000b8;
	[tilespmem:$0x1C880] =	vst v63  }
0x4eb: {  	v8 =	vperm.xlane v8, v7;
	s21 =	simm.s32 $0xC080  }
0x4ec: {  	[tilespmem:s21], [sflag:$0x1] =	stream.indirect_vreg.gather [hbm4b:s25+s3], $0x80, v9, vm1, $0x2000b8;
	[tilespmem:$0x1C880] =	vst v63  }
0x4ed: {  	s23 =	simm.s32 $0xC880;
	v8 =	vadd.s32 v6, v8  }
0x4ee: {  	[tilespmem:s23], [sflag:$0x1] =	stream.indirect_vreg.gather [hbm4b:s26+s3], $0x80, v9, vm1, $0x2000b8;
	[tilespmem:$0x1C880] =	vst v63  }
0x4ef: {  	_ = 	snop  }
0x4f0: {  	[tilespmem:s11], [sflag:$0x1] =	stream.indirect_vreg.gather [hbm4b:s28+s3], $0x80, v9, vm1, $0x2000b8;
	[tilespmem:$0x1C880] =	vst v63  }
0x4f1: {  	s6 =	simm.s32 $0xD880  }
0x4f2: {  	[tilespmem:s6], [sflag:$0x1] =	stream.indirect_vreg.gather [hbm4b:s1+s3], $0x80, v8, vm1, $0x2000b8;
	[tilespmem:$0x1C880] =	vst v63  }
0x4f3: {  	_ = 	snop  }
0x4f4: {  	[tilespmem:s15], [sflag:$0x1] =	stream.indirect_vreg.gather [hbm4b:s13+s3], $0x80, v8, vm1, $0x2000b8;
	[tilespmem:$0x1C880] =	vst v63  }
0x4f5: {  	_ = 	snop  }
0x4f6: {  	[tilespmem:s17], [sflag:$0x1] =	stream.indirect_vreg.gather [hbm4b:s24+s3], $0x80, v8, vm1, $0x2000b8;
	[tilespmem:$0x1C880] =	vst v63  }
0x4f7: {  	s2 =	simm.s32 $0xF080  }
0x4f8: {  	[tilespmem:s2], [sflag:$0x1] =	stream.indirect_vreg.gather [hbm4b:s25+s3], $0x80, v8, vm1, $0x2000b8;
	[tilespmem:$0x1C880] =	vst v63  }
0x4f9: {  	s9 =	simm.s32 $0xF880  }
0x4fa: {  	[tilespmem:s9], [sflag:$0x1] =	stream.indirect_vreg.gather [hbm4b:s26+s3], $0x80, v8, vm1, $0x2000b8;
	[tilespmem:$0x1C880] =	vst v63  }
0x4fb: {  	s11 =	simm.s32 $0x10080  }
0x4fc: {  	[tilespmem:s11], [sflag:$0x1] =	stream.indirect_vreg.gather [hbm4b:s28+s3], $0x80, v8, vm1, $0x2000b8;
	[tilespmem:$0x1C880] =	vst v63  }
0x4fd: {  	_ =	swait.ge [sflag:s19], $0xC000  }
0x4fe: {  	[sflag:s19] =	ssyncset.done $0x0  }
0x4ff: {  	s17 =	simm.s32 $0x10880;
	s15 =	rddreg [dreg:$0x1e];
	[sflag:s19] =	ssyncadd.s32 $0xFFFF4000  }
0x500: {  	[hbm4b:s15+s3] =	stream.linear.scatter [tilespmem:s17], [sflag:$0x4], $0xC000, $0x200038;
	[tilespmem:$0x1C880] =	vst v63  }
0x501: {  	_ =	swait.ge [sflag:s4], $0xC000  }
0x502: {  	[sflag:s4] =	ssyncset.done $0x0  }
0x503: {  	[sflag:s4] =	ssyncadd.s32 $0xFFFF4000  }
0x504: {  	v8 =	vld [tilespmem:$0x42A0];
	_ =	sdelay $0x4  }
0x505: {  	v50 =	vshrl.u32 v8, $0x3  }
0x506: {  	v9 =	vmul.u32 $0x60, v50  }
0x507: {  	v8 =	vand.u32 $0x7, v8  }
0x508: {  	v8 =	vor.u32 v8, v9  }
0x509: {  	v9 =	vperm.xlane v8, v5;
	_ =	sdelay $0x1  }
0x50a: {  	v9 =	vadd.s32 v6, v9;
	_ =	sdelay $0x4  }
0x50b: {  	[tilespmem:s17], [sflag:$0x2] =	stream.indirect_vreg.gather [hbm4b:s1+s3], $0x80, v9, vm1, $0x2000b8;
	[tilespmem:$0x1C880] =	vst v63  }
0x50c: {  	s9 =	simm.s32 $0x11080  }
0x50d: {  	[tilespmem:s9], [sflag:$0x2] =	stream.indirect_vreg.gather [hbm4b:s13+s3], $0x80, v9, vm1, $0x2000b8;
	[tilespmem:$0x1C880] =	vst v63  }
0x50e: {  	s21 =	simm.s32 $0x11880  }
0x50f: {  	[tilespmem:s21], [sflag:$0x2] =	stream.indirect_vreg.gather [hbm4b:s24+s3], $0x80, v9, vm1, $0x2000b8;
	[tilespmem:$0x1C880] =	vst v63  }
0x510: {  	s23 =	simm.s32 $0x12080;
	v8 =	vperm.xlane v8, v7  }
0x511: {  	[tilespmem:s23], [sflag:$0x2] =	stream.indirect_vreg.gather [hbm4b:s25+s3], $0x80, v9, vm1, $0x2000b8;
	[tilespmem:$0x1C880] =	vst v63  }
0x512: {  	s15 =	simm.s32 $0x12880;
	v8 =	vadd.s32 v6, v8  }
0x513: {  	[tilespmem:s15], [sflag:$0x2] =	stream.indirect_vreg.gather [hbm4b:s26+s3], $0x80, v9, vm1, $0x2000b8;
	[tilespmem:$0x1C880] =	vst v63  }
0x514: {  	s17 =	simm.s32 $0x13080  }
0x515: {  	[tilespmem:s17], [sflag:$0x2] =	stream.indirect_vreg.gather [hbm4b:s28+s3], $0x80, v9, vm1, $0x2000b8;
	[tilespmem:$0x1C880] =	vst v63  }
0x516: {  	s21 =	simm.s32 $0x13880  }
0x517: {  	[tilespmem:s21], [sflag:$0x2] =	stream.indirect_vreg.gather [hbm4b:s1+s3], $0x80, v8, vm1, $0x2000b8;
	[tilespmem:$0x1C880] =	vst v63  }
0x518: {  	s23 =	simm.s32 $0x14080  }
0x519: {  	[tilespmem:s23], [sflag:$0x2] =	stream.indirect_vreg.gather [hbm4b:s13+s3], $0x80, v8, vm1, $0x2000b8;
	[tilespmem:$0x1C880] =	vst v63  }
0x51a: {  	s11 =	simm.s32 $0x14880  }
0x51b: {  	[tilespmem:s11], [sflag:$0x2] =	stream.indirect_vreg.gather [hbm4b:s24+s3], $0x80, v8, vm1, $0x2000b8;
	[tilespmem:$0x1C880] =	vst v63  }
0x51c: {  	s11 =	simm.s32 $0x15080  }
0x51d: {  	[tilespmem:s11], [sflag:$0x2] =	stream.indirect_vreg.gather [hbm4b:s25+s3], $0x80, v8, vm1, $0x2000b8;
	[tilespmem:$0x1C880] =	vst v63  }
0x51e: {  	s11 =	simm.s32 $0x15880  }
0x51f: {  	[tilespmem:s11], [sflag:$0x2] =	stream.indirect_vreg.gather [hbm4b:s26+s3], $0x80, v8, vm1, $0x2000b8;
	[tilespmem:$0x1C880] =	vst v63  }
0x520: {  	s11 =	simm.s32 $0x16080  }
0x521: {  	[tilespmem:s11], [sflag:$0x2] =	stream.indirect_vreg.gather [hbm4b:s28+s3], $0x80, v8, vm1, $0x2000b8;
	[tilespmem:$0x1C880] =	vst v63  }
0x522: {  	v8 =	vld [tilespmem:$0x42B0];
	_ =	sdelay $0x4  }
0x523: {  	v51 =	vshrl.u32 v8, $0x3  }
0x524: {  	v9 =	vmul.u32 $0x60, v51  }
0x525: {  	v8 =	vand.u32 $0x7, v8  }
0x526: {  	v8 =	vor.u32 v8, v9  }
0x527: {  	v9 =	vperm.xlane v8, v5;
	_ =	sdelay $0x1  }
0x528: {  	v9 =	vadd.s32 v6, v9;
	_ =	sdelay $0x3  }
0x529: {  	s11 =	simm.s32 $0x16880  }
0x52a: {  	[tilespmem:s11], [sflag:$0x2] =	stream.indirect_vreg.gather [hbm4b:s1+s3], $0x80, v9, vm1, $0x2000b8;
	[tilespmem:$0x1C880] =	vst v63  }
0x52b: {  	s11 =	simm.s32 $0x17080  }
0x52c: {  	[tilespmem:s11], [sflag:$0x2] =	stream.indirect_vreg.gather [hbm4b:s13+s3], $0x80, v9, vm1, $0x2000b8;
	[tilespmem:$0x1C880] =	vst v63  }
0x52d: {  	s11 =	simm.s32 $0x17880  }
0x52e: {  	[tilespmem:s11], [sflag:$0x2] =	stream.indirect_vreg.gather [hbm4b:s24+s3], $0x80, v9, vm1, $0x2000b8;
	[tilespmem:$0x1C880] =	vst v63  }
0x52f: {  	v8 =	vperm.xlane v8, v7;
	s11 =	simm.s32 $0x18080  }
0x530: {  	[tilespmem:s11], [sflag:$0x2] =	stream.indirect_vreg.gather [hbm4b:s25+s3], $0x80, v9, vm1, $0x2000b8;
	[tilespmem:$0x1C880] =	vst v63  }
0x531: {  	v8 =	vadd.s32 v6, v8;
	s11 =	simm.s32 $0x18880  }
0x532: {  	[tilespmem:s11], [sflag:$0x2] =	stream.indirect_vreg.gather [hbm4b:s26+s3], $0x80, v9, vm1, $0x2000b8;
	[tilespmem:$0x1C880] =	vst v63  }
0x533: {  	s11 =	simm.s32 $0x19080  }
0x534: {  	[tilespmem:s11], [sflag:$0x2] =	stream.indirect_vreg.gather [hbm4b:s28+s3], $0x80, v9, vm1, $0x2000b8;
	[tilespmem:$0x1C880] =	vst v63  }
0x535: {  	s11 =	simm.s32 $0x19880  }
0x536: {  	[tilespmem:s11], [sflag:$0x2] =	stream.indirect_vreg.gather [hbm4b:s1+s3], $0x80, v8, vm1, $0x2000b8;
	[tilespmem:$0x1C880] =	vst v63  }
0x537: {  	s11 =	simm.s32 $0x1A080  }
0x538: {  	[tilespmem:s11], [sflag:$0x2] =	stream.indirect_vreg.gather [hbm4b:s13+s3], $0x80, v8, vm1, $0x2000b8;
	[tilespmem:$0x1C880] =	vst v63  }
0x539: {  	s11 =	simm.s32 $0x1A880  }
0x53a: {  	[tilespmem:s11], [sflag:$0x2] =	stream.indirect_vreg.gather [hbm4b:s24+s3], $0x80, v8, vm1, $0x2000b8;
	[tilespmem:$0x1C880] =	vst v63  }
0x53b: {  	s11 =	simm.s32 $0x1B080  }
0x53c: {  	[tilespmem:s11], [sflag:$0x2] =	stream.indirect_vreg.gather [hbm4b:s25+s3], $0x80, v8, vm1, $0x2000b8;
	[tilespmem:$0x1C880] =	vst v63  }
0x53d: {  	s11 =	simm.s32 $0x1B880  }
0x53e: {  	[tilespmem:s11], [sflag:$0x2] =	stream.indirect_vreg.gather [hbm4b:s26+s3], $0x80, v8, vm1, $0x2000b8;
	[tilespmem:$0x1C880] =	vst v63  }
0x53f: {  	s11 =	simm.s32 $0x1C080  }
0x540: {  	[tilespmem:s11], [sflag:$0x2] =	stream.indirect_vreg.gather [hbm4b:s28+s3], $0x80, v8, vm1, $0x2000b8;
	[tilespmem:$0x1C880] =	vst v63  }
0x541: {  	_ =	swait.ge [sflag:s16], $0xC000  }
0x542: {  	[sflag:s16] =	ssyncset.done $0x0  }
0x543: {  	s11 =	simm.s32 $0x4880;
	s6 =	rddreg [dreg:$0x1f];
	[sflag:s16] =	ssyncadd.s32 $0xFFFF4000  }
0x544: {  	[hbm4b:s6+s3] =	stream.linear.scatter [tilespmem:s11], [sflag:$0x3], $0xC000, $0x200038;
	[tilespmem:$0x1C880] =	vst v63  }
0x545: {  	_ =	swait.ge [sflag:s14], $0xC000  }
0x546: {  	[sflag:s14] =	ssyncset.done $0x0  }
0x547: {  	[sflag:s14] =	ssyncadd.s32 $0xFFFF4000  }
0x548: {  	v8 =	vld [tilespmem:$0x42C0];
	_ =	sdelay $0x4  }
0x549: {  	v52 =	vshrl.u32 v8, $0x3  }
0x54a: {  	v9 =	vmul.u32 $0x60, v52  }
0x54b: {  	v8 =	vand.u32 $0x7, v8  }
0x54c: {  	v8 =	vor.u32 v8, v9  }
0x54d: {  	v9 =	vperm.xlane v8, v5;
	_ =	sdelay $0x1  }
0x54e: {  	v9 =	vadd.s32 v6, v9;
	_ =	sdelay $0x4  }
0x54f: {  	[tilespmem:s11], [sflag:$0x1] =	stream.indirect_vreg.gather [hbm4b:s1+s3], $0x80, v9, vm1, $0x2000b8;
	[tilespmem:$0x1C880] =	vst v63  }
0x550: {  	_ = 	snop  }
0x551: {  	[tilespmem:s5], [sflag:$0x1] =	stream.indirect_vreg.gather [hbm4b:s13+s3], $0x80, v9, vm1, $0x2000b8;
	[tilespmem:$0x1C880] =	vst v63  }
0x552: {  	_ = 	snop  }
0x553: {  	[tilespmem:s18], [sflag:$0x1] =	stream.indirect_vreg.gather [hbm4b:s24+s3], $0x80, v9, vm1, $0x2000b8;
	[tilespmem:$0x1C880] =	vst v63  }
0x554: {  	v8 =	vperm.xlane v8, v7  }
0x555: {  	[tilespmem:s20], [sflag:$0x1] =	stream.indirect_vreg.gather [hbm4b:s25+s3], $0x80, v9, vm1, $0x2000b8;
	[tilespmem:$0x1C880] =	vst v63  }
0x556: {  	v8 =	vadd.s32 v6, v8  }
0x557: {  	[tilespmem:s22], [sflag:$0x1] =	stream.indirect_vreg.gather [hbm4b:s26+s3], $0x80, v9, vm1, $0x2000b8;
	[tilespmem:$0x1C880] =	vst v63  }
0x558: {  	s22 =	simm.s32 $0x7080  }
0x559: {  	[tilespmem:s22], [sflag:$0x1] =	stream.indirect_vreg.gather [hbm4b:s28+s3], $0x80, v9, vm1, $0x2000b8;
	[tilespmem:$0x1C880] =	vst v63  }
0x55a: {  	s18 =	simm.s32 $0x7880  }
0x55b: {  	[tilespmem:s18], [sflag:$0x1] =	stream.indirect_vreg.gather [hbm4b:s1+s3], $0x80, v8, vm1, $0x2000b8;
	[tilespmem:$0x1C880] =	vst v63  }
0x55c: {  	s11 =	simm.s32 $0x8080  }
0x55d: {  	[tilespmem:s11], [sflag:$0x1] =	stream.indirect_vreg.gather [hbm4b:s13+s3], $0x80, v8, vm1, $0x2000b8;
	[tilespmem:$0x1C880] =	vst v63  }
0x55e: {  	_ = 	snop  }
0x55f: {  	[tilespmem:s30], [sflag:$0x1] =	stream.indirect_vreg.gather [hbm4b:s24+s3], $0x80, v8, vm1, $0x2000b8;
	[tilespmem:$0x1C880] =	vst v63  }
0x560: {  	s20 =	simm.s32 $0x9080  }
0x561: {  	[tilespmem:s20], [sflag:$0x1] =	stream.indirect_vreg.gather [hbm4b:s25+s3], $0x80, v8, vm1, $0x2000b8;
	[tilespmem:$0x1C880] =	vst v63  }
0x562: {  	s5 =	simm.s32 $0x9880  }
0x563: {  	[tilespmem:s5], [sflag:$0x1] =	stream.indirect_vreg.gather [hbm4b:s26+s3], $0x80, v8, vm1, $0x2000b8;
	[tilespmem:$0x1C880] =	vst v63  }
0x564: {  	_ = 	snop  }
0x565: {  	[tilespmem:s10], [sflag:$0x1] =	stream.indirect_vreg.gather [hbm4b:s28+s3], $0x80, v8, vm1, $0x2000b8;
	[tilespmem:$0x1C880] =	vst v63  }
0x566: {  	v8 =	vld [tilespmem:$0x42D0];
	_ =	sdelay $0x4  }
0x567: {  	v53 =	vshrl.u32 v8, $0x3  }
0x568: {  	v9 =	vmul.u32 $0x60, v53  }
0x569: {  	v8 =	vand.u32 $0x7, v8  }
0x56a: {  	v8 =	vor.u32 v8, v9  }
0x56b: {  	v9 =	vperm.xlane v8, v5;
	_ =	sdelay $0x1  }
0x56c: {  	v9 =	vadd.s32 v6, v9;
	_ =	sdelay $0x3  }
0x56d: {  	s10 =	simm.s32 $0xA880  }
0x56e: {  	[tilespmem:s10], [sflag:$0x1] =	stream.indirect_vreg.gather [hbm4b:s1+s3], $0x80, v9, vm1, $0x2000b8;
	[tilespmem:$0x1C880] =	vst v63  }
0x56f: {  	s20 =	simm.s32 $0xB080  }
0x570: {  	[tilespmem:s20], [sflag:$0x1] =	stream.indirect_vreg.gather [hbm4b:s13+s3], $0x80, v9, vm1, $0x2000b8;
	[tilespmem:$0x1C880] =	vst v63  }
0x571: {  	_ = 	snop  }
0x572: {  	[tilespmem:s12], [sflag:$0x1] =	stream.indirect_vreg.gather [hbm4b:s24+s3], $0x80, v9, vm1, $0x2000b8;
	[tilespmem:$0x1C880] =	vst v63  }
0x573: {  	s30 =	simm.s32 $0xC080;
	v8 =	vperm.xlane v8, v7  }
0x574: {  	[tilespmem:s30], [sflag:$0x1] =	stream.indirect_vreg.gather [hbm4b:s25+s3], $0x80, v9, vm1, $0x2000b8;
	[tilespmem:$0x1C880] =	vst v63  }
0x575: {  	v8 =	vadd.s32 v6, v8;
	s12 =	simm.s32 $0xC880  }
0x576: {  	[tilespmem:s12], [sflag:$0x1] =	stream.indirect_vreg.gather [hbm4b:s26+s3], $0x80, v9, vm1, $0x2000b8;
	[tilespmem:$0x1C880] =	vst v63  }
0x577: {  	s30 =	simm.s32 $0xD080  }
0x578: {  	[tilespmem:s30], [sflag:$0x1] =	stream.indirect_vreg.gather [hbm4b:s28+s3], $0x80, v9, vm1, $0x2000b8;
	[tilespmem:$0x1C880] =	vst v63  }
0x579: {  	s6 =	simm.s32 $0xD880  }
0x57a: {  	[tilespmem:s6], [sflag:$0x1] =	stream.indirect_vreg.gather [hbm4b:s1+s3], $0x80, v8, vm1, $0x2000b8;
	[tilespmem:$0x1C880] =	vst v63  }
0x57b: {  	s6 =	simm.s32 $0xE080  }
0x57c: {  	[tilespmem:s6], [sflag:$0x1] =	stream.indirect_vreg.gather [hbm4b:s13+s3], $0x80, v8, vm1, $0x2000b8;
	[tilespmem:$0x1C880] =	vst v63  }
0x57d: {  	s6 =	simm.s32 $0xE880  }
0x57e: {  	[tilespmem:s6], [sflag:$0x1] =	stream.indirect_vreg.gather [hbm4b:s24+s3], $0x80, v8, vm1, $0x2000b8;
	[tilespmem:$0x1C880] =	vst v63  }
0x57f: {  	_ = 	snop  }
0x580: {  	[tilespmem:s2], [sflag:$0x1] =	stream.indirect_vreg.gather [hbm4b:s25+s3], $0x80, v8, vm1, $0x2000b8;
	[tilespmem:$0x1C880] =	vst v63  }
0x581: {  	s6 =	simm.s32 $0xF880  }
0x582: {  	[tilespmem:s6], [sflag:$0x1] =	stream.indirect_vreg.gather [hbm4b:s26+s3], $0x80, v8, vm1, $0x2000b8;
	[tilespmem:$0x1C880] =	vst v63  }
0x583: {  	s6 =	simm.s32 $0x10080  }
0x584: {  	[tilespmem:s6], [sflag:$0x1] =	stream.indirect_vreg.gather [hbm4b:s28+s3], $0x80, v8, vm1, $0x2000b8;
	[tilespmem:$0x1C880] =	vst v63  }
0x585: {  	_ =	swait.ge [sflag:s19], $0xC000  }
0x586: {  	s6 =	sld [smem:$0x7F7]  }
0x587: {  	[sflag:s19] =	ssyncset.done $0x0  }
0x588: {  	s2 =	simm.s32 $0x10880;
	[sflag:s19] =	ssyncadd.s32 $0xFFFF4000  }
0x589: {  	[hbm4b:s6+s3] =	stream.linear.scatter [tilespmem:s2], [sflag:$0x4], $0xC000, $0x200038;
	[tilespmem:$0x1C880] =	vst v63  }
0x58a: {  	_ =	swait.ge [sflag:s4], $0xC000  }
0x58b: {  	[sflag:s4] =	ssyncset.done $0x0  }
0x58c: {  	[sflag:s4] =	ssyncadd.s32 $0xFFFF4000  }
0x58d: {  	v8 =	vld [tilespmem:$0x42E0];
	_ =	sdelay $0x4  }
0x58e: {  	v54 =	vshrl.u32 v8, $0x3  }
0x58f: {  	v9 =	vmul.u32 $0x60, v54  }
0x590: {  	v8 =	vand.u32 $0x7, v8  }
0x591: {  	v8 =	vor.u32 v8, v9  }
0x592: {  	v9 =	vperm.xlane v8, v5;
	_ =	sdelay $0x1  }
0x593: {  	v9 =	vadd.s32 v6, v9;
	_ =	sdelay $0x4  }
0x594: {  	[tilespmem:s2], [sflag:$0x2] =	stream.indirect_vreg.gather [hbm4b:s1+s3], $0x80, v9, vm1, $0x2000b8;
	[tilespmem:$0x1C880] =	vst v63  }
0x595: {  	_ = 	snop  }
0x596: {  	[tilespmem:s9], [sflag:$0x2] =	stream.indirect_vreg.gather [hbm4b:s13+s3], $0x80, v9, vm1, $0x2000b8;
	[tilespmem:$0x1C880] =	vst v63  }
0x597: {  	s9 =	simm.s32 $0x11880  }
0x598: {  	[tilespmem:s9], [sflag:$0x2] =	stream.indirect_vreg.gather [hbm4b:s24+s3], $0x80, v9, vm1, $0x2000b8;
	[tilespmem:$0x1C880] =	vst v63  }
0x599: {  	s6 =	simm.s32 $0x12080;
	v8 =	vperm.xlane v8, v7  }
0x59a: {  	[tilespmem:s6], [sflag:$0x2] =	stream.indirect_vreg.gather [hbm4b:s25+s3], $0x80, v9, vm1, $0x2000b8;
	[tilespmem:$0x1C880] =	vst v63  }
0x59b: {  	v8 =	vadd.s32 v6, v8  }
0x59c: {  	[tilespmem:s15], [sflag:$0x2] =	stream.indirect_vreg.gather [hbm4b:s26+s3], $0x80, v9, vm1, $0x2000b8;
	[tilespmem:$0x1C880] =	vst v63  }
0x59d: {  	_ = 	snop  }
0x59e: {  	[tilespmem:s17], [sflag:$0x2] =	stream.indirect_vreg.gather [hbm4b:s28+s3], $0x80, v9, vm1, $0x2000b8;
	[tilespmem:$0x1C880] =	vst v63  }
0x59f: {  	_ = 	snop  }
0x5a0: {  	[tilespmem:s21], [sflag:$0x2] =	stream.indirect_vreg.gather [hbm4b:s1+s3], $0x80, v8, vm1, $0x2000b8;
	[tilespmem:$0x1C880] =	vst v63  }
0x5a1: {  	_ = 	snop  }
0x5a2: {  	[tilespmem:s23], [sflag:$0x2] =	stream.indirect_vreg.gather [hbm4b:s13+s3], $0x80, v8, vm1, $0x2000b8;
	[tilespmem:$0x1C880] =	vst v63  }
0x5a3: {  	s9 =	simm.s32 $0x14880  }
0x5a4: {  	[tilespmem:s9], [sflag:$0x2] =	stream.indirect_vreg.gather [hbm4b:s24+s3], $0x80, v8, vm1, $0x2000b8;
	[tilespmem:$0x1C880] =	vst v63  }
0x5a5: {  	s15 =	simm.s32 $0x15080  }
0x5a6: {  	[tilespmem:s15], [sflag:$0x2] =	stream.indirect_vreg.gather [hbm4b:s25+s3], $0x80, v8, vm1, $0x2000b8;
	[tilespmem:$0x1C880] =	vst v63  }
0x5a7: {  	s17 =	simm.s32 $0x15880  }
0x5a8: {  	[tilespmem:s17], [sflag:$0x2] =	stream.indirect_vreg.gather [hbm4b:s26+s3], $0x80, v8, vm1, $0x2000b8;
	[tilespmem:$0x1C880] =	vst v63  }
0x5a9: {  	s21 =	simm.s32 $0x16080  }
0x5aa: {  	[tilespmem:s21], [sflag:$0x2] =	stream.indirect_vreg.gather [hbm4b:s28+s3], $0x80, v8, vm1, $0x2000b8;
	[tilespmem:$0x1C880] =	vst v63  }
0x5ab: {  	v8 =	vld [tilespmem:$0x42F0];
	_ =	sdelay $0x4  }
0x5ac: {  	v55 =	vshrl.u32 v8, $0x3  }
0x5ad: {  	v9 =	vmul.u32 $0x60, v55  }
0x5ae: {  	v8 =	vand.u32 $0x7, v8  }
0x5af: {  	v8 =	vor.u32 v8, v9  }
0x5b0: {  	v9 =	vperm.xlane v8, v5;
	_ =	sdelay $0x1  }
0x5b1: {  	v9 =	vadd.s32 v6, v9;
	_ =	sdelay $0x3  }
0x5b2: {  	s23 =	simm.s32 $0x16880  }
0x5b3: {  	[tilespmem:s23], [sflag:$0x2] =	stream.indirect_vreg.gather [hbm4b:s1+s3], $0x80, v9, vm1, $0x2000b8;
	[tilespmem:$0x1C880] =	vst v63  }
0x5b4: {  	s6 =	simm.s32 $0x17080  }
0x5b5: {  	[tilespmem:s6], [sflag:$0x2] =	stream.indirect_vreg.gather [hbm4b:s13+s3], $0x80, v9, vm1, $0x2000b8;
	[tilespmem:$0x1C880] =	vst v63  }
0x5b6: {  	s9 =	simm.s32 $0x17880  }
0x5b7: {  	[tilespmem:s9], [sflag:$0x2] =	stream.indirect_vreg.gather [hbm4b:s24+s3], $0x80, v9, vm1, $0x2000b8;
	[tilespmem:$0x1C880] =	vst v63  }
0x5b8: {  	s15 =	simm.s32 $0x18080;
	v8 =	vperm.xlane v8, v7  }
0x5b9: {  	[tilespmem:s15], [sflag:$0x2] =	stream.indirect_vreg.gather [hbm4b:s25+s3], $0x80, v9, vm1, $0x2000b8;
	[tilespmem:$0x1C880] =	vst v63  }
0x5ba: {  	s17 =	simm.s32 $0x18880;
	v8 =	vadd.s32 v6, v8  }
0x5bb: {  	[tilespmem:s17], [sflag:$0x2] =	stream.indirect_vreg.gather [hbm4b:s26+s3], $0x80, v9, vm1, $0x2000b8;
	[tilespmem:$0x1C880] =	vst v63  }
0x5bc: {  	s21 =	simm.s32 $0x19080  }
0x5bd: {  	[tilespmem:s21], [sflag:$0x2] =	stream.indirect_vreg.gather [hbm4b:s28+s3], $0x80, v9, vm1, $0x2000b8;
	[tilespmem:$0x1C880] =	vst v63  }
0x5be: {  	s23 =	simm.s32 $0x19880  }
0x5bf: {  	[tilespmem:s23], [sflag:$0x2] =	stream.indirect_vreg.gather [hbm4b:s1+s3], $0x80, v8, vm1, $0x2000b8;
	[tilespmem:$0x1C880] =	vst v63  }
0x5c0: {  	s6 =	simm.s32 $0x1A080  }
0x5c1: {  	[tilespmem:s6], [sflag:$0x2] =	stream.indirect_vreg.gather [hbm4b:s13+s3], $0x80, v8, vm1, $0x2000b8;
	[tilespmem:$0x1C880] =	vst v63  }
0x5c2: {  	s9 =	simm.s32 $0x1A880  }
0x5c3: {  	[tilespmem:s9], [sflag:$0x2] =	stream.indirect_vreg.gather [hbm4b:s24+s3], $0x80, v8, vm1, $0x2000b8;
	[tilespmem:$0x1C880] =	vst v63  }
0x5c4: {  	s15 =	simm.s32 $0x1B080  }
0x5c5: {  	[tilespmem:s15], [sflag:$0x2] =	stream.indirect_vreg.gather [hbm4b:s25+s3], $0x80, v8, vm1, $0x2000b8;
	[tilespmem:$0x1C880] =	vst v63  }
0x5c6: {  	s17 =	simm.s32 $0x1B880  }
0x5c7: {  	[tilespmem:s17], [sflag:$0x2] =	stream.indirect_vreg.gather [hbm4b:s26+s3], $0x80, v8, vm1, $0x2000b8;
	[tilespmem:$0x1C880] =	vst v63  }
0x5c8: {  	s21 =	simm.s32 $0x1C080  }
0x5c9: {  	[tilespmem:s21], [sflag:$0x2] =	stream.indirect_vreg.gather [hbm4b:s28+s3], $0x80, v8, vm1, $0x2000b8;
	[tilespmem:$0x1C880] =	vst v63  }
0x5ca: {  	_ =	swait.ge [sflag:s16], $0xC000  }
0x5cb: {  	s23 =	sld [smem:$0x7F8]  }
0x5cc: {  	[sflag:s16] =	ssyncset.done $0x0  }
0x5cd: {  	s2 =	simm.s32 $0x4880;
	[sflag:s16] =	ssyncadd.s32 $0xFFFF4000  }
0x5ce: {  	[hbm4b:s23+s3] =	stream.linear.scatter [tilespmem:s2], [sflag:$0x3], $0xC000, $0x200038;
	[tilespmem:$0x1C880] =	vst v63  }
0x5cf: {  	_ =	swait.ge [sflag:s14], $0xC000  }
0x5d0: {  	[sflag:s14] =	ssyncset.done $0x0  }
0x5d1: {  	[sflag:s14] =	ssyncadd.s32 $0xFFFF4000  }
0x5d2: {  	v8 =	vld [tilespmem:$0x4300];
	_ =	sdelay $0x4  }
0x5d3: {  	v56 =	vshrl.u32 v8, $0x3  }
0x5d4: {  	v9 =	vmul.u32 $0x60, v56  }
0x5d5: {  	v8 =	vand.u32 $0x7, v8  }
0x5d6: {  	v8 =	vor.u32 v8, v9  }
0x5d7: {  	v9 =	vperm.xlane v8, v5;
	_ =	sdelay $0x1  }
0x5d8: {  	v9 =	vadd.s32 v6, v9;
	_ =	sdelay $0x4  }
0x5d9: {  	[tilespmem:s2], [sflag:$0x1] =	stream.indirect_vreg.gather [hbm4b:s1+s3], $0x80, v9, vm1, $0x2000b8;
	[tilespmem:$0x1C880] =	vst v63  }
0x5da: {  	s6 =	simm.s32 $0x5080  }
0x5db: {  	[tilespmem:s6], [sflag:$0x1] =	stream.indirect_vreg.gather [hbm4b:s13+s3], $0x80, v9, vm1, $0x2000b8;
	[tilespmem:$0x1C880] =	vst v63  }
0x5dc: {  	s9 =	simm.s32 $0x5880  }
0x5dd: {  	[tilespmem:s9], [sflag:$0x1] =	stream.indirect_vreg.gather [hbm4b:s24+s3], $0x80, v9, vm1, $0x2000b8;
	[tilespmem:$0x1C880] =	vst v63  }
0x5de: {  	s17 =	simm.s32 $0x6080;
	v8 =	vperm.xlane v8, v7  }
0x5df: {  	[tilespmem:s17], [sflag:$0x1] =	stream.indirect_vreg.gather [hbm4b:s25+s3], $0x80, v9, vm1, $0x2000b8;
	[tilespmem:$0x1C880] =	vst v63  }
0x5e0: {  	s21 =	simm.s32 $0x6880;
	v8 =	vadd.s32 v6, v8  }
0x5e1: {  	[tilespmem:s21], [sflag:$0x1] =	stream.indirect_vreg.gather [hbm4b:s26+s3], $0x80, v9, vm1, $0x2000b8;
	[tilespmem:$0x1C880] =	vst v63  }
0x5e2: {  	_ = 	snop  }
0x5e3: {  	[tilespmem:s22], [sflag:$0x1] =	stream.indirect_vreg.gather [hbm4b:s28+s3], $0x80, v9, vm1, $0x2000b8;
	[tilespmem:$0x1C880] =	vst v63  }
0x5e4: {  	_ = 	snop  }
0x5e5: {  	[tilespmem:s18], [sflag:$0x1] =	stream.indirect_vreg.gather [hbm4b:s1+s3], $0x80, v8, vm1, $0x2000b8;
	[tilespmem:$0x1C880] =	vst v63  }
0x5e6: {  	_ = 	snop  }
0x5e7: {  	[tilespmem:s11], [sflag:$0x1] =	stream.indirect_vreg.gather [hbm4b:s13+s3], $0x80, v8, vm1, $0x2000b8;
	[tilespmem:$0x1C880] =	vst v63  }
0x5e8: {  	s23 =	simm.s32 $0x8880  }
0x5e9: {  	[tilespmem:s23], [sflag:$0x1] =	stream.indirect_vreg.gather [hbm4b:s24+s3], $0x80, v8, vm1, $0x2000b8;
	[tilespmem:$0x1C880] =	vst v63  }
0x5ea: {  	s6 =	simm.s32 $0x9080  }
0x5eb: {  	[tilespmem:s6], [sflag:$0x1] =	stream.indirect_vreg.gather [hbm4b:s25+s3], $0x80, v8, vm1, $0x2000b8;
	[tilespmem:$0x1C880] =	vst v63  }
0x5ec: {  	_ = 	snop  }
0x5ed: {  	[tilespmem:s5], [sflag:$0x1] =	stream.indirect_vreg.gather [hbm4b:s26+s3], $0x80, v8, vm1, $0x2000b8;
	[tilespmem:$0x1C880] =	vst v63  }
0x5ee: {  	s9 =	simm.s32 $0xA080  }
0x5ef: {  	[tilespmem:s9], [sflag:$0x1] =	stream.indirect_vreg.gather [hbm4b:s28+s3], $0x80, v8, vm1, $0x2000b8;
	[tilespmem:$0x1C880] =	vst v63  }
0x5f0: {  	v8 =	vld [tilespmem:$0x4310];
	_ =	sdelay $0x4  }
0x5f1: {  	v57 =	vshrl.u32 v8, $0x3  }
0x5f2: {  	v9 =	vmul.u32 $0x60, v57  }
0x5f3: {  	v8 =	vand.u32 $0x7, v8  }
0x5f4: {  	v8 =	vor.u32 v8, v9  }
0x5f5: {  	v9 =	vperm.xlane v8, v5;
	_ =	sdelay $0x1  }
0x5f6: {  	v9 =	vadd.s32 v6, v9;
	_ =	sdelay $0x4  }
0x5f7: {  	[tilespmem:s10], [sflag:$0x1] =	stream.indirect_vreg.gather [hbm4b:s1+s3], $0x80, v9, vm1, $0x2000b8;
	[tilespmem:$0x1C880] =	vst v63  }
0x5f8: {  	_ = 	snop  }
0x5f9: {  	[tilespmem:s20], [sflag:$0x1] =	stream.indirect_vreg.gather [hbm4b:s13+s3], $0x80, v9, vm1, $0x2000b8;
	[tilespmem:$0x1C880] =	vst v63  }
0x5fa: {  	s17 =	simm.s32 $0xB880  }
0x5fb: {  	[tilespmem:s17], [sflag:$0x1] =	stream.indirect_vreg.gather [hbm4b:s24+s3], $0x80, v9, vm1, $0x2000b8;
	[tilespmem:$0x1C880] =	vst v63  }
0x5fc: {  	s22 =	simm.s32 $0xC080;
	v8 =	vperm.xlane v8, v7  }
0x5fd: {  	[tilespmem:s22], [sflag:$0x1] =	stream.indirect_vreg.gather [hbm4b:s25+s3], $0x80, v9, vm1, $0x2000b8;
	[tilespmem:$0x1C880] =	vst v63  }
0x5fe: {  	v8 =	vadd.s32 v6, v8  }
0x5ff: {  	[tilespmem:s12], [sflag:$0x1] =	stream.indirect_vreg.gather [hbm4b:s26+s3], $0x80, v9, vm1, $0x2000b8;
	[tilespmem:$0x1C880] =	vst v63  }
0x600: {  	_ = 	snop  }
0x601: {  	[tilespmem:s30], [sflag:$0x1] =	stream.indirect_vreg.gather [hbm4b:s28+s3], $0x80, v9, vm1, $0x2000b8;
	[tilespmem:$0x1C880] =	vst v63  }
0x602: {  	s30 =	simm.s32 $0xD880  }
0x603: {  	[tilespmem:s30], [sflag:$0x1] =	stream.indirect_vreg.gather [hbm4b:s1+s3], $0x80, v8, vm1, $0x2000b8;
	[tilespmem:$0x1C880] =	vst v63  }
0x604: {  	s2 =	simm.s32 $0xE080  }
0x605: {  	[tilespmem:s2], [sflag:$0x1] =	stream.indirect_vreg.gather [hbm4b:s13+s3], $0x80, v8, vm1, $0x2000b8;
	[tilespmem:$0x1C880] =	vst v63  }
0x606: {  	s5 =	simm.s32 $0xE880  }
0x607: {  	[tilespmem:s5], [sflag:$0x1] =	stream.indirect_vreg.gather [hbm4b:s24+s3], $0x80, v8, vm1, $0x2000b8;
	[tilespmem:$0x1C880] =	vst v63  }
0x608: {  	s2 =	simm.s32 $0xF080  }
0x609: {  	[tilespmem:s2], [sflag:$0x1] =	stream.indirect_vreg.gather [hbm4b:s25+s3], $0x80, v8, vm1, $0x2000b8;
	[tilespmem:$0x1C880] =	vst v63  }
0x60a: {  	s9 =	simm.s32 $0xF880  }
0x60b: {  	[tilespmem:s9], [sflag:$0x1] =	stream.indirect_vreg.gather [hbm4b:s26+s3], $0x80, v8, vm1, $0x2000b8;
	[tilespmem:$0x1C880] =	vst v63  }
0x60c: {  	s6 =	simm.s32 $0x10080  }
0x60d: {  	[tilespmem:s6], [sflag:$0x1] =	stream.indirect_vreg.gather [hbm4b:s28+s3], $0x80, v8, vm1, $0x2000b8;
	[tilespmem:$0x1C880] =	vst v63  }
0x60e: {  	_ =	swait.ge [sflag:s19], $0xC000  }
0x60f: {  	s6 =	sld [smem:$0x7F9]  }
0x610: {  	[sflag:s19] =	ssyncset.done $0x0  }
0x611: {  	s5 =	simm.s32 $0x10880;
	[sflag:s19] =	ssyncadd.s32 $0xFFFF4000  }
0x612: {  	[hbm4b:s6+s3] =	stream.linear.scatter [tilespmem:s5], [sflag:$0x4], $0xC000, $0x200038;
	[tilespmem:$0x1C880] =	vst v63  }
0x613: {  	_ =	swait.ge [sflag:s4], $0xC000  }
0x614: {  	[sflag:s4] =	ssyncset.done $0x0  }
0x615: {  	[sflag:s4] =	ssyncadd.s32 $0xFFFF4000  }
0x616: {  	v8 =	vld [tilespmem:$0x4320];
	_ =	sdelay $0x4  }
0x617: {  	v58 =	vshrl.u32 v8, $0x3  }
0x618: {  	v9 =	vmul.u32 $0x60, v58  }
0x619: {  	v8 =	vand.u32 $0x7, v8  }
0x61a: {  	v8 =	vor.u32 v8, v9  }
0x61b: {  	v9 =	vperm.xlane v8, v5;
	_ =	sdelay $0x1  }
0x61c: {  	v9 =	vadd.s32 v6, v9;
	_ =	sdelay $0x4  }
0x61d: {  	[tilespmem:s5], [sflag:$0x2] =	stream.indirect_vreg.gather [hbm4b:s1+s3], $0x80, v9, vm1, $0x2000b8;
	[tilespmem:$0x1C880] =	vst v63  }
0x61e: {  	s6 =	simm.s32 $0x11080  }
0x61f: {  	[tilespmem:s6], [sflag:$0x2] =	stream.indirect_vreg.gather [hbm4b:s13+s3], $0x80, v9, vm1, $0x2000b8;
	[tilespmem:$0x1C880] =	vst v63  }
0x620: {  	s6 =	simm.s32 $0x11880  }
0x621: {  	[tilespmem:s6], [sflag:$0x2] =	stream.indirect_vreg.gather [hbm4b:s24+s3], $0x80, v9, vm1, $0x2000b8;
	[tilespmem:$0x1C880] =	vst v63  }
0x622: {  	v8 =	vperm.xlane v8, v7;
	s6 =	simm.s32 $0x12080  }
0x623: {  	[tilespmem:s6], [sflag:$0x2] =	stream.indirect_vreg.gather [hbm4b:s25+s3], $0x80, v9, vm1, $0x2000b8;
	[tilespmem:$0x1C880] =	vst v63  }
0x624: {  	v8 =	vadd.s32 v6, v8;
	s6 =	simm.s32 $0x12880  }
0x625: {  	[tilespmem:s6], [sflag:$0x2] =	stream.indirect_vreg.gather [hbm4b:s26+s3], $0x80, v9, vm1, $0x2000b8;
	[tilespmem:$0x1C880] =	vst v63  }
0x626: {  	s6 =	simm.s32 $0x13080  }
0x627: {  	[tilespmem:s6], [sflag:$0x2] =	stream.indirect_vreg.gather [hbm4b:s28+s3], $0x80, v9, vm1, $0x2000b8;
	[tilespmem:$0x1C880] =	vst v63  }
0x628: {  	s6 =	simm.s32 $0x13880  }
0x629: {  	[tilespmem:s6], [sflag:$0x2] =	stream.indirect_vreg.gather [hbm4b:s1+s3], $0x80, v8, vm1, $0x2000b8;
	[tilespmem:$0x1C880] =	vst v63  }
0x62a: {  	s6 =	simm.s32 $0x14080  }
0x62b: {  	[tilespmem:s6], [sflag:$0x2] =	stream.indirect_vreg.gather [hbm4b:s13+s3], $0x80, v8, vm1, $0x2000b8;
	[tilespmem:$0x1C880] =	vst v63  }
0x62c: {  	s6 =	simm.s32 $0x14880  }
0x62d: {  	[tilespmem:s6], [sflag:$0x2] =	stream.indirect_vreg.gather [hbm4b:s24+s3], $0x80, v8, vm1, $0x2000b8;
	[tilespmem:$0x1C880] =	vst v63  }
0x62e: {  	s6 =	simm.s32 $0x15080  }
0x62f: {  	[tilespmem:s6], [sflag:$0x2] =	stream.indirect_vreg.gather [hbm4b:s25+s3], $0x80, v8, vm1, $0x2000b8;
	[tilespmem:$0x1C880] =	vst v63  }
0x630: {  	s6 =	simm.s32 $0x15880  }
0x631: {  	[tilespmem:s6], [sflag:$0x2] =	stream.indirect_vreg.gather [hbm4b:s26+s3], $0x80, v8, vm1, $0x2000b8;
	[tilespmem:$0x1C880] =	vst v63  }
0x632: {  	s6 =	simm.s32 $0x16080  }
0x633: {  	[tilespmem:s6], [sflag:$0x2] =	stream.indirect_vreg.gather [hbm4b:s28+s3], $0x80, v8, vm1, $0x2000b8;
	[tilespmem:$0x1C880] =	vst v63  }
0x634: {  	v8 =	vld [tilespmem:$0x4330];
	_ =	sdelay $0x4  }
0x635: {  	v59 =	vshrl.u32 v8, $0x3  }
0x636: {  	v9 =	vmul.u32 $0x60, v59  }
0x637: {  	v8 =	vand.u32 $0x7, v8  }
0x638: {  	v8 =	vor.u32 v8, v9  }
0x639: {  	v9 =	vperm.xlane v8, v5;
	_ =	sdelay $0x1  }
0x63a: {  	v9 =	vadd.s32 v6, v9;
	_ =	sdelay $0x3  }
0x63b: {  	s6 =	simm.s32 $0x16880  }
0x63c: {  	[tilespmem:s6], [sflag:$0x2] =	stream.indirect_vreg.gather [hbm4b:s1+s3], $0x80, v9, vm1, $0x2000b8;
	[tilespmem:$0x1C880] =	vst v63  }
0x63d: {  	s6 =	simm.s32 $0x17080  }
0x63e: {  	[tilespmem:s6], [sflag:$0x2] =	stream.indirect_vreg.gather [hbm4b:s13+s3], $0x80, v9, vm1, $0x2000b8;
	[tilespmem:$0x1C880] =	vst v63  }
0x63f: {  	s6 =	simm.s32 $0x17880  }
0x640: {  	[tilespmem:s6], [sflag:$0x2] =	stream.indirect_vreg.gather [hbm4b:s24+s3], $0x80, v9, vm1, $0x2000b8;
	[tilespmem:$0x1C880] =	vst v63  }
0x641: {  	v8 =	vperm.xlane v8, v7;
	s6 =	simm.s32 $0x18080  }
0x642: {  	[tilespmem:s6], [sflag:$0x2] =	stream.indirect_vreg.gather [hbm4b:s25+s3], $0x80, v9, vm1, $0x2000b8;
	[tilespmem:$0x1C880] =	vst v63  }
0x643: {  	v8 =	vadd.s32 v6, v8;
	s6 =	simm.s32 $0x18880  }
0x644: {  	[tilespmem:s6], [sflag:$0x2] =	stream.indirect_vreg.gather [hbm4b:s26+s3], $0x80, v9, vm1, $0x2000b8;
	[tilespmem:$0x1C880] =	vst v63  }
0x645: {  	s6 =	simm.s32 $0x19080  }
0x646: {  	[tilespmem:s6], [sflag:$0x2] =	stream.indirect_vreg.gather [hbm4b:s28+s3], $0x80, v9, vm1, $0x2000b8;
	[tilespmem:$0x1C880] =	vst v63  }
0x647: {  	s6 =	simm.s32 $0x19880  }
0x648: {  	[tilespmem:s6], [sflag:$0x2] =	stream.indirect_vreg.gather [hbm4b:s1+s3], $0x80, v8, vm1, $0x2000b8;
	[tilespmem:$0x1C880] =	vst v63  }
0x649: {  	s6 =	simm.s32 $0x1A080  }
0x64a: {  	[tilespmem:s6], [sflag:$0x2] =	stream.indirect_vreg.gather [hbm4b:s13+s3], $0x80, v8, vm1, $0x2000b8;
	[tilespmem:$0x1C880] =	vst v63  }
0x64b: {  	s6 =	simm.s32 $0x1A880  }
0x64c: {  	[tilespmem:s6], [sflag:$0x2] =	stream.indirect_vreg.gather [hbm4b:s24+s3], $0x80, v8, vm1, $0x2000b8;
	[tilespmem:$0x1C880] =	vst v63  }
0x64d: {  	s6 =	simm.s32 $0x1B080  }
0x64e: {  	[tilespmem:s6], [sflag:$0x2] =	stream.indirect_vreg.gather [hbm4b:s25+s3], $0x80, v8, vm1, $0x2000b8;
	[tilespmem:$0x1C880] =	vst v63  }
0x64f: {  	s6 =	simm.s32 $0x1B880  }
0x650: {  	[tilespmem:s6], [sflag:$0x2] =	stream.indirect_vreg.gather [hbm4b:s26+s3], $0x80, v8, vm1, $0x2000b8;
	[tilespmem:$0x1C880] =	vst v63  }
0x651: {  	s6 =	simm.s32 $0x1C080  }
0x652: {  	[tilespmem:s6], [sflag:$0x2] =	stream.indirect_vreg.gather [hbm4b:s28+s3], $0x80, v8, vm1, $0x2000b8;
	[tilespmem:$0x1C880] =	vst v63  }
0x653: {  	_ =	swait.ge [sflag:s16], $0xC000  }
0x654: {  	s6 =	sld [smem:$0x7FA]  }
0x655: {  	[sflag:s16] =	ssyncset.done $0x0  }
0x656: {  	s15 =	simm.s32 $0x4880;
	[sflag:s16] =	ssyncadd.s32 $0xFFFF4000  }
0x657: {  	[hbm4b:s6+s3] =	stream.linear.scatter [tilespmem:s15], [sflag:$0x3], $0xC000, $0x200038;
	[tilespmem:$0x1C880] =	vst v63  }
0x658: {  	_ =	swait.ge [sflag:s14], $0xC000  }
0x659: {  	[sflag:s14] =	ssyncset.done $0x0  }
0x65a: {  	[sflag:s14] =	ssyncadd.s32 $0xFFFF4000  }
0x65b: {  	v8 =	vld [tilespmem:$0x4340];
	_ =	sdelay $0x4  }
0x65c: {  	v60 =	vshrl.u32 v8, $0x3  }
0x65d: {  	v9 =	vmul.u32 $0x60, v60  }
0x65e: {  	v8 =	vand.u32 $0x7, v8  }
0x65f: {  	v8 =	vor.u32 v8, v9  }
0x660: {  	v9 =	vperm.xlane v8, v5;
	_ =	sdelay $0x1  }
0x661: {  	v9 =	vadd.s32 v6, v9;
	_ =	sdelay $0x4  }
0x662: {  	[tilespmem:s15], [sflag:$0x1] =	stream.indirect_vreg.gather [hbm4b:s1+s3], $0x80, v9, vm1, $0x2000b8;
	[tilespmem:$0x1C880] =	vst v63  }
0x663: {  	s6 =	simm.s32 $0x5080  }
0x664: {  	[tilespmem:s6], [sflag:$0x1] =	stream.indirect_vreg.gather [hbm4b:s13+s3], $0x80, v9, vm1, $0x2000b8;
	[tilespmem:$0x1C880] =	vst v63  }
0x665: {  	s6 =	simm.s32 $0x5880  }
0x666: {  	[tilespmem:s6], [sflag:$0x1] =	stream.indirect_vreg.gather [hbm4b:s24+s3], $0x80, v9, vm1, $0x2000b8;
	[tilespmem:$0x1C880] =	vst v63  }
0x667: {  	v8 =	vperm.xlane v8, v7;
	s6 =	simm.s32 $0x6080  }
0x668: {  	[tilespmem:s6], [sflag:$0x1] =	stream.indirect_vreg.gather [hbm4b:s25+s3], $0x80, v9, vm1, $0x2000b8;
	[tilespmem:$0x1C880] =	vst v63  }
0x669: {  	v8 =	vadd.s32 v6, v8;
	s6 =	simm.s32 $0x6880  }
0x66a: {  	[tilespmem:s6], [sflag:$0x1] =	stream.indirect_vreg.gather [hbm4b:s26+s3], $0x80, v9, vm1, $0x2000b8;
	[tilespmem:$0x1C880] =	vst v63  }
0x66b: {  	s21 =	simm.s32 $0x7080  }
0x66c: {  	[tilespmem:s21], [sflag:$0x1] =	stream.indirect_vreg.gather [hbm4b:s28+s3], $0x80, v9, vm1, $0x2000b8;
	[tilespmem:$0x1C880] =	vst v63  }
0x66d: {  	s18 =	simm.s32 $0x7880  }
0x66e: {  	[tilespmem:s18], [sflag:$0x1] =	stream.indirect_vreg.gather [hbm4b:s1+s3], $0x80, v8, vm1, $0x2000b8;
	[tilespmem:$0x1C880] =	vst v63  }
0x66f: {  	s11 =	simm.s32 $0x8080  }
0x670: {  	[tilespmem:s11], [sflag:$0x1] =	stream.indirect_vreg.gather [hbm4b:s13+s3], $0x80, v8, vm1, $0x2000b8;
	[tilespmem:$0x1C880] =	vst v63  }
0x671: {  	s18 =	simm.s32 $0x8880  }
0x672: {  	[tilespmem:s18], [sflag:$0x1] =	stream.indirect_vreg.gather [hbm4b:s24+s3], $0x80, v8, vm1, $0x2000b8;
	[tilespmem:$0x1C880] =	vst v63  }
0x673: {  	s21 =	simm.s32 $0x9080  }
0x674: {  	[tilespmem:s21], [sflag:$0x1] =	stream.indirect_vreg.gather [hbm4b:s25+s3], $0x80, v8, vm1, $0x2000b8;
	[tilespmem:$0x1C880] =	vst v63  }
0x675: {  	s23 =	simm.s32 $0x9880  }
0x676: {  	[tilespmem:s23], [sflag:$0x1] =	stream.indirect_vreg.gather [hbm4b:s26+s3], $0x80, v8, vm1, $0x2000b8;
	[tilespmem:$0x1C880] =	vst v63  }
0x677: {  	s23 =	simm.s32 $0xA080  }
0x678: {  	[tilespmem:s23], [sflag:$0x1] =	stream.indirect_vreg.gather [hbm4b:s28+s3], $0x80, v8, vm1, $0x2000b8;
	[tilespmem:$0x1C880] =	vst v63  }
0x679: {  	v8 =	vld [tilespmem:$0x4350];
	_ =	sdelay $0x4  }
0x67a: {  	v61 =	vshrl.u32 v8, $0x3  }
0x67b: {  	v9 =	vmul.u32 $0x60, v61  }
0x67c: {  	v8 =	vand.u32 $0x7, v8  }
0x67d: {  	v8 =	vor.u32 v8, v9  }
0x67e: {  	v9 =	vperm.xlane v8, v5;
	_ =	sdelay $0x1  }
0x67f: {  	v9 =	vadd.s32 v6, v9;
	_ =	sdelay $0x3  }
0x680: {  	s10 =	simm.s32 $0xA880  }
0x681: {  	[tilespmem:s10], [sflag:$0x1] =	stream.indirect_vreg.gather [hbm4b:s1+s3], $0x80, v9, vm1, $0x2000b8;
	[tilespmem:$0x1C880] =	vst v63  }
0x682: {  	s20 =	simm.s32 $0xB080  }
0x683: {  	[tilespmem:s20], [sflag:$0x1] =	stream.indirect_vreg.gather [hbm4b:s13+s3], $0x80, v9, vm1, $0x2000b8;
	[tilespmem:$0x1C880] =	vst v63  }
0x684: {  	s10 =	simm.s32 $0xB880  }
0x685: {  	[tilespmem:s10], [sflag:$0x1] =	stream.indirect_vreg.gather [hbm4b:s24+s3], $0x80, v9, vm1, $0x2000b8;
	[tilespmem:$0x1C880] =	vst v63  }
0x686: {  	s11 =	simm.s32 $0xC080;
	v8 =	vperm.xlane v8, v7  }
0x687: {  	[tilespmem:s11], [sflag:$0x1] =	stream.indirect_vreg.gather [hbm4b:s25+s3], $0x80, v9, vm1, $0x2000b8;
	[tilespmem:$0x1C880] =	vst v63  }
0x688: {  	s12 =	simm.s32 $0xC880;
	v8 =	vadd.s32 v6, v8  }
0x689: {  	[tilespmem:s12], [sflag:$0x1] =	stream.indirect_vreg.gather [hbm4b:s26+s3], $0x80, v9, vm1, $0x2000b8;
	[tilespmem:$0x1C880] =	vst v63  }
0x68a: {  	s22 =	simm.s32 $0xD080  }
0x68b: {  	[tilespmem:s22], [sflag:$0x1] =	stream.indirect_vreg.gather [hbm4b:s28+s3], $0x80, v9, vm1, $0x2000b8;
	[tilespmem:$0x1C880] =	vst v63  }
0x68c: {  	s30 =	simm.s32 $0xD880  }
0x68d: {  	[tilespmem:s30], [sflag:$0x1] =	stream.indirect_vreg.gather [hbm4b:s1+s3], $0x80, v8, vm1, $0x2000b8;
	[tilespmem:$0x1C880] =	vst v63  }
0x68e: {  	s12 =	simm.s32 $0xE080  }
0x68f: {  	[tilespmem:s12], [sflag:$0x1] =	stream.indirect_vreg.gather [hbm4b:s13+s3], $0x80, v8, vm1, $0x2000b8;
	[tilespmem:$0x1C880] =	vst v63  }
0x690: {  	s17 =	simm.s32 $0xE880  }
0x691: {  	[tilespmem:s17], [sflag:$0x1] =	stream.indirect_vreg.gather [hbm4b:s24+s3], $0x80, v8, vm1, $0x2000b8;
	[tilespmem:$0x1C880] =	vst v63  }
0x692: {  	_ = 	snop  }
0x693: {  	[tilespmem:s2], [sflag:$0x1] =	stream.indirect_vreg.gather [hbm4b:s25+s3], $0x80, v8, vm1, $0x2000b8;
	[tilespmem:$0x1C880] =	vst v63  }
0x694: {  	_ = 	snop  }
0x695: {  	[tilespmem:s9], [sflag:$0x1] =	stream.indirect_vreg.gather [hbm4b:s26+s3], $0x80, v8, vm1, $0x2000b8;
	[tilespmem:$0x1C880] =	vst v63  }
0x696: {  	s17 =	simm.s32 $0x10080  }
0x697: {  	[tilespmem:s17], [sflag:$0x1] =	stream.indirect_vreg.gather [hbm4b:s28+s3], $0x80, v8, vm1, $0x2000b8;
	[tilespmem:$0x1C880] =	vst v63  }
0x698: {  	_ =	swait.ge [sflag:s19], $0xC000  }
0x699: {  	s18 =	sld [smem:$0x7FB]  }
0x69a: {  	[sflag:s19] =	ssyncset.done $0x0  }
0x69b: {  	s5 =	simm.s32 $0x10880;
	[sflag:s19] =	ssyncadd.s32 $0xFFFF4000  }
0x69c: {  	[hbm4b:s18+s3] =	stream.linear.scatter [tilespmem:s5], [sflag:$0x4], $0xC000, $0x200038;
	[tilespmem:$0x1C880] =	vst v63  }
0x69d: {  	_ =	swait.ge [sflag:s4], $0xC000  }
0x69e: {  	[sflag:s4] =	ssyncset.done $0x0  }
0x69f: {  	[sflag:s4] =	ssyncadd.s32 $0xFFFF4000  }
0x6a0: {  	v8 =	vld [tilespmem:$0x4360];
	_ =	sdelay $0x4  }
0x6a1: {  	v62 =	vshrl.u32 v8, $0x3  }
0x6a2: {  	v9 =	vmul.u32 $0x60, v62  }
0x6a3: {  	v8 =	vand.u32 $0x7, v8  }
0x6a4: {  	v8 =	vor.u32 v8, v9  }
0x6a5: {  	v9 =	vperm.xlane v8, v5;
	_ =	sdelay $0x1  }
0x6a6: {  	v9 =	vadd.s32 v6, v9;
	_ =	sdelay $0x4  }
0x6a7: {  	[tilespmem:s5], [sflag:$0x2] =	stream.indirect_vreg.gather [hbm4b:s1+s3], $0x80, v9, vm1, $0x2000b8;
	[tilespmem:$0x1C880] =	vst v63  }
0x6a8: {  	s20 =	simm.s32 $0x11080  }
0x6a9: {  	[tilespmem:s20], [sflag:$0x2] =	stream.indirect_vreg.gather [hbm4b:s13+s3], $0x80, v9, vm1, $0x2000b8;
	[tilespmem:$0x1C880] =	vst v63  }
0x6aa: {  	s21 =	simm.s32 $0x11880  }
0x6ab: {  	[tilespmem:s21], [sflag:$0x2] =	stream.indirect_vreg.gather [hbm4b:s24+s3], $0x80, v9, vm1, $0x2000b8;
	[tilespmem:$0x1C880] =	vst v63  }
0x6ac: {  	s22 =	simm.s32 $0x12080;
	v8 =	vperm.xlane v8, v7  }
0x6ad: {  	[tilespmem:s22], [sflag:$0x2] =	stream.indirect_vreg.gather [hbm4b:s25+s3], $0x80, v9, vm1, $0x2000b8;
	[tilespmem:$0x1C880] =	vst v63  }
0x6ae: {  	s23 =	simm.s32 $0x12880;
	v8 =	vadd.s32 v6, v8  }
0x6af: {  	[tilespmem:s23], [sflag:$0x2] =	stream.indirect_vreg.gather [hbm4b:s26+s3], $0x80, v9, vm1, $0x2000b8;
	[tilespmem:$0x1C880] =	vst v63  }
0x6b0: {  	s30 =	simm.s32 $0x13080  }
0x6b1: {  	[tilespmem:s30], [sflag:$0x2] =	stream.indirect_vreg.gather [hbm4b:s28+s3], $0x80, v9, vm1, $0x2000b8;
	[tilespmem:$0x1C880] =	vst v63  }
0x6b2: {  	s6 =	simm.s32 $0x13880  }
0x6b3: {  	[tilespmem:s6], [sflag:$0x2] =	stream.indirect_vreg.gather [hbm4b:s1+s3], $0x80, v8, vm1, $0x2000b8;
	[tilespmem:$0x1C880] =	vst v63  }
0x6b4: {  	s9 =	simm.s32 $0x14080  }
0x6b5: {  	[tilespmem:s9], [sflag:$0x2] =	stream.indirect_vreg.gather [hbm4b:s13+s3], $0x80, v8, vm1, $0x2000b8;
	[tilespmem:$0x1C880] =	vst v63  }
0x6b6: {  	s10 =	simm.s32 $0x14880  }
0x6b7: {  	[tilespmem:s10], [sflag:$0x2] =	stream.indirect_vreg.gather [hbm4b:s24+s3], $0x80, v8, vm1, $0x2000b8;
	[tilespmem:$0x1C880] =	vst v63  }
0x6b8: {  	s11 =	simm.s32 $0x15080  }
0x6b9: {  	[tilespmem:s11], [sflag:$0x2] =	stream.indirect_vreg.gather [hbm4b:s25+s3], $0x80, v8, vm1, $0x2000b8;
	[tilespmem:$0x1C880] =	vst v63  }
0x6ba: {  	s17 =	simm.s32 $0x15880  }
0x6bb: {  	[tilespmem:s17], [sflag:$0x2] =	stream.indirect_vreg.gather [hbm4b:s26+s3], $0x80, v8, vm1, $0x2000b8;
	[tilespmem:$0x1C880] =	vst v63  }
0x6bc: {  	s18 =	simm.s32 $0x16080  }
0x6bd: {  	[tilespmem:s18], [sflag:$0x2] =	stream.indirect_vreg.gather [hbm4b:s28+s3], $0x80, v8, vm1, $0x2000b8;
	[tilespmem:$0x1C880] =	vst v63  }
0x6be: {  	v8 =	vld [tilespmem:$0x4370];
	_ =	sdelay $0x4  }
0x6bf: {  	v63 =	vshrl.u32 v8, $0x3  }
0x6c0: {  	v9 =	vmul.u32 $0x60, v63  }
0x6c1: {  	v8 =	vand.u32 $0x7, v8  }
0x6c2: {  	v8 =	vor.u32 v8, v9  }
0x6c3: {  	v9 =	vperm.xlane v8, v5;
	_ =	sdelay $0x1  }
0x6c4: {  	v9 =	vadd.s32 v6, v9;
	_ =	sdelay $0x3  }
0x6c5: {  	s20 =	simm.s32 $0x16880  }
0x6c6: {  	[tilespmem:s20], [sflag:$0x2] =	stream.indirect_vreg.gather [hbm4b:s1+s3], $0x80, v9, vm1, $0x2000b8;
	[tilespmem:$0x1C880] =	vst v63  }
0x6c7: {  	s21 =	simm.s32 $0x17080  }
0x6c8: {  	[tilespmem:s21], [sflag:$0x2] =	stream.indirect_vreg.gather [hbm4b:s13+s3], $0x80, v9, vm1, $0x2000b8;
	[tilespmem:$0x1C880] =	vst v63  }
0x6c9: {  	s22 =	simm.s32 $0x17880  }
0x6ca: {  	[tilespmem:s22], [sflag:$0x2] =	stream.indirect_vreg.gather [hbm4b:s24+s3], $0x80, v9, vm1, $0x2000b8;
	[tilespmem:$0x1C880] =	vst v63  }
0x6cb: {  	s23 =	simm.s32 $0x18080;
	v8 =	vperm.xlane v8, v7  }
0x6cc: {  	[tilespmem:s23], [sflag:$0x2] =	stream.indirect_vreg.gather [hbm4b:s25+s3], $0x80, v9, vm1, $0x2000b8;
	[tilespmem:$0x1C880] =	vst v63  }
0x6cd: {  	s30 =	simm.s32 $0x18880;
	v8 =	vadd.s32 v6, v8  }
0x6ce: {  	[tilespmem:s30], [sflag:$0x2] =	stream.indirect_vreg.gather [hbm4b:s26+s3], $0x80, v9, vm1, $0x2000b8;
	[tilespmem:$0x1C880] =	vst v63  }
0x6cf: {  	s6 =	simm.s32 $0x19080  }
0x6d0: {  	[tilespmem:s6], [sflag:$0x2] =	stream.indirect_vreg.gather [hbm4b:s28+s3], $0x80, v9, vm1, $0x2000b8;
	[tilespmem:$0x1C880] =	vst v63  }
0x6d1: {  	s9 =	simm.s32 $0x19880  }
0x6d2: {  	[tilespmem:s9], [sflag:$0x2] =	stream.indirect_vreg.gather [hbm4b:s1+s3], $0x80, v8, vm1, $0x2000b8;
	[tilespmem:$0x1C880] =	vst v63  }
0x6d3: {  	s10 =	simm.s32 $0x1A080  }
0x6d4: {  	[tilespmem:s10], [sflag:$0x2] =	stream.indirect_vreg.gather [hbm4b:s13+s3], $0x80, v8, vm1, $0x2000b8;
	[tilespmem:$0x1C880] =	vst v63  }
0x6d5: {  	s11 =	simm.s32 $0x1A880  }
0x6d6: {  	[tilespmem:s11], [sflag:$0x2] =	stream.indirect_vreg.gather [hbm4b:s24+s3], $0x80, v8, vm1, $0x2000b8;
	[tilespmem:$0x1C880] =	vst v63  }
0x6d7: {  	s17 =	simm.s32 $0x1B080  }
0x6d8: {  	[tilespmem:s17], [sflag:$0x2] =	stream.indirect_vreg.gather [hbm4b:s25+s3], $0x80, v8, vm1, $0x2000b8;
	[tilespmem:$0x1C880] =	vst v63  }
0x6d9: {  	s18 =	simm.s32 $0x1B880  }
0x6da: {  	[tilespmem:s18], [sflag:$0x2] =	stream.indirect_vreg.gather [hbm4b:s26+s3], $0x80, v8, vm1, $0x2000b8;
	[tilespmem:$0x1C880] =	vst v63  }
0x6db: {  	s20 =	simm.s32 $0x1C080  }
0x6dc: {  	[tilespmem:s20], [sflag:$0x2] =	stream.indirect_vreg.gather [hbm4b:s28+s3], $0x80, v8, vm1, $0x2000b8;
	[tilespmem:$0x1C880] =	vst v63  }
0x6dd: {  	_ =	swait.ge [sflag:s16], $0xC000  }
0x6de: {  	s21 =	sld [smem:$0x7FC]  }
0x6df: {  	[sflag:s16] =	ssyncset.done $0x0  }
0x6e0: {  	[sflag:s16] =	ssyncadd.s32 $0xFFFF4000  }
0x6e1: {  	[hbm4b:s21+s3] =	stream.linear.scatter [tilespmem:s15], [sflag:$0x3], $0xC000, $0x200038;
	[tilespmem:$0x1C880] =	vst v63  }
0x6e2: {  	_ =	swait.ge [sflag:s19], $0xC000  }
0x6e3: {  	s22 =	sld [smem:$0x7FD]  }
0x6e4: {  	[sflag:s19] =	ssyncset.done $0x0  }
0x6e5: {  	[sflag:s19] =	ssyncadd.s32 $0xFFFF4000  }
0x6e6: {  	[hbm4b:s22+s3] =	stream.linear.scatter [tilespmem:s5], [sflag:$0x4], $0xC000, $0x200038;
	[tilespmem:$0x1C880] =	vst v63  }
0x6e7: {  	_ =	swait.ge [sflag:s14], $0xC000  }
0x6e8: {  	[sflag:s14] =	ssyncset.done $0x0  }
0x6e9: {  	[sflag:s14] =	ssyncadd.s32 $0xFFFF4000  }
0x6ea: {  	_ =	swait.ge [sflag:s4], $0xC000  }
0x6eb: {  	s23 =	sld [smem:$0x7F6];
	_ =	sdelay $0x2  }
0x6ec: {  	s30 =	rddreg [dreg:$0x12];
	s5 =	sadd.s32 $0x1, s23  }
0x6ed: {  	p0 =	sne.s32 s5, s30  }
.Ltmp3:
0x6ee: {  	_ = 	snop;
	(pc) =	sbr.rel @p0 .LBB2_1-.Ltmp3, $4  }
0x6ef: {  	_ = 	snop  }
0x6f0: {  	[sflag:s4] =	ssyncset.done $0x0  }
0x6f1: {  	[sflag:s4] =	ssyncadd.s32 $0xFFFF4000  }
0x6f2: {  	s12 =	simm.s32 $0x5;
	_ =	strace $0x9000004B  }
0x6f3: {  	_ =	sfence.sel $0x180000  }
0x6f4: {  	[bflag:$0x0] =	sbarrier.arrive $0xFFFF  }
0x6f5: {  	_ =	strace $0x90000047  }
0x6f6: {  	s0 =	stileid.u32;
	[bflag:$0x2] =	sbarrier.arrive $0xFFFF  }
0x6f7: {  	p0 =	sne.s32 s0, $0x0;
	s0 =	rddreg [dreg:$0x3]  }
0x6f8: {  	s0 =	sadd.s32 @!p0 $0x100000, s0  }
0x6f9: {  	[sflag:s0] =	ssyncadd.tile.s32 @!p0 $0x1;
	_ =	shalt  }
.Lfunc_end2:
_tile_overlayer_lowered:
.L_overlay_start_2:
0x6fa: {  	(tag) =	ssettag $0x2  }
0x6fb: {  	s0 =	rddreg [dreg:$0x0];
	s2 =	stileid.u32  }
0x6fc: {  	s1 =	rddreg [dreg:$0x1];
	p0 =	sne.s32 s2, $0x0  }
0x6fd: {  	s3 =	rddreg [dreg:$0x2];
	[bflag:$0x3] =	sbarrier.arrive $0xFFFF;
	s2 =	simm.s32 @!p0 $0x1C05  }
0x6fe: {  	[timem:s3], [sflag:s2] =	dma.local @!p0 [hbm:s0], s1  }
0x6ff: {  	s0 =	simm.s32 @!p0 $0x5  }
0x700: {  	_ =	swait.ge @!p0 [sflag:s0], s1  }
0x701: {  	s1 =	ssub.s32 @!p0 $0x0, s1;
	[sflag:s0] =	ssyncset.done @!p0 $0x0  }
0x702: {  	[sflag:s0] =	ssyncadd.s32 @!p0 s1  }
0x703: {  	[bflag:$0x3] =	sbarrier.arrive $0xFFFF  }
0x704: {  	_ =	shalt  }

// kernel: kernel.9.cloned.1.call-start
scs
__scs_entry_jumppad:
0x0: {  	(pc) =	sbr.rel $0x88, $3  }
0x1: {  	(tag) =	ssettag $0x0;
	lr =	simm.s32 $0x1  }
0x2: {  	[smem:$0x3F9A] =	sst lr;
	_ =	strace $0xD0000000  }
0x3: {  	_ = 	snop  }
0x4: {  	_ = 	snop  }
0x5: {  	_ = 	snop  }
0x6: {  	_ = 	snop  }
0x7: {  	_ = 	snop  }
__scs_overlays_trampoline_lowered:
0x8: {  	[smem:$0x3FA9] =	sst s0  }
0x9: {  	[smem:$0x3FAA] =	sst s1  }
0xa: {  	[smem:$0x3FAB] =	sst s2  }
0xb: {  	[smem:$0x3FAC] =	sst s3  }
0xc: {  	[smem:$0x3FAD] =	sst s4  }
0xd: {  	[smem:$0x3FAE] =	sst s5  }
0xe: {  	[smem:$0x3FAF] =	sst s6  }
0xf: {  	[smem:$0x3FB0] =	sst s7  }
0x10: {  	[smem:$0x3FB1] =	sst s8  }
0x11: {  	[smem:$0x3FB2] =	sst s9;
	s0 =	simm.s32 @!p0 $0x0  }
0x12: {  	s1 =	sld [smem:$0x3F98];
	s0 =	simm.s32 @p0 $0x1  }
0x13: {  	[smem:$0x3FB3] =	sst s0;
	s0 =	simm.s32 @!p1 $0x0  }
0x14: {  	s2 =	sld [smem:$0x3F97];
	s0 =	simm.s32 @p1 $0x1  }
0x15: {  	[smem:$0x3FB4] =	sst s0;
	s0 =	simm.s32 @!p2 $0x0  }
0x16: {  	s3 =	sld [smem:$0x3FDB];
	s0 =	simm.s32 @p2 $0x1  }
0x17: {  	s4 =	simm.s32 $0x1BF5;
	[smem:$0x3FB6] =	sst s0  }
0x18: {  	s0 =	sld [smem:$0x3F99];
	_ =	swait.ge [sflag:s4], $0x0  }
0x19: {  	s7 =	sld [smem:$0x3F9A]  }
0x1a: {  	s8 =	sadd.s32 $0xFFFFE003, lr  }
0x1b: {  	s9 =	sadd.s32 $0xFFFFFEF7, lr;
	s5 =	simm.s32 $0xFFFFFFFF;
	p2 =	slt.u32 s8, $0xFFFFF086  }
0x1c: {  	p1 =	slt.u32 s9, $0xF7A;
	s5 =	simm.s32 @!p2 $0x0  }
0x1d: {  	s5 =	simm.s32 @p1 $0x1;
	p0 =	seq.s32 s7, s2  }
0x1e: {  	s7 =	smul.u32 @!p0 $0xF7A, s2;
	p2 =	seq.s32 @!p0 s5, $0x0  }
0x1f: {  	s9 =	smul.u32 $0xF7A, s1;
	s8 =	simm.s32 @!p0 $0x1BF5;
	p2 =	por !p2, p0  }
0x20: {  	[sflag:s8] =	ssyncset.s32 @!p0 $0xFFFFF086;
	s6 =	sadd.s32 @!p0 s3, s7;
	s7 =	simm.s32 @!p0 $0x108  }
0x21: {  	s3 =	sadd.s32 s3, s9;
	s6 =	sadd.s32 @!p0 $0x88, s6;
	s7 =	simm.s32 @p2 $0x1082  }
0x22: {  	[simem:s7], [sflag:s8] =	dma.local @!p0 [hbm:s6], $0xF7A  }
0x23: {  	s9 =	sor.u32 $0xD0000000, s2;
	s6 =	simm.s32 $0x108;
	_ =	swait.ge @!p0 [sflag:s8], $0x0  }
0x24: {  	s3 =	sadd.s32 $0x88, s3;
	s6 =	simm.s32 @!p1 $0x1082;
	[sflag:s4] =	ssyncset.s32 $0xFFFFF086  }
0x25: {  	[simem:s6], [sflag:s4] =	dma.local [hbm:s3], $0xF7A  }
0x26: {  	[smem:$0x3F9A] =	sst s1;
	(tag) =	ssettag s2;
	_ =	strace s9  }
0x27: {  	s1 =	sld [smem:$0x3FAA]  }
0x28: {  	s2 =	sld [smem:$0x3FAB]  }
0x29: {  	s4 =	sld [smem:$0x3FAD]  }
0x2a: {  	p0 =	seq.s32 s5, $0x0;
	s5 =	sld [smem:$0x3FAE]  }
0x2b: {  	s6 =	sld [smem:$0x3FAF]  }
0x2c: {  	s7 =	sld [smem:$0x3FB0]  }
0x2d: {  	s3 =	simm.s32 $0x108;
	s8 =	sld [smem:$0x3FB1]  }
0x2e: {  	s3 =	simm.s32 @!p0 $0x1082;
	s9 =	sld [smem:$0x3FB2]  }
0x2f: {  	lr =	sadd.s32 s0, s3;
	s0 =	sld [smem:$0x3FA9]  }
0x30: {  	s3 =	sld [smem:$0x3FAC]  }
0x31: {  	[smem:$0x3FB5] =	sst s10  }
0x32: {  	s10 =	sld [smem:$0x3FB3];
	_ =	sdelay $0x3  }
0x33: {  	p0 =	seq.s32 s10, $0x1;
	s10 =	sld [smem:$0x3FB5];
	_ =	sdelay $0x3  }
0x34: {  	[smem:$0x3FB5] =	sst s10  }
0x35: {  	s10 =	sld [smem:$0x3FB4];
	_ =	sdelay $0x3  }
0x36: {  	p1 =	seq.s32 s10, $0x1;
	s10 =	sld [smem:$0x3FB5];
	_ =	sdelay $0x3  }
0x37: {  	[smem:$0x3FB5] =	sst s10  }
0x38: {  	s10 =	sld [smem:$0x3FB6]  }
0x39: {  	_ = 	snop;
	(pc) =	sbr.ind lr, $3  }
0x3a: {  	_ = 	snop  }
0x3b: {  	_ = 	snop  }
0x3c: {  	p2 =	seq.s32 s10, $0x1;
	s10 =	sld [smem:$0x3FB5]  }
0x3d: {  	_ =	shalt  }
0x3e: {  	_ =	shalt  }
0x3f: {  	_ =	shalt  }
0x40: {  	_ =	shalt  }
0x41: {  	_ =	shalt  }
0x42: {  	_ =	shalt  }
0x43: {  	_ =	shalt  }
0x44: {  	_ =	shalt  }
0x45: {  	_ =	shalt  }
0x46: {  	_ =	shalt  }
0x47: {  	_ =	shalt  }
0x48: {  	_ =	shalt  }
0x49: {  	_ =	shalt  }
0x4a: {  	_ =	shalt  }
0x4b: {  	_ =	shalt  }
0x4c: {  	_ =	shalt  }
0x4d: {  	_ =	shalt  }
0x4e: {  	_ =	shalt  }
0x4f: {  	_ =	shalt  }
0x50: {  	_ =	shalt  }
0x51: {  	_ =	shalt  }
0x52: {  	_ =	shalt  }
0x53: {  	_ =	shalt  }
0x54: {  	_ =	shalt  }
0x55: {  	_ =	shalt  }
0x56: {  	_ =	shalt  }
0x57: {  	_ =	shalt  }
0x58: {  	_ =	shalt  }
0x59: {  	_ =	shalt  }
0x5a: {  	_ =	shalt  }
0x5b: {  	_ =	shalt  }
0x5c: {  	_ =	shalt  }
0x5d: {  	_ =	shalt  }
0x5e: {  	_ =	shalt  }
0x5f: {  	_ =	shalt  }
0x60: {  	_ =	shalt  }
0x61: {  	_ =	shalt  }
0x62: {  	_ =	shalt  }
0x63: {  	_ =	shalt  }
0x64: {  	_ =	shalt  }
0x65: {  	_ =	shalt  }
0x66: {  	_ =	shalt  }
0x67: {  	_ =	shalt  }
0x68: {  	_ =	shalt  }
0x69: {  	_ =	shalt  }
0x6a: {  	_ =	shalt  }
0x6b: {  	_ =	shalt  }
0x6c: {  	_ =	shalt  }
0x6d: {  	_ =	shalt  }
0x6e: {  	_ =	shalt  }
0x6f: {  	_ =	shalt  }
0x70: {  	_ =	shalt  }
0x71: {  	_ =	shalt  }
0x72: {  	_ =	shalt  }
0x73: {  	_ =	shalt  }
0x74: {  	_ =	shalt  }
0x75: {  	_ =	shalt  }
0x76: {  	_ =	shalt  }
0x77: {  	_ =	shalt  }
0x78: {  	_ =	shalt  }
0x79: {  	_ =	shalt  }
0x7a: {  	_ =	shalt  }
0x7b: {  	_ =	shalt  }
0x7c: {  	_ =	shalt  }
0x7d: {  	_ =	shalt  }
0x7e: {  	_ =	shalt  }
0x7f: {  	_ =	shalt  }
0x80: {  	_ =	shalt  }
0x81: {  	_ =	shalt  }
0x82: {  	_ =	shalt  }
0x83: {  	_ =	shalt  }
0x84: {  	_ =	shalt  }
0x85: {  	_ =	shalt  }
0x86: {  	_ =	shalt  }
0x87: {  	_ =	shalt  }
.Lfunc_end0:
.L_simem_size_0:
called_computation.1_lowered:
.L_overlay_start_0:
0x88: {  	s2 =	sld [smem:$0x3FD9]  }
0x89: {  	s3 =	sld [smem:$0x3FFE];
	_ =	sdelay $0x1  }
0x8a: {  	s1 =	srdreg.scid  }
0x8b: {  	s0 =	sand.u32 $0x1, s1  }
0x8c: {  	s16 =	sshll.u32 s0, $0xA;
	s2 =	sadd.s32 s3, s2  }
0x8d: {  	s2 =	sadd.s32 s2, s16  }
0x8e: {  	[smem:$0x3FC1] =	sst s2  }
0x8f: {  	_ = 	snop  }
0x90: {  	(tm) =	ssettm $0x1  }
0x91: {  	s17 =	sld [smem:$0x3FFB];
	_ =	sdelay $0x3  }
0x92: {  	_ =	strace s17  }
0x93: {  	s2 =	sld [smem:$0x3FFC];
	_ =	sdelay $0x3  }
0x94: {  	_ =	strace s2  }
0x95: {  	s2 =	sld [smem:$0x3FFD];
	_ =	sdelay $0x3  }
0x96: {  	_ =	strace s2  }
0x97: {  	_ =	strace $0x8FFFFFFF  }
0x98: {  	s18 =	sld [smem:$0x3FDB];
	_ =	sdelay $0x1  }
0x99: {  	s19 =	simm.s32 $_scs_section_size  }
0x9a: {  	s4 =	simm.s32 $_size__tile_overlayer_lowered;
	s5 =	simm.s32 $_tile_overlayer_lowered  }
0x9b: {  	s22 =	simm.s32 $0x1BFF;
	s21 =	sshll.u32 s5, $0x1;
	s2 =	sadd.s32 s19, s18  }
0x9c: {  	s6 =	simm.s32 $0x0;
	s20 =	sshll.u32 s4, $0x1;
	s4 =	sadd.s32 s21, s2  }
0x9d: {  	[timem:s6], [sflag:s22] =	dma.local [hbm:s4], s20  }
0x9e: {  	_ =	swait.ge [sflag:s22], s20  }
0x9f: {  	s3 =	ssub.s32 $0x0, s20;
	[sflag:s22] =	ssyncset.done $0x0  }
0xa0: {  	[sflag:s22] =	ssyncadd.s32 s3;
	_ =	sdelay $0x1  }
0xa1: {  	s23 =	simm.s32 $0x1B8B  }
0xa2: {  	_ =	swait.ge [sflag:s23], $0x1  }
0xa3: {  	[sflag:s23] =	ssyncset.done $0x0  }
0xa4: {  	s25 =	simm.s32 $0x1B8E;
	s24 =	sld [smem:$0x3FFE];
	[sflag:s23] =	ssyncadd.s32 $0xFFFFFFFF  }
0xa5: {  	s26 =	simm.s32 $execute0_lowered;
	[smem:$0x3FD2] =	sst s25  }
0xa6: {  	s4 =	sshll.u32 s26, $0x1;
	_ =	strace $0x8000004D;
	[dreg:$0x1] =	wrdreg $0xFFFFFFFF  }
0xa7: {  	s28 =	simm.s32 $_size_execute0_lowered;
	s2 =	sadd.s32 s2, s4;
	[dreg:$0x0] =	wrdreg $0x0  }
0xa8: {  	s4 =	sshll.u32 s28, $0x1;
	[dreg:$0x2] =	wrdreg s2  }
0xa9: {  	[dreg:$0x3] =	wrdreg s4  }
0xaa: {  	[dreg:$0x4] =	wrdreg $0xC0  }
0xab: {  	_ =	task [dreg:s6], $0x5FFFF  }
0xac: {  	[dreg:$0x1] =	wrdreg $0xFFFFFFFF  }
0xad: {  	[dreg:$0x0] =	wrdreg $0x60  }
0xae: {  	[dreg:$0x2] =	wrdreg s24  }
0xaf: {  	[dreg:$0x3] =	wrdreg $0x9  }
0xb0: {  	_ =	task.clear_ibuf [dreg:s6], $0x4FFFF;
	_ =	strace $0x9000004D  }
0xb1: {  	s29 =	simm.s32 $0x9;
	_ =	strace $0x8000004F  }
0xb2: {  	_ =	swait.ge [sflag:s29], $0x1  }
0xb3: {  	[sflag:s29] =	ssyncadd.s32 $0xFFFFFFFF  }
0xb4: {  	_ =	strace $0x9000004F  }
0xb5: {  	_ =	sfence  }
0xb6: {  	s30 =	sld [smem:$0x0];
	_ =	sdelay $0x2  }
0xb7: {  	s31 =	sshll.u32 s1, $0xD;
	s1 =	sshrl.u32 s1, $0x2  }
0xb8: {  	s3 =	sand.u32 $0x4000, s31;
	s1 =	sadd.s32 s1, s30  }
0xb9: {  	s0 =	sor.u32 s3, s0;
	s1 =	sshll.u32 s1, $0x11  }
0xba: {  	s0 =	sor.u32 s1, s0  }
0xbb: {  	s0 =	sadd.s32 $0x8F2B, s0  }
0xbc: {  	[sflag:s0] =	ssyncadd.remote.s32 $0x1  }
0xbd: {  	_ =	sfence.sel $0xFFFF  }
0xbe: {  	[dreg:$0x0] =	wrdreg $0xFFFFFFFF;
	(pc) =	sbr.abs _section_cstart, $3  }
0xbf: {  	[dreg:$0x1] =	wrdreg $0xFFFFFFFF  }
0xc0: {  	_ =	task.clear_ibuf [dreg:s6], $0x2FFFF;
	_ =	strace $0x9FFFFFFF  }
0xc1: {  	(tm) =	ssettm $0x7FFFFFFF  }
tec
execute0_lowered:
.L_overlay_start_1:
0x0: {  	(tag) =	ssettag $0x1  }
0x1: {  	s0 =	rddreg [dreg:$0x0];
	s2 =	simm.s32 $0x0  }
0x2: {  	s1 =	srdreg.scid;
	s3 =	stileid.u32;
	s7 =	simm.s32 $0x2  }
0x3: {  	s9 =	simm.s32 $0xA00;
	s10 =	simm.s32 $0x1200;
	s11 =	simm.s32 $0x1A00  }
0x4: {  	s12 =	simm.s32 $0x2200;
	s13 =	simm.s32 $0x2A00;
	s14 =	simm.s32 $0x3200  }
0x5: {  	s15 =	simm.s32 $0x3A00;
	s16 =	simm.s32 $0x4200;
	s17 =	simm.s32 $0x4A00  }
0x6: {  	s18 =	simm.s32 $0x5200;
	s19 =	simm.s32 $0x5A00;
	s20 =	simm.s32 $0x6200  }
0x7: {  	s21 =	simm.s32 $0x6A00;
	s1 =	sand.u32 $0x1, s1;
	s4 =	sshll.u32 s3, $0x1  }
0x8: {  	s22 =	simm.s32 $0x7200;
	[smem:$0x7FF] =	sst s2;
	s4 =	sor.u32 s1, s4  }
0x9: {  	s3 =	sadd.s32 $0x602600, s0;
	_ =	strace $0x8000004E;
	s5 =	sshll.u32 s4, $0x6  }
0xa: {  	s1 =	ssub.s32 $0x2, s1;
	s4 =	sshll.u32 s4, $0xB;
	s5 =	sadd.s32 s5, s0  }
0xb: {  	s29 =	sshrl.u32 s1, $0x1;
	s0 =	sadd.s32 s4, s0;
	s30 =	sadd.s32 $0x481A00, s5  }
0xc: {  	v2 =	vlaneseq.u32;
	s1 =	ssub.s32 s1, s29;
	s0 =	sadd.s32 $0x482200, s0;
	[dreg:$0x2] =	wrdreg s30  }
0xd: {  	s23 =	simm.s32 $0x7A00;
	vm0 =	vmmov $0xffff;
	v1 =	vshrl.u32 v2, $0x3;
	s31 =	smax.u32 s1, $0x1;
	[dreg:$0x3] =	wrdreg s0  }
0xe: {  	s24 =	simm.s32 $0x1;
	s26 =	simm.s32 $0x0;
	v0 =	vand.u32 $0x7, v2;
	v2 =	vor.u32 $0x8, v2;
	v1 =	vmul.u32 $0x8, v1;
	[dreg:$0x4] =	wrdreg s31  }
.LBB2_1:
0xf: {  	s0 =	rddreg [dreg:$0x2]  }
0x10: {  	[tilespmem:s2], [sflag:$0x2] =	stream.linear.gather [hbm4b:s0+s2], $0x200, $0x38;
	[tilespmem:$0xC200] =	vst v63  }
0x11: {  	_ =	swait.ge [sflag:s7], $0x200  }
0x12: {  	[sflag:s7] =	ssyncset.done $0x0  }
0x13: {  	[sflag:s7] =	ssyncadd.s32 $0xFFFFFE00  }
0x14: {  	v3 =	vld [tilespmem:$0x0];
	_ =	sdelay $0x4  }
0x15: {  	v4 =	vshll.u32 v3, $0x1  }
0x16: {  	v3 =	vand.u32 $0x7, v3;
	v4 =	vand.u32 $0xFFFFFFF0, v4  }
0x17: {  	v3 =	vor.u32 v3, v4  }
0x18: {  	v4 =	vperm.xlane v3, v0;
	_ =	sdelay $0x1  }
0x19: {  	v3 =	vperm.xlane v3, v2;
	v4 =	vadd.s32 v1, v4;
	_ =	sdelay $0x1  }
0x1a: {  	v3 =	vadd.s32 v1, v3;
	_ =	sdelay $0x1  }
0x1b: {  	s31 =	simm.s32 $0x200  }
0x1c: {  	[tilespmem:s31], [sflag:$0x1] =	stream.indirect_vreg.gather [hbm4b:s3+s2], $0x80, v4, vm0, $0xb8;
	[tilespmem:$0xC200] =	vst v63  }
0x1d: {  	_ = 	snop  }
0x1e: {  	[tilespmem:s9], [sflag:$0x1] =	stream.indirect_vreg.gather [hbm4b:s3+s2], $0x80, v3, vm0, $0xb8;
	[tilespmem:$0xC200] =	vst v63  }
0x1f: {  	v3 =	vld [tilespmem:$0x10];
	_ =	sdelay $0x4  }
0x20: {  	v57 =	vshll.u32 v3, $0x1  }
0x21: {  	v3 =	vand.u32 $0x7, v3;
	v4 =	vand.u32 $0xFFFFFFF0, v57  }
0x22: {  	v3 =	vor.u32 v3, v4  }
0x23: {  	v4 =	vperm.xlane v3, v0;
	_ =	sdelay $0x1  }
0x24: {  	v3 =	vperm.xlane v3, v2;
	v4 =	vadd.s32 v1, v4;
	_ =	sdelay $0x1  }
0x25: {  	v3 =	vadd.s32 v1, v3;
	_ =	sdelay $0x2  }
0x26: {  	[tilespmem:s10], [sflag:$0x1] =	stream.indirect_vreg.gather [hbm4b:s3+s2], $0x80, v4, vm0, $0xb8;
	[tilespmem:$0xC200] =	vst v63  }
0x27: {  	_ = 	snop  }
0x28: {  	[tilespmem:s11], [sflag:$0x1] =	stream.indirect_vreg.gather [hbm4b:s3+s2], $0x80, v3, vm0, $0xb8;
	[tilespmem:$0xC200] =	vst v63  }
0x29: {  	v3 =	vld [tilespmem:$0x20];
	_ =	sdelay $0x4  }
0x2a: {  	v58 =	vshll.u32 v3, $0x1  }
0x2b: {  	v3 =	vand.u32 $0x7, v3;
	v4 =	vand.u32 $0xFFFFFFF0, v58  }
0x2c: {  	v3 =	vor.u32 v3, v4  }
0x2d: {  	v4 =	vperm.xlane v3, v0;
	_ =	sdelay $0x1  }
0x2e: {  	v3 =	vperm.xlane v3, v2;
	v4 =	vadd.s32 v1, v4;
	_ =	sdelay $0x1  }
0x2f: {  	v3 =	vadd.s32 v1, v3;
	_ =	sdelay $0x2  }
0x30: {  	[tilespmem:s12], [sflag:$0x1] =	stream.indirect_vreg.gather [hbm4b:s3+s2], $0x80, v4, vm0, $0xb8;
	[tilespmem:$0xC200] =	vst v63  }
0x31: {  	_ = 	snop  }
0x32: {  	[tilespmem:s13], [sflag:$0x1] =	stream.indirect_vreg.gather [hbm4b:s3+s2], $0x80, v3, vm0, $0xb8;
	[tilespmem:$0xC200] =	vst v63  }
0x33: {  	v3 =	vld [tilespmem:$0x30];
	_ =	sdelay $0x4  }
0x34: {  	v59 =	vshll.u32 v3, $0x1  }
0x35: {  	v3 =	vand.u32 $0x7, v3;
	v4 =	vand.u32 $0xFFFFFFF0, v59  }
0x36: {  	v3 =	vor.u32 v3, v4  }
0x37: {  	v4 =	vperm.xlane v3, v0;
	_ =	sdelay $0x1  }
0x38: {  	v3 =	vperm.xlane v3, v2;
	v4 =	vadd.s32 v1, v4;
	_ =	sdelay $0x1  }
0x39: {  	v3 =	vadd.s32 v1, v3;
	_ =	sdelay $0x2  }
0x3a: {  	[tilespmem:s14], [sflag:$0x1] =	stream.indirect_vreg.gather [hbm4b:s3+s2], $0x80, v4, vm0, $0xb8;
	[tilespmem:$0xC200] =	vst v63  }
0x3b: {  	_ = 	snop  }
0x3c: {  	[tilespmem:s15], [sflag:$0x1] =	stream.indirect_vreg.gather [hbm4b:s3+s2], $0x80, v3, vm0, $0xb8;
	[tilespmem:$0xC200] =	vst v63  }
0x3d: {  	v3 =	vld [tilespmem:$0x40];
	_ =	sdelay $0x4  }
0x3e: {  	v60 =	vshll.u32 v3, $0x1  }
0x3f: {  	v3 =	vand.u32 $0x7, v3;
	v4 =	vand.u32 $0xFFFFFFF0, v60  }
0x40: {  	v3 =	vor.u32 v3, v4  }
0x41: {  	v4 =	vperm.xlane v3, v0;
	_ =	sdelay $0x1  }
0x42: {  	v3 =	vperm.xlane v3, v2;
	v4 =	vadd.s32 v1, v4;
	_ =	sdelay $0x1  }
0x43: {  	v3 =	vadd.s32 v1, v3;
	_ =	sdelay $0x2  }
0x44: {  	[tilespmem:s16], [sflag:$0x1] =	stream.indirect_vreg.gather [hbm4b:s3+s2], $0x80, v4, vm0, $0xb8;
	[tilespmem:$0xC200] =	vst v63  }
0x45: {  	_ = 	snop  }
0x46: {  	[tilespmem:s17], [sflag:$0x1] =	stream.indirect_vreg.gather [hbm4b:s3+s2], $0x80, v3, vm0, $0xb8;
	[tilespmem:$0xC200] =	vst v63  }
0x47: {  	v3 =	vld [tilespmem:$0x50];
	_ =	sdelay $0x4  }
0x48: {  	v61 =	vshll.u32 v3, $0x1  }
0x49: {  	v3 =	vand.u32 $0x7, v3;
	v4 =	vand.u32 $0xFFFFFFF0, v61  }
0x4a: {  	v3 =	vor.u32 v3, v4  }
0x4b: {  	v4 =	vperm.xlane v3, v0;
	_ =	sdelay $0x1  }
0x4c: {  	v3 =	vperm.xlane v3, v2;
	v4 =	vadd.s32 v1, v4;
	_ =	sdelay $0x1  }
0x4d: {  	v3 =	vadd.s32 v1, v3;
	_ =	sdelay $0x2  }
0x4e: {  	[tilespmem:s18], [sflag:$0x1] =	stream.indirect_vreg.gather [hbm4b:s3+s2], $0x80, v4, vm0, $0xb8;
	[tilespmem:$0xC200] =	vst v63  }
0x4f: {  	_ = 	snop  }
0x50: {  	[tilespmem:s19], [sflag:$0x1] =	stream.indirect_vreg.gather [hbm4b:s3+s2], $0x80, v3, vm0, $0xb8;
	[tilespmem:$0xC200] =	vst v63  }
0x51: {  	v3 =	vld [tilespmem:$0x60];
	_ =	sdelay $0x4  }
0x52: {  	v62 =	vshll.u32 v3, $0x1  }
0x53: {  	v3 =	vand.u32 $0x7, v3;
	v4 =	vand.u32 $0xFFFFFFF0, v62  }
0x54: {  	v3 =	vor.u32 v3, v4  }
0x55: {  	v4 =	vperm.xlane v3, v0;
	_ =	sdelay $0x1  }
0x56: {  	v3 =	vperm.xlane v3, v2;
	v4 =	vadd.s32 v1, v4;
	_ =	sdelay $0x1  }
0x57: {  	v3 =	vadd.s32 v1, v3;
	_ =	sdelay $0x2  }
0x58: {  	[tilespmem:s20], [sflag:$0x1] =	stream.indirect_vreg.gather [hbm4b:s3+s2], $0x80, v4, vm0, $0xb8;
	[tilespmem:$0xC200] =	vst v63  }
0x59: {  	_ = 	snop  }
0x5a: {  	[tilespmem:s21], [sflag:$0x1] =	stream.indirect_vreg.gather [hbm4b:s3+s2], $0x80, v3, vm0, $0xb8;
	[tilespmem:$0xC200] =	vst v63  }
0x5b: {  	v3 =	vld [tilespmem:$0x70];
	_ =	sdelay $0x4  }
0x5c: {  	v63 =	vshll.u32 v3, $0x1  }
0x5d: {  	v3 =	vand.u32 $0x7, v3;
	v4 =	vand.u32 $0xFFFFFFF0, v63  }
0x5e: {  	v3 =	vor.u32 v3, v4  }
0x5f: {  	v4 =	vperm.xlane v3, v0;
	_ =	sdelay $0x1  }
0x60: {  	v3 =	vperm.xlane v3, v2;
	v4 =	vadd.s32 v1, v4;
	_ =	sdelay $0x1  }
0x61: {  	v3 =	vadd.s32 v1, v3;
	_ =	sdelay $0x2  }
0x62: {  	[tilespmem:s22], [sflag:$0x1] =	stream.indirect_vreg.gather [hbm4b:s3+s2], $0x80, v4, vm0, $0xb8;
	[tilespmem:$0xC200] =	vst v63  }
0x63: {  	_ = 	snop  }
0x64: {  	[tilespmem:s23], [sflag:$0x1] =	stream.indirect_vreg.gather [hbm4b:s3+s2], $0x80, v3, vm0, $0xb8;
	[tilespmem:$0xC200] =	vst v63  }
0x65: {  	_ =	swait.ge [sflag:s24], $0x8000  }
0x66: {  	[sflag:s24] =	ssyncset.done $0x0  }
0x67: {  	s28 =	simm.s32 $0x0;
	[sflag:s24] =	ssyncadd.s32 $0xFFFF8000  }
.LBB2_2:
0x68: {  	s0 =	sshll.u32 s28, $0xB  }
0x69: {  	s1 =	simm.s32 $0x0;
	s0 =	sand.u32 $0x3FFFF800, s0  }
0x6a: {  	s4 =	sand.u32 $0x400, s1;
	s29 =	sor.u32 $0x200, s0  }
0x6b: {  	s5 =	sand.u32 $0x70, s1;
	s0 =	sadd.s32 s4, s29  }
0x6c: {  	s0 =	sadd.s32 s5, s0  }
0x6d: {  	v3 =	vld [tilespmem:s0+$0x80]  }
0x6e: {  	v4 =	vld [tilespmem:s0+$0x0];
	_ =	sdelay $0x1  }
0x6f: {  	v5 =	vld [tilespmem:s0+$0x100];
	_ =	sdelay $0x1  }
0x70: {  	v6 =	vld [tilespmem:s0+$0x180]  }
0x71: {  	v3 =	vadd.f32 v3, v4  }
0x72: {  	v4 =	vld [tilespmem:s0+$0x200]  }
0x73: {  	v3 =	vadd.f32 v5, v3  }
0x74: {  	v5 =	vld [tilespmem:s0+$0x280]  }
0x75: {  	v3 =	vadd.f32 v6, v3  }
0x76: {  	v63 =	vld [tilespmem:s0+$0x300]  }
0x77: {  	v3 =	vadd.f32 v4, v3  }
0x78: {  	v4 =	vld [tilespmem:s0+$0x380]  }
0x79: {  	s25 =	sshll.u32 s28, $0x8;
	s6 =	sshll.u32 s28, $0x7;
	v3 =	vadd.f32 v5, v3  }
0x7a: {  	s8 =	sand.u32 $0x800, s25;
	s25 =	sand.u32 $0x380, s6  }
0x7b: {  	s0 =	sor.u32 s25, s8;
	v3 =	vadd.f32 v63, v3  }
0x7c: {  	s6 =	simm.s32 $0x10;
	s30 =	sadd.s32 $0x8200, s0;
	s0 =	simm.s32 $0x80  }
0x7d: {  	s1 =	simm.s32 $0x20;
	s31 =	sand.u32 $0x400, s0;
	s8 =	sadd.s32 s4, s30;
	v3 =	vadd.f32 v4, v3  }
0x7e: {  	s25 =	sand.u32 $0x70, s6;
	s4 =	sadd.s32 s31, s29;
	s5 =	sadd.s32 s5, s8  }
.LBB2_3:
0x7f: {  	p0 =	sne.s32 s1, $0xB0;
	s4 =	sadd.s32 s25, s4;
	[tilespmem:s5+$0x0] =	vst v3;
	s5 =	smov.u32 s25  }
0x80: {  	v3 =	vld [tilespmem:s4+$0x80]  }
0x81: {  	v4 =	vld [tilespmem:s4+$0x0];
	_ =	sdelay $0x1  }
0x82: {  	v5 =	vld [tilespmem:s4+$0x100];
	_ =	sdelay $0x1  }
0x83: {  	v6 =	vld [tilespmem:s4+$0x180]  }
0x84: {  	v3 =	vadd.f32 v3, v4  }
0x85: {  	v4 =	vld [tilespmem:s4+$0x200]  }
0x86: {  	v3 =	vadd.f32 v5, v3  }
0x87: {  	v5 =	vld [tilespmem:s4+$0x280]  }
0x88: {  	v3 =	vadd.f32 v6, v3  }
0x89: {  	v6 =	vld [tilespmem:s4+$0x300]  }
0x8a: {  	v3 =	vadd.f32 v4, v3  }
0x8b: {  	v4 =	vld [tilespmem:s4+$0x380]  }
0x8c: {  	v3 =	vadd.f32 v5, v3  }
.Ltmp0:
0x8d: {  	(pc) =	sbr.rel @p0 .LBB2_3-.Ltmp0, $4  }
0x8e: {  	v3 =	vadd.f32 v6, v3  }
0x8f: {  	s0 =	sadd.s32 $0x80, s0  }
0x90: {  	s25 =	sand.u32 $0x70, s1;
	s6 =	sadd.s32 s31, s30;
	s31 =	sand.u32 $0x400, s0;
	v3 =	vadd.f32 v4, v3  }
0x91: {  	s1 =	sadd.s32 $0x10, s1;
	s5 =	sadd.s32 s5, s6;
	s4 =	sadd.s32 s31, s29  }
0x92: {  	s0 =	sadd.s32 s25, s4;
	[tilespmem:s5+$0x0] =	vst v3  }
0x93: {  	v3 =	vld [tilespmem:s0+$0x80]  }
0x94: {  	v4 =	vld [tilespmem:s0+$0x0];
	_ =	sdelay $0x1  }
0x95: {  	v5 =	vld [tilespmem:s0+$0x100];
	_ =	sdelay $0x1  }
0x96: {  	v6 =	vld [tilespmem:s0+$0x180]  }
0x97: {  	v3 =	vadd.f32 v3, v4  }
0x98: {  	v60 =	vld [tilespmem:s0+$0x200]  }
0x99: {  	v3 =	vadd.f32 v5, v3  }
0x9a: {  	v61 =	vld [tilespmem:s0+$0x280]  }
0x9b: {  	v3 =	vadd.f32 v6, v3  }
0x9c: {  	v62 =	vld [tilespmem:s0+$0x300]  }
0x9d: {  	v3 =	vadd.f32 v60, v3  }
0x9e: {  	v63 =	vld [tilespmem:s0+$0x380]  }
0x9f: {  	s28 =	sadd.s32 $0x1, s28;
	v3 =	vadd.f32 v61, v3  }
0xa0: {  	p0 =	sne.s32 s28, $0x10  }
.Ltmp1:
0xa1: {  	v3 =	vadd.f32 v62, v3;
	(pc) =	sbr.rel @p0 .LBB2_2-.Ltmp1, $4  }
0xa2: {  	_ = 	snop  }
0xa3: {  	s31 =	sadd.s32 s31, s30;
	v3 =	vadd.f32 v63, v3  }
0xa4: {  	s0 =	sadd.s32 s25, s31  }
0xa5: {  	[tilespmem:s0+$0x0] =	vst v3  }
0xa6: {  	v3 =	vld [tilespmem:$0x80];
	_ =	sdelay $0x4  }
0xa7: {  	v4 =	vshll.u32 v3, $0x1  }
0xa8: {  	v3 =	vand.u32 $0x7, v3;
	v4 =	vand.u32 $0xFFFFFFF0, v4  }
0xa9: {  	v3 =	vor.u32 v3, v4  }
0xaa: {  	v4 =	vperm.xlane v3, v0;
	_ =	sdelay $0x1  }
0xab: {  	v3 =	vperm.xlane v3, v2;
	v4 =	vadd.s32 v1, v4;
	_ =	sdelay $0x1  }
0xac: {  	v3 =	vadd.s32 v1, v3;
	_ =	sdelay $0x1  }
0xad: {  	s28 =	simm.s32 $0x0;
	s0 =	simm.s32 $0x200  }
0xae: {  	[tilespmem:s0], [sflag:$0x1] =	stream.indirect_vreg.gather [hbm4b:s3+s28], $0x80, v4, vm0, $0xb8;
	[tilespmem:$0xC200] =	vst v63  }
0xaf: {  	_ = 	snop  }
0xb0: {  	[tilespmem:s9], [sflag:$0x1] =	stream.indirect_vreg.gather [hbm4b:s3+s28], $0x80, v3, vm0, $0xb8;
	[tilespmem:$0xC200] =	vst v63  }
0xb1: {  	v3 =	vld [tilespmem:$0x90];
	_ =	sdelay $0x4  }
0xb2: {  	v57 =	vshll.u32 v3, $0x1  }
0xb3: {  	v3 =	vand.u32 $0x7, v3;
	v4 =	vand.u32 $0xFFFFFFF0, v57  }
0xb4: {  	v3 =	vor.u32 v3, v4  }
0xb5: {  	v4 =	vperm.xlane v3, v0;
	_ =	sdelay $0x1  }
0xb6: {  	v3 =	vperm.xlane v3, v2;
	v4 =	vadd.s32 v1, v4;
	_ =	sdelay $0x1  }
0xb7: {  	v3 =	vadd.s32 v1, v3;
	_ =	sdelay $0x2  }
0xb8: {  	[tilespmem:s10], [sflag:$0x1] =	stream.indirect_vreg.gather [hbm4b:s3+s28], $0x80, v4, vm0, $0xb8;
	[tilespmem:$0xC200] =	vst v63  }
0xb9: {  	_ = 	snop  }
0xba: {  	[tilespmem:s11], [sflag:$0x1] =	stream.indirect_vreg.gather [hbm4b:s3+s28], $0x80, v3, vm0, $0xb8;
	[tilespmem:$0xC200] =	vst v63  }
0xbb: {  	v3 =	vld [tilespmem:$0xA0];
	_ =	sdelay $0x4  }
0xbc: {  	v58 =	vshll.u32 v3, $0x1  }
0xbd: {  	v3 =	vand.u32 $0x7, v3;
	v4 =	vand.u32 $0xFFFFFFF0, v58  }
0xbe: {  	v3 =	vor.u32 v3, v4  }
0xbf: {  	v4 =	vperm.xlane v3, v0;
	_ =	sdelay $0x1  }
0xc0: {  	v3 =	vperm.xlane v3, v2;
	v4 =	vadd.s32 v1, v4;
	_ =	sdelay $0x1  }
0xc1: {  	v3 =	vadd.s32 v1, v3;
	_ =	sdelay $0x2  }
0xc2: {  	[tilespmem:s12], [sflag:$0x1] =	stream.indirect_vreg.gather [hbm4b:s3+s28], $0x80, v4, vm0, $0xb8;
	[tilespmem:$0xC200] =	vst v63  }
0xc3: {  	_ = 	snop  }
0xc4: {  	[tilespmem:s13], [sflag:$0x1] =	stream.indirect_vreg.gather [hbm4b:s3+s28], $0x80, v3, vm0, $0xb8;
	[tilespmem:$0xC200] =	vst v63  }
0xc5: {  	v3 =	vld [tilespmem:$0xB0];
	_ =	sdelay $0x4  }
0xc6: {  	v59 =	vshll.u32 v3, $0x1  }
0xc7: {  	v3 =	vand.u32 $0x7, v3;
	v4 =	vand.u32 $0xFFFFFFF0, v59  }
0xc8: {  	v3 =	vor.u32 v3, v4  }
0xc9: {  	v4 =	vperm.xlane v3, v0;
	_ =	sdelay $0x1  }
0xca: {  	v3 =	vperm.xlane v3, v2;
	v4 =	vadd.s32 v1, v4;
	_ =	sdelay $0x1  }
0xcb: {  	v3 =	vadd.s32 v1, v3;
	_ =	sdelay $0x2  }
0xcc: {  	[tilespmem:s14], [sflag:$0x1] =	stream.indirect_vreg.gather [hbm4b:s3+s28], $0x80, v4, vm0, $0xb8;
	[tilespmem:$0xC200] =	vst v63  }
0xcd: {  	_ = 	snop  }
0xce: {  	[tilespmem:s15], [sflag:$0x1] =	stream.indirect_vreg.gather [hbm4b:s3+s28], $0x80, v3, vm0, $0xb8;
	[tilespmem:$0xC200] =	vst v63  }
0xcf: {  	v3 =	vld [tilespmem:$0xC0];
	_ =	sdelay $0x4  }
0xd0: {  	v60 =	vshll.u32 v3, $0x1  }
0xd1: {  	v3 =	vand.u32 $0x7, v3;
	v4 =	vand.u32 $0xFFFFFFF0, v60  }
0xd2: {  	v3 =	vor.u32 v3, v4  }
0xd3: {  	v4 =	vperm.xlane v3, v0;
	_ =	sdelay $0x1  }
0xd4: {  	v3 =	vperm.xlane v3, v2;
	v4 =	vadd.s32 v1, v4;
	_ =	sdelay $0x1  }
0xd5: {  	v3 =	vadd.s32 v1, v3;
	_ =	sdelay $0x2  }
0xd6: {  	[tilespmem:s16], [sflag:$0x1] =	stream.indirect_vreg.gather [hbm4b:s3+s28], $0x80, v4, vm0, $0xb8;
	[tilespmem:$0xC200] =	vst v63  }
0xd7: {  	_ = 	snop  }
0xd8: {  	[tilespmem:s17], [sflag:$0x1] =	stream.indirect_vreg.gather [hbm4b:s3+s28], $0x80, v3, vm0, $0xb8;
	[tilespmem:$0xC200] =	vst v63  }
0xd9: {  	v3 =	vld [tilespmem:$0xD0];
	_ =	sdelay $0x4  }
0xda: {  	v61 =	vshll.u32 v3, $0x1  }
0xdb: {  	v3 =	vand.u32 $0x7, v3;
	v4 =	vand.u32 $0xFFFFFFF0, v61  }
0xdc: {  	v3 =	vor.u32 v3, v4  }
0xdd: {  	v4 =	vperm.xlane v3, v0;
	_ =	sdelay $0x1  }
0xde: {  	v3 =	vperm.xlane v3, v2;
	v4 =	vadd.s32 v1, v4;
	_ =	sdelay $0x1  }
0xdf: {  	v3 =	vadd.s32 v1, v3;
	_ =	sdelay $0x2  }
0xe0: {  	[tilespmem:s18], [sflag:$0x1] =	stream.indirect_vreg.gather [hbm4b:s3+s28], $0x80, v4, vm0, $0xb8;
	[tilespmem:$0xC200] =	vst v63  }
0xe1: {  	_ = 	snop  }
0xe2: {  	[tilespmem:s19], [sflag:$0x1] =	stream.indirect_vreg.gather [hbm4b:s3+s28], $0x80, v3, vm0, $0xb8;
	[tilespmem:$0xC200] =	vst v63  }
0xe3: {  	v3 =	vld [tilespmem:$0xE0];
	_ =	sdelay $0x4  }
0xe4: {  	v62 =	vshll.u32 v3, $0x1  }
0xe5: {  	v3 =	vand.u32 $0x7, v3;
	v4 =	vand.u32 $0xFFFFFFF0, v62  }
0xe6: {  	v3 =	vor.u32 v3, v4  }
0xe7: {  	v4 =	vperm.xlane v3, v0;
	_ =	sdelay $0x1  }
0xe8: {  	v3 =	vperm.xlane v3, v2;
	v4 =	vadd.s32 v1, v4;
	_ =	sdelay $0x1  }
0xe9: {  	v3 =	vadd.s32 v1, v3;
	_ =	sdelay $0x2  }
0xea: {  	[tilespmem:s20], [sflag:$0x1] =	stream.indirect_vreg.gather [hbm4b:s3+s28], $0x80, v4, vm0, $0xb8;
	[tilespmem:$0xC200] =	vst v63  }
0xeb: {  	_ = 	snop  }
0xec: {  	[tilespmem:s21], [sflag:$0x1] =	stream.indirect_vreg.gather [hbm4b:s3+s28], $0x80, v3, vm0, $0xb8;
	[tilespmem:$0xC200] =	vst v63  }
0xed: {  	v3 =	vld [tilespmem:$0xF0];
	_ =	sdelay $0x4  }
0xee: {  	v63 =	vshll.u32 v3, $0x1  }
0xef: {  	v3 =	vand.u32 $0x7, v3;
	v4 =	vand.u32 $0xFFFFFFF0, v63  }
0xf0: {  	v3 =	vor.u32 v3, v4  }
0xf1: {  	v4 =	vperm.xlane v3, v0;
	_ =	sdelay $0x1  }
0xf2: {  	v3 =	vperm.xlane v3, v2;
	v4 =	vadd.s32 v1, v4;
	_ =	sdelay $0x1  }
0xf3: {  	v3 =	vadd.s32 v1, v3;
	_ =	sdelay $0x2  }
0xf4: {  	[tilespmem:s22], [sflag:$0x1] =	stream.indirect_vreg.gather [hbm4b:s3+s28], $0x80, v4, vm0, $0xb8;
	[tilespmem:$0xC200] =	vst v63  }
0xf5: {  	_ = 	snop  }
0xf6: {  	[tilespmem:s23], [sflag:$0x1] =	stream.indirect_vreg.gather [hbm4b:s3+s28], $0x80, v3, vm0, $0xb8;
	[tilespmem:$0xC200] =	vst v63  }
0xf7: {  	_ =	swait.ge [sflag:s24], $0x8000  }
0xf8: {  	[sflag:s24] =	ssyncset.done $0x0  }
0xf9: {  	s29 =	simm.s32 $0x0;
	[sflag:s24] =	ssyncadd.s32 $0xFFFF8000  }
.LBB2_6:
0xfa: {  	s0 =	sshll.u32 s29, $0xB  }
0xfb: {  	s0 =	sand.u32 $0x3FFFF800, s0  }
0xfc: {  	s5 =	sand.u32 $0x400, s28;
	s30 =	sor.u32 $0x200, s0  }
0xfd: {  	s6 =	sand.u32 $0x70, s28;
	s0 =	sadd.s32 s5, s30  }
0xfe: {  	s0 =	sadd.s32 s6, s0  }
0xff: {  	v3 =	vld [tilespmem:s0+$0x80]  }
0x100: {  	v4 =	vld [tilespmem:s0+$0x0];
	_ =	sdelay $0x1  }
0x101: {  	v5 =	vld [tilespmem:s0+$0x100];
	_ =	sdelay $0x1  }
0x102: {  	v6 =	vld [tilespmem:s0+$0x180]  }
0x103: {  	v3 =	vadd.f32 v3, v4  }
0x104: {  	v4 =	vld [tilespmem:s0+$0x200]  }
0x105: {  	v3 =	vadd.f32 v5, v3  }
0x106: {  	v5 =	vld [tilespmem:s0+$0x280]  }
0x107: {  	v3 =	vadd.f32 v6, v3  }
0x108: {  	v63 =	vld [tilespmem:s0+$0x300]  }
0x109: {  	v3 =	vadd.f32 v4, v3  }
0x10a: {  	v4 =	vld [tilespmem:s0+$0x380]  }
0x10b: {  	s1 =	sshll.u32 s29, $0x8;
	s4 =	sshll.u32 s29, $0x7;
	v3 =	vadd.f32 v5, v3  }
0x10c: {  	s1 =	sand.u32 $0x800, s1;
	s8 =	sand.u32 $0x380, s4  }
0x10d: {  	s0 =	sor.u32 s8, s1;
	v3 =	vadd.f32 v63, v3  }
0x10e: {  	s25 =	simm.s32 $0x10;
	s1 =	simm.s32 $0x80;
	s31 =	sadd.s32 $0x9200, s0  }
0x10f: {  	s4 =	sand.u32 $0x70, s25;
	s0 =	sand.u32 $0x400, s1;
	s8 =	sadd.s32 s5, s31;
	v3 =	vadd.f32 v4, v3  }
0x110: {  	s25 =	simm.s32 $0x20;
	s5 =	sadd.s32 s0, s30;
	s6 =	sadd.s32 s6, s8  }
.LBB2_7:
0x111: {  	p0 =	sne.s32 s25, $0xB0;
	s5 =	sadd.s32 s4, s5;
	[tilespmem:s6+$0x0] =	vst v3;
	s6 =	smov.u32 s4  }
0x112: {  	v3 =	vld [tilespmem:s5+$0x80]  }
0x113: {  	v4 =	vld [tilespmem:s5+$0x0];
	_ =	sdelay $0x1  }
0x114: {  	v5 =	vld [tilespmem:s5+$0x100];
	_ =	sdelay $0x1  }
0x115: {  	v6 =	vld [tilespmem:s5+$0x180]  }
0x116: {  	v3 =	vadd.f32 v3, v4  }
0x117: {  	v4 =	vld [tilespmem:s5+$0x200]  }
0x118: {  	v3 =	vadd.f32 v5, v3  }
0x119: {  	v5 =	vld [tilespmem:s5+$0x280]  }
0x11a: {  	v3 =	vadd.f32 v6, v3  }
0x11b: {  	v6 =	vld [tilespmem:s5+$0x300]  }
0x11c: {  	v3 =	vadd.f32 v4, v3  }
0x11d: {  	v4 =	vld [tilespmem:s5+$0x380]  }
0x11e: {  	v3 =	vadd.f32 v5, v3  }
.Ltmp2:
0x11f: {  	(pc) =	sbr.rel @p0 .LBB2_7-.Ltmp2, $4  }
0x120: {  	v3 =	vadd.f32 v6, v3  }
0x121: {  	s1 =	sadd.s32 $0x80, s1  }
0x122: {  	s4 =	sand.u32 $0x70, s25;
	s8 =	sadd.s32 s0, s31;
	s0 =	sand.u32 $0x400, s1;
	v3 =	vadd.f32 v4, v3  }
0x123: {  	s25 =	sadd.s32 $0x10, s25;
	s6 =	sadd.s32 s6, s8;
	s5 =	sadd.s32 s0, s30  }
0x124: {  	s1 =	sadd.s32 s4, s5;
	[tilespmem:s6+$0x0] =	vst v3  }
0x125: {  	v3 =	vld [tilespmem:s1+$0x80]  }
0x126: {  	v4 =	vld [tilespmem:s1+$0x0];
	_ =	sdelay $0x1  }
0x127: {  	v5 =	vld [tilespmem:s1+$0x100];
	_ =	sdelay $0x1  }
0x128: {  	v6 =	vld [tilespmem:s1+$0x180]  }
0x129: {  	v3 =	vadd.f32 v3, v4  }
0x12a: {  	v60 =	vld [tilespmem:s1+$0x200]  }
0x12b: {  	v3 =	vadd.f32 v5, v3  }
0x12c: {  	v61 =	vld [tilespmem:s1+$0x280]  }
0x12d: {  	v3 =	vadd.f32 v6, v3  }
0x12e: {  	v62 =	vld [tilespmem:s1+$0x300]  }
0x12f: {  	v3 =	vadd.f32 v60, v3  }
0x130: {  	v63 =	vld [tilespmem:s1+$0x380]  }
0x131: {  	s29 =	sadd.s32 $0x1, s29;
	v3 =	vadd.f32 v61, v3  }
0x132: {  	p0 =	sne.s32 s29, $0x10  }
.Ltmp3:
0x133: {  	v3 =	vadd.f32 v62, v3;
	(pc) =	sbr.rel @p0 .LBB2_6-.Ltmp3, $4  }
0x134: {  	_ = 	snop  }
0x135: {  	s0 =	sadd.s32 s0, s31;
	v3 =	vadd.f32 v63, v3  }
0x136: {  	s0 =	sadd.s32 s4, s0  }
0x137: {  	[tilespmem:s0+$0x0] =	vst v3  }
0x138: {  	v3 =	vld [tilespmem:$0x100];
	_ =	sdelay $0x4  }
0x139: {  	v4 =	vshll.u32 v3, $0x1  }
0x13a: {  	v3 =	vand.u32 $0x7, v3;
	v4 =	vand.u32 $0xFFFFFFF0, v4  }
0x13b: {  	v3 =	vor.u32 v3, v4  }
0x13c: {  	v4 =	vperm.xlane v3, v0;
	_ =	sdelay $0x1  }
0x13d: {  	v3 =	vperm.xlane v3, v2;
	v4 =	vadd.s32 v1, v4;
	_ =	sdelay $0x1  }
0x13e: {  	v3 =	vadd.s32 v1, v3;
	_ =	sdelay $0x1  }
0x13f: {  	s28 =	simm.s32 $0x0;
	s0 =	simm.s32 $0x200  }
0x140: {  	[tilespmem:s0], [sflag:$0x1] =	stream.indirect_vreg.gather [hbm4b:s3+s28], $0x80, v4, vm0, $0xb8;
	[tilespmem:$0xC200] =	vst v63  }
0x141: {  	_ = 	snop  }
0x142: {  	[tilespmem:s9], [sflag:$0x1] =	stream.indirect_vreg.gather [hbm4b:s3+s28], $0x80, v3, vm0, $0xb8;
	[tilespmem:$0xC200] =	vst v63  }
0x143: {  	v3 =	vld [tilespmem:$0x110];
	_ =	sdelay $0x4  }
0x144: {  	v57 =	vshll.u32 v3, $0x1  }
0x145: {  	v3 =	vand.u32 $0x7, v3;
	v4 =	vand.u32 $0xFFFFFFF0, v57  }
0x146: {  	v3 =	vor.u32 v3, v4  }
0x147: {  	v4 =	vperm.xlane v3, v0;
	_ =	sdelay $0x1  }
0x148: {  	v3 =	vperm.xlane v3, v2;
	v4 =	vadd.s32 v1, v4;
	_ =	sdelay $0x1  }
0x149: {  	v3 =	vadd.s32 v1, v3;
	_ =	sdelay $0x2  }
0x14a: {  	[tilespmem:s10], [sflag:$0x1] =	stream.indirect_vreg.gather [hbm4b:s3+s28], $0x80, v4, vm0, $0xb8;
	[tilespmem:$0xC200] =	vst v63  }
0x14b: {  	_ = 	snop  }
0x14c: {  	[tilespmem:s11], [sflag:$0x1] =	stream.indirect_vreg.gather [hbm4b:s3+s28], $0x80, v3, vm0, $0xb8;
	[tilespmem:$0xC200] =	vst v63  }
0x14d: {  	v3 =	vld [tilespmem:$0x120];
	_ =	sdelay $0x4  }
0x14e: {  	v58 =	vshll.u32 v3, $0x1  }
0x14f: {  	v3 =	vand.u32 $0x7, v3;
	v4 =	vand.u32 $0xFFFFFFF0, v58  }
0x150: {  	v3 =	vor.u32 v3, v4  }
0x151: {  	v4 =	vperm.xlane v3, v0;
	_ =	sdelay $0x1  }
0x152: {  	v3 =	vperm.xlane v3, v2;
	v4 =	vadd.s32 v1, v4;
	_ =	sdelay $0x1  }
0x153: {  	v3 =	vadd.s32 v1, v3;
	_ =	sdelay $0x2  }
0x154: {  	[tilespmem:s12], [sflag:$0x1] =	stream.indirect_vreg.gather [hbm4b:s3+s28], $0x80, v4, vm0, $0xb8;
	[tilespmem:$0xC200] =	vst v63  }
0x155: {  	_ = 	snop  }
0x156: {  	[tilespmem:s13], [sflag:$0x1] =	stream.indirect_vreg.gather [hbm4b:s3+s28], $0x80, v3, vm0, $0xb8;
	[tilespmem:$0xC200] =	vst v63  }
0x157: {  	v3 =	vld [tilespmem:$0x130];
	_ =	sdelay $0x4  }
0x158: {  	v59 =	vshll.u32 v3, $0x1  }
0x159: {  	v3 =	vand.u32 $0x7, v3;
	v4 =	vand.u32 $0xFFFFFFF0, v59  }
0x15a: {  	v3 =	vor.u32 v3, v4  }
0x15b: {  	v4 =	vperm.xlane v3, v0;
	_ =	sdelay $0x1  }
0x15c: {  	v3 =	vperm.xlane v3, v2;
	v4 =	vadd.s32 v1, v4;
	_ =	sdelay $0x1  }
0x15d: {  	v3 =	vadd.s32 v1, v3;
	_ =	sdelay $0x2  }
0x15e: {  	[tilespmem:s14], [sflag:$0x1] =	stream.indirect_vreg.gather [hbm4b:s3+s28], $0x80, v4, vm0, $0xb8;
	[tilespmem:$0xC200] =	vst v63  }
0x15f: {  	_ = 	snop  }
0x160: {  	[tilespmem:s15], [sflag:$0x1] =	stream.indirect_vreg.gather [hbm4b:s3+s28], $0x80, v3, vm0, $0xb8;
	[tilespmem:$0xC200] =	vst v63  }
0x161: {  	v3 =	vld [tilespmem:$0x140];
	_ =	sdelay $0x4  }
0x162: {  	v60 =	vshll.u32 v3, $0x1  }
0x163: {  	v3 =	vand.u32 $0x7, v3;
	v4 =	vand.u32 $0xFFFFFFF0, v60  }
0x164: {  	v3 =	vor.u32 v3, v4  }
0x165: {  	v4 =	vperm.xlane v3, v0;
	_ =	sdelay $0x1  }
0x166: {  	v3 =	vperm.xlane v3, v2;
	v4 =	vadd.s32 v1, v4;
	_ =	sdelay $0x1  }
0x167: {  	v3 =	vadd.s32 v1, v3;
	_ =	sdelay $0x2  }
0x168: {  	[tilespmem:s16], [sflag:$0x1] =	stream.indirect_vreg.gather [hbm4b:s3+s28], $0x80, v4, vm0, $0xb8;
	[tilespmem:$0xC200] =	vst v63  }
0x169: {  	_ = 	snop  }
0x16a: {  	[tilespmem:s17], [sflag:$0x1] =	stream.indirect_vreg.gather [hbm4b:s3+s28], $0x80, v3, vm0, $0xb8;
	[tilespmem:$0xC200] =	vst v63  }
0x16b: {  	v3 =	vld [tilespmem:$0x150];
	_ =	sdelay $0x4  }
0x16c: {  	v61 =	vshll.u32 v3, $0x1  }
0x16d: {  	v3 =	vand.u32 $0x7, v3;
	v4 =	vand.u32 $0xFFFFFFF0, v61  }
0x16e: {  	v3 =	vor.u32 v3, v4  }
0x16f: {  	v4 =	vperm.xlane v3, v0;
	_ =	sdelay $0x1  }
0x170: {  	v3 =	vperm.xlane v3, v2;
	v4 =	vadd.s32 v1, v4;
	_ =	sdelay $0x1  }
0x171: {  	v3 =	vadd.s32 v1, v3;
	_ =	sdelay $0x2  }
0x172: {  	[tilespmem:s18], [sflag:$0x1] =	stream.indirect_vreg.gather [hbm4b:s3+s28], $0x80, v4, vm0, $0xb8;
	[tilespmem:$0xC200] =	vst v63  }
0x173: {  	_ = 	snop  }
0x174: {  	[tilespmem:s19], [sflag:$0x1] =	stream.indirect_vreg.gather [hbm4b:s3+s28], $0x80, v3, vm0, $0xb8;
	[tilespmem:$0xC200] =	vst v63  }
0x175: {  	v3 =	vld [tilespmem:$0x160];
	_ =	sdelay $0x4  }
0x176: {  	v62 =	vshll.u32 v3, $0x1  }
0x177: {  	v3 =	vand.u32 $0x7, v3;
	v4 =	vand.u32 $0xFFFFFFF0, v62  }
0x178: {  	v3 =	vor.u32 v3, v4  }
0x179: {  	v4 =	vperm.xlane v3, v0;
	_ =	sdelay $0x1  }
0x17a: {  	v3 =	vperm.xlane v3, v2;
	v4 =	vadd.s32 v1, v4;
	_ =	sdelay $0x1  }
0x17b: {  	v3 =	vadd.s32 v1, v3;
	_ =	sdelay $0x2  }
0x17c: {  	[tilespmem:s20], [sflag:$0x1] =	stream.indirect_vreg.gather [hbm4b:s3+s28], $0x80, v4, vm0, $0xb8;
	[tilespmem:$0xC200] =	vst v63  }
0x17d: {  	_ = 	snop  }
0x17e: {  	[tilespmem:s21], [sflag:$0x1] =	stream.indirect_vreg.gather [hbm4b:s3+s28], $0x80, v3, vm0, $0xb8;
	[tilespmem:$0xC200] =	vst v63  }
0x17f: {  	v3 =	vld [tilespmem:$0x170];
	_ =	sdelay $0x4  }
0x180: {  	v63 =	vshll.u32 v3, $0x1  }
0x181: {  	v3 =	vand.u32 $0x7, v3;
	v4 =	vand.u32 $0xFFFFFFF0, v63  }
0x182: {  	v3 =	vor.u32 v3, v4  }
0x183: {  	v4 =	vperm.xlane v3, v0;
	_ =	sdelay $0x1  }
0x184: {  	v3 =	vperm.xlane v3, v2;
	v4 =	vadd.s32 v1, v4;
	_ =	sdelay $0x1  }
0x185: {  	v3 =	vadd.s32 v1, v3;
	_ =	sdelay $0x2  }
0x186: {  	[tilespmem:s22], [sflag:$0x1] =	stream.indirect_vreg.gather [hbm4b:s3+s28], $0x80, v4, vm0, $0xb8;
	[tilespmem:$0xC200] =	vst v63  }
0x187: {  	_ = 	snop  }
0x188: {  	[tilespmem:s23], [sflag:$0x1] =	stream.indirect_vreg.gather [hbm4b:s3+s28], $0x80, v3, vm0, $0xb8;
	[tilespmem:$0xC200] =	vst v63  }
0x189: {  	_ =	swait.ge [sflag:s24], $0x8000  }
0x18a: {  	[sflag:s24] =	ssyncset.done $0x0  }
0x18b: {  	s29 =	simm.s32 $0x0;
	[sflag:s24] =	ssyncadd.s32 $0xFFFF8000  }
.LBB2_10:
0x18c: {  	s0 =	sshll.u32 s29, $0xB  }
0x18d: {  	s0 =	sand.u32 $0x3FFFF800, s0  }
0x18e: {  	s5 =	sand.u32 $0x400, s28;
	s30 =	sor.u32 $0x200, s0  }
0x18f: {  	s6 =	sand.u32 $0x70, s28;
	s0 =	sadd.s32 s5, s30  }
0x190: {  	s0 =	sadd.s32 s6, s0  }
0x191: {  	v3 =	vld [tilespmem:s0+$0x80]  }
0x192: {  	v4 =	vld [tilespmem:s0+$0x0];
	_ =	sdelay $0x1  }
0x193: {  	v5 =	vld [tilespmem:s0+$0x100];
	_ =	sdelay $0x1  }
0x194: {  	v6 =	vld [tilespmem:s0+$0x180]  }
0x195: {  	v3 =	vadd.f32 v3, v4  }
0x196: {  	v4 =	vld [tilespmem:s0+$0x200]  }
0x197: {  	v3 =	vadd.f32 v5, v3  }
0x198: {  	v5 =	vld [tilespmem:s0+$0x280]  }
0x199: {  	v3 =	vadd.f32 v6, v3  }
0x19a: {  	v63 =	vld [tilespmem:s0+$0x300]  }
0x19b: {  	v3 =	vadd.f32 v4, v3  }
0x19c: {  	v4 =	vld [tilespmem:s0+$0x380]  }
0x19d: {  	s1 =	sshll.u32 s29, $0x8;
	s4 =	sshll.u32 s29, $0x7;
	v3 =	vadd.f32 v5, v3  }
0x19e: {  	s1 =	sand.u32 $0x800, s1;
	s8 =	sand.u32 $0x380, s4  }
0x19f: {  	s0 =	sor.u32 s8, s1;
	v3 =	vadd.f32 v63, v3  }
0x1a0: {  	s25 =	simm.s32 $0x10;
	s1 =	simm.s32 $0x80;
	s31 =	sadd.s32 $0xA200, s0  }
0x1a1: {  	s4 =	sand.u32 $0x70, s25;
	s0 =	sand.u32 $0x400, s1;
	s8 =	sadd.s32 s5, s31;
	v3 =	vadd.f32 v4, v3  }
0x1a2: {  	s25 =	simm.s32 $0x20;
	s5 =	sadd.s32 s0, s30;
	s6 =	sadd.s32 s6, s8  }
.LBB2_11:
0x1a3: {  	p0 =	sne.s32 s25, $0xB0;
	s5 =	sadd.s32 s4, s5;
	[tilespmem:s6+$0x0] =	vst v3;
	s6 =	smov.u32 s4  }
0x1a4: {  	v3 =	vld [tilespmem:s5+$0x80]  }
0x1a5: {  	v4 =	vld [tilespmem:s5+$0x0];
	_ =	sdelay $0x1  }
0x1a6: {  	v5 =	vld [tilespmem:s5+$0x100];
	_ =	sdelay $0x1  }
0x1a7: {  	v6 =	vld [tilespmem:s5+$0x180]  }
0x1a8: {  	v3 =	vadd.f32 v3, v4  }
0x1a9: {  	v4 =	vld [tilespmem:s5+$0x200]  }
0x1aa: {  	v3 =	vadd.f32 v5, v3  }
0x1ab: {  	v5 =	vld [tilespmem:s5+$0x280]  }
0x1ac: {  	v3 =	vadd.f32 v6, v3  }
0x1ad: {  	v6 =	vld [tilespmem:s5+$0x300]  }
0x1ae: {  	v3 =	vadd.f32 v4, v3  }
0x1af: {  	v4 =	vld [tilespmem:s5+$0x380]  }
0x1b0: {  	v3 =	vadd.f32 v5, v3  }
.Ltmp4:
0x1b1: {  	(pc) =	sbr.rel @p0 .LBB2_11-.Ltmp4, $4  }
0x1b2: {  	v3 =	vadd.f32 v6, v3  }
0x1b3: {  	s1 =	sadd.s32 $0x80, s1  }
0x1b4: {  	s4 =	sand.u32 $0x70, s25;
	s8 =	sadd.s32 s0, s31;
	s0 =	sand.u32 $0x400, s1;
	v3 =	vadd.f32 v4, v3  }
0x1b5: {  	s25 =	sadd.s32 $0x10, s25;
	s6 =	sadd.s32 s6, s8;
	s5 =	sadd.s32 s0, s30  }
0x1b6: {  	s1 =	sadd.s32 s4, s5;
	[tilespmem:s6+$0x0] =	vst v3  }
0x1b7: {  	v3 =	vld [tilespmem:s1+$0x80]  }
0x1b8: {  	v4 =	vld [tilespmem:s1+$0x0];
	_ =	sdelay $0x1  }
0x1b9: {  	v5 =	vld [tilespmem:s1+$0x100];
	_ =	sdelay $0x1  }
0x1ba: {  	v6 =	vld [tilespmem:s1+$0x180]  }
0x1bb: {  	v3 =	vadd.f32 v3, v4  }
0x1bc: {  	v60 =	vld [tilespmem:s1+$0x200]  }
0x1bd: {  	v3 =	vadd.f32 v5, v3  }
0x1be: {  	v61 =	vld [tilespmem:s1+$0x280]  }
0x1bf: {  	v3 =	vadd.f32 v6, v3  }
0x1c0: {  	v62 =	vld [tilespmem:s1+$0x300]  }
0x1c1: {  	v3 =	vadd.f32 v60, v3  }
0x1c2: {  	v63 =	vld [tilespmem:s1+$0x380]  }
0x1c3: {  	s29 =	sadd.s32 $0x1, s29;
	v3 =	vadd.f32 v61, v3  }
0x1c4: {  	p0 =	sne.s32 s29, $0x10  }
.Ltmp5:
0x1c5: {  	v3 =	vadd.f32 v62, v3;
	(pc) =	sbr.rel @p0 .LBB2_10-.Ltmp5, $4  }
0x1c6: {  	_ = 	snop  }
0x1c7: {  	s0 =	sadd.s32 s0, s31;
	v3 =	vadd.f32 v63, v3  }
0x1c8: {  	s0 =	sadd.s32 s4, s0  }
0x1c9: {  	[tilespmem:s0+$0x0] =	vst v3  }
0x1ca: {  	v3 =	vld [tilespmem:$0x180];
	_ =	sdelay $0x4  }
0x1cb: {  	v4 =	vshll.u32 v3, $0x1  }
0x1cc: {  	v3 =	vand.u32 $0x7, v3;
	v4 =	vand.u32 $0xFFFFFFF0, v4  }
0x1cd: {  	v3 =	vor.u32 v3, v4  }
0x1ce: {  	v4 =	vperm.xlane v3, v0;
	_ =	sdelay $0x1  }
0x1cf: {  	v3 =	vperm.xlane v3, v2;
	v4 =	vadd.s32 v1, v4;
	_ =	sdelay $0x1  }
0x1d0: {  	v3 =	vadd.s32 v1, v3;
	_ =	sdelay $0x1  }
0x1d1: {  	s28 =	simm.s32 $0x0;
	s0 =	simm.s32 $0x200  }
0x1d2: {  	[tilespmem:s0], [sflag:$0x1] =	stream.indirect_vreg.gather [hbm4b:s3+s28], $0x80, v4, vm0, $0xb8;
	[tilespmem:$0xC200] =	vst v63  }
0x1d3: {  	_ = 	snop  }
0x1d4: {  	[tilespmem:s9], [sflag:$0x1] =	stream.indirect_vreg.gather [hbm4b:s3+s28], $0x80, v3, vm0, $0xb8;
	[tilespmem:$0xC200] =	vst v63  }
0x1d5: {  	v3 =	vld [tilespmem:$0x190];
	_ =	sdelay $0x4  }
0x1d6: {  	v57 =	vshll.u32 v3, $0x1  }
0x1d7: {  	v3 =	vand.u32 $0x7, v3;
	v4 =	vand.u32 $0xFFFFFFF0, v57  }
0x1d8: {  	v3 =	vor.u32 v3, v4  }
0x1d9: {  	v4 =	vperm.xlane v3, v0;
	_ =	sdelay $0x1  }
0x1da: {  	v3 =	vperm.xlane v3, v2;
	v4 =	vadd.s32 v1, v4;
	_ =	sdelay $0x1  }
0x1db: {  	v3 =	vadd.s32 v1, v3;
	_ =	sdelay $0x2  }
0x1dc: {  	[tilespmem:s10], [sflag:$0x1] =	stream.indirect_vreg.gather [hbm4b:s3+s28], $0x80, v4, vm0, $0xb8;
	[tilespmem:$0xC200] =	vst v63  }
0x1dd: {  	_ = 	snop  }
0x1de: {  	[tilespmem:s11], [sflag:$0x1] =	stream.indirect_vreg.gather [hbm4b:s3+s28], $0x80, v3, vm0, $0xb8;
	[tilespmem:$0xC200] =	vst v63  }
0x1df: {  	v3 =	vld [tilespmem:$0x1A0];
	_ =	sdelay $0x4  }
0x1e0: {  	v58 =	vshll.u32 v3, $0x1  }
0x1e1: {  	v3 =	vand.u32 $0x7, v3;
	v4 =	vand.u32 $0xFFFFFFF0, v58  }
0x1e2: {  	v3 =	vor.u32 v3, v4  }
0x1e3: {  	v4 =	vperm.xlane v3, v0;
	_ =	sdelay $0x1  }
0x1e4: {  	v3 =	vperm.xlane v3, v2;
	v4 =	vadd.s32 v1, v4;
	_ =	sdelay $0x1  }
0x1e5: {  	v3 =	vadd.s32 v1, v3;
	_ =	sdelay $0x2  }
0x1e6: {  	[tilespmem:s12], [sflag:$0x1] =	stream.indirect_vreg.gather [hbm4b:s3+s28], $0x80, v4, vm0, $0xb8;
	[tilespmem:$0xC200] =	vst v63  }
0x1e7: {  	_ = 	snop  }
0x1e8: {  	[tilespmem:s13], [sflag:$0x1] =	stream.indirect_vreg.gather [hbm4b:s3+s28], $0x80, v3, vm0, $0xb8;
	[tilespmem:$0xC200] =	vst v63  }
0x1e9: {  	v3 =	vld [tilespmem:$0x1B0];
	_ =	sdelay $0x4  }
0x1ea: {  	v59 =	vshll.u32 v3, $0x1  }
0x1eb: {  	v3 =	vand.u32 $0x7, v3;
	v4 =	vand.u32 $0xFFFFFFF0, v59  }
0x1ec: {  	v3 =	vor.u32 v3, v4  }
0x1ed: {  	v4 =	vperm.xlane v3, v0;
	_ =	sdelay $0x1  }
0x1ee: {  	v3 =	vperm.xlane v3, v2;
	v4 =	vadd.s32 v1, v4;
	_ =	sdelay $0x1  }
0x1ef: {  	v3 =	vadd.s32 v1, v3;
	_ =	sdelay $0x2  }
0x1f0: {  	[tilespmem:s14], [sflag:$0x1] =	stream.indirect_vreg.gather [hbm4b:s3+s28], $0x80, v4, vm0, $0xb8;
	[tilespmem:$0xC200] =	vst v63  }
0x1f1: {  	_ = 	snop  }
0x1f2: {  	[tilespmem:s15], [sflag:$0x1] =	stream.indirect_vreg.gather [hbm4b:s3+s28], $0x80, v3, vm0, $0xb8;
	[tilespmem:$0xC200] =	vst v63  }
0x1f3: {  	v3 =	vld [tilespmem:$0x1C0];
	_ =	sdelay $0x4  }
0x1f4: {  	v60 =	vshll.u32 v3, $0x1  }
0x1f5: {  	v3 =	vand.u32 $0x7, v3;
	v4 =	vand.u32 $0xFFFFFFF0, v60  }
0x1f6: {  	v3 =	vor.u32 v3, v4  }
0x1f7: {  	v4 =	vperm.xlane v3, v0;
	_ =	sdelay $0x1  }
0x1f8: {  	v3 =	vperm.xlane v3, v2;
	v4 =	vadd.s32 v1, v4;
	_ =	sdelay $0x1  }
0x1f9: {  	v3 =	vadd.s32 v1, v3;
	_ =	sdelay $0x2  }
0x1fa: {  	[tilespmem:s16], [sflag:$0x1] =	stream.indirect_vreg.gather [hbm4b:s3+s28], $0x80, v4, vm0, $0xb8;
	[tilespmem:$0xC200] =	vst v63  }
0x1fb: {  	_ = 	snop  }
0x1fc: {  	[tilespmem:s17], [sflag:$0x1] =	stream.indirect_vreg.gather [hbm4b:s3+s28], $0x80, v3, vm0, $0xb8;
	[tilespmem:$0xC200] =	vst v63  }
0x1fd: {  	v3 =	vld [tilespmem:$0x1D0];
	_ =	sdelay $0x4  }
0x1fe: {  	v61 =	vshll.u32 v3, $0x1  }
0x1ff: {  	v3 =	vand.u32 $0x7, v3;
	v4 =	vand.u32 $0xFFFFFFF0, v61  }
0x200: {  	v3 =	vor.u32 v3, v4  }
0x201: {  	v4 =	vperm.xlane v3, v0;
	_ =	sdelay $0x1  }
0x202: {  	v3 =	vperm.xlane v3, v2;
	v4 =	vadd.s32 v1, v4;
	_ =	sdelay $0x1  }
0x203: {  	v3 =	vadd.s32 v1, v3;
	_ =	sdelay $0x2  }
0x204: {  	[tilespmem:s18], [sflag:$0x1] =	stream.indirect_vreg.gather [hbm4b:s3+s28], $0x80, v4, vm0, $0xb8;
	[tilespmem:$0xC200] =	vst v63  }
0x205: {  	_ = 	snop  }
0x206: {  	[tilespmem:s19], [sflag:$0x1] =	stream.indirect_vreg.gather [hbm4b:s3+s28], $0x80, v3, vm0, $0xb8;
	[tilespmem:$0xC200] =	vst v63  }
0x207: {  	v3 =	vld [tilespmem:$0x1E0];
	_ =	sdelay $0x4  }
0x208: {  	v62 =	vshll.u32 v3, $0x1  }
0x209: {  	v3 =	vand.u32 $0x7, v3;
	v4 =	vand.u32 $0xFFFFFFF0, v62  }
0x20a: {  	v3 =	vor.u32 v3, v4  }
0x20b: {  	v4 =	vperm.xlane v3, v0;
	_ =	sdelay $0x1  }
0x20c: {  	v3 =	vperm.xlane v3, v2;
	v4 =	vadd.s32 v1, v4;
	_ =	sdelay $0x1  }
0x20d: {  	v3 =	vadd.s32 v1, v3;
	_ =	sdelay $0x2  }
0x20e: {  	[tilespmem:s20], [sflag:$0x1] =	stream.indirect_vreg.gather [hbm4b:s3+s28], $0x80, v4, vm0, $0xb8;
	[tilespmem:$0xC200] =	vst v63  }
0x20f: {  	_ = 	snop  }
0x210: {  	[tilespmem:s21], [sflag:$0x1] =	stream.indirect_vreg.gather [hbm4b:s3+s28], $0x80, v3, vm0, $0xb8;
	[tilespmem:$0xC200] =	vst v63  }
0x211: {  	v3 =	vld [tilespmem:$0x1F0];
	_ =	sdelay $0x4  }
0x212: {  	v63 =	vshll.u32 v3, $0x1  }
0x213: {  	v3 =	vand.u32 $0x7, v3;
	v4 =	vand.u32 $0xFFFFFFF0, v63  }
0x214: {  	v3 =	vor.u32 v3, v4  }
0x215: {  	v4 =	vperm.xlane v3, v0;
	_ =	sdelay $0x1  }
0x216: {  	v3 =	vperm.xlane v3, v2;
	v4 =	vadd.s32 v1, v4;
	_ =	sdelay $0x1  }
0x217: {  	v3 =	vadd.s32 v1, v3;
	_ =	sdelay $0x2  }
0x218: {  	[tilespmem:s22], [sflag:$0x1] =	stream.indirect_vreg.gather [hbm4b:s3+s28], $0x80, v4, vm0, $0xb8;
	[tilespmem:$0xC200] =	vst v63  }
0x219: {  	_ = 	snop  }
0x21a: {  	[tilespmem:s23], [sflag:$0x1] =	stream.indirect_vreg.gather [hbm4b:s3+s28], $0x80, v3, vm0, $0xb8;
	[tilespmem:$0xC200] =	vst v63  }
0x21b: {  	_ =	swait.ge [sflag:s24], $0x8000  }
0x21c: {  	[sflag:s24] =	ssyncset.done $0x0  }
0x21d: {  	s29 =	simm.s32 $0x0;
	[sflag:s24] =	ssyncadd.s32 $0xFFFF8000  }
.LBB2_14:
0x21e: {  	s0 =	sshll.u32 s29, $0xB  }
0x21f: {  	s0 =	sand.u32 $0x3FFFF800, s0  }
0x220: {  	s5 =	sand.u32 $0x400, s28;
	s30 =	sor.u32 $0x200, s0  }
0x221: {  	s6 =	sand.u32 $0x70, s28;
	s0 =	sadd.s32 s5, s30  }
0x222: {  	s0 =	sadd.s32 s6, s0  }
0x223: {  	v3 =	vld [tilespmem:s0+$0x80]  }
0x224: {  	v4 =	vld [tilespmem:s0+$0x0];
	_ =	sdelay $0x1  }
0x225: {  	v5 =	vld [tilespmem:s0+$0x100];
	_ =	sdelay $0x1  }
0x226: {  	v6 =	vld [tilespmem:s0+$0x180]  }
0x227: {  	v3 =	vadd.f32 v3, v4  }
0x228: {  	v4 =	vld [tilespmem:s0+$0x200]  }
0x229: {  	v3 =	vadd.f32 v5, v3  }
0x22a: {  	v5 =	vld [tilespmem:s0+$0x280]  }
0x22b: {  	v3 =	vadd.f32 v6, v3  }
0x22c: {  	v63 =	vld [tilespmem:s0+$0x300]  }
0x22d: {  	v3 =	vadd.f32 v4, v3  }
0x22e: {  	v4 =	vld [tilespmem:s0+$0x380]  }
0x22f: {  	s1 =	sshll.u32 s29, $0x8;
	s4 =	sshll.u32 s29, $0x7;
	v3 =	vadd.f32 v5, v3  }
0x230: {  	s1 =	sand.u32 $0x800, s1;
	s8 =	sand.u32 $0x380, s4  }
0x231: {  	s0 =	sor.u32 s8, s1;
	v3 =	vadd.f32 v63, v3  }
0x232: {  	s25 =	simm.s32 $0x10;
	s1 =	simm.s32 $0x80;
	s31 =	sadd.s32 $0xB200, s0  }
0x233: {  	s4 =	sand.u32 $0x70, s25;
	s0 =	sand.u32 $0x400, s1;
	s8 =	sadd.s32 s5, s31;
	v3 =	vadd.f32 v4, v3  }
0x234: {  	s25 =	simm.s32 $0x20;
	s5 =	sadd.s32 s0, s30;
	s6 =	sadd.s32 s6, s8  }
.LBB2_15:
0x235: {  	p0 =	sne.s32 s25, $0xB0;
	s5 =	sadd.s32 s4, s5;
	[tilespmem:s6+$0x0] =	vst v3;
	s6 =	smov.u32 s4  }
0x236: {  	v3 =	vld [tilespmem:s5+$0x80]  }
0x237: {  	v4 =	vld [tilespmem:s5+$0x0];
	_ =	sdelay $0x1  }
0x238: {  	v5 =	vld [tilespmem:s5+$0x100];
	_ =	sdelay $0x1  }
0x239: {  	v6 =	vld [tilespmem:s5+$0x180]  }
0x23a: {  	v3 =	vadd.f32 v3, v4  }
0x23b: {  	v4 =	vld [tilespmem:s5+$0x200]  }
0x23c: {  	v3 =	vadd.f32 v5, v3  }
0x23d: {  	v5 =	vld [tilespmem:s5+$0x280]  }
0x23e: {  	v3 =	vadd.f32 v6, v3  }
0x23f: {  	v6 =	vld [tilespmem:s5+$0x300]  }
0x240: {  	v3 =	vadd.f32 v4, v3  }
0x241: {  	v4 =	vld [tilespmem:s5+$0x380]  }
0x242: {  	v3 =	vadd.f32 v5, v3  }
.Ltmp6:
0x243: {  	(pc) =	sbr.rel @p0 .LBB2_15-.Ltmp6, $4  }
0x244: {  	v3 =	vadd.f32 v6, v3  }
0x245: {  	s1 =	sadd.s32 $0x80, s1  }
0x246: {  	s4 =	sand.u32 $0x70, s25;
	s8 =	sadd.s32 s0, s31;
	s0 =	sand.u32 $0x400, s1;
	v3 =	vadd.f32 v4, v3  }
0x247: {  	s25 =	sadd.s32 $0x10, s25;
	s6 =	sadd.s32 s6, s8;
	s5 =	sadd.s32 s0, s30  }
0x248: {  	s1 =	sadd.s32 s4, s5;
	[tilespmem:s6+$0x0] =	vst v3  }
0x249: {  	v3 =	vld [tilespmem:s1+$0x80]  }
0x24a: {  	v4 =	vld [tilespmem:s1+$0x0];
	_ =	sdelay $0x1  }
0x24b: {  	v5 =	vld [tilespmem:s1+$0x100];
	_ =	sdelay $0x1  }
0x24c: {  	v6 =	vld [tilespmem:s1+$0x180]  }
0x24d: {  	v3 =	vadd.f32 v3, v4  }
0x24e: {  	v60 =	vld [tilespmem:s1+$0x200]  }
0x24f: {  	v3 =	vadd.f32 v5, v3  }
0x250: {  	v61 =	vld [tilespmem:s1+$0x280]  }
0x251: {  	v3 =	vadd.f32 v6, v3  }
0x252: {  	v62 =	vld [tilespmem:s1+$0x300]  }
0x253: {  	v3 =	vadd.f32 v60, v3  }
0x254: {  	v63 =	vld [tilespmem:s1+$0x380]  }
0x255: {  	s29 =	sadd.s32 $0x1, s29;
	v3 =	vadd.f32 v61, v3  }
0x256: {  	p0 =	sne.s32 s29, $0x10  }
.Ltmp7:
0x257: {  	v3 =	vadd.f32 v62, v3;
	(pc) =	sbr.rel @p0 .LBB2_14-.Ltmp7, $4  }
0x258: {  	_ = 	snop  }
0x259: {  	s0 =	sadd.s32 s0, s31;
	v3 =	vadd.f32 v63, v3  }
0x25a: {  	s0 =	sadd.s32 s4, s0  }
0x25b: {  	[tilespmem:s0+$0x0] =	vst v3  }
0x25c: {  	s0 =	rddreg [dreg:$0x3];
	s1 =	simm.s32 $0x8200  }
0x25d: {  	[hbm4b:s0+s2] =	stream.linear.scatter [tilespmem:s1], [sflag:$0x2], $0x4000, $0x38;
	[tilespmem:$0xC200] =	vst v63  }
0x25e: {  	_ =	swait.ge [sflag:s7], $0x4000  }
0x25f: {  	s26 =	sadd.s32 $0x1, s26;
	s31 =	rddreg [dreg:$0x4]  }
0x260: {  	p0 =	sne.s32 s26, s31  }
.Ltmp8:
0x261: {  	_ = 	snop;
	(pc) =	sbr.rel @p0 .LBB2_1-.Ltmp8, $3  }
0x262: {  	_ =	sdelay $0x1  }
0x263: {  	[sflag:s7] =	ssyncset.done $0x0  }
0x264: {  	[sflag:s7] =	ssyncadd.s32 $0xFFFFC000  }
0x265: {  	_ =	sfence.sel $0x180000  }
0x266: {  	[bflag:$0x0] =	sbarrier.arrive $0xFFFF  }
0x267: {  	_ =	strace $0x9000004E  }
0x268: {  	s0 =	stileid.u32;
	[bflag:$0x2] =	sbarrier.arrive $0xFFFF  }
0x269: {  	p0 =	sne.s32 s0, $0x0;
	s0 =	rddreg [dreg:$0x1]  }
0x26a: {  	s0 =	sadd.s32 @!p0 $0x100000, s0  }
0x26b: {  	[sflag:s0] =	ssyncadd.tile.s32 @!p0 $0x1;
	_ =	shalt  }
.Lfunc_end2:
_tile_overlayer_lowered:
.L_overlay_start_2:
0x26c: {  	(tag) =	ssettag $0x2  }
0x26d: {  	s0 =	rddreg [dreg:$0x0];
	s2 =	stileid.u32  }
0x26e: {  	s1 =	rddreg [dreg:$0x1];
	p0 =	sne.s32 s2, $0x0  }
0x26f: {  	s3 =	rddreg [dreg:$0x2];
	[bflag:$0x3] =	sbarrier.arrive $0xFFFF;
	s2 =	simm.s32 @!p0 $0x1C02  }
0x270: {  	[timem:s3], [sflag:s2] =	dma.local @!p0 [hbm:s0], s1  }
0x271: {  	s0 =	simm.s32 @!p0 $0x2  }
0x272: {  	_ =	swait.ge @!p0 [sflag:s0], s1  }
0x273: {  	s1 =	ssub.s32 @!p0 $0x0, s1;
	[sflag:s0] =	ssyncset.done @!p0 $0x0  }
0x274: {  	[sflag:s0] =	ssyncadd.s32 @!p0 s1  }
0x275: {  	[bflag:$0x3] =	sbarrier.arrive $0xFFFF  }
0x276: {  	_ =	shalt  }

</sc_bundles>
